<compile_context>
chip_gen: v7x
topology: tpu7x:2x2x1
jax: 0.10.2.dev20260603
libtpu: 0.0.44.dev20260713+nightly
codegen_flags: <defaults>
</compile_context>

<pallas_src>
import functools

import jax
import jax.numpy as jnp
from jax import lax
from jax.experimental import pallas as pl
from jax.experimental.pallas import tpu as pltpu
from jax.experimental.pallas import tpu_sc as plsc

_B = 16384
_V = 1000000
_E = 16
_OH = 26
_MH = 20

_NC = 2
_NS = 16
_NW = _NC * _NS
_BPW = _B // _NW
_C = 32
_NCHUNK = _BPW // _C



_TBLK = 1024
_TFULL = _V // _TBLK
_TTAIL = 640


def _tr_body(tabT, tailT, out1d, in0, in1, tin, ob0, ob1, si0, si1, so0, so1):
    wid = lax.axis_index("s") * _NC + lax.axis_index("c")
    iota = lax.iota(jnp.int32, 16)
    f_idx = [iota * 16 + f for f in range(16)]
    inbufs = (in0, in1)
    obufs = (ob0, ob1)
    isems = (si0, si1)
    osems = (so0, so1)

    def issue_in(blk, buf, sem):
        @pl.when(blk < _TFULL)
        def _():
            pltpu.async_copy(tabT.at[:, pl.ds(blk * _TBLK, _TBLK)], buf, sem)

    def scatter_block(inbuf, ob):
        def g_body(g, carry):
            for f in range(16):
                v = inbuf[f, pl.ds(g * 16, 16)]
                plsc.store_scatter(ob, [f_idx[f] + g * 256], v)
            return carry
        lax.fori_loop(0, _TBLK // 16, g_body, 0)

    issue_in(wid, in0, si0)
    issue_in(wid + _NW, in1, si1)

    def outer(i2, carry):
        for b in range(2):
            i = 2 * i2 + b
            blk = wid + _NW * i

            @pl.when(blk < _TFULL)
            def _():
                pltpu.make_async_copy(
                    tabT.at[:, pl.ds(0, _TBLK)], inbufs[b], isems[b]).wait()

                @pl.when(i2 >= 1)
                def _():
                    pltpu.make_async_copy(
                        obufs[b], out1d.at[pl.ds(0, _TBLK * 16)],
                        osems[b]).wait()

                scatter_block(inbufs[b], obufs[b])
                pltpu.async_copy(
                    obufs[b], out1d.at[pl.ds(blk * _TBLK * 16, _TBLK * 16)],
                    osems[b])
                issue_in(blk + 2 * _NW, inbufs[b], isems[b])
        return carry

    lax.fori_loop(0, 16, outer, 0)
    for b in range(2):
        pltpu.make_async_copy(
            obufs[b], out1d.at[pl.ds(0, _TBLK * 16)], osems[b]).wait()

    @pl.when(wid == 0)
    def _():
        pltpu.sync_copy(tailT, tin)

        def tg_body(g, carry):
            for f in range(16):
                v = tin[f, pl.ds(g * 16, 16)]
                plsc.store_scatter(ob0, [f_idx[f] + g * 256], v)
            return carry
        lax.fori_loop(0, _TTAIL // 16, tg_body, 0)
        pltpu.sync_copy(
            ob0.at[pl.ds(0, _TTAIL * 16)],
            out1d.at[pl.ds((_V - _TTAIL) * 16, _TTAIL * 16)])


def _linearize_table(tabT):
    kern = pl.kernel(
        _tr_body,
        out_type=[jax.ShapeDtypeStruct((_V * _E,), jnp.float32)],
        mesh=plsc.VectorSubcoreMesh(core_axis_name="c", subcore_axis_name="s"),
        compiler_params=pltpu.CompilerParams(
            use_tc_tiling_on_sc=True, needs_layout_passes=False),
        scratch_types=[
            pltpu.VMEM((16, _TBLK), jnp.float32),
            pltpu.VMEM((16, _TBLK), jnp.float32),
            pltpu.VMEM((16, _TTAIL), jnp.float32),
            pltpu.VMEM((_TBLK * 16,), jnp.float32),
            pltpu.VMEM((_TBLK * 16,), jnp.float32),
            pltpu.SemaphoreType.DMA,
            pltpu.SemaphoreType.DMA,
            pltpu.SemaphoreType.DMA,
            pltpu.SemaphoreType.DMA,
        ],
    )
    return kern(tabT, tabT[:, _V - _TTAIL:])[0]


_NSPLIT = 2
_BH = _B // _NSPLIT
_BPWH = _BH // _NW
_NCHUNKH = _BPWH // _C


def _sc_body(h, oh_hbm, mh0_hbm, mh1_hbm, emb_hbm, fmw_hbm,
             out_oh, out_mh, out_fmw,
             oh_idx0, oh_idx1, mh0_idx0, mh0_idx1, mh1_idx0, mh1_idx1,
             oh_rows0, oh_rows1, mh0_rows0, mh0_rows1, mh1_rows0, mh1_rows1,
             fmw0, fmw1, means0, means1, sg0, sg1, so0, so1):
    wid = lax.axis_index("s") * _NC + lax.axis_index("c")
    oh_idx = (oh_idx0, oh_idx1)
    mh0_idx = (mh0_idx0, mh0_idx1)
    mh1_idx = (mh1_idx0, mh1_idx1)
    oh_rows = (oh_rows0, oh_rows1)
    mh0_rows = (mh0_rows0, mh0_rows1)
    mh1_rows = (mh1_rows0, mh1_rows1)
    fmw = (fmw0, fmw1)
    means = (means0, means1)
    sg = (sg0, sg1)
    so = (so0, so1)

    def stage_in(c, b):
        base = h * _BH + wid * _BPWH + c * _C
        pltpu.sync_copy(oh_hbm.at[pl.ds(base * _OH, _C * _OH)], oh_idx[b])
        pltpu.sync_copy(mh0_hbm.at[pl.ds(base * _MH, _C * _MH)], mh0_idx[b])
        pltpu.sync_copy(mh1_hbm.at[pl.ds(base * _MH, _C * _MH)], mh1_idx[b])
        pltpu.async_copy(emb_hbm.at[oh_idx[b]], oh_rows[b], sg[b])
        pltpu.async_copy(emb_hbm.at[mh0_idx[b]], mh0_rows[b], sg[b])
        pltpu.async_copy(emb_hbm.at[mh1_idx[b]], mh1_rows[b], sg[b])
        pltpu.async_copy(fmw_hbm.at[oh_idx[b]], fmw[b], sg[b])

    def wait_gathers(b):
        pltpu.make_async_copy(emb_hbm.at[oh_idx[b]], oh_rows[b], sg[b]).wait()
        pltpu.make_async_copy(emb_hbm.at[mh0_idx[b]], mh0_rows[b],
                              sg[b]).wait()
        pltpu.make_async_copy(emb_hbm.at[mh1_idx[b]], mh1_rows[b],
                              sg[b]).wait()
        pltpu.make_async_copy(fmw_hbm.at[oh_idx[b]], fmw[b], sg[b]).wait()

    def wait_outs(b):
        pltpu.make_async_copy(oh_rows[b], out_oh.at[pl.ds(0, _C * _OH)],
                              so[b]).wait()
        pltpu.make_async_copy(means[b], out_mh.at[pl.ds(0, _C * 2 * _E)],
                              so[b]).wait()
        pltpu.make_async_copy(fmw[b], out_fmw.at[pl.ds(0, _C * _OH)],
                              so[b]).wait()

    stage_in(0, 0)
    stage_in(1, 1)

    def outer(c2, carry):
        for b in range(2):
            c = 2 * c2 + b
            base = wid * _BPWH + c * _C
            wait_gathers(b)

            def mean_body(i, carry2):
                off = i * _MH
                acc0 = mh0_rows[b][off]
                acc1 = mh1_rows[b][off]
                for j in range(1, _MH):
                    acc0 = acc0 + mh0_rows[b][off + j]
                    acc1 = acc1 + mh1_rows[b][off + j]
                means[b][pl.ds(i * 2 * _E, _E)] = acc0 * (1.0 / _MH)
                means[b][pl.ds(i * 2 * _E + _E, _E)] = acc1 * (1.0 / _MH)
                return carry2

            lax.fori_loop(0, _C, mean_body, 0, unroll=2)

            pltpu.async_copy(oh_rows[b],
                             out_oh.at[pl.ds(base * _OH, _C * _OH)], so[b])
            pltpu.async_copy(means[b],
                             out_mh.at[pl.ds(base * 2 * _E, _C * 2 * _E)],
                             so[b])
            pltpu.async_copy(fmw[b],
                             out_fmw.at[pl.ds(base * _OH, _C * _OH)], so[b])
            wait_outs(b)

            @pl.when(c + 2 < _NCHUNKH)
            def _():
                stage_in(c + 2, b)
        return carry

    lax.fori_loop(0, _NCHUNKH // 2, outer, 0)


def _sc_gather(h, onehot_flat, mh0_flat, mh1_flat, fm_emb, fm_w_flat):
    kern = pl.kernel(
        functools.partial(_sc_body, h),
        out_type=[
            jax.ShapeDtypeStruct((_BH * _OH, _E), jnp.float32),
            jax.ShapeDtypeStruct((_BH * 2 * _E,), jnp.float32),
            jax.ShapeDtypeStruct((_BH * _OH,), jnp.float32),
        ],
        mesh=plsc.VectorSubcoreMesh(core_axis_name="c", subcore_axis_name="s"),
        compiler_params=pltpu.CompilerParams(use_tc_tiling_on_sc=False),
        scratch_types=(
            [pltpu.VMEM((_C * _OH,), jnp.int32)] * 2
            + [pltpu.VMEM((_C * _MH,), jnp.int32)] * 4
            + [pltpu.VMEM((_C * _OH, _E), jnp.float32)] * 2
            + [pltpu.VMEM((_C * _MH, _E), jnp.float32)] * 4
            + [pltpu.VMEM((_C * _OH,), jnp.float32)] * 2
            + [pltpu.VMEM((_C * 2 * _E,), jnp.float32)] * 2
            + [pltpu.SemaphoreType.DMA] * 4
        ),
    )
    return kern(onehot_flat, mh0_flat, mh1_flat, fm_emb, fm_w_flat)


def _tc_body(oh_ref, mh_ref, fw_ref, dn_ref, s416_ref, s32_ref,
             w0o_ref, w0m_ref, w0d_ref, b0_ref, w1_ref, b1_ref,
             fwh_ref, cw2_ref, cwn_ref, cb_ref, out_ref):
    f32 = jnp.float32
    bf = jnp.bfloat16

    def dot(a, b):
        return lax.dot_general(a, b, (((1,), (0,)), ((), ())),
                               preferred_element_type=f32)

    def dotbf(a, b):
        return lax.dot_general(a.astype(bf), b.astype(bf),
                               (((1,), (0,)), ((), ())),
                               preferred_element_type=f32)

    x = oh_ref[...]
    m = mh_ref[...]
    fw = fw_ref[...]
    dn = dn_ref[...]
    s = dotbf(x, s416_ref[...]) + dotbf(m, s32_ref[...])
    sq = dot(x * x, s416_ref[...]) + dot(m * m, s32_ref[...])
    fm2 = 0.5 * (s * s - sq)
    h0 = jnp.maximum(
        dotbf(x, w0o_ref[...]) + dotbf(m, w0m_ref[...])
        + dotbf(dn, w0d_ref[...]) + b0_ref[...], 0.0)
    h1 = jnp.maximum(dotbf(h0, w1_ref[...]) + b1_ref[...], 0.0)
    z = dot(fw, fwh_ref[...]) + dot(fm2, cw2_ref[...]) + dot(h1, cwn_ref[...])
    z = z + cb_ref[...]
    out_ref[...] = 1.0 / (1.0 + jnp.exp(-z))


def _tc_head(oh_flat, mh_flat, fw_vals, dense, s416, s32, w0o, w0m, w0d,
             b0, w1, b1, fwh, cw2, cwn, cb):
    bb = 2048
    grid = (_BH // bb,)

    def row_block(minor):
        return pl.BlockSpec((bb, minor), lambda i: (i, 0))

    def full_block(shape):
        return pl.BlockSpec(shape, lambda i: (0, 0))

    return pl.pallas_call(
        _tc_body,
        grid=grid,
        in_specs=[
            row_block(_OH * _E),
            row_block(2 * _E),
            row_block(_OH),
            row_block(13),
            full_block((_OH * _E, _E)),
            full_block((2 * _E, _E)),
            full_block((_OH * _E, 64)),
            full_block((2 * _E, 64)),
            full_block((13, 64)),
            full_block((1, 64)),
            full_block((64, 12)),
            full_block((1, 12)),
            full_block((_OH, 1)),
            full_block((_E, 1)),
            full_block((12, 1)),
            full_block((1, 1)),
        ],
        out_specs=pl.BlockSpec((bb, 1), lambda i: (i, 0)),
        out_shape=jax.ShapeDtypeStruct((_BH, 1), jnp.float32),
    )(oh_flat, mh_flat, fw_vals, dense, s416, s32, w0o, w0m, w0d, b0, w1,
      b1, fwh, cw2, cwn, cb)


def kernel(dense, onehot, multihot_0, multihot_1, fm_w, fm_emb,
           nn_w0, nn_b0, nn_w1, nn_b1, concat_w, concat_b):
    tab_lin = _linearize_table(fm_emb.T)
    eye = jnp.eye(_E, dtype=jnp.float32)
    s416 = jnp.tile(eye, (_OH, 1))
    s32 = jnp.tile(eye, (2, 1))
    w0o = nn_w0[: _OH * _E]
    w0m = nn_w0[_OH * _E: (_OH + 2) * _E]
    w0d = nn_w0[(_OH + 2) * _E:]
    fwh = jnp.full((_OH, 1), concat_w[0, 0], dtype=jnp.float32)
    cw2 = concat_w[1: 1 + _E]
    cwn = concat_w[1 + _E:]

    oh_i = onehot.reshape(-1).astype(jnp.int32)
    mh0_i = multihot_0.reshape(-1).astype(jnp.int32)
    mh1_i = multihot_1.reshape(-1).astype(jnp.int32)
    tab2d = tab_lin.reshape(_V, _E)
    fmw1d = fm_w.reshape(-1)

    outs = []
    for h in range(_NSPLIT):
        oh_rows, mh_mean, fw_vals = _sc_gather(
            h, oh_i, mh0_i, mh1_i, tab2d, fmw1d)
        outs.append(_tc_head(
            oh_rows.reshape(_BH, _OH * _E), mh_mean.reshape(_BH, 2 * _E),
            fw_vals.reshape(_BH, _OH),
            lax.slice_in_dim(dense, h * _BH, (h + 1) * _BH),
            s416, s32, w0o, w0m, w0d, nn_b0.reshape(1, 64), nn_w1,
            nn_b1.reshape(1, 12), fwh, cw2, cwn, concat_b.reshape(1, 1)))
    return jnp.concatenate(outs, axis=0)

# --- scband reference (transcript-rebuilt; emitter-appended) ---
"""Pipeline reference for scband-deep-fm-83356725281234 (READ-ONLY COPY).

The authoritative reference and input builder live on the scoring server;
editing this copy changes nothing except your own understanding.
"""

import jax, jax.numpy as jnp
import numpy as np

B = 16384
V = 1000000
E = 16
ONEHOT = 26
MULTIHOT = 2
DENSE = 13


def setup_inputs(seed: int = 0) -> dict:
    key = jax.random.key(seed)
    ks = jax.random.split(key, 10)
    dense = jax.random.normal(ks[0], (B, DENSE), dtype=jnp.float32)
    onehot = jax.random.randint(ks[1], (B, ONEHOT), 0, V)
    multihot_0 = jax.random.randint(ks[2], (B, 20), 0, V)
    multihot_1 = jax.random.randint(ks[3], (B, 20), 0, V)
    fm_w = jax.random.normal(ks[4], (V, 1), dtype=jnp.float32) * 0.01
    fm_emb = jax.random.normal(ks[5], (V, E), dtype=jnp.float32) * 0.01
    nn_input_size = E * (ONEHOT + MULTIHOT) + DENSE
    nn_w0 = jax.random.normal(ks[6], (nn_input_size, 64), dtype=jnp.float32) * 0.05
    nn_b0 = jnp.zeros((64,), dtype=jnp.float32)
    nn_w1 = jax.random.normal(ks[7], (64, 12), dtype=jnp.float32) * 0.05
    nn_b1 = jnp.zeros((12,), dtype=jnp.float32)
    concat_w = jax.random.normal(ks[8], (1 + E + 12, 1), dtype=jnp.float32) * 0.05
    concat_b = jnp.zeros((1,), dtype=jnp.float32)
    return {
        "dense": dense,
        "onehot": onehot,
        "multihot_0": multihot_0,
        "multihot_1": multihot_1,
        "fm_w": fm_w,
        "fm_emb": fm_emb,
        "nn_w0": nn_w0,
        "nn_b0": nn_b0,
        "nn_w1": nn_w1,
        "nn_b1": nn_b1,
        "concat_w": concat_w,
        "concat_b": concat_b,
    }


def reference(dense, onehot, multihot_0, multihot_1, fm_w, fm_emb,
              nn_w0, nn_b0, nn_w1, nn_b1, concat_w, concat_b):
    # calc_emb: onehot lookup
    onehot_emb = jnp.take(fm_emb, onehot, axis=0)          # [B, 26, E]
    # calc_multihot_emb: embedding_lookup_sparse with mean combiner
    mh0 = jnp.mean(jnp.take(fm_emb, multihot_0, axis=0), axis=1)  # [B, E]
    mh1 = jnp.mean(jnp.take(fm_emb, multihot_1, axis=0), axis=1)  # [B, E]
    multihot_emb = jnp.stack([mh0, mh1], axis=1)           # [B, 2, E]
    cat_emb = jnp.concatenate([onehot_emb, multihot_emb], axis=1)  # [B, 28, E]
    # FM 1st order
    fm_1st = jnp.sum(jnp.take(fm_w, onehot, axis=0), axis=1)       # [B, 1]
    # FM 2nd order (keep_k_dims=True -> [B, E])
    a = jnp.square(jnp.sum(cat_emb, axis=1))
    b = jnp.sum(jnp.square(cat_emb), axis=1)
    fm_2nd = 0.5 * (a - b)                                 # [B, E]
    # Deep part
    nn_inp = jnp.concatenate(
        [jnp.reshape(cat_emb, (-1, E * (ONEHOT + MULTIHOT))), dense], axis=1)
    nn_res = jax.nn.relu(jnp.matmul(nn_inp, nn_w0) + nn_b0)
    nn_res = jax.nn.relu(jnp.matmul(nn_res, nn_w1) + nn_b1)
    # Concat head
    concat = jnp.concatenate([fm_1st, fm_2nd, nn_res], axis=1)     # [B, 1+E+12]
    out = jax.nn.sigmoid(jnp.matmul(concat, concat_w) + concat_b)  # [B, 1]
    return out


if False:  # reference __main__ guard neutralized (emitter)
    inp = setup_inputs()
    o = reference(**inp)
    print(o.shape)

if __name__ == "__main__":
    import jax
    _d = setup_inputs()
    print(jax.jit(kernel)(*tuple(_d.values())))

</pallas_src>

<mosaic_0001>
#map = affine_map<(d0, d1) -> (0)>
#map1 = affine_map<(d0, d1) -> (0, 0)>
module attributes {stable_mosaic.version = 14 : i64} {
  func.func @_sc_body(%arg0: i32, %arg1: i32, %arg2: memref<425984xi32, #tpu.memory_space<hbm>>, %arg3: memref<327680xi32, #tpu.memory_space<hbm>>, %arg4: memref<327680xi32, #tpu.memory_space<hbm>>, %arg5: memref<1000000x16xf32, #tpu.memory_space<hbm>>, %arg6: memref<1000000xf32, #tpu.memory_space<hbm>>, %arg7: memref<212992x16xf32, #tpu.memory_space<hbm>>, %arg8: memref<262144xf32, #tpu.memory_space<hbm>>, %arg9: memref<212992xf32, #tpu.memory_space<hbm>>, %arg10: memref<832xi32, #tpu.memory_space<vmem>>, %arg11: memref<832xi32, #tpu.memory_space<vmem>>, %arg12: memref<640xi32, #tpu.memory_space<vmem>>, %arg13: memref<640xi32, #tpu.memory_space<vmem>>, %arg14: memref<640xi32, #tpu.memory_space<vmem>>, %arg15: memref<640xi32, #tpu.memory_space<vmem>>, %arg16: memref<832x16xf32, #tpu.memory_space<vmem>>, %arg17: memref<832x16xf32, #tpu.memory_space<vmem>>, %arg18: memref<640x16xf32, #tpu.memory_space<vmem>>, %arg19: memref<640x16xf32, #tpu.memory_space<vmem>>, %arg20: memref<640x16xf32, #tpu.memory_space<vmem>>, %arg21: memref<640x16xf32, #tpu.memory_space<vmem>>, %arg22: memref<832xf32, #tpu.memory_space<vmem>>, %arg23: memref<832xf32, #tpu.memory_space<vmem>>, %arg24: memref<1024xf32, #tpu.memory_space<vmem>>, %arg25: memref<1024xf32, #tpu.memory_space<vmem>>, %arg26: memref<!tpu.dma_semaphore, #tpu.memory_space<semaphore_mem>>, %arg27: memref<!tpu.dma_semaphore, #tpu.memory_space<semaphore_mem>>, %arg28: memref<!tpu.dma_semaphore, #tpu.memory_space<semaphore_mem>>, %arg29: memref<!tpu.dma_semaphore, #tpu.memory_space<semaphore_mem>>) attributes {dimension_semantics = [#tpu.dimension_semantics<core_parallel>, #tpu.dimension_semantics<subcore_parallel>], iteration_bounds = array<i64: 2, 16>, scalar_prefetch = 0 : i64, scratch_operands = 20 : i64, tpu.core_type = #tpu.core_type<sc_vector_subcore>, window_params = [{transform_indices = #map}, {transform_indices = #map}, {transform_indices = #map}, {transform_indices = #map1}, {transform_indices = #map}, {transform_indices = #map1}, {transform_indices = #map}, {transform_indices = #map}]} {
    %mul3A = arith.constant 2 : i32
    %mul3A_0 = arith.muli %arg1, %mul3A : i32
    %add3A = arith.addi %mul3A_0, %arg0 : i32
    %mul3A_1 = arith.constant 256 : i32
    %mul3A_2 = arith.muli %add3A, %mul3A_1 : i32
    %add3A_3 = arith.constant 0 : i32
    %add3A_4 = arith.addi %add3A_3, %mul3A_2 : i32
    %add3A_5 = arith.constant 0 : i32
    %add3A_6 = arith.addi %add3A_4, %add3A_5 : i32
    %mul3A_7 = arith.constant 26 : i32
    %mul3A_8 = arith.muli %add3A_6, %mul3A_7 : i32
    "tpu.region"() ({
      %run_scoped3A = tpu.sem_alloc : memref<!tpu.dma_semaphore, #tpu.memory_space<semaphore_mem>>
      %dma_start3A_51 = tpu.memref_slice %arg2[%mul3A_8] : memref<425984xi32, #tpu.memory_space<hbm>> -> memref<832xi32, #tpu.memory_space<hbm>>
      %dma_start3A_52 = tpu.memref_slice %arg2[%mul3A_8] : memref<425984xi32, #tpu.memory_space<hbm>> -> memref<832xi32, #tpu.memory_space<hbm>>
      tpu.enqueue_dma source(%dma_start3A_52 : memref<832xi32, #tpu.memory_space<hbm>>) target(%arg10 : memref<832xi32, #tpu.memory_space<vmem>>) target_semaphore(%run_scoped3A : memref<!tpu.dma_semaphore, #tpu.memory_space<semaphore_mem>>)
      %dma_wait3A = tpu.memref_slice %arg2[%mul3A_8] : memref<425984xi32, #tpu.memory_space<hbm>> -> memref<832xi32, #tpu.memory_space<hbm>>
      %dma_wait3A_53 = tpu.memref_slice %arg2[%mul3A_8] : memref<425984xi32, #tpu.memory_space<hbm>> -> memref<832xi32, #tpu.memory_space<hbm>>
      tpu.wait_dma2 semaphore(%run_scoped3A : memref<!tpu.dma_semaphore, #tpu.memory_space<semaphore_mem>>) src(%dma_wait3A_53 : memref<832xi32, #tpu.memory_space<hbm>>) dst(%arg10 : memref<832xi32, #tpu.memory_space<vmem>>)
      tpu.yield
    }) : () -> ()
    %mul3A_9 = arith.constant 20 : i32
    %mul3A_10 = arith.muli %add3A_6, %mul3A_9 : i32
    "tpu.region"() ({
      %run_scoped3A = tpu.sem_alloc : memref<!tpu.dma_semaphore, #tpu.memory_space<semaphore_mem>>
      %dma_start3A_51 = tpu.memref_slice %arg3[%mul3A_10] : memref<327680xi32, #tpu.memory_space<hbm>> -> memref<640xi32, #tpu.memory_space<hbm>>
      %dma_start3A_52 = tpu.memref_slice %arg3[%mul3A_10] : memref<327680xi32, #tpu.memory_space<hbm>> -> memref<640xi32, #tpu.memory_space<hbm>>
      tpu.enqueue_dma source(%dma_start3A_52 : memref<640xi32, #tpu.memory_space<hbm>>) target(%arg12 : memref<640xi32, #tpu.memory_space<vmem>>) target_semaphore(%run_scoped3A : memref<!tpu.dma_semaphore, #tpu.memory_space<semaphore_mem>>)
      %dma_wait3A = tpu.memref_slice %arg3[%mul3A_10] : memref<327680xi32, #tpu.memory_space<hbm>> -> memref<640xi32, #tpu.memory_space<hbm>>
      %dma_wait3A_53 = tpu.memref_slice %arg3[%mul3A_10] : memref<327680xi32, #tpu.memory_space<hbm>> -> memref<640xi32, #tpu.memory_space<hbm>>
      tpu.wait_dma2 semaphore(%run_scoped3A : memref<!tpu.dma_semaphore, #tpu.memory_space<semaphore_mem>>) src(%dma_wait3A_53 : memref<640xi32, #tpu.memory_space<hbm>>) dst(%arg12 : memref<640xi32, #tpu.memory_space<vmem>>)
      tpu.yield
    }) : () -> ()
    %mul3A_11 = arith.constant 20 : i32
    %mul3A_12 = arith.muli %add3A_6, %mul3A_11 : i32
    "tpu.region"() ({
      %run_scoped3A = tpu.sem_alloc : memref<!tpu.dma_semaphore, #tpu.memory_space<semaphore_mem>>
      %dma_start3A_51 = tpu.memref_slice %arg4[%mul3A_12] : memref<327680xi32, #tpu.memory_space<hbm>> -> memref<640xi32, #tpu.memory_space<hbm>>
      %dma_start3A_52 = tpu.memref_slice %arg4[%mul3A_12] : memref<327680xi32, #tpu.memory_space<hbm>> -> memref<640xi32, #tpu.memory_space<hbm>>
      tpu.enqueue_dma source(%dma_start3A_52 : memref<640xi32, #tpu.memory_space<hbm>>) target(%arg14 : memref<640xi32, #tpu.memory_space<vmem>>) target_semaphore(%run_scoped3A : memref<!tpu.dma_semaphore, #tpu.memory_space<semaphore_mem>>)
      %dma_wait3A = tpu.memref_slice %arg4[%mul3A_12] : memref<327680xi32, #tpu.memory_space<hbm>> -> memref<640xi32, #tpu.memory_space<hbm>>
      %dma_wait3A_53 = tpu.memref_slice %arg4[%mul3A_12] : memref<327680xi32, #tpu.memory_space<hbm>> -> memref<640xi32, #tpu.memory_space<hbm>>
      tpu.wait_dma2 semaphore(%run_scoped3A : memref<!tpu.dma_semaphore, #tpu.memory_space<semaphore_mem>>) src(%dma_wait3A_53 : memref<640xi32, #tpu.memory_space<hbm>>) dst(%arg14 : memref<640xi32, #tpu.memory_space<vmem>>)
      tpu.yield
    }) : () -> ()
    %dma_start3A = arith.constant 0 : i32
    %dma_start3A_13 = arith.constant 0 : i32
    %dma_start3A_14 = tpu.memref_slice %arg5[%dma_start3A, %dma_start3A_13] : memref<1000000x16xf32, #tpu.memory_space<hbm>> -> memref<1000000x16xf32, #tpu.memory_space<hbm>>
    tpu.enqueue_indirect_dma source(%dma_start3A_14 : memref<1000000x16xf32, #tpu.memory_space<hbm>>) target(%arg16 : memref<832x16xf32, #tpu.memory_space<vmem>>) offsets(%arg10 : memref<832xi32, #tpu.memory_space<vmem>>) semaphore(%arg26 : memref<!tpu.dma_semaphore, #tpu.memory_space<semaphore_mem>>)
    %dma_start3A_15 = arith.constant 0 : i32
    %dma_start3A_16 = arith.constant 0 : i32
    %dma_start3A_17 = tpu.memref_slice %arg5[%dma_start3A_15, %dma_start3A_16] : memref<1000000x16xf32, #tpu.memory_space<hbm>> -> memref<1000000x16xf32, #tpu.memory_space<hbm>>
    tpu.enqueue_indirect_dma source(%dma_start3A_17 : memref<1000000x16xf32, #tpu.memory_space<hbm>>) target(%arg18 : memref<640x16xf32, #tpu.memory_space<vmem>>) offsets(%arg12 : memref<640xi32, #tpu.memory_space<vmem>>) semaphore(%arg26 : memref<!tpu.dma_semaphore, #tpu.memory_space<semaphore_mem>>)
    %dma_start3A_18 = arith.constant 0 : i32
    %dma_start3A_19 = arith.constant 0 : i32
    %dma_start3A_20 = tpu.memref_slice %arg5[%dma_start3A_18, %dma_start3A_19] : memref<1000000x16xf32, #tpu.memory_space<hbm>> -> memref<1000000x16xf32, #tpu.memory_space<hbm>>
    tpu.enqueue_indirect_dma source(%dma_start3A_20 : memref<1000000x16xf32, #tpu.memory_space<hbm>>) target(%arg20 : memref<640x16xf32, #tpu.memory_space<vmem>>) offsets(%arg14 : memref<640xi32, #tpu.memory_space<vmem>>) semaphore(%arg26 : memref<!tpu.dma_semaphore, #tpu.memory_space<semaphore_mem>>)
    %dma_start3A_21 = arith.constant 0 : i32
    %dma_start3A_22 = tpu.memref_slice %arg6[%dma_start3A_21] : memref<1000000xf32, #tpu.memory_space<hbm>> -> memref<1000000xf32, #tpu.memory_space<hbm>>
    tpu.enqueue_indirect_dma source(%dma_start3A_22 : memref<1000000xf32, #tpu.memory_space<hbm>>) target(%arg22 : memref<832xf32, #tpu.memory_space<vmem>>) offsets(%arg10 : memref<832xi32, #tpu.memory_space<vmem>>) semaphore(%arg26 : memref<!tpu.dma_semaphore, #tpu.memory_space<semaphore_mem>>)
    %mul3A_23 = arith.constant 256 : i32
    %mul3A_24 = arith.muli %add3A, %mul3A_23 : i32
    %add3A_25 = arith.constant 0 : i32
    %add3A_26 = arith.addi %add3A_25, %mul3A_24 : i32
    %add3A_27 = arith.constant 32 : i32
    %add3A_28 = arith.addi %add3A_26, %add3A_27 : i32
    %mul3A_29 = arith.constant 26 : i32
    %mul3A_30 = arith.muli %add3A_28, %mul3A_29 : i32
    "tpu.region"() ({
      %run_scoped3A = tpu.sem_alloc : memref<!tpu.dma_semaphore, #tpu.memory_space<semaphore_mem>>
      %dma_start3A_51 = tpu.memref_slice %arg2[%mul3A_30] : memref<425984xi32, #tpu.memory_space<hbm>> -> memref<832xi32, #tpu.memory_space<hbm>>
      %dma_start3A_52 = tpu.memref_slice %arg2[%mul3A_30] : memref<425984xi32, #tpu.memory_space<hbm>> -> memref<832xi32, #tpu.memory_space<hbm>>
      tpu.enqueue_dma source(%dma_start3A_52 : memref<832xi32, #tpu.memory_space<hbm>>) target(%arg11 : memref<832xi32, #tpu.memory_space<vmem>>) target_semaphore(%run_scoped3A : memref<!tpu.dma_semaphore, #tpu.memory_space<semaphore_mem>>)
      %dma_wait3A = tpu.memref_slice %arg2[%mul3A_30] : memref<425984xi32, #tpu.memory_space<hbm>> -> memref<832xi32, #tpu.memory_space<hbm>>
      %dma_wait3A_53 = tpu.memref_slice %arg2[%mul3A_30] : memref<425984xi32, #tpu.memory_space<hbm>> -> memref<832xi32, #tpu.memory_space<hbm>>
      tpu.wait_dma2 semaphore(%run_scoped3A : memref<!tpu.dma_semaphore, #tpu.memory_space<semaphore_mem>>) src(%dma_wait3A_53 : memref<832xi32, #tpu.memory_space<hbm>>) dst(%arg11 : memref<832xi32, #tpu.memory_space<vmem>>)
      tpu.yield
    }) : () -> ()
    %mul3A_31 = arith.constant 20 : i32
    %mul3A_32 = arith.muli %add3A_28, %mul3A_31 : i32
    "tpu.region"() ({
      %run_scoped3A = tpu.sem_alloc : memref<!tpu.dma_semaphore, #tpu.memory_space<semaphore_mem>>
      %dma_start3A_51 = tpu.memref_slice %arg3[%mul3A_32] : memref<327680xi32, #tpu.memory_space<hbm>> -> memref<640xi32, #tpu.memory_space<hbm>>
      %dma_start3A_52 = tpu.memref_slice %arg3[%mul3A_32] : memref<327680xi32, #tpu.memory_space<hbm>> -> memref<640xi32, #tpu.memory_space<hbm>>
      tpu.enqueue_dma source(%dma_start3A_52 : memref<640xi32, #tpu.memory_space<hbm>>) target(%arg13 : memref<640xi32, #tpu.memory_space<vmem>>) target_semaphore(%run_scoped3A : memref<!tpu.dma_semaphore, #tpu.memory_space<semaphore_mem>>)
      %dma_wait3A = tpu.memref_slice %arg3[%mul3A_32] : memref<327680xi32, #tpu.memory_space<hbm>> -> memref<640xi32, #tpu.memory_space<hbm>>
      %dma_wait3A_53 = tpu.memref_slice %arg3[%mul3A_32] : memref<327680xi32, #tpu.memory_space<hbm>> -> memref<640xi32, #tpu.memory_space<hbm>>
      tpu.wait_dma2 semaphore(%run_scoped3A : memref<!tpu.dma_semaphore, #tpu.memory_space<semaphore_mem>>) src(%dma_wait3A_53 : memref<640xi32, #tpu.memory_space<hbm>>) dst(%arg13 : memref<640xi32, #tpu.memory_space<vmem>>)
      tpu.yield
    }) : () -> ()
    %mul3A_33 = arith.constant 20 : i32
    %mul3A_34 = arith.muli %add3A_28, %mul3A_33 : i32
    "tpu.region"() ({
      %run_scoped3A = tpu.sem_alloc : memref<!tpu.dma_semaphore, #tpu.memory_space<semaphore_mem>>
      %dma_start3A_51 = tpu.memref_slice %arg4[%mul3A_34] : memref<327680xi32, #tpu.memory_space<hbm>> -> memref<640xi32, #tpu.memory_space<hbm>>
      %dma_start3A_52 = tpu.memref_slice %arg4[%mul3A_34] : memref<327680xi32, #tpu.memory_space<hbm>> -> memref<640xi32, #tpu.memory_space<hbm>>
      tpu.enqueue_dma source(%dma_start3A_52 : memref<640xi32, #tpu.memory_space<hbm>>) target(%arg15 : memref<640xi32, #tpu.memory_space<vmem>>) target_semaphore(%run_scoped3A : memref<!tpu.dma_semaphore, #tpu.memory_space<semaphore_mem>>)
      %dma_wait3A = tpu.memref_slice %arg4[%mul3A_34] : memref<327680xi32, #tpu.memory_space<hbm>> -> memref<640xi32, #tpu.memory_space<hbm>>
      %dma_wait3A_53 = tpu.memref_slice %arg4[%mul3A_34] : memref<327680xi32, #tpu.memory_space<hbm>> -> memref<640xi32, #tpu.memory_space<hbm>>
      tpu.wait_dma2 semaphore(%run_scoped3A : memref<!tpu.dma_semaphore, #tpu.memory_space<semaphore_mem>>) src(%dma_wait3A_53 : memref<640xi32, #tpu.memory_space<hbm>>) dst(%arg15 : memref<640xi32, #tpu.memory_space<vmem>>)
      tpu.yield
    }) : () -> ()
    %dma_start3A_35 = arith.constant 0 : i32
    %dma_start3A_36 = arith.constant 0 : i32
    %dma_start3A_37 = tpu.memref_slice %arg5[%dma_start3A_35, %dma_start3A_36] : memref<1000000x16xf32, #tpu.memory_space<hbm>> -> memref<1000000x16xf32, #tpu.memory_space<hbm>>
    tpu.enqueue_indirect_dma source(%dma_start3A_37 : memref<1000000x16xf32, #tpu.memory_space<hbm>>) target(%arg17 : memref<832x16xf32, #tpu.memory_space<vmem>>) offsets(%arg11 : memref<832xi32, #tpu.memory_space<vmem>>) semaphore(%arg27 : memref<!tpu.dma_semaphore, #tpu.memory_space<semaphore_mem>>)
    %dma_start3A_38 = arith.constant 0 : i32
    %dma_start3A_39 = arith.constant 0 : i32
    %dma_start3A_40 = tpu.memref_slice %arg5[%dma_start3A_38, %dma_start3A_39] : memref<1000000x16xf32, #tpu.memory_space<hbm>> -> memref<1000000x16xf32, #tpu.memory_space<hbm>>
    tpu.enqueue_indirect_dma source(%dma_start3A_40 : memref<1000000x16xf32, #tpu.memory_space<hbm>>) target(%arg19 : memref<640x16xf32, #tpu.memory_space<vmem>>) offsets(%arg13 : memref<640xi32, #tpu.memory_space<vmem>>) semaphore(%arg27 : memref<!tpu.dma_semaphore, #tpu.memory_space<semaphore_mem>>)
    %dma_start3A_41 = arith.constant 0 : i32
    %dma_start3A_42 = arith.constant 0 : i32
    %dma_start3A_43 = tpu.memref_slice %arg5[%dma_start3A_41, %dma_start3A_42] : memref<1000000x16xf32, #tpu.memory_space<hbm>> -> memref<1000000x16xf32, #tpu.memory_space<hbm>>
    tpu.enqueue_indirect_dma source(%dma_start3A_43 : memref<1000000x16xf32, #tpu.memory_space<hbm>>) target(%arg21 : memref<640x16xf32, #tpu.memory_space<vmem>>) offsets(%arg15 : memref<640xi32, #tpu.memory_space<vmem>>) semaphore(%arg27 : memref<!tpu.dma_semaphore, #tpu.memory_space<semaphore_mem>>)
    %dma_start3A_44 = arith.constant 0 : i32
    %dma_start3A_45 = tpu.memref_slice %arg6[%dma_start3A_44] : memref<1000000xf32, #tpu.memory_space<hbm>> -> memref<1000000xf32, #tpu.memory_space<hbm>>
    tpu.enqueue_indirect_dma source(%dma_start3A_45 : memref<1000000xf32, #tpu.memory_space<hbm>>) target(%arg23 : memref<832xf32, #tpu.memory_space<vmem>>) offsets(%arg11 : memref<832xi32, #tpu.memory_space<vmem>>) semaphore(%arg27 : memref<!tpu.dma_semaphore, #tpu.memory_space<semaphore_mem>>)
    %scan3A = arith.constant 0 : i32
    %scan3A_46 = arith.constant 0 : i32
    %scan3A_47 = arith.constant 4 : i32
    %scan3A_48 = arith.addi %scan3A_46, %scan3A_47 : i32
    %scan3A_49 = arith.constant 1 : i32
    scf.for %scan3A_51 = %scan3A_46 to %scan3A_48 step %scan3A_49  : i32 {
      %mul3A_52 = arith.constant 2 : i32
      %mul3A_53 = arith.muli %mul3A_52, %scan3A_51 : i32
      %add3A_54 = arith.constant 0 : i32
      %add3A_55 = arith.addi %mul3A_53, %add3A_54 : i32
      %mul3A_56 = arith.constant 256 : i32
      %mul3A_57 = arith.muli %add3A, %mul3A_56 : i32
      %mul3A_58 = arith.constant 32 : i32
      %mul3A_59 = arith.muli %add3A_55, %mul3A_58 : i32
      %add3A_60 = arith.addi %mul3A_57, %mul3A_59 : i32
      %dma_wait3A = arith.constant 0 : i32
      %dma_wait3A_61 = arith.constant 0 : i32
      %dma_wait3A_62 = tpu.memref_slice %arg5[%dma_wait3A, %dma_wait3A_61] : memref<1000000x16xf32, #tpu.memory_space<hbm>> -> memref<1000000x16xf32, #tpu.memory_space<hbm>>
      tpu.wait_indirect_dma semaphore(%arg26 : memref<!tpu.dma_semaphore, #tpu.memory_space<semaphore_mem>>) src(%dma_wait3A_62 : memref<1000000x16xf32, #tpu.memory_space<hbm>>) dst(%arg16 : memref<832x16xf32, #tpu.memory_space<vmem>>)
      %dma_wait3A_63 = arith.constant 0 : i32
      %dma_wait3A_64 = arith.constant 0 : i32
      %dma_wait3A_65 = tpu.memref_slice %arg5[%dma_wait3A_63, %dma_wait3A_64] : memref<1000000x16xf32, #tpu.memory_space<hbm>> -> memref<1000000x16xf32, #tpu.memory_space<hbm>>
      tpu.wait_indirect_dma semaphore(%arg26 : memref<!tpu.dma_semaphore, #tpu.memory_space<semaphore_mem>>) src(%dma_wait3A_65 : memref<1000000x16xf32, #tpu.memory_space<hbm>>) dst(%arg18 : memref<640x16xf32, #tpu.memory_space<vmem>>)
      %dma_wait3A_66 = arith.constant 0 : i32
      %dma_wait3A_67 = arith.constant 0 : i32
      %dma_wait3A_68 = tpu.memref_slice %arg5[%dma_wait3A_66, %dma_wait3A_67] : memref<1000000x16xf32, #tpu.memory_space<hbm>> -> memref<1000000x16xf32, #tpu.memory_space<hbm>>
      tpu.wait_indirect_dma semaphore(%arg26 : memref<!tpu.dma_semaphore, #tpu.memory_space<semaphore_mem>>) src(%dma_wait3A_68 : memref<1000000x16xf32, #tpu.memory_space<hbm>>) dst(%arg20 : memref<640x16xf32, #tpu.memory_space<vmem>>)
      %dma_wait3A_69 = arith.constant 0 : i32
      %dma_wait3A_70 = tpu.memref_slice %arg6[%dma_wait3A_69] : memref<1000000xf32, #tpu.memory_space<hbm>> -> memref<1000000xf32, #tpu.memory_space<hbm>>
      tpu.wait_indirect_dma semaphore(%arg26 : memref<!tpu.dma_semaphore, #tpu.memory_space<semaphore_mem>>) src(%dma_wait3A_70 : memref<1000000xf32, #tpu.memory_space<hbm>>) dst(%arg22 : memref<832xf32, #tpu.memory_space<vmem>>)
      %scan3A_71 = arith.constant 0 : i32
      %scan3A_72 = arith.constant 0 : i32
      %scan3A_73 = arith.constant 32 : i32
      %scan3A_74 = arith.addi %scan3A_72, %scan3A_73 : i32
      %scan3A_75 = arith.constant 2 : i32
      scf.for %scan3A_174 = %scan3A_72 to %scan3A_74 step %scan3A_75  : i32 {
        %mul3A_175 = arith.constant 20 : i32
        %mul3A_176 = arith.muli %scan3A_174, %mul3A_175 : i32
        %get3A = arith.index_cast %mul3A_176 : i32 to index
        %get3A_177 = arith.constant 0 : index
        %get3A_178 = tpu.vector_load %arg18[%get3A, %get3A_177] {strides = array<i32>} : memref<640x16xf32, #tpu.memory_space<vmem>>, vector<1x16xf32>,
        %get3A_179 = vector.shape_cast %get3A_178 : vector<1x16xf32> to vector<16xf32>
        %get3A_180 = arith.index_cast %mul3A_176 : i32 to index
        %get3A_181 = arith.constant 0 : index
        %get3A_182 = tpu.vector_load %arg20[%get3A_180, %get3A_181] {strides = array<i32>} : memref<640x16xf32, #tpu.memory_space<vmem>>, vector<1x16xf32>,
        %get3A_183 = vector.shape_cast %get3A_182 : vector<1x16xf32> to vector<16xf32>
        %add3A_184 = arith.constant 1 : i32
        %add3A_185 = arith.addi %mul3A_176, %add3A_184 : i32
        %get3A_186 = arith.index_cast %add3A_185 : i32 to index
        %get3A_187 = arith.constant 0 : index
        %get3A_188 = tpu.vector_load %arg18[%get3A_186, %get3A_187] {strides = array<i32>} : memref<640x16xf32, #tpu.memory_space<vmem>>, vector<1x16xf32>,
        %get3A_189 = vector.shape_cast %get3A_188 : vector<1x16xf32> to vector<16xf32>
        %add3A_190 = arith.addf %get3A_179, %get3A_189 : vector<16xf32>
        %add3A_191 = arith.constant 1 : i32
        %add3A_192 = arith.addi %mul3A_176, %add3A_191 : i32
        %get3A_193 = arith.index_cast %add3A_192 : i32 to index
        %get3A_194 = arith.constant 0 : index
        %get3A_195 = tpu.vector_load %arg20[%get3A_193, %get3A_194] {strides = array<i32>} : memref<640x16xf32, #tpu.memory_space<vmem>>, vector<1x16xf32>,
        %get3A_196 = vector.shape_cast %get3A_195 : vector<1x16xf32> to vector<16xf32>
        %add3A_197 = arith.addf %get3A_183, %get3A_196 : vector<16xf32>
        %add3A_198 = arith.constant 2 : i32
        %add3A_199 = arith.addi %mul3A_176, %add3A_198 : i32
        %get3A_200 = arith.index_cast %add3A_199 : i32 to index
        %get3A_201 = arith.constant 0 : index
        %get3A_202 = tpu.vector_load %arg18[%get3A_200, %get3A_201] {strides = array<i32>} : memref<640x16xf32, #tpu.memory_space<vmem>>, vector<1x16xf32>,
        %get3A_203 = vector.shape_cast %get3A_202 : vector<1x16xf32> to vector<16xf32>
        %add3A_204 = arith.addf %add3A_190, %get3A_203 : vector<16xf32>
        %add3A_205 = arith.constant 2 : i32
        %add3A_206 = arith.addi %mul3A_176, %add3A_205 : i32
        %get3A_207 = arith.index_cast %add3A_206 : i32 to index
        %get3A_208 = arith.constant 0 : index
        %get3A_209 = tpu.vector_load %arg20[%get3A_207, %get3A_208] {strides = array<i32>} : memref<640x16xf32, #tpu.memory_space<vmem>>, vector<1x16xf32>,
        %get3A_210 = vector.shape_cast %get3A_209 : vector<1x16xf32> to vector<16xf32>
        %add3A_211 = arith.addf %add3A_197, %get3A_210 : vector<16xf32>
        %add3A_212 = arith.constant 3 : i32
        %add3A_213 = arith.addi %mul3A_176, %add3A_212 : i32
        %get3A_214 = arith.index_cast %add3A_213 : i32 to index
        %get3A_215 = arith.constant 0 : index
        %get3A_216 = tpu.vector_load %arg18[%get3A_214, %get3A_215] {strides = array<i32>} : memref<640x16xf32, #tpu.memory_space<vmem>>, vector<1x16xf32>,
        %get3A_217 = vector.shape_cast %get3A_216 : vector<1x16xf32> to vector<16xf32>
        %add3A_218 = arith.addf %add3A_204, %get3A_217 : vector<16xf32>
        %add3A_219 = arith.constant 3 : i32
        %add3A_220 = arith.addi %mul3A_176, %add3A_219 : i32
        %get3A_221 = arith.index_cast %add3A_220 : i32 to index
        %get3A_222 = arith.constant 0 : index
        %get3A_223 = tpu.vector_load %arg20[%get3A_221, %get3A_222] {strides = array<i32>} : memref<640x16xf32, #tpu.memory_space<vmem>>, vector<1x16xf32>,
        %get3A_224 = vector.shape_cast %get3A_223 : vector<1x16xf32> to vector<16xf32>
        %add3A_225 = arith.addf %add3A_211, %get3A_224 : vector<16xf32>
        %add3A_226 = arith.constant 4 : i32
        %add3A_227 = arith.addi %mul3A_176, %add3A_226 : i32
        %get3A_228 = arith.index_cast %add3A_227 : i32 to index
        %get3A_229 = arith.constant 0 : index
        %get3A_230 = tpu.vector_load %arg18[%get3A_228, %get3A_229] {strides = array<i32>} : memref<640x16xf32, #tpu.memory_space<vmem>>, vector<1x16xf32>,
        %get3A_231 = vector.shape_cast %get3A_230 : vector<1x16xf32> to vector<16xf32>
        %add3A_232 = arith.addf %add3A_218, %get3A_231 : vector<16xf32>
        %add3A_233 = arith.constant 4 : i32
        %add3A_234 = arith.addi %mul3A_176, %add3A_233 : i32
        %get3A_235 = arith.index_cast %add3A_234 : i32 to index
        %get3A_236 = arith.constant 0 : index
        %get3A_237 = tpu.vector_load %arg20[%get3A_235, %get3A_236] {strides = array<i32>} : memref<640x16xf32, #tpu.memory_space<vmem>>, vector<1x16xf32>,
        %get3A_238 = vector.shape_cast %get3A_237 : vector<1x16xf32> to vector<16xf32>
        %add3A_239 = arith.addf %add3A_225, %get3A_238 : vector<16xf32>
        %add3A_240 = arith.constant 5 : i32
        %add3A_241 = arith.addi %mul3A_176, %add3A_240 : i32
        %get3A_242 = arith.index_cast %add3A_241 : i32 to index
        %get3A_243 = arith.constant 0 : index
        %get3A_244 = tpu.vector_load %arg18[%get3A_242, %get3A_243] {strides = array<i32>} : memref<640x16xf32, #tpu.memory_space<vmem>>, vector<1x16xf32>,
        %get3A_245 = vector.shape_cast %get3A_244 : vector<1x16xf32> to vector<16xf32>
        %add3A_246 = arith.addf %add3A_232, %get3A_245 : vector<16xf32>
        %add3A_247 = arith.constant 5 : i32
        %add3A_248 = arith.addi %mul3A_176, %add3A_247 : i32
        %get3A_249 = arith.index_cast %add3A_248 : i32 to index
        %get3A_250 = arith.constant 0 : index
        %get3A_251 = tpu.vector_load %arg20[%get3A_249, %get3A_250] {strides = array<i32>} : memref<640x16xf32, #tpu.memory_space<vmem>>, vector<1x16xf32>,
        %get3A_252 = vector.shape_cast %get3A_251 : vector<1x16xf32> to vector<16xf32>
        %add3A_253 = arith.addf %add3A_239, %get3A_252 : vector<16xf32>
        %add3A_254 = arith.constant 6 : i32
        %add3A_255 = arith.addi %mul3A_176, %add3A_254 : i32
        %get3A_256 = arith.index_cast %add3A_255 : i32 to index
        %get3A_257 = arith.constant 0 : index
        %get3A_258 = tpu.vector_load %arg18[%get3A_256, %get3A_257] {strides = array<i32>} : memref<640x16xf32, #tpu.memory_space<vmem>>, vector<1x16xf32>,
        %get3A_259 = vector.shape_cast %get3A_258 : vector<1x16xf32> to vector<16xf32>
        %add3A_260 = arith.addf %add3A_246, %get3A_259 : vector<16xf32>
        %add3A_261 = arith.constant 6 : i32
        %add3A_262 = arith.addi %mul3A_176, %add3A_261 : i32
        %get3A_263 = arith.index_cast %add3A_262 : i32 to index
        %get3A_264 = arith.constant 0 : index
        %get3A_265 = tpu.vector_load %arg20[%get3A_263, %get3A_264] {strides = array<i32>} : memref<640x16xf32, #tpu.memory_space<vmem>>, vector<1x16xf32>,
        %get3A_266 = vector.shape_cast %get3A_265 : vector<1x16xf32> to vector<16xf32>
        %add3A_267 = arith.addf %add3A_253, %get3A_266 : vector<16xf32>
        %add3A_268 = arith.constant 7 : i32
        %add3A_269 = arith.addi %mul3A_176, %add3A_268 : i32
        %get3A_270 = arith.index_cast %add3A_269 : i32 to index
        %get3A_271 = arith.constant 0 : index
        %get3A_272 = tpu.vector_load %arg18[%get3A_270, %get3A_271] {strides = array<i32>} : memref<640x16xf32, #tpu.memory_space<vmem>>, vector<1x16xf32>,
        %get3A_273 = vector.shape_cast %get3A_272 : vector<1x16xf32> to vector<16xf32>
        %add3A_274 = arith.addf %add3A_260, %get3A_273 : vector<16xf32>
        %add3A_275 = arith.constant 7 : i32
        %add3A_276 = arith.addi %mul3A_176, %add3A_275 : i32
        %get3A_277 = arith.index_cast %add3A_276 : i32 to index
        %get3A_278 = arith.constant 0 : index
        %get3A_279 = tpu.vector_load %arg20[%get3A_277, %get3A_278] {strides = array<i32>} : memref<640x16xf32, #tpu.memory_space<vmem>>, vector<1x16xf32>,
        %get3A_280 = vector.shape_cast %get3A_279 : vector<1x16xf32> to vector<16xf32>
        %add3A_281 = arith.addf %add3A_267, %get3A_280 : vector<16xf32>
        %add3A_282 = arith.constant 8 : i32
        %add3A_283 = arith.addi %mul3A_176, %add3A_282 : i32
        %get3A_284 = arith.index_cast %add3A_283 : i32 to index
        %get3A_285 = arith.constant 0 : index
        %get3A_286 = tpu.vector_load %arg18[%get3A_284, %get3A_285] {strides = array<i32>} : memref<640x16xf32, #tpu.memory_space<vmem>>, vector<1x16xf32>,
        %get3A_287 = vector.shape_cast %get3A_286 : vector<1x16xf32> to vector<16xf32>
        %add3A_288 = arith.addf %add3A_274, %get3A_287 : vector<16xf32>
        %add3A_289 = arith.constant 8 : i32
        %add3A_290 = arith.addi %mul3A_176, %add3A_289 : i32
        %get3A_291 = arith.index_cast %add3A_290 : i32 to index
        %get3A_292 = arith.constant 0 : index
        %get3A_293 = tpu.vector_load %arg20[%get3A_291, %get3A_292] {strides = array<i32>} : memref<640x16xf32, #tpu.memory_space<vmem>>, vector<1x16xf32>,
        %get3A_294 = vector.shape_cast %get3A_293 : vector<1x16xf32> to vector<16xf32>
        %add3A_295 = arith.addf %add3A_281, %get3A_294 : vector<16xf32>
        %add3A_296 = arith.constant 9 : i32
        %add3A_297 = arith.addi %mul3A_176, %add3A_296 : i32
        %get3A_298 = arith.index_cast %add3A_297 : i32 to index
        %get3A_299 = arith.constant 0 : index
        %get3A_300 = tpu.vector_load %arg18[%get3A_298, %get3A_299] {strides = array<i32>} : memref<640x16xf32, #tpu.memory_space<vmem>>, vector<1x16xf32>,
        %get3A_301 = vector.shape_cast %get3A_300 : vector<1x16xf32> to vector<16xf32>
        %add3A_302 = arith.addf %add3A_288, %get3A_301 : vector<16xf32>
        %add3A_303 = arith.constant 9 : i32
        %add3A_304 = arith.addi %mul3A_176, %add3A_303 : i32
        %get3A_305 = arith.index_cast %add3A_304 : i32 to index
        %get3A_306 = arith.constant 0 : index
        %get3A_307 = tpu.vector_load %arg20[%get3A_305, %get3A_306] {strides = array<i32>} : memref<640x16xf32, #tpu.memory_space<vmem>>, vector<1x16xf32>,
        %get3A_308 = vector.shape_cast %get3A_307 : vector<1x16xf32> to vector<16xf32>
        %add3A_309 = arith.addf %add3A_295, %get3A_308 : vector<16xf32>
        %add3A_310 = arith.constant 10 : i32
        %add3A_311 = arith.addi %mul3A_176, %add3A_310 : i32
        %get3A_312 = arith.index_cast %add3A_311 : i32 to index
        %get3A_313 = arith.constant 0 : index
        %get3A_314 = tpu.vector_load %arg18[%get3A_312, %get3A_313] {strides = array<i32>} : memref<640x16xf32, #tpu.memory_space<vmem>>, vector<1x16xf32>,
        %get3A_315 = vector.shape_cast %get3A_314 : vector<1x16xf32> to vector<16xf32>
        %add3A_316 = arith.addf %add3A_302, %get3A_315 : vector<16xf32>
        %add3A_317 = arith.constant 10 : i32
        %add3A_318 = arith.addi %mul3A_176, %add3A_317 : i32
        %get3A_319 = arith.index_cast %add3A_318 : i32 to index
        %get3A_320 = arith.constant 0 : index
        %get3A_321 = tpu.vector_load %arg20[%get3A_319, %get3A_320] {strides = array<i32>} : memref<640x16xf32, #tpu.memory_space<vmem>>, vector<1x16xf32>,
        %get3A_322 = vector.shape_cast %get3A_321 : vector<1x16xf32> to vector<16xf32>
        %add3A_323 = arith.addf %add3A_309, %get3A_322 : vector<16xf32>
        %add3A_324 = arith.constant 11 : i32
        %add3A_325 = arith.addi %mul3A_176, %add3A_324 : i32
        %get3A_326 = arith.index_cast %add3A_325 : i32 to index
        %get3A_327 = arith.constant 0 : index
        %get3A_328 = tpu.vector_load %arg18[%get3A_326, %get3A_327] {strides = array<i32>} : memref<640x16xf32, #tpu.memory_space<vmem>>, vector<1x16xf32>,
        %get3A_329 = vector.shape_cast %get3A_328 : vector<1x16xf32> to vector<16xf32>
        %add3A_330 = arith.addf %add3A_316, %get3A_329 : vector<16xf32>
        %add3A_331 = arith.constant 11 : i32
        %add3A_332 = arith.addi %mul3A_176, %add3A_331 : i32
        %get3A_333 = arith.index_cast %add3A_332 : i32 to index
        %get3A_334 = arith.constant 0 : index
        %get3A_335 = tpu.vector_load %arg20[%get3A_333, %get3A_334] {strides = array<i32>} : memref<640x16xf32, #tpu.memory_space<vmem>>, vector<1x16xf32>,
        %get3A_336 = vector.shape_cast %get3A_335 : vector<1x16xf32> to vector<16xf32>
        %add3A_337 = arith.addf %add3A_323, %get3A_336 : vector<16xf32>
        %add3A_338 = arith.constant 12 : i32
        %add3A_339 = arith.addi %mul3A_176, %add3A_338 : i32
        %get3A_340 = arith.index_cast %add3A_339 : i32 to index
        %get3A_341 = arith.constant 0 : index
        %get3A_342 = tpu.vector_load %arg18[%get3A_340, %get3A_341] {strides = array<i32>} : memref<640x16xf32, #tpu.memory_space<vmem>>, vector<1x16xf32>,
        %get3A_343 = vector.shape_cast %get3A_342 : vector<1x16xf32> to vector<16xf32>
        %add3A_344 = arith.addf %add3A_330, %get3A_343 : vector<16xf32>
        %add3A_345 = arith.constant 12 : i32
        %add3A_346 = arith.addi %mul3A_176, %add3A_345 : i32
        %get3A_347 = arith.index_cast %add3A_346 : i32 to index
        %get3A_348 = arith.constant 0 : index
        %get3A_349 = tpu.vector_load %arg20[%get3A_347, %get3A_348] {strides = array<i32>} : memref<640x16xf32, #tpu.memory_space<vmem>>, vector<1x16xf32>,
        %get3A_350 = vector.shape_cast %get3A_349 : vector<1x16xf32> to vector<16xf32>
        %add3A_351 = arith.addf %add3A_337, %get3A_350 : vector<16xf32>
        %add3A_352 = arith.constant 13 : i32
        %add3A_353 = arith.addi %mul3A_176, %add3A_352 : i32
        %get3A_354 = arith.index_cast %add3A_353 : i32 to index
        %get3A_355 = arith.constant 0 : index
        %get3A_356 = tpu.vector_load %arg18[%get3A_354, %get3A_355] {strides = array<i32>} : memref<640x16xf32, #tpu.memory_space<vmem>>, vector<1x16xf32>,
        %get3A_357 = vector.shape_cast %get3A_356 : vector<1x16xf32> to vector<16xf32>
        %add3A_358 = arith.addf %add3A_344, %get3A_357 : vector<16xf32>
        %add3A_359 = arith.constant 13 : i32
        %add3A_360 = arith.addi %mul3A_176, %add3A_359 : i32
        %get3A_361 = arith.index_cast %add3A_360 : i32 to index
        %get3A_362 = arith.constant 0 : index
        %get3A_363 = tpu.vector_load %arg20[%get3A_361, %get3A_362] {strides = array<i32>} : memref<640x16xf32, #tpu.memory_space<vmem>>, vector<1x16xf32>,
        %get3A_364 = vector.shape_cast %get3A_363 : vector<1x16xf32> to vector<16xf32>
        %add3A_365 = arith.addf %add3A_351, %get3A_364 : vector<16xf32>
        %add3A_366 = arith.constant 14 : i32
        %add3A_367 = arith.addi %mul3A_176, %add3A_366 : i32
        %get3A_368 = arith.index_cast %add3A_367 : i32 to index
        %get3A_369 = arith.constant 0 : index
        %get3A_370 = tpu.vector_load %arg18[%get3A_368, %get3A_369] {strides = array<i32>} : memref<640x16xf32, #tpu.memory_space<vmem>>, vector<1x16xf32>,
        %get3A_371 = vector.shape_cast %get3A_370 : vector<1x16xf32> to vector<16xf32>
        %add3A_372 = arith.addf %add3A_358, %get3A_371 : vector<16xf32>
        %add3A_373 = arith.constant 14 : i32
        %add3A_374 = arith.addi %mul3A_176, %add3A_373 : i32
        %get3A_375 = arith.index_cast %add3A_374 : i32 to index
        %get3A_376 = arith.constant 0 : index
        %get3A_377 = tpu.vector_load %arg20[%get3A_375, %get3A_376] {strides = array<i32>} : memref<640x16xf32, #tpu.memory_space<vmem>>, vector<1x16xf32>,
        %get3A_378 = vector.shape_cast %get3A_377 : vector<1x16xf32> to vector<16xf32>
        %add3A_379 = arith.addf %add3A_365, %get3A_378 : vector<16xf32>
        %add3A_380 = arith.constant 15 : i32
        %add3A_381 = arith.addi %mul3A_176, %add3A_380 : i32
        %get3A_382 = arith.index_cast %add3A_381 : i32 to index
        %get3A_383 = arith.constant 0 : index
        %get3A_384 = tpu.vector_load %arg18[%get3A_382, %get3A_383] {strides = array<i32>} : memref<640x16xf32, #tpu.memory_space<vmem>>, vector<1x16xf32>,
        %get3A_385 = vector.shape_cast %get3A_384 : vector<1x16xf32> to vector<16xf32>
        %add3A_386 = arith.addf %add3A_372, %get3A_385 : vector<16xf32>
        %add3A_387 = arith.constant 15 : i32
        %add3A_388 = arith.addi %mul3A_176, %add3A_387 : i32
        %get3A_389 = arith.index_cast %add3A_388 : i32 to index
        %get3A_390 = arith.constant 0 : index
        %get3A_391 = tpu.vector_load %arg20[%get3A_389, %get3A_390] {strides = array<i32>} : memref<640x16xf32, #tpu.memory_space<vmem>>, vector<1x16xf32>,
        %get3A_392 = vector.shape_cast %get3A_391 : vector<1x16xf32> to vector<16xf32>
        %add3A_393 = arith.addf %add3A_379, %get3A_392 : vector<16xf32>
        %add3A_394 = arith.constant 16 : i32
        %add3A_395 = arith.addi %mul3A_176, %add3A_394 : i32
        %get3A_396 = arith.index_cast %add3A_395 : i32 to index
        %get3A_397 = arith.constant 0 : index
        %get3A_398 = tpu.vector_load %arg18[%get3A_396, %get3A_397] {strides = array<i32>} : memref<640x16xf32, #tpu.memory_space<vmem>>, vector<1x16xf32>,
        %get3A_399 = vector.shape_cast %get3A_398 : vector<1x16xf32> to vector<16xf32>
        %add3A_400 = arith.addf %add3A_386, %get3A_399 : vector<16xf32>
        %add3A_401 = arith.constant 16 : i32
        %add3A_402 = arith.addi %mul3A_176, %add3A_401 : i32
        %get3A_403 = arith.index_cast %add3A_402 : i32 to index
        %get3A_404 = arith.constant 0 : index
        %get3A_405 = tpu.vector_load %arg20[%get3A_403, %get3A_404] {strides = array<i32>} : memref<640x16xf32, #tpu.memory_space<vmem>>, vector<1x16xf32>,
        %get3A_406 = vector.shape_cast %get3A_405 : vector<1x16xf32> to vector<16xf32>
        %add3A_407 = arith.addf %add3A_393, %get3A_406 : vector<16xf32>
        %add3A_408 = arith.constant 17 : i32
        %add3A_409 = arith.addi %mul3A_176, %add3A_408 : i32
        %get3A_410 = arith.index_cast %add3A_409 : i32 to index
        %get3A_411 = arith.constant 0 : index
        %get3A_412 = tpu.vector_load %arg18[%get3A_410, %get3A_411] {strides = array<i32>} : memref<640x16xf32, #tpu.memory_space<vmem>>, vector<1x16xf32>,
        %get3A_413 = vector.shape_cast %get3A_412 : vector<1x16xf32> to vector<16xf32>
        %add3A_414 = arith.addf %add3A_400, %get3A_413 : vector<16xf32>
        %add3A_415 = arith.constant 17 : i32
        %add3A_416 = arith.addi %mul3A_176, %add3A_415 : i32
        %get3A_417 = arith.index_cast %add3A_416 : i32 to index
        %get3A_418 = arith.constant 0 : index
        %get3A_419 = tpu.vector_load %arg20[%get3A_417, %get3A_418] {strides = array<i32>} : memref<640x16xf32, #tpu.memory_space<vmem>>, vector<1x16xf32>,
        %get3A_420 = vector.shape_cast %get3A_419 : vector<1x16xf32> to vector<16xf32>
        %add3A_421 = arith.addf %add3A_407, %get3A_420 : vector<16xf32>
        %add3A_422 = arith.constant 18 : i32
        %add3A_423 = arith.addi %mul3A_176, %add3A_422 : i32
        %get3A_424 = arith.index_cast %add3A_423 : i32 to index
        %get3A_425 = arith.constant 0 : index
        %get3A_426 = tpu.vector_load %arg18[%get3A_424, %get3A_425] {strides = array<i32>} : memref<640x16xf32, #tpu.memory_space<vmem>>, vector<1x16xf32>,
        %get3A_427 = vector.shape_cast %get3A_426 : vector<1x16xf32> to vector<16xf32>
        %add3A_428 = arith.addf %add3A_414, %get3A_427 : vector<16xf32>
        %add3A_429 = arith.constant 18 : i32
        %add3A_430 = arith.addi %mul3A_176, %add3A_429 : i32
        %get3A_431 = arith.index_cast %add3A_430 : i32 to index
        %get3A_432 = arith.constant 0 : index
        %get3A_433 = tpu.vector_load %arg20[%get3A_431, %get3A_432] {strides = array<i32>} : memref<640x16xf32, #tpu.memory_space<vmem>>, vector<1x16xf32>,
        %get3A_434 = vector.shape_cast %get3A_433 : vector<1x16xf32> to vector<16xf32>
        %add3A_435 = arith.addf %add3A_421, %get3A_434 : vector<16xf32>
        %add3A_436 = arith.constant 19 : i32
        %add3A_437 = arith.addi %mul3A_176, %add3A_436 : i32
        %get3A_438 = arith.index_cast %add3A_437 : i32 to index
        %get3A_439 = arith.constant 0 : index
        %get3A_440 = tpu.vector_load %arg18[%get3A_438, %get3A_439] {strides = array<i32>} : memref<640x16xf32, #tpu.memory_space<vmem>>, vector<1x16xf32>,
        %get3A_441 = vector.shape_cast %get3A_440 : vector<1x16xf32> to vector<16xf32>
        %add3A_442 = arith.addf %add3A_428, %get3A_441 : vector<16xf32>
        %add3A_443 = arith.constant 19 : i32
        %add3A_444 = arith.addi %mul3A_176, %add3A_443 : i32
        %get3A_445 = arith.index_cast %add3A_444 : i32 to index
        %get3A_446 = arith.constant 0 : index
        %get3A_447 = tpu.vector_load %arg20[%get3A_445, %get3A_446] {strides = array<i32>} : memref<640x16xf32, #tpu.memory_space<vmem>>, vector<1x16xf32>,
        %get3A_448 = vector.shape_cast %get3A_447 : vector<1x16xf32> to vector<16xf32>
        %add3A_449 = arith.addf %add3A_435, %get3A_448 : vector<16xf32>
        %mul3A_450 = arith.constant 5.000000e-02 : f32
        %mul3A_451 = vector.broadcast %mul3A_450 : f32 to vector<16xf32>
        %mul3A_452 = arith.mulf %add3A_442, %mul3A_451 : vector<16xf32>
        %mul3A_453 = arith.constant 2 : i32
        %mul3A_454 = arith.muli %scan3A_174, %mul3A_453 : i32
        %mul3A_455 = arith.constant 16 : i32
        %mul3A_456 = arith.muli %mul3A_454, %mul3A_455 : i32
        %swap3A = arith.index_cast %mul3A_456 : i32 to index
        %swap3A_457 = tpu.vector_load %arg24[%swap3A] {strides = array<i32>} : memref<1024xf32, #tpu.memory_space<vmem>>, vector<16xf32>,
        %swap3A_458 = vector.shape_cast %swap3A_457 : vector<16xf32> to vector<16xf32>
        %swap3A_459 = vector.shape_cast %mul3A_452 : vector<16xf32> to vector<16xf32>
        tpu.vector_store %arg24[%swap3A], %swap3A_459 {strides = array<i32>} : memref<1024xf32, #tpu.memory_space<vmem>>, vector<16xf32>,
        %mul3A_460 = arith.constant 5.000000e-02 : f32
        %mul3A_461 = vector.broadcast %mul3A_460 : f32 to vector<16xf32>
        %mul3A_462 = arith.mulf %add3A_449, %mul3A_461 : vector<16xf32>
        %mul3A_463 = arith.constant 2 : i32
        %mul3A_464 = arith.muli %scan3A_174, %mul3A_463 : i32
        %mul3A_465 = arith.constant 16 : i32
        %mul3A_466 = arith.muli %mul3A_464, %mul3A_465 : i32
        %add3A_467 = arith.constant 16 : i32
        %add3A_468 = arith.addi %mul3A_466, %add3A_467 : i32
        %swap3A_469 = arith.index_cast %add3A_468 : i32 to index
        %swap3A_470 = tpu.vector_load %arg24[%swap3A_469] {strides = array<i32>} : memref<1024xf32, #tpu.memory_space<vmem>>, vector<16xf32>,
        %swap3A_471 = vector.shape_cast %swap3A_470 : vector<16xf32> to vector<16xf32>
        %swap3A_472 = vector.shape_cast %mul3A_462 : vector<16xf32> to vector<16xf32>
        tpu.vector_store %arg24[%swap3A_469], %swap3A_472 {strides = array<i32>} : memref<1024xf32, #tpu.memory_space<vmem>>, vector<16xf32>,
        %scan3A_473 = arith.constant 1 : i32
        %scan3A_474 = arith.addi %scan3A_174, %scan3A_473 : i32
        %mul3A_475 = arith.constant 20 : i32
        %mul3A_476 = arith.muli %scan3A_474, %mul3A_475 : i32
        %get3A_477 = arith.index_cast %mul3A_476 : i32 to index
        %get3A_478 = arith.constant 0 : index
        %get3A_479 = tpu.vector_load %arg18[%get3A_477, %get3A_478] {strides = array<i32>} : memref<640x16xf32, #tpu.memory_space<vmem>>, vector<1x16xf32>,
        %get3A_480 = vector.shape_cast %get3A_479 : vector<1x16xf32> to vector<16xf32>
        %get3A_481 = arith.index_cast %mul3A_476 : i32 to index
        %get3A_482 = arith.constant 0 : index
        %get3A_483 = tpu.vector_load %arg20[%get3A_481, %get3A_482] {strides = array<i32>} : memref<640x16xf32, #tpu.memory_space<vmem>>, vector<1x16xf32>,
        %get3A_484 = vector.shape_cast %get3A_483 : vector<1x16xf32> to vector<16xf32>
        %add3A_485 = arith.constant 1 : i32
        %add3A_486 = arith.addi %mul3A_476, %add3A_485 : i32
        %get3A_487 = arith.index_cast %add3A_486 : i32 to index
        %get3A_488 = arith.constant 0 : index
        %get3A_489 = tpu.vector_load %arg18[%get3A_487, %get3A_488] {strides = array<i32>} : memref<640x16xf32, #tpu.memory_space<vmem>>, vector<1x16xf32>,
        %get3A_490 = vector.shape_cast %get3A_489 : vector<1x16xf32> to vector<16xf32>
        %add3A_491 = arith.addf %get3A_480, %get3A_490 : vector<16xf32>
        %add3A_492 = arith.constant 1 : i32
        %add3A_493 = arith.addi %mul3A_476, %add3A_492 : i32
        %get3A_494 = arith.index_cast %add3A_493 : i32 to index
        %get3A_495 = arith.constant 0 : index
        %get3A_496 = tpu.vector_load %arg20[%get3A_494, %get3A_495] {strides = array<i32>} : memref<640x16xf32, #tpu.memory_space<vmem>>, vector<1x16xf32>,
        %get3A_497 = vector.shape_cast %get3A_496 : vector<1x16xf32> to vector<16xf32>
        %add3A_498 = arith.addf %get3A_484, %get3A_497 : vector<16xf32>
        %add3A_499 = arith.constant 2 : i32
        %add3A_500 = arith.addi %mul3A_476, %add3A_499 : i32
        %get3A_501 = arith.index_cast %add3A_500 : i32 to index
        %get3A_502 = arith.constant 0 : index
        %get3A_503 = tpu.vector_load %arg18[%get3A_501, %get3A_502] {strides = array<i32>} : memref<640x16xf32, #tpu.memory_space<vmem>>, vector<1x16xf32>,
        %get3A_504 = vector.shape_cast %get3A_503 : vector<1x16xf32> to vector<16xf32>
        %add3A_505 = arith.addf %add3A_491, %get3A_504 : vector<16xf32>
        %add3A_506 = arith.constant 2 : i32
        %add3A_507 = arith.addi %mul3A_476, %add3A_506 : i32
        %get3A_508 = arith.index_cast %add3A_507 : i32 to index
        %get3A_509 = arith.constant 0 : index
        %get3A_510 = tpu.vector_load %arg20[%get3A_508, %get3A_509] {strides = array<i32>} : memref<640x16xf32, #tpu.memory_space<vmem>>, vector<1x16xf32>,
        %get3A_511 = vector.shape_cast %get3A_510 : vector<1x16xf32> to vector<16xf32>
        %add3A_512 = arith.addf %add3A_498, %get3A_511 : vector<16xf32>
        %add3A_513 = arith.constant 3 : i32
        %add3A_514 = arith.addi %mul3A_476, %add3A_513 : i32
        %get3A_515 = arith.index_cast %add3A_514 : i32 to index
        %get3A_516 = arith.constant 0 : index
        %get3A_517 = tpu.vector_load %arg18[%get3A_515, %get3A_516] {strides = array<i32>} : memref<640x16xf32, #tpu.memory_space<vmem>>, vector<1x16xf32>,
        %get3A_518 = vector.shape_cast %get3A_517 : vector<1x16xf32> to vector<16xf32>
        %add3A_519 = arith.addf %add3A_505, %get3A_518 : vector<16xf32>
        %add3A_520 = arith.constant 3 : i32
        %add3A_521 = arith.addi %mul3A_476, %add3A_520 : i32
        %get3A_522 = arith.index_cast %add3A_521 : i32 to index
        %get3A_523 = arith.constant 0 : index
        %get3A_524 = tpu.vector_load %arg20[%get3A_522, %get3A_523] {strides = array<i32>} : memref<640x16xf32, #tpu.memory_space<vmem>>, vector<1x16xf32>,
        %get3A_525 = vector.shape_cast %get3A_524 : vector<1x16xf32> to vector<16xf32>
        %add3A_526 = arith.addf %add3A_512, %get3A_525 : vector<16xf32>
        %add3A_527 = arith.constant 4 : i32
        %add3A_528 = arith.addi %mul3A_476, %add3A_527 : i32
        %get3A_529 = arith.index_cast %add3A_528 : i32 to index
        %get3A_530 = arith.constant 0 : index
        %get3A_531 = tpu.vector_load %arg18[%get3A_529, %get3A_530] {strides = array<i32>} : memref<640x16xf32, #tpu.memory_space<vmem>>, vector<1x16xf32>,
        %get3A_532 = vector.shape_cast %get3A_531 : vector<1x16xf32> to vector<16xf32>
        %add3A_533 = arith.addf %add3A_519, %get3A_532 : vector<16xf32>
        %add3A_534 = arith.constant 4 : i32
        %add3A_535 = arith.addi %mul3A_476, %add3A_534 : i32
        %get3A_536 = arith.index_cast %add3A_535 : i32 to index
        %get3A_537 = arith.constant 0 : index
        %get3A_538 = tpu.vector_load %arg20[%get3A_536, %get3A_537] {strides = array<i32>} : memref<640x16xf32, #tpu.memory_space<vmem>>, vector<1x16xf32>,
        %get3A_539 = vector.shape_cast %get3A_538 : vector<1x16xf32> to vector<16xf32>
        %add3A_540 = arith.addf %add3A_526, %get3A_539 : vector<16xf32>
        %add3A_541 = arith.constant 5 : i32
        %add3A_542 = arith.addi %mul3A_476, %add3A_541 : i32
        %get3A_543 = arith.index_cast %add3A_542 : i32 to index
        %get3A_544 = arith.constant 0 : index
        %get3A_545 = tpu.vector_load %arg18[%get3A_543, %get3A_544] {strides = array<i32>} : memref<640x16xf32, #tpu.memory_space<vmem>>, vector<1x16xf32>,
        %get3A_546 = vector.shape_cast %get3A_545 : vector<1x16xf32> to vector<16xf32>
        %add3A_547 = arith.addf %add3A_533, %get3A_546 : vector<16xf32>
        %add3A_548 = arith.constant 5 : i32
        %add3A_549 = arith.addi %mul3A_476, %add3A_548 : i32
        %get3A_550 = arith.index_cast %add3A_549 : i32 to index
        %get3A_551 = arith.constant 0 : index
        %get3A_552 = tpu.vector_load %arg20[%get3A_550, %get3A_551] {strides = array<i32>} : memref<640x16xf32, #tpu.memory_space<vmem>>, vector<1x16xf32>,
        %get3A_553 = vector.shape_cast %get3A_552 : vector<1x16xf32> to vector<16xf32>
        %add3A_554 = arith.addf %add3A_540, %get3A_553 : vector<16xf32>
        %add3A_555 = arith.constant 6 : i32
        %add3A_556 = arith.addi %mul3A_476, %add3A_555 : i32
        %get3A_557 = arith.index_cast %add3A_556 : i32 to index
        %get3A_558 = arith.constant 0 : index
        %get3A_559 = tpu.vector_load %arg18[%get3A_557, %get3A_558] {strides = array<i32>} : memref<640x16xf32, #tpu.memory_space<vmem>>, vector<1x16xf32>,
        %get3A_560 = vector.shape_cast %get3A_559 : vector<1x16xf32> to vector<16xf32>
        %add3A_561 = arith.addf %add3A_547, %get3A_560 : vector<16xf32>
        %add3A_562 = arith.constant 6 : i32
        %add3A_563 = arith.addi %mul3A_476, %add3A_562 : i32
        %get3A_564 = arith.index_cast %add3A_563 : i32 to index
        %get3A_565 = arith.constant 0 : index
        %get3A_566 = tpu.vector_load %arg20[%get3A_564, %get3A_565] {strides = array<i32>} : memref<640x16xf32, #tpu.memory_space<vmem>>, vector<1x16xf32>,
        %get3A_567 = vector.shape_cast %get3A_566 : vector<1x16xf32> to vector<16xf32>
        %add3A_568 = arith.addf %add3A_554, %get3A_567 : vector<16xf32>
        %add3A_569 = arith.constant 7 : i32
        %add3A_570 = arith.addi %mul3A_476, %add3A_569 : i32
        %get3A_571 = arith.index_cast %add3A_570 : i32 to index
        %get3A_572 = arith.constant 0 : index
        %get3A_573 = tpu.vector_load %arg18[%get3A_571, %get3A_572] {strides = array<i32>} : memref<640x16xf32, #tpu.memory_space<vmem>>, vector<1x16xf32>,
        %get3A_574 = vector.shape_cast %get3A_573 : vector<1x16xf32> to vector<16xf32>
        %add3A_575 = arith.addf %add3A_561, %get3A_574 : vector<16xf32>
        %add3A_576 = arith.constant 7 : i32
        %add3A_577 = arith.addi %mul3A_476, %add3A_576 : i32
        %get3A_578 = arith.index_cast %add3A_577 : i32 to index
        %get3A_579 = arith.constant 0 : index
        %get3A_580 = tpu.vector_load %arg20[%get3A_578, %get3A_579] {strides = array<i32>} : memref<640x16xf32, #tpu.memory_space<vmem>>, vector<1x16xf32>,
        %get3A_581 = vector.shape_cast %get3A_580 : vector<1x16xf32> to vector<16xf32>
        %add3A_582 = arith.addf %add3A_568, %get3A_581 : vector<16xf32>
        %add3A_583 = arith.constant 8 : i32
        %add3A_584 = arith.addi %mul3A_476, %add3A_583 : i32
        %get3A_585 = arith.index_cast %add3A_584 : i32 to index
        %get3A_586 = arith.constant 0 : index
        %get3A_587 = tpu.vector_load %arg18[%get3A_585, %get3A_586] {strides = array<i32>} : memref<640x16xf32, #tpu.memory_space<vmem>>, vector<1x16xf32>,
        %get3A_588 = vector.shape_cast %get3A_587 : vector<1x16xf32> to vector<16xf32>
        %add3A_589 = arith.addf %add3A_575, %get3A_588 : vector<16xf32>
        %add3A_590 = arith.constant 8 : i32
        %add3A_591 = arith.addi %mul3A_476, %add3A_590 : i32
        %get3A_592 = arith.index_cast %add3A_591 : i32 to index
        %get3A_593 = arith.constant 0 : index
        %get3A_594 = tpu.vector_load %arg20[%get3A_592, %get3A_593] {strides = array<i32>} : memref<640x16xf32, #tpu.memory_space<vmem>>, vector<1x16xf32>,
        %get3A_595 = vector.shape_cast %get3A_594 : vector<1x16xf32> to vector<16xf32>
        %add3A_596 = arith.addf %add3A_582, %get3A_595 : vector<16xf32>
        %add3A_597 = arith.constant 9 : i32
        %add3A_598 = arith.addi %mul3A_476, %add3A_597 : i32
        %get3A_599 = arith.index_cast %add3A_598 : i32 to index
        %get3A_600 = arith.constant 0 : index
        %get3A_601 = tpu.vector_load %arg18[%get3A_599, %get3A_600] {strides = array<i32>} : memref<640x16xf32, #tpu.memory_space<vmem>>, vector<1x16xf32>,
        %get3A_602 = vector.shape_cast %get3A_601 : vector<1x16xf32> to vector<16xf32>
        %add3A_603 = arith.addf %add3A_589, %get3A_602 : vector<16xf32>
        %add3A_604 = arith.constant 9 : i32
        %add3A_605 = arith.addi %mul3A_476, %add3A_604 : i32
        %get3A_606 = arith.index_cast %add3A_605 : i32 to index
        %get3A_607 = arith.constant 0 : index
        %get3A_608 = tpu.vector_load %arg20[%get3A_606, %get3A_607] {strides = array<i32>} : memref<640x16xf32, #tpu.memory_space<vmem>>, vector<1x16xf32>,
        %get3A_609 = vector.shape_cast %get3A_608 : vector<1x16xf32> to vector<16xf32>
        %add3A_610 = arith.addf %add3A_596, %get3A_609 : vector<16xf32>
        %add3A_611 = arith.constant 10 : i32
        %add3A_612 = arith.addi %mul3A_476, %add3A_611 : i32
        %get3A_613 = arith.index_cast %add3A_612 : i32 to index
        %get3A_614 = arith.constant 0 : index
        %get3A_615 = tpu.vector_load %arg18[%get3A_613, %get3A_614] {strides = array<i32>} : memref<640x16xf32, #tpu.memory_space<vmem>>, vector<1x16xf32>,
        %get3A_616 = vector.shape_cast %get3A_615 : vector<1x16xf32> to vector<16xf32>
        %add3A_617 = arith.addf %add3A_603, %get3A_616 : vector<16xf32>
        %add3A_618 = arith.constant 10 : i32
        %add3A_619 = arith.addi %mul3A_476, %add3A_618 : i32
        %get3A_620 = arith.index_cast %add3A_619 : i32 to index
        %get3A_621 = arith.constant 0 : index
        %get3A_622 = tpu.vector_load %arg20[%get3A_620, %get3A_621] {strides = array<i32>} : memref<640x16xf32, #tpu.memory_space<vmem>>, vector<1x16xf32>,
        %get3A_623 = vector.shape_cast %get3A_622 : vector<1x16xf32> to vector<16xf32>
        %add3A_624 = arith.addf %add3A_610, %get3A_623 : vector<16xf32>
        %add3A_625 = arith.constant 11 : i32
        %add3A_626 = arith.addi %mul3A_476, %add3A_625 : i32
        %get3A_627 = arith.index_cast %add3A_626 : i32 to index
        %get3A_628 = arith.constant 0 : index
        %get3A_629 = tpu.vector_load %arg18[%get3A_627, %get3A_628] {strides = array<i32>} : memref<640x16xf32, #tpu.memory_space<vmem>>, vector<1x16xf32>,
        %get3A_630 = vector.shape_cast %get3A_629 : vector<1x16xf32> to vector<16xf32>
        %add3A_631 = arith.addf %add3A_617, %get3A_630 : vector<16xf32>
        %add3A_632 = arith.constant 11 : i32
        %add3A_633 = arith.addi %mul3A_476, %add3A_632 : i32
        %get3A_634 = arith.index_cast %add3A_633 : i32 to index
        %get3A_635 = arith.constant 0 : index
        %get3A_636 = tpu.vector_load %arg20[%get3A_634, %get3A_635] {strides = array<i32>} : memref<640x16xf32, #tpu.memory_space<vmem>>, vector<1x16xf32>,
        %get3A_637 = vector.shape_cast %get3A_636 : vector<1x16xf32> to vector<16xf32>
        %add3A_638 = arith.addf %add3A_624, %get3A_637 : vector<16xf32>
        %add3A_639 = arith.constant 12 : i32
        %add3A_640 = arith.addi %mul3A_476, %add3A_639 : i32
        %get3A_641 = arith.index_cast %add3A_640 : i32 to index
        %get3A_642 = arith.constant 0 : index
        %get3A_643 = tpu.vector_load %arg18[%get3A_641, %get3A_642] {strides = array<i32>} : memref<640x16xf32, #tpu.memory_space<vmem>>, vector<1x16xf32>,
        %get3A_644 = vector.shape_cast %get3A_643 : vector<1x16xf32> to vector<16xf32>
        %add3A_645 = arith.addf %add3A_631, %get3A_644 : vector<16xf32>
        %add3A_646 = arith.constant 12 : i32
        %add3A_647 = arith.addi %mul3A_476, %add3A_646 : i32
        %get3A_648 = arith.index_cast %add3A_647 : i32 to index
        %get3A_649 = arith.constant 0 : index
        %get3A_650 = tpu.vector_load %arg20[%get3A_648, %get3A_649] {strides = array<i32>} : memref<640x16xf32, #tpu.memory_space<vmem>>, vector<1x16xf32>,
        %get3A_651 = vector.shape_cast %get3A_650 : vector<1x16xf32> to vector<16xf32>
        %add3A_652 = arith.addf %add3A_638, %get3A_651 : vector<16xf32>
        %add3A_653 = arith.constant 13 : i32
        %add3A_654 = arith.addi %mul3A_476, %add3A_653 : i32
        %get3A_655 = arith.index_cast %add3A_654 : i32 to index
        %get3A_656 = arith.constant 0 : index
        %get3A_657 = tpu.vector_load %arg18[%get3A_655, %get3A_656] {strides = array<i32>} : memref<640x16xf32, #tpu.memory_space<vmem>>, vector<1x16xf32>,
        %get3A_658 = vector.shape_cast %get3A_657 : vector<1x16xf32> to vector<16xf32>
        %add3A_659 = arith.addf %add3A_645, %get3A_658 : vector<16xf32>
        %add3A_660 = arith.constant 13 : i32
        %add3A_661 = arith.addi %mul3A_476, %add3A_660 : i32
        %get3A_662 = arith.index_cast %add3A_661 : i32 to index
        %get3A_663 = arith.constant 0 : index
        %get3A_664 = tpu.vector_load %arg20[%get3A_662, %get3A_663] {strides = array<i32>} : memref<640x16xf32, #tpu.memory_space<vmem>>, vector<1x16xf32>,
        %get3A_665 = vector.shape_cast %get3A_664 : vector<1x16xf32> to vector<16xf32>
        %add3A_666 = arith.addf %add3A_652, %get3A_665 : vector<16xf32>
        %add3A_667 = arith.constant 14 : i32
        %add3A_668 = arith.addi %mul3A_476, %add3A_667 : i32
        %get3A_669 = arith.index_cast %add3A_668 : i32 to index
        %get3A_670 = arith.constant 0 : index
        %get3A_671 = tpu.vector_load %arg18[%get3A_669, %get3A_670] {strides = array<i32>} : memref<640x16xf32, #tpu.memory_space<vmem>>, vector<1x16xf32>,
        %get3A_672 = vector.shape_cast %get3A_671 : vector<1x16xf32> to vector<16xf32>
        %add3A_673 = arith.addf %add3A_659, %get3A_672 : vector<16xf32>
        %add3A_674 = arith.constant 14 : i32
        %add3A_675 = arith.addi %mul3A_476, %add3A_674 : i32
        %get3A_676 = arith.index_cast %add3A_675 : i32 to index
        %get3A_677 = arith.constant 0 : index
        %get3A_678 = tpu.vector_load %arg20[%get3A_676, %get3A_677] {strides = array<i32>} : memref<640x16xf32, #tpu.memory_space<vmem>>, vector<1x16xf32>,
        %get3A_679 = vector.shape_cast %get3A_678 : vector<1x16xf32> to vector<16xf32>
        %add3A_680 = arith.addf %add3A_666, %get3A_679 : vector<16xf32>
        %add3A_681 = arith.constant 15 : i32
        %add3A_682 = arith.addi %mul3A_476, %add3A_681 : i32
        %get3A_683 = arith.index_cast %add3A_682 : i32 to index
        %get3A_684 = arith.constant 0 : index
        %get3A_685 = tpu.vector_load %arg18[%get3A_683, %get3A_684] {strides = array<i32>} : memref<640x16xf32, #tpu.memory_space<vmem>>, vector<1x16xf32>,
        %get3A_686 = vector.shape_cast %get3A_685 : vector<1x16xf32> to vector<16xf32>
        %add3A_687 = arith.addf %add3A_673, %get3A_686 : vector<16xf32>
        %add3A_688 = arith.constant 15 : i32
        %add3A_689 = arith.addi %mul3A_476, %add3A_688 : i32
        %get3A_690 = arith.index_cast %add3A_689 : i32 to index
        %get3A_691 = arith.constant 0 : index
        %get3A_692 = tpu.vector_load %arg20[%get3A_690, %get3A_691] {strides = array<i32>} : memref<640x16xf32, #tpu.memory_space<vmem>>, vector<1x16xf32>,
        %get3A_693 = vector.shape_cast %get3A_692 : vector<1x16xf32> to vector<16xf32>
        %add3A_694 = arith.addf %add3A_680, %get3A_693 : vector<16xf32>
        %add3A_695 = arith.constant 16 : i32
        %add3A_696 = arith.addi %mul3A_476, %add3A_695 : i32
        %get3A_697 = arith.index_cast %add3A_696 : i32 to index
        %get3A_698 = arith.constant 0 : index
        %get3A_699 = tpu.vector_load %arg18[%get3A_697, %get3A_698] {strides = array<i32>} : memref<640x16xf32, #tpu.memory_space<vmem>>, vector<1x16xf32>,
        %get3A_700 = vector.shape_cast %get3A_699 : vector<1x16xf32> to vector<16xf32>
        %add3A_701 = arith.addf %add3A_687, %get3A_700 : vector<16xf32>
        %add3A_702 = arith.constant 16 : i32
        %add3A_703 = arith.addi %mul3A_476, %add3A_702 : i32
        %get3A_704 = arith.index_cast %add3A_703 : i32 to index
        %get3A_705 = arith.constant 0 : index
        %get3A_706 = tpu.vector_load %arg20[%get3A_704, %get3A_705] {strides = array<i32>} : memref<640x16xf32, #tpu.memory_space<vmem>>, vector<1x16xf32>,
        %get3A_707 = vector.shape_cast %get3A_706 : vector<1x16xf32> to vector<16xf32>
        %add3A_708 = arith.addf %add3A_694, %get3A_707 : vector<16xf32>
        %add3A_709 = arith.constant 17 : i32
        %add3A_710 = arith.addi %mul3A_476, %add3A_709 : i32
        %get3A_711 = arith.index_cast %add3A_710 : i32 to index
        %get3A_712 = arith.constant 0 : index
        %get3A_713 = tpu.vector_load %arg18[%get3A_711, %get3A_712] {strides = array<i32>} : memref<640x16xf32, #tpu.memory_space<vmem>>, vector<1x16xf32>,
        %get3A_714 = vector.shape_cast %get3A_713 : vector<1x16xf32> to vector<16xf32>
        %add3A_715 = arith.addf %add3A_701, %get3A_714 : vector<16xf32>
        %add3A_716 = arith.constant 17 : i32
        %add3A_717 = arith.addi %mul3A_476, %add3A_716 : i32
        %get3A_718 = arith.index_cast %add3A_717 : i32 to index
        %get3A_719 = arith.constant 0 : index
        %get3A_720 = tpu.vector_load %arg20[%get3A_718, %get3A_719] {strides = array<i32>} : memref<640x16xf32, #tpu.memory_space<vmem>>, vector<1x16xf32>,
        %get3A_721 = vector.shape_cast %get3A_720 : vector<1x16xf32> to vector<16xf32>
        %add3A_722 = arith.addf %add3A_708, %get3A_721 : vector<16xf32>
        %add3A_723 = arith.constant 18 : i32
        %add3A_724 = arith.addi %mul3A_476, %add3A_723 : i32
        %get3A_725 = arith.index_cast %add3A_724 : i32 to index
        %get3A_726 = arith.constant 0 : index
        %get3A_727 = tpu.vector_load %arg18[%get3A_725, %get3A_726] {strides = array<i32>} : memref<640x16xf32, #tpu.memory_space<vmem>>, vector<1x16xf32>,
        %get3A_728 = vector.shape_cast %get3A_727 : vector<1x16xf32> to vector<16xf32>
        %add3A_729 = arith.addf %add3A_715, %get3A_728 : vector<16xf32>
        %add3A_730 = arith.constant 18 : i32
        %add3A_731 = arith.addi %mul3A_476, %add3A_730 : i32
        %get3A_732 = arith.index_cast %add3A_731 : i32 to index
        %get3A_733 = arith.constant 0 : index
        %get3A_734 = tpu.vector_load %arg20[%get3A_732, %get3A_733] {strides = array<i32>} : memref<640x16xf32, #tpu.memory_space<vmem>>, vector<1x16xf32>,
        %get3A_735 = vector.shape_cast %get3A_734 : vector<1x16xf32> to vector<16xf32>
        %add3A_736 = arith.addf %add3A_722, %get3A_735 : vector<16xf32>
        %add3A_737 = arith.constant 19 : i32
        %add3A_738 = arith.addi %mul3A_476, %add3A_737 : i32
        %get3A_739 = arith.index_cast %add3A_738 : i32 to index
        %get3A_740 = arith.constant 0 : index
        %get3A_741 = tpu.vector_load %arg18[%get3A_739, %get3A_740] {strides = array<i32>} : memref<640x16xf32, #tpu.memory_space<vmem>>, vector<1x16xf32>,
        %get3A_742 = vector.shape_cast %get3A_741 : vector<1x16xf32> to vector<16xf32>
        %add3A_743 = arith.addf %add3A_729, %get3A_742 : vector<16xf32>
        %add3A_744 = arith.constant 19 : i32
        %add3A_745 = arith.addi %mul3A_476, %add3A_744 : i32
        %get3A_746 = arith.index_cast %add3A_745 : i32 to index
        %get3A_747 = arith.constant 0 : index
        %get3A_748 = tpu.vector_load %arg20[%get3A_746, %get3A_747] {strides = array<i32>} : memref<640x16xf32, #tpu.memory_space<vmem>>, vector<1x16xf32>,
        %get3A_749 = vector.shape_cast %get3A_748 : vector<1x16xf32> to vector<16xf32>
        %add3A_750 = arith.addf %add3A_736, %get3A_749 : vector<16xf32>
        %mul3A_751 = arith.constant 5.000000e-02 : f32
        %mul3A_752 = vector.broadcast %mul3A_751 : f32 to vector<16xf32>
        %mul3A_753 = arith.mulf %add3A_743, %mul3A_752 : vector<16xf32>
        %mul3A_754 = arith.constant 2 : i32
        %mul3A_755 = arith.muli %scan3A_474, %mul3A_754 : i32
        %mul3A_756 = arith.constant 16 : i32
        %mul3A_757 = arith.muli %mul3A_755, %mul3A_756 : i32
        %swap3A_758 = arith.index_cast %mul3A_757 : i32 to index
        %swap3A_759 = tpu.vector_load %arg24[%swap3A_758] {strides = array<i32>} : memref<1024xf32, #tpu.memory_space<vmem>>, vector<16xf32>,
        %swap3A_760 = vector.shape_cast %swap3A_759 : vector<16xf32> to vector<16xf32>
        %swap3A_761 = vector.shape_cast %mul3A_753 : vector<16xf32> to vector<16xf32>
        tpu.vector_store %arg24[%swap3A_758], %swap3A_761 {strides = array<i32>} : memref<1024xf32, #tpu.memory_space<vmem>>, vector<16xf32>,
        %mul3A_762 = arith.constant 5.000000e-02 : f32
        %mul3A_763 = vector.broadcast %mul3A_762 : f32 to vector<16xf32>
        %mul3A_764 = arith.mulf %add3A_750, %mul3A_763 : vector<16xf32>
        %mul3A_765 = arith.constant 2 : i32
        %mul3A_766 = arith.muli %scan3A_474, %mul3A_765 : i32
        %mul3A_767 = arith.constant 16 : i32
        %mul3A_768 = arith.muli %mul3A_766, %mul3A_767 : i32
        %add3A_769 = arith.constant 16 : i32
        %add3A_770 = arith.addi %mul3A_768, %add3A_769 : i32
        %swap3A_771 = arith.index_cast %add3A_770 : i32 to index
        %swap3A_772 = tpu.vector_load %arg24[%swap3A_771] {strides = array<i32>} : memref<1024xf32, #tpu.memory_space<vmem>>, vector<16xf32>,
        %swap3A_773 = vector.shape_cast %swap3A_772 : vector<16xf32> to vector<16xf32>
        %swap3A_774 = vector.shape_cast %mul3A_764 : vector<16xf32> to vector<16xf32>
        tpu.vector_store %arg24[%swap3A_771], %swap3A_774 {strides = array<i32>} : memref<1024xf32, #tpu.memory_space<vmem>>, vector<16xf32>,
      }
      %scan3A_76 = arith.constant 32 : i32
      %mul3A_77 = arith.constant 26 : i32
      %mul3A_78 = arith.muli %add3A_60, %mul3A_77 : i32
      %dma_start3A_79 = arith.constant 0 : i32
      %dma_start3A_80 = tpu.memref_slice %arg7[%mul3A_78, %dma_start3A_79] : memref<212992x16xf32, #tpu.memory_space<hbm>> -> memref<832x16xf32, #tpu.memory_space<hbm>>
      %dma_start3A_81 = arith.constant 0 : i32
      %dma_start3A_82 = tpu.memref_slice %arg7[%mul3A_78, %dma_start3A_81] : memref<212992x16xf32, #tpu.memory_space<hbm>> -> memref<832x16xf32, #tpu.memory_space<hbm>>
      tpu.enqueue_dma source(%arg16 : memref<832x16xf32, #tpu.memory_space<vmem>>) target(%dma_start3A_82 : memref<832x16xf32, #tpu.memory_space<hbm>>) target_semaphore(%arg28 : memref<!tpu.dma_semaphore, #tpu.memory_space<semaphore_mem>>)
      %mul3A_83 = arith.constant 2 : i32
      %mul3A_84 = arith.muli %add3A_60, %mul3A_83 : i32
      %mul3A_85 = arith.constant 16 : i32
      %mul3A_86 = arith.muli %mul3A_84, %mul3A_85 : i32
      %dma_start3A_87 = tpu.memref_slice %arg8[%mul3A_86] : memref<262144xf32, #tpu.memory_space<hbm>> -> memref<1024xf32, #tpu.memory_space<hbm>>
      %dma_start3A_88 = tpu.memref_slice %arg8[%mul3A_86] : memref<262144xf32, #tpu.memory_space<hbm>> -> memref<1024xf32, #tpu.memory_space<hbm>>
      tpu.enqueue_dma source(%arg24 : memref<1024xf32, #tpu.memory_space<vmem>>) target(%dma_start3A_88 : memref<1024xf32, #tpu.memory_space<hbm>>) target_semaphore(%arg28 : memref<!tpu.dma_semaphore, #tpu.memory_space<semaphore_mem>>)
      %mul3A_89 = arith.constant 26 : i32
      %mul3A_90 = arith.muli %add3A_60, %mul3A_89 : i32
      %dma_start3A_91 = tpu.memref_slice %arg9[%mul3A_90] : memref<212992xf32, #tpu.memory_space<hbm>> -> memref<832xf32, #tpu.memory_space<hbm>>
      %dma_start3A_92 = tpu.memref_slice %arg9[%mul3A_90] : memref<212992xf32, #tpu.memory_space<hbm>> -> memref<832xf32, #tpu.memory_space<hbm>>
      tpu.enqueue_dma source(%arg22 : memref<832xf32, #tpu.memory_space<vmem>>) target(%dma_start3A_92 : memref<832xf32, #tpu.memory_space<hbm>>) target_semaphore(%arg28 : memref<!tpu.dma_semaphore, #tpu.memory_space<semaphore_mem>>)
      %dma_wait3A_93 = arith.constant 0 : i32
      %dma_wait3A_94 = arith.constant 0 : i32
      %dma_wait3A_95 = tpu.memref_slice %arg7[%dma_wait3A_93, %dma_wait3A_94] : memref<212992x16xf32, #tpu.memory_space<hbm>> -> memref<832x16xf32, #tpu.memory_space<hbm>>
      %dma_wait3A_96 = arith.constant 0 : i32
      %dma_wait3A_97 = arith.constant 0 : i32
      %dma_wait3A_98 = tpu.memref_slice %arg7[%dma_wait3A_96, %dma_wait3A_97] : memref<212992x16xf32, #tpu.memory_space<hbm>> -> memref<832x16xf32, #tpu.memory_space<hbm>>
      tpu.wait_dma2 semaphore(%arg28 : memref<!tpu.dma_semaphore, #tpu.memory_space<semaphore_mem>>) src(%arg16 : memref<832x16xf32, #tpu.memory_space<vmem>>) dst(%dma_wait3A_98 : memref<832x16xf32, #tpu.memory_space<hbm>>)
      %dma_wait3A_99 = arith.constant 0 : i32
      %dma_wait3A_100 = tpu.memref_slice %arg8[%dma_wait3A_99] : memref<262144xf32, #tpu.memory_space<hbm>> -> memref<1024xf32, #tpu.memory_space<hbm>>
      %dma_wait3A_101 = arith.constant 0 : i32
      %dma_wait3A_102 = tpu.memref_slice %arg8[%dma_wait3A_101] : memref<262144xf32, #tpu.memory_space<hbm>> -> memref<1024xf32, #tpu.memory_space<hbm>>
      tpu.wait_dma2 semaphore(%arg28 : memref<!tpu.dma_semaphore, #tpu.memory_space<semaphore_mem>>) src(%arg24 : memref<1024xf32, #tpu.memory_space<vmem>>) dst(%dma_wait3A_102 : memref<1024xf32, #tpu.memory_space<hbm>>)
      %dma_wait3A_103 = arith.constant 0 : i32
      %dma_wait3A_104 = tpu.memref_slice %arg9[%dma_wait3A_103] : memref<212992xf32, #tpu.memory_space<hbm>> -> memref<832xf32, #tpu.memory_space<hbm>>
      %dma_wait3A_105 = arith.constant 0 : i32
      %dma_wait3A_106 = tpu.memref_slice %arg9[%dma_wait3A_105] : memref<212992xf32, #tpu.memory_space<hbm>> -> memref<832xf32, #tpu.memory_space<hbm>>
      tpu.wait_dma2 semaphore(%arg28 : memref<!tpu.dma_semaphore, #tpu.memory_space<semaphore_mem>>) src(%arg22 : memref<832xf32, #tpu.memory_space<vmem>>) dst(%dma_wait3A_106 : memref<832xf32, #tpu.memory_space<hbm>>)
      %add3A_107 = arith.constant 2 : i32
      %add3A_108 = arith.addi %add3A_55, %add3A_107 : i32
      %lt3A = arith.constant 8 : i32
      %lt3A_109 = arith.cmpi slt, %add3A_108, %lt3A : i32
      %convert_element_type3A = arith.extui %lt3A_109 : i1 to i32
      %cond3A = arith.constant 0 : i32
      %cond3A_110 = arith.cmpi ne, %convert_element_type3A, %cond3A : i32
      scf.if %cond3A_110 {
        %add3A_174 = arith.constant 2 : i32
        %add3A_175 = arith.addi %add3A_55, %add3A_174 : i32
        %mul3A_176 = arith.constant 256 : i32
        %mul3A_177 = arith.muli %add3A, %mul3A_176 : i32
        %add3A_178 = arith.constant 0 : i32
        %add3A_179 = arith.addi %add3A_178, %mul3A_177 : i32
        %mul3A_180 = arith.constant 32 : i32
        %mul3A_181 = arith.muli %add3A_175, %mul3A_180 : i32
        %add3A_182 = arith.addi %add3A_179, %mul3A_181 : i32
        %mul3A_183 = arith.constant 26 : i32
        %mul3A_184 = arith.muli %add3A_182, %mul3A_183 : i32
        "tpu.region"() ({
          %run_scoped3A = tpu.sem_alloc : memref<!tpu.dma_semaphore, #tpu.memory_space<semaphore_mem>>
          %dma_start3A_200 = tpu.memref_slice %arg2[%mul3A_184] : memref<425984xi32, #tpu.memory_space<hbm>> -> memref<832xi32, #tpu.memory_space<hbm>>
          %dma_start3A_201 = tpu.memref_slice %arg2[%mul3A_184] : memref<425984xi32, #tpu.memory_space<hbm>> -> memref<832xi32, #tpu.memory_space<hbm>>
          tpu.enqueue_dma source(%dma_start3A_201 : memref<832xi32, #tpu.memory_space<hbm>>) target(%arg10 : memref<832xi32, #tpu.memory_space<vmem>>) target_semaphore(%run_scoped3A : memref<!tpu.dma_semaphore, #tpu.memory_space<semaphore_mem>>)
          %dma_wait3A_202 = tpu.memref_slice %arg2[%mul3A_184] : memref<425984xi32, #tpu.memory_space<hbm>> -> memref<832xi32, #tpu.memory_space<hbm>>
          %dma_wait3A_203 = tpu.memref_slice %arg2[%mul3A_184] : memref<425984xi32, #tpu.memory_space<hbm>> -> memref<832xi32, #tpu.memory_space<hbm>>
          tpu.wait_dma2 semaphore(%run_scoped3A : memref<!tpu.dma_semaphore, #tpu.memory_space<semaphore_mem>>) src(%dma_wait3A_203 : memref<832xi32, #tpu.memory_space<hbm>>) dst(%arg10 : memref<832xi32, #tpu.memory_space<vmem>>)
          tpu.yield
        }) : () -> ()
        %mul3A_185 = arith.constant 20 : i32
        %mul3A_186 = arith.muli %add3A_182, %mul3A_185 : i32
        "tpu.region"() ({
          %run_scoped3A = tpu.sem_alloc : memref<!tpu.dma_semaphore, #tpu.memory_space<semaphore_mem>>
          %dma_start3A_200 = tpu.memref_slice %arg3[%mul3A_186] : memref<327680xi32, #tpu.memory_space<hbm>> -> memref<640xi32, #tpu.memory_space<hbm>>
          %dma_start3A_201 = tpu.memref_slice %arg3[%mul3A_186] : memref<327680xi32, #tpu.memory_space<hbm>> -> memref<640xi32, #tpu.memory_space<hbm>>
          tpu.enqueue_dma source(%dma_start3A_201 : memref<640xi32, #tpu.memory_space<hbm>>) target(%arg12 : memref<640xi32, #tpu.memory_space<vmem>>) target_semaphore(%run_scoped3A : memref<!tpu.dma_semaphore, #tpu.memory_space<semaphore_mem>>)
          %dma_wait3A_202 = tpu.memref_slice %arg3[%mul3A_186] : memref<327680xi32, #tpu.memory_space<hbm>> -> memref<640xi32, #tpu.memory_space<hbm>>
          %dma_wait3A_203 = tpu.memref_slice %arg3[%mul3A_186] : memref<327680xi32, #tpu.memory_space<hbm>> -> memref<640xi32, #tpu.memory_space<hbm>>
          tpu.wait_dma2 semaphore(%run_scoped3A : memref<!tpu.dma_semaphore, #tpu.memory_space<semaphore_mem>>) src(%dma_wait3A_203 : memref<640xi32, #tpu.memory_space<hbm>>) dst(%arg12 : memref<640xi32, #tpu.memory_space<vmem>>)
          tpu.yield
        }) : () -> ()
        %mul3A_187 = arith.constant 20 : i32
        %mul3A_188 = arith.muli %add3A_182, %mul3A_187 : i32
        "tpu.region"() ({
          %run_scoped3A = tpu.sem_alloc : memref<!tpu.dma_semaphore, #tpu.memory_space<semaphore_mem>>
          %dma_start3A_200 = tpu.memref_slice %arg4[%mul3A_188] : memref<327680xi32, #tpu.memory_space<hbm>> -> memref<640xi32, #tpu.memory_space<hbm>>
          %dma_start3A_201 = tpu.memref_slice %arg4[%mul3A_188] : memref<327680xi32, #tpu.memory_space<hbm>> -> memref<640xi32, #tpu.memory_space<hbm>>
          tpu.enqueue_dma source(%dma_start3A_201 : memref<640xi32, #tpu.memory_space<hbm>>) target(%arg14 : memref<640xi32, #tpu.memory_space<vmem>>) target_semaphore(%run_scoped3A : memref<!tpu.dma_semaphore, #tpu.memory_space<semaphore_mem>>)
          %dma_wait3A_202 = tpu.memref_slice %arg4[%mul3A_188] : memref<327680xi32, #tpu.memory_space<hbm>> -> memref<640xi32, #tpu.memory_space<hbm>>
          %dma_wait3A_203 = tpu.memref_slice %arg4[%mul3A_188] : memref<327680xi32, #tpu.memory_space<hbm>> -> memref<640xi32, #tpu.memory_space<hbm>>
          tpu.wait_dma2 semaphore(%run_scoped3A : memref<!tpu.dma_semaphore, #tpu.memory_space<semaphore_mem>>) src(%dma_wait3A_203 : memref<640xi32, #tpu.memory_space<hbm>>) dst(%arg14 : memref<640xi32, #tpu.memory_space<vmem>>)
          tpu.yield
        }) : () -> ()
        %dma_start3A_189 = arith.constant 0 : i32
        %dma_start3A_190 = arith.constant 0 : i32
        %dma_start3A_191 = tpu.memref_slice %arg5[%dma_start3A_189, %dma_start3A_190] : memref<1000000x16xf32, #tpu.memory_space<hbm>> -> memref<1000000x16xf32, #tpu.memory_space<hbm>>
        tpu.enqueue_indirect_dma source(%dma_start3A_191 : memref<1000000x16xf32, #tpu.memory_space<hbm>>) target(%arg16 : memref<832x16xf32, #tpu.memory_space<vmem>>) offsets(%arg10 : memref<832xi32, #tpu.memory_space<vmem>>) semaphore(%arg26 : memref<!tpu.dma_semaphore, #tpu.memory_space<semaphore_mem>>)
        %dma_start3A_192 = arith.constant 0 : i32
        %dma_start3A_193 = arith.constant 0 : i32
        %dma_start3A_194 = tpu.memref_slice %arg5[%dma_start3A_192, %dma_start3A_193] : memref<1000000x16xf32, #tpu.memory_space<hbm>> -> memref<1000000x16xf32, #tpu.memory_space<hbm>>
        tpu.enqueue_indirect_dma source(%dma_start3A_194 : memref<1000000x16xf32, #tpu.memory_space<hbm>>) target(%arg18 : memref<640x16xf32, #tpu.memory_space<vmem>>) offsets(%arg12 : memref<640xi32, #tpu.memory_space<vmem>>) semaphore(%arg26 : memref<!tpu.dma_semaphore, #tpu.memory_space<semaphore_mem>>)
        %dma_start3A_195 = arith.constant 0 : i32
        %dma_start3A_196 = arith.constant 0 : i32
        %dma_start3A_197 = tpu.memref_slice %arg5[%dma_start3A_195, %dma_start3A_196] : memref<1000000x16xf32, #tpu.memory_space<hbm>> -> memref<1000000x16xf32, #tpu.memory_space<hbm>>
        tpu.enqueue_indirect_dma source(%dma_start3A_197 : memref<1000000x16xf32, #tpu.memory_space<hbm>>) target(%arg20 : memref<640x16xf32, #tpu.memory_space<vmem>>) offsets(%arg14 : memref<640xi32, #tpu.memory_space<vmem>>) semaphore(%arg26 : memref<!tpu.dma_semaphore, #tpu.memory_space<semaphore_mem>>)
        %dma_start3A_198 = arith.constant 0 : i32
        %dma_start3A_199 = tpu.memref_slice %arg6[%dma_start3A_198] : memref<1000000xf32, #tpu.memory_space<hbm>> -> memref<1000000xf32, #tpu.memory_space<hbm>>
        tpu.enqueue_indirect_dma source(%dma_start3A_199 : memref<1000000xf32, #tpu.memory_space<hbm>>) target(%arg22 : memref<832xf32, #tpu.memory_space<vmem>>) offsets(%arg10 : memref<832xi32, #tpu.memory_space<vmem>>) semaphore(%arg26 : memref<!tpu.dma_semaphore, #tpu.memory_space<semaphore_mem>>)
      } else {
      }
      %mul3A_111 = arith.constant 2 : i32
      %mul3A_112 = arith.muli %mul3A_111, %scan3A_51 : i32
      %add3A_113 = arith.constant 1 : i32
      %add3A_114 = arith.addi %mul3A_112, %add3A_113 : i32
      %mul3A_115 = arith.constant 256 : i32
      %mul3A_116 = arith.muli %add3A, %mul3A_115 : i32
      %mul3A_117 = arith.constant 32 : i32
      %mul3A_118 = arith.muli %add3A_114, %mul3A_117 : i32
      %add3A_119 = arith.addi %mul3A_116, %mul3A_118 : i32
      %dma_wait3A_120 = arith.constant 0 : i32
      %dma_wait3A_121 = arith.constant 0 : i32
      %dma_wait3A_122 = tpu.memref_slice %arg5[%dma_wait3A_120, %dma_wait3A_121] : memref<1000000x16xf32, #tpu.memory_space<hbm>> -> memref<1000000x16xf32, #tpu.memory_space<hbm>>
      tpu.wait_indirect_dma semaphore(%arg27 : memref<!tpu.dma_semaphore, #tpu.memory_space<semaphore_mem>>) src(%dma_wait3A_122 : memref<1000000x16xf32, #tpu.memory_space<hbm>>) dst(%arg17 : memref<832x16xf32, #tpu.memory_space<vmem>>)
      %dma_wait3A_123 = arith.constant 0 : i32
      %dma_wait3A_124 = arith.constant 0 : i32
      %dma_wait3A_125 = tpu.memref_slice %arg5[%dma_wait3A_123, %dma_wait3A_124] : memref<1000000x16xf32, #tpu.memory_space<hbm>> -> memref<1000000x16xf32, #tpu.memory_space<hbm>>
      tpu.wait_indirect_dma semaphore(%arg27 : memref<!tpu.dma_semaphore, #tpu.memory_space<semaphore_mem>>) src(%dma_wait3A_125 : memref<1000000x16xf32, #tpu.memory_space<hbm>>) dst(%arg19 : memref<640x16xf32, #tpu.memory_space<vmem>>)
      %dma_wait3A_126 = arith.constant 0 : i32
      %dma_wait3A_127 = arith.constant 0 : i32
      %dma_wait3A_128 = tpu.memref_slice %arg5[%dma_wait3A_126, %dma_wait3A_127] : memref<1000000x16xf32, #tpu.memory_space<hbm>> -> memref<1000000x16xf32, #tpu.memory_space<hbm>>
      tpu.wait_indirect_dma semaphore(%arg27 : memref<!tpu.dma_semaphore, #tpu.memory_space<semaphore_mem>>) src(%dma_wait3A_128 : memref<1000000x16xf32, #tpu.memory_space<hbm>>) dst(%arg21 : memref<640x16xf32, #tpu.memory_space<vmem>>)
      %dma_wait3A_129 = arith.constant 0 : i32
      %dma_wait3A_130 = tpu.memref_slice %arg6[%dma_wait3A_129] : memref<1000000xf32, #tpu.memory_space<hbm>> -> memref<1000000xf32, #tpu.memory_space<hbm>>
      tpu.wait_indirect_dma semaphore(%arg27 : memref<!tpu.dma_semaphore, #tpu.memory_space<semaphore_mem>>) src(%dma_wait3A_130 : memref<1000000xf32, #tpu.memory_space<hbm>>) dst(%arg23 : memref<832xf32, #tpu.memory_space<vmem>>)
      %scan3A_131 = arith.constant 0 : i32
      %scan3A_132 = arith.constant 0 : i32
      %scan3A_133 = arith.constant 32 : i32
      %scan3A_134 = arith.addi %scan3A_132, %scan3A_133 : i32
      %scan3A_135 = arith.constant 2 : i32
      scf.for %scan3A_174 = %scan3A_132 to %scan3A_134 step %scan3A_135  : i32 {
        %mul3A_175 = arith.constant 20 : i32
        %mul3A_176 = arith.muli %scan3A_174, %mul3A_175 : i32
        %get3A = arith.index_cast %mul3A_176 : i32 to index
        %get3A_177 = arith.constant 0 : index
        %get3A_178 = tpu.vector_load %arg19[%get3A, %get3A_177] {strides = array<i32>} : memref<640x16xf32, #tpu.memory_space<vmem>>, vector<1x16xf32>,
        %get3A_179 = vector.shape_cast %get3A_178 : vector<1x16xf32> to vector<16xf32>
        %get3A_180 = arith.index_cast %mul3A_176 : i32 to index
        %get3A_181 = arith.constant 0 : index
        %get3A_182 = tpu.vector_load %arg21[%get3A_180, %get3A_181] {strides = array<i32>} : memref<640x16xf32, #tpu.memory_space<vmem>>, vector<1x16xf32>,
        %get3A_183 = vector.shape_cast %get3A_182 : vector<1x16xf32> to vector<16xf32>
        %add3A_184 = arith.constant 1 : i32
        %add3A_185 = arith.addi %mul3A_176, %add3A_184 : i32
        %get3A_186 = arith.index_cast %add3A_185 : i32 to index
        %get3A_187 = arith.constant 0 : index
        %get3A_188 = tpu.vector_load %arg19[%get3A_186, %get3A_187] {strides = array<i32>} : memref<640x16xf32, #tpu.memory_space<vmem>>, vector<1x16xf32>,
        %get3A_189 = vector.shape_cast %get3A_188 : vector<1x16xf32> to vector<16xf32>
        %add3A_190 = arith.addf %get3A_179, %get3A_189 : vector<16xf32>
        %add3A_191 = arith.constant 1 : i32
        %add3A_192 = arith.addi %mul3A_176, %add3A_191 : i32
        %get3A_193 = arith.index_cast %add3A_192 : i32 to index
        %get3A_194 = arith.constant 0 : index
        %get3A_195 = tpu.vector_load %arg21[%get3A_193, %get3A_194] {strides = array<i32>} : memref<640x16xf32, #tpu.memory_space<vmem>>, vector<1x16xf32>,
        %get3A_196 = vector.shape_cast %get3A_195 : vector<1x16xf32> to vector<16xf32>
        %add3A_197 = arith.addf %get3A_183, %get3A_196 : vector<16xf32>
        %add3A_198 = arith.constant 2 : i32
        %add3A_199 = arith.addi %mul3A_176, %add3A_198 : i32
        %get3A_200 = arith.index_cast %add3A_199 : i32 to index
        %get3A_201 = arith.constant 0 : index
        %get3A_202 = tpu.vector_load %arg19[%get3A_200, %get3A_201] {strides = array<i32>} : memref<640x16xf32, #tpu.memory_space<vmem>>, vector<1x16xf32>,
        %get3A_203 = vector.shape_cast %get3A_202 : vector<1x16xf32> to vector<16xf32>
        %add3A_204 = arith.addf %add3A_190, %get3A_203 : vector<16xf32>
        %add3A_205 = arith.constant 2 : i32
        %add3A_206 = arith.addi %mul3A_176, %add3A_205 : i32
        %get3A_207 = arith.index_cast %add3A_206 : i32 to index
        %get3A_208 = arith.constant 0 : index
        %get3A_209 = tpu.vector_load %arg21[%get3A_207, %get3A_208] {strides = array<i32>} : memref<640x16xf32, #tpu.memory_space<vmem>>, vector<1x16xf32>,
        %get3A_210 = vector.shape_cast %get3A_209 : vector<1x16xf32> to vector<16xf32>
        %add3A_211 = arith.addf %add3A_197, %get3A_210 : vector<16xf32>
        %add3A_212 = arith.constant 3 : i32
        %add3A_213 = arith.addi %mul3A_176, %add3A_212 : i32
        %get3A_214 = arith.index_cast %add3A_213 : i32 to index
        %get3A_215 = arith.constant 0 : index
        %get3A_216 = tpu.vector_load %arg19[%get3A_214, %get3A_215] {strides = array<i32>} : memref<640x16xf32, #tpu.memory_space<vmem>>, vector<1x16xf32>,
        %get3A_217 = vector.shape_cast %get3A_216 : vector<1x16xf32> to vector<16xf32>
        %add3A_218 = arith.addf %add3A_204, %get3A_217 : vector<16xf32>
        %add3A_219 = arith.constant 3 : i32
        %add3A_220 = arith.addi %mul3A_176, %add3A_219 : i32
        %get3A_221 = arith.index_cast %add3A_220 : i32 to index
        %get3A_222 = arith.constant 0 : index
        %get3A_223 = tpu.vector_load %arg21[%get3A_221, %get3A_222] {strides = array<i32>} : memref<640x16xf32, #tpu.memory_space<vmem>>, vector<1x16xf32>,
        %get3A_224 = vector.shape_cast %get3A_223 : vector<1x16xf32> to vector<16xf32>
        %add3A_225 = arith.addf %add3A_211, %get3A_224 : vector<16xf32>
        %add3A_226 = arith.constant 4 : i32
        %add3A_227 = arith.addi %mul3A_176, %add3A_226 : i32
        %get3A_228 = arith.index_cast %add3A_227 : i32 to index
        %get3A_229 = arith.constant 0 : index
        %get3A_230 = tpu.vector_load %arg19[%get3A_228, %get3A_229] {strides = array<i32>} : memref<640x16xf32, #tpu.memory_space<vmem>>, vector<1x16xf32>,
        %get3A_231 = vector.shape_cast %get3A_230 : vector<1x16xf32> to vector<16xf32>
        %add3A_232 = arith.addf %add3A_218, %get3A_231 : vector<16xf32>
        %add3A_233 = arith.constant 4 : i32
        %add3A_234 = arith.addi %mul3A_176, %add3A_233 : i32
        %get3A_235 = arith.index_cast %add3A_234 : i32 to index
        %get3A_236 = arith.constant 0 : index
        %get3A_237 = tpu.vector_load %arg21[%get3A_235, %get3A_236] {strides = array<i32>} : memref<640x16xf32, #tpu.memory_space<vmem>>, vector<1x16xf32>,
        %get3A_238 = vector.shape_cast %get3A_237 : vector<1x16xf32> to vector<16xf32>
        %add3A_239 = arith.addf %add3A_225, %get3A_238 : vector<16xf32>
        %add3A_240 = arith.constant 5 : i32
        %add3A_241 = arith.addi %mul3A_176, %add3A_240 : i32
        %get3A_242 = arith.index_cast %add3A_241 : i32 to index
        %get3A_243 = arith.constant 0 : index
        %get3A_244 = tpu.vector_load %arg19[%get3A_242, %get3A_243] {strides = array<i32>} : memref<640x16xf32, #tpu.memory_space<vmem>>, vector<1x16xf32>,
        %get3A_245 = vector.shape_cast %get3A_244 : vector<1x16xf32> to vector<16xf32>
        %add3A_246 = arith.addf %add3A_232, %get3A_245 : vector<16xf32>
        %add3A_247 = arith.constant 5 : i32
        %add3A_248 = arith.addi %mul3A_176, %add3A_247 : i32
        %get3A_249 = arith.index_cast %add3A_248 : i32 to index
        %get3A_250 = arith.constant 0 : index
        %get3A_251 = tpu.vector_load %arg21[%get3A_249, %get3A_250] {strides = array<i32>} : memref<640x16xf32, #tpu.memory_space<vmem>>, vector<1x16xf32>,
        %get3A_252 = vector.shape_cast %get3A_251 : vector<1x16xf32> to vector<16xf32>
        %add3A_253 = arith.addf %add3A_239, %get3A_252 : vector<16xf32>
        %add3A_254 = arith.constant 6 : i32
        %add3A_255 = arith.addi %mul3A_176, %add3A_254 : i32
        %get3A_256 = arith.index_cast %add3A_255 : i32 to index
        %get3A_257 = arith.constant 0 : index
        %get3A_258 = tpu.vector_load %arg19[%get3A_256, %get3A_257] {strides = array<i32>} : memref<640x16xf32, #tpu.memory_space<vmem>>, vector<1x16xf32>,
        %get3A_259 = vector.shape_cast %get3A_258 : vector<1x16xf32> to vector<16xf32>
        %add3A_260 = arith.addf %add3A_246, %get3A_259 : vector<16xf32>
        %add3A_261 = arith.constant 6 : i32
        %add3A_262 = arith.addi %mul3A_176, %add3A_261 : i32
        %get3A_263 = arith.index_cast %add3A_262 : i32 to index
        %get3A_264 = arith.constant 0 : index
        %get3A_265 = tpu.vector_load %arg21[%get3A_263, %get3A_264] {strides = array<i32>} : memref<640x16xf32, #tpu.memory_space<vmem>>, vector<1x16xf32>,
        %get3A_266 = vector.shape_cast %get3A_265 : vector<1x16xf32> to vector<16xf32>
        %add3A_267 = arith.addf %add3A_253, %get3A_266 : vector<16xf32>
        %add3A_268 = arith.constant 7 : i32
        %add3A_269 = arith.addi %mul3A_176, %add3A_268 : i32
        %get3A_270 = arith.index_cast %add3A_269 : i32 to index
        %get3A_271 = arith.constant 0 : index
        %get3A_272 = tpu.vector_load %arg19[%get3A_270, %get3A_271] {strides = array<i32>} : memref<640x16xf32, #tpu.memory_space<vmem>>, vector<1x16xf32>,
        %get3A_273 = vector.shape_cast %get3A_272 : vector<1x16xf32> to vector<16xf32>
        %add3A_274 = arith.addf %add3A_260, %get3A_273 : vector<16xf32>
        %add3A_275 = arith.constant 7 : i32
        %add3A_276 = arith.addi %mul3A_176, %add3A_275 : i32
        %get3A_277 = arith.index_cast %add3A_276 : i32 to index
        %get3A_278 = arith.constant 0 : index
        %get3A_279 = tpu.vector_load %arg21[%get3A_277, %get3A_278] {strides = array<i32>} : memref<640x16xf32, #tpu.memory_space<vmem>>, vector<1x16xf32>,
        %get3A_280 = vector.shape_cast %get3A_279 : vector<1x16xf32> to vector<16xf32>
        %add3A_281 = arith.addf %add3A_267, %get3A_280 : vector<16xf32>
        %add3A_282 = arith.constant 8 : i32
        %add3A_283 = arith.addi %mul3A_176, %add3A_282 : i32
        %get3A_284 = arith.index_cast %add3A_283 : i32 to index
        %get3A_285 = arith.constant 0 : index
        %get3A_286 = tpu.vector_load %arg19[%get3A_284, %get3A_285] {strides = array<i32>} : memref<640x16xf32, #tpu.memory_space<vmem>>, vector<1x16xf32>,
        %get3A_287 = vector.shape_cast %get3A_286 : vector<1x16xf32> to vector<16xf32>
        %add3A_288 = arith.addf %add3A_274, %get3A_287 : vector<16xf32>
        %add3A_289 = arith.constant 8 : i32
        %add3A_290 = arith.addi %mul3A_176, %add3A_289 : i32
        %get3A_291 = arith.index_cast %add3A_290 : i32 to index
        %get3A_292 = arith.constant 0 : index
        %get3A_293 = tpu.vector_load %arg21[%get3A_291, %get3A_292] {strides = array<i32>} : memref<640x16xf32, #tpu.memory_space<vmem>>, vector<1x16xf32>,
        %get3A_294 = vector.shape_cast %get3A_293 : vector<1x16xf32> to vector<16xf32>
        %add3A_295 = arith.addf %add3A_281, %get3A_294 : vector<16xf32>
        %add3A_296 = arith.constant 9 : i32
        %add3A_297 = arith.addi %mul3A_176, %add3A_296 : i32
        %get3A_298 = arith.index_cast %add3A_297 : i32 to index
        %get3A_299 = arith.constant 0 : index
        %get3A_300 = tpu.vector_load %arg19[%get3A_298, %get3A_299] {strides = array<i32>} : memref<640x16xf32, #tpu.memory_space<vmem>>, vector<1x16xf32>,
        %get3A_301 = vector.shape_cast %get3A_300 : vector<1x16xf32> to vector<16xf32>
        %add3A_302 = arith.addf %add3A_288, %get3A_301 : vector<16xf32>
        %add3A_303 = arith.constant 9 : i32
        %add3A_304 = arith.addi %mul3A_176, %add3A_303 : i32
        %get3A_305 = arith.index_cast %add3A_304 : i32 to index
        %get3A_306 = arith.constant 0 : index
        %get3A_307 = tpu.vector_load %arg21[%get3A_305, %get3A_306] {strides = array<i32>} : memref<640x16xf32, #tpu.memory_space<vmem>>, vector<1x16xf32>,
        %get3A_308 = vector.shape_cast %get3A_307 : vector<1x16xf32> to vector<16xf32>
        %add3A_309 = arith.addf %add3A_295, %get3A_308 : vector<16xf32>
        %add3A_310 = arith.constant 10 : i32
        %add3A_311 = arith.addi %mul3A_176, %add3A_310 : i32
        %get3A_312 = arith.index_cast %add3A_311 : i32 to index
        %get3A_313 = arith.constant 0 : index
        %get3A_314 = tpu.vector_load %arg19[%get3A_312, %get3A_313] {strides = array<i32>} : memref<640x16xf32, #tpu.memory_space<vmem>>, vector<1x16xf32>,
        %get3A_315 = vector.shape_cast %get3A_314 : vector<1x16xf32> to vector<16xf32>
        %add3A_316 = arith.addf %add3A_302, %get3A_315 : vector<16xf32>
        %add3A_317 = arith.constant 10 : i32
        %add3A_318 = arith.addi %mul3A_176, %add3A_317 : i32
        %get3A_319 = arith.index_cast %add3A_318 : i32 to index
        %get3A_320 = arith.constant 0 : index
        %get3A_321 = tpu.vector_load %arg21[%get3A_319, %get3A_320] {strides = array<i32>} : memref<640x16xf32, #tpu.memory_space<vmem>>, vector<1x16xf32>,
        %get3A_322 = vector.shape_cast %get3A_321 : vector<1x16xf32> to vector<16xf32>
        %add3A_323 = arith.addf %add3A_309, %get3A_322 : vector<16xf32>
        %add3A_324 = arith.constant 11 : i32
        %add3A_325 = arith.addi %mul3A_176, %add3A_324 : i32
        %get3A_326 = arith.index_cast %add3A_325 : i32 to index
        %get3A_327 = arith.constant 0 : index
        %get3A_328 = tpu.vector_load %arg19[%get3A_326, %get3A_327] {strides = array<i32>} : memref<640x16xf32, #tpu.memory_space<vmem>>, vector<1x16xf32>,
        %get3A_329 = vector.shape_cast %get3A_328 : vector<1x16xf32> to vector<16xf32>
        %add3A_330 = arith.addf %add3A_316, %get3A_329 : vector<16xf32>
        %add3A_331 = arith.constant 11 : i32
        %add3A_332 = arith.addi %mul3A_176, %add3A_331 : i32
        %get3A_333 = arith.index_cast %add3A_332 : i32 to index
        %get3A_334 = arith.constant 0 : index
        %get3A_335 = tpu.vector_load %arg21[%get3A_333, %get3A_334] {strides = array<i32>} : memref<640x16xf32, #tpu.memory_space<vmem>>, vector<1x16xf32>,
        %get3A_336 = vector.shape_cast %get3A_335 : vector<1x16xf32> to vector<16xf32>
        %add3A_337 = arith.addf %add3A_323, %get3A_336 : vector<16xf32>
        %add3A_338 = arith.constant 12 : i32
        %add3A_339 = arith.addi %mul3A_176, %add3A_338 : i32
        %get3A_340 = arith.index_cast %add3A_339 : i32 to index
        %get3A_341 = arith.constant 0 : index
        %get3A_342 = tpu.vector_load %arg19[%get3A_340, %get3A_341] {strides = array<i32>} : memref<640x16xf32, #tpu.memory_space<vmem>>, vector<1x16xf32>,
        %get3A_343 = vector.shape_cast %get3A_342 : vector<1x16xf32> to vector<16xf32>
        %add3A_344 = arith.addf %add3A_330, %get3A_343 : vector<16xf32>
        %add3A_345 = arith.constant 12 : i32
        %add3A_346 = arith.addi %mul3A_176, %add3A_345 : i32
        %get3A_347 = arith.index_cast %add3A_346 : i32 to index
        %get3A_348 = arith.constant 0 : index
        %get3A_349 = tpu.vector_load %arg21[%get3A_347, %get3A_348] {strides = array<i32>} : memref<640x16xf32, #tpu.memory_space<vmem>>, vector<1x16xf32>,
        %get3A_350 = vector.shape_cast %get3A_349 : vector<1x16xf32> to vector<16xf32>
        %add3A_351 = arith.addf %add3A_337, %get3A_350 : vector<16xf32>
        %add3A_352 = arith.constant 13 : i32
        %add3A_353 = arith.addi %mul3A_176, %add3A_352 : i32
        %get3A_354 = arith.index_cast %add3A_353 : i32 to index
        %get3A_355 = arith.constant 0 : index
        %get3A_356 = tpu.vector_load %arg19[%get3A_354, %get3A_355] {strides = array<i32>} : memref<640x16xf32, #tpu.memory_space<vmem>>, vector<1x16xf32>,
        %get3A_357 = vector.shape_cast %get3A_356 : vector<1x16xf32> to vector<16xf32>
        %add3A_358 = arith.addf %add3A_344, %get3A_357 : vector<16xf32>
        %add3A_359 = arith.constant 13 : i32
        %add3A_360 = arith.addi %mul3A_176, %add3A_359 : i32
        %get3A_361 = arith.index_cast %add3A_360 : i32 to index
        %get3A_362 = arith.constant 0 : index
        %get3A_363 = tpu.vector_load %arg21[%get3A_361, %get3A_362] {strides = array<i32>} : memref<640x16xf32, #tpu.memory_space<vmem>>, vector<1x16xf32>,
        %get3A_364 = vector.shape_cast %get3A_363 : vector<1x16xf32> to vector<16xf32>
        %add3A_365 = arith.addf %add3A_351, %get3A_364 : vector<16xf32>
        %add3A_366 = arith.constant 14 : i32
        %add3A_367 = arith.addi %mul3A_176, %add3A_366 : i32
        %get3A_368 = arith.index_cast %add3A_367 : i32 to index
        %get3A_369 = arith.constant 0 : index
        %get3A_370 = tpu.vector_load %arg19[%get3A_368, %get3A_369] {strides = array<i32>} : memref<640x16xf32, #tpu.memory_space<vmem>>, vector<1x16xf32>,
        %get3A_371 = vector.shape_cast %get3A_370 : vector<1x16xf32> to vector<16xf32>
        %add3A_372 = arith.addf %add3A_358, %get3A_371 : vector<16xf32>
        %add3A_373 = arith.constant 14 : i32
        %add3A_374 = arith.addi %mul3A_176, %add3A_373 : i32
        %get3A_375 = arith.index_cast %add3A_374 : i32 to index
        %get3A_376 = arith.constant 0 : index
        %get3A_377 = tpu.vector_load %arg21[%get3A_375, %get3A_376] {strides = array<i32>} : memref<640x16xf32, #tpu.memory_space<vmem>>, vector<1x16xf32>,
        %get3A_378 = vector.shape_cast %get3A_377 : vector<1x16xf32> to vector<16xf32>
        %add3A_379 = arith.addf %add3A_365, %get3A_378 : vector<16xf32>
        %add3A_380 = arith.constant 15 : i32
        %add3A_381 = arith.addi %mul3A_176, %add3A_380 : i32
        %get3A_382 = arith.index_cast %add3A_381 : i32 to index
        %get3A_383 = arith.constant 0 : index
        %get3A_384 = tpu.vector_load %arg19[%get3A_382, %get3A_383] {strides = array<i32>} : memref<640x16xf32, #tpu.memory_space<vmem>>, vector<1x16xf32>,
        %get3A_385 = vector.shape_cast %get3A_384 : vector<1x16xf32> to vector<16xf32>
        %add3A_386 = arith.addf %add3A_372, %get3A_385 : vector<16xf32>
        %add3A_387 = arith.constant 15 : i32
        %add3A_388 = arith.addi %mul3A_176, %add3A_387 : i32
        %get3A_389 = arith.index_cast %add3A_388 : i32 to index
        %get3A_390 = arith.constant 0 : index
        %get3A_391 = tpu.vector_load %arg21[%get3A_389, %get3A_390] {strides = array<i32>} : memref<640x16xf32, #tpu.memory_space<vmem>>, vector<1x16xf32>,
        %get3A_392 = vector.shape_cast %get3A_391 : vector<1x16xf32> to vector<16xf32>
        %add3A_393 = arith.addf %add3A_379, %get3A_392 : vector<16xf32>
        %add3A_394 = arith.constant 16 : i32
        %add3A_395 = arith.addi %mul3A_176, %add3A_394 : i32
        %get3A_396 = arith.index_cast %add3A_395 : i32 to index
        %get3A_397 = arith.constant 0 : index
        %get3A_398 = tpu.vector_load %arg19[%get3A_396, %get3A_397] {strides = array<i32>} : memref<640x16xf32, #tpu.memory_space<vmem>>, vector<1x16xf32>,
        %get3A_399 = vector.shape_cast %get3A_398 : vector<1x16xf32> to vector<16xf32>
        %add3A_400 = arith.addf %add3A_386, %get3A_399 : vector<16xf32>
        %add3A_401 = arith.constant 16 : i32
        %add3A_402 = arith.addi %mul3A_176, %add3A_401 : i32
        %get3A_403 = arith.index_cast %add3A_402 : i32 to index
        %get3A_404 = arith.constant 0 : index
        %get3A_405 = tpu.vector_load %arg21[%get3A_403, %get3A_404] {strides = array<i32>} : memref<640x16xf32, #tpu.memory_space<vmem>>, vector<1x16xf32>,
        %get3A_406 = vector.shape_cast %get3A_405 : vector<1x16xf32> to vector<16xf32>
        %add3A_407 = arith.addf %add3A_393, %get3A_406 : vector<16xf32>
        %add3A_408 = arith.constant 17 : i32
        %add3A_409 = arith.addi %mul3A_176, %add3A_408 : i32
        %get3A_410 = arith.index_cast %add3A_409 : i32 to index
        %get3A_411 = arith.constant 0 : index
        %get3A_412 = tpu.vector_load %arg19[%get3A_410, %get3A_411] {strides = array<i32>} : memref<640x16xf32, #tpu.memory_space<vmem>>, vector<1x16xf32>,
        %get3A_413 = vector.shape_cast %get3A_412 : vector<1x16xf32> to vector<16xf32>
        %add3A_414 = arith.addf %add3A_400, %get3A_413 : vector<16xf32>
        %add3A_415 = arith.constant 17 : i32
        %add3A_416 = arith.addi %mul3A_176, %add3A_415 : i32
        %get3A_417 = arith.index_cast %add3A_416 : i32 to index
        %get3A_418 = arith.constant 0 : index
        %get3A_419 = tpu.vector_load %arg21[%get3A_417, %get3A_418] {strides = array<i32>} : memref<640x16xf32, #tpu.memory_space<vmem>>, vector<1x16xf32>,
        %get3A_420 = vector.shape_cast %get3A_419 : vector<1x16xf32> to vector<16xf32>
        %add3A_421 = arith.addf %add3A_407, %get3A_420 : vector<16xf32>
        %add3A_422 = arith.constant 18 : i32
        %add3A_423 = arith.addi %mul3A_176, %add3A_422 : i32
        %get3A_424 = arith.index_cast %add3A_423 : i32 to index
        %get3A_425 = arith.constant 0 : index
        %get3A_426 = tpu.vector_load %arg19[%get3A_424, %get3A_425] {strides = array<i32>} : memref<640x16xf32, #tpu.memory_space<vmem>>, vector<1x16xf32>,
        %get3A_427 = vector.shape_cast %get3A_426 : vector<1x16xf32> to vector<16xf32>
        %add3A_428 = arith.addf %add3A_414, %get3A_427 : vector<16xf32>
        %add3A_429 = arith.constant 18 : i32
        %add3A_430 = arith.addi %mul3A_176, %add3A_429 : i32
        %get3A_431 = arith.index_cast %add3A_430 : i32 to index
        %get3A_432 = arith.constant 0 : index
        %get3A_433 = tpu.vector_load %arg21[%get3A_431, %get3A_432] {strides = array<i32>} : memref<640x16xf32, #tpu.memory_space<vmem>>, vector<1x16xf32>,
        %get3A_434 = vector.shape_cast %get3A_433 : vector<1x16xf32> to vector<16xf32>
        %add3A_435 = arith.addf %add3A_421, %get3A_434 : vector<16xf32>
        %add3A_436 = arith.constant 19 : i32
        %add3A_437 = arith.addi %mul3A_176, %add3A_436 : i32
        %get3A_438 = arith.index_cast %add3A_437 : i32 to index
        %get3A_439 = arith.constant 0 : index
        %get3A_440 = tpu.vector_load %arg19[%get3A_438, %get3A_439] {strides = array<i32>} : memref<640x16xf32, #tpu.memory_space<vmem>>, vector<1x16xf32>,
        %get3A_441 = vector.shape_cast %get3A_440 : vector<1x16xf32> to vector<16xf32>
        %add3A_442 = arith.addf %add3A_428, %get3A_441 : vector<16xf32>
        %add3A_443 = arith.constant 19 : i32
        %add3A_444 = arith.addi %mul3A_176, %add3A_443 : i32
        %get3A_445 = arith.index_cast %add3A_444 : i32 to index
        %get3A_446 = arith.constant 0 : index
        %get3A_447 = tpu.vector_load %arg21[%get3A_445, %get3A_446] {strides = array<i32>} : memref<640x16xf32, #tpu.memory_space<vmem>>, vector<1x16xf32>,
        %get3A_448 = vector.shape_cast %get3A_447 : vector<1x16xf32> to vector<16xf32>
        %add3A_449 = arith.addf %add3A_435, %get3A_448 : vector<16xf32>
        %mul3A_450 = arith.constant 5.000000e-02 : f32
        %mul3A_451 = vector.broadcast %mul3A_450 : f32 to vector<16xf32>
        %mul3A_452 = arith.mulf %add3A_442, %mul3A_451 : vector<16xf32>
        %mul3A_453 = arith.constant 2 : i32
        %mul3A_454 = arith.muli %scan3A_174, %mul3A_453 : i32
        %mul3A_455 = arith.constant 16 : i32
        %mul3A_456 = arith.muli %mul3A_454, %mul3A_455 : i32
        %swap3A = arith.index_cast %mul3A_456 : i32 to index
        %swap3A_457 = tpu.vector_load %arg25[%swap3A] {strides = array<i32>} : memref<1024xf32, #tpu.memory_space<vmem>>, vector<16xf32>,
        %swap3A_458 = vector.shape_cast %swap3A_457 : vector<16xf32> to vector<16xf32>
        %swap3A_459 = vector.shape_cast %mul3A_452 : vector<16xf32> to vector<16xf32>
        tpu.vector_store %arg25[%swap3A], %swap3A_459 {strides = array<i32>} : memref<1024xf32, #tpu.memory_space<vmem>>, vector<16xf32>,
        %mul3A_460 = arith.constant 5.000000e-02 : f32
        %mul3A_461 = vector.broadcast %mul3A_460 : f32 to vector<16xf32>
        %mul3A_462 = arith.mulf %add3A_449, %mul3A_461 : vector<16xf32>
        %mul3A_463 = arith.constant 2 : i32
        %mul3A_464 = arith.muli %scan3A_174, %mul3A_463 : i32
        %mul3A_465 = arith.constant 16 : i32
        %mul3A_466 = arith.muli %mul3A_464, %mul3A_465 : i32
        %add3A_467 = arith.constant 16 : i32
        %add3A_468 = arith.addi %mul3A_466, %add3A_467 : i32
        %swap3A_469 = arith.index_cast %add3A_468 : i32 to index
        %swap3A_470 = tpu.vector_load %arg25[%swap3A_469] {strides = array<i32>} : memref<1024xf32, #tpu.memory_space<vmem>>, vector<16xf32>,
        %swap3A_471 = vector.shape_cast %swap3A_470 : vector<16xf32> to vector<16xf32>
        %swap3A_472 = vector.shape_cast %mul3A_462 : vector<16xf32> to vector<16xf32>
        tpu.vector_store %arg25[%swap3A_469], %swap3A_472 {strides = array<i32>} : memref<1024xf32, #tpu.memory_space<vmem>>, vector<16xf32>,
        %scan3A_473 = arith.constant 1 : i32
        %scan3A_474 = arith.addi %scan3A_174, %scan3A_473 : i32
        %mul3A_475 = arith.constant 20 : i32
        %mul3A_476 = arith.muli %scan3A_474, %mul3A_475 : i32
        %get3A_477 = arith.index_cast %mul3A_476 : i32 to index
        %get3A_478 = arith.constant 0 : index
        %get3A_479 = tpu.vector_load %arg19[%get3A_477, %get3A_478] {strides = array<i32>} : memref<640x16xf32, #tpu.memory_space<vmem>>, vector<1x16xf32>,
        %get3A_480 = vector.shape_cast %get3A_479 : vector<1x16xf32> to vector<16xf32>
        %get3A_481 = arith.index_cast %mul3A_476 : i32 to index
        %get3A_482 = arith.constant 0 : index
        %get3A_483 = tpu.vector_load %arg21[%get3A_481, %get3A_482] {strides = array<i32>} : memref<640x16xf32, #tpu.memory_space<vmem>>, vector<1x16xf32>,
        %get3A_484 = vector.shape_cast %get3A_483 : vector<1x16xf32> to vector<16xf32>
        %add3A_485 = arith.constant 1 : i32
        %add3A_486 = arith.addi %mul3A_476, %add3A_485 : i32
        %get3A_487 = arith.index_cast %add3A_486 : i32 to index
        %get3A_488 = arith.constant 0 : index
        %get3A_489 = tpu.vector_load %arg19[%get3A_487, %get3A_488] {strides = array<i32>} : memref<640x16xf32, #tpu.memory_space<vmem>>, vector<1x16xf32>,
        %get3A_490 = vector.shape_cast %get3A_489 : vector<1x16xf32> to vector<16xf32>
        %add3A_491 = arith.addf %get3A_480, %get3A_490 : vector<16xf32>
        %add3A_492 = arith.constant 1 : i32
        %add3A_493 = arith.addi %mul3A_476, %add3A_492 : i32
        %get3A_494 = arith.index_cast %add3A_493 : i32 to index
        %get3A_495 = arith.constant 0 : index
        %get3A_496 = tpu.vector_load %arg21[%get3A_494, %get3A_495] {strides = array<i32>} : memref<640x16xf32, #tpu.memory_space<vmem>>, vector<1x16xf32>,
        %get3A_497 = vector.shape_cast %get3A_496 : vector<1x16xf32> to vector<16xf32>
        %add3A_498 = arith.addf %get3A_484, %get3A_497 : vector<16xf32>
        %add3A_499 = arith.constant 2 : i32
        %add3A_500 = arith.addi %mul3A_476, %add3A_499 : i32
        %get3A_501 = arith.index_cast %add3A_500 : i32 to index
        %get3A_502 = arith.constant 0 : index
        %get3A_503 = tpu.vector_load %arg19[%get3A_501, %get3A_502] {strides = array<i32>} : memref<640x16xf32, #tpu.memory_space<vmem>>, vector<1x16xf32>,
        %get3A_504 = vector.shape_cast %get3A_503 : vector<1x16xf32> to vector<16xf32>
        %add3A_505 = arith.addf %add3A_491, %get3A_504 : vector<16xf32>
        %add3A_506 = arith.constant 2 : i32
        %add3A_507 = arith.addi %mul3A_476, %add3A_506 : i32
        %get3A_508 = arith.index_cast %add3A_507 : i32 to index
        %get3A_509 = arith.constant 0 : index
        %get3A_510 = tpu.vector_load %arg21[%get3A_508, %get3A_509] {strides = array<i32>} : memref<640x16xf32, #tpu.memory_space<vmem>>, vector<1x16xf32>,
        %get3A_511 = vector.shape_cast %get3A_510 : vector<1x16xf32> to vector<16xf32>
        %add3A_512 = arith.addf %add3A_498, %get3A_511 : vector<16xf32>
        %add3A_513 = arith.constant 3 : i32
        %add3A_514 = arith.addi %mul3A_476, %add3A_513 : i32
        %get3A_515 = arith.index_cast %add3A_514 : i32 to index
        %get3A_516 = arith.constant 0 : index
        %get3A_517 = tpu.vector_load %arg19[%get3A_515, %get3A_516] {strides = array<i32>} : memref<640x16xf32, #tpu.memory_space<vmem>>, vector<1x16xf32>,
        %get3A_518 = vector.shape_cast %get3A_517 : vector<1x16xf32> to vector<16xf32>
        %add3A_519 = arith.addf %add3A_505, %get3A_518 : vector<16xf32>
        %add3A_520 = arith.constant 3 : i32
        %add3A_521 = arith.addi %mul3A_476, %add3A_520 : i32
        %get3A_522 = arith.index_cast %add3A_521 : i32 to index
        %get3A_523 = arith.constant 0 : index
        %get3A_524 = tpu.vector_load %arg21[%get3A_522, %get3A_523] {strides = array<i32>} : memref<640x16xf32, #tpu.memory_space<vmem>>, vector<1x16xf32>,
        %get3A_525 = vector.shape_cast %get3A_524 : vector<1x16xf32> to vector<16xf32>
        %add3A_526 = arith.addf %add3A_512, %get3A_525 : vector<16xf32>
        %add3A_527 = arith.constant 4 : i32
        %add3A_528 = arith.addi %mul3A_476, %add3A_527 : i32
        %get3A_529 = arith.index_cast %add3A_528 : i32 to index
        %get3A_530 = arith.constant 0 : index
        %get3A_531 = tpu.vector_load %arg19[%get3A_529, %get3A_530] {strides = array<i32>} : memref<640x16xf32, #tpu.memory_space<vmem>>, vector<1x16xf32>,
        %get3A_532 = vector.shape_cast %get3A_531 : vector<1x16xf32> to vector<16xf32>
        %add3A_533 = arith.addf %add3A_519, %get3A_532 : vector<16xf32>
        %add3A_534 = arith.constant 4 : i32
        %add3A_535 = arith.addi %mul3A_476, %add3A_534 : i32
        %get3A_536 = arith.index_cast %add3A_535 : i32 to index
        %get3A_537 = arith.constant 0 : index
        %get3A_538 = tpu.vector_load %arg21[%get3A_536, %get3A_537] {strides = array<i32>} : memref<640x16xf32, #tpu.memory_space<vmem>>, vector<1x16xf32>,
        %get3A_539 = vector.shape_cast %get3A_538 : vector<1x16xf32> to vector<16xf32>
        %add3A_540 = arith.addf %add3A_526, %get3A_539 : vector<16xf32>
        %add3A_541 = arith.constant 5 : i32
        %add3A_542 = arith.addi %mul3A_476, %add3A_541 : i32
        %get3A_543 = arith.index_cast %add3A_542 : i32 to index
        %get3A_544 = arith.constant 0 : index
        %get3A_545 = tpu.vector_load %arg19[%get3A_543, %get3A_544] {strides = array<i32>} : memref<640x16xf32, #tpu.memory_space<vmem>>, vector<1x16xf32>,
        %get3A_546 = vector.shape_cast %get3A_545 : vector<1x16xf32> to vector<16xf32>
        %add3A_547 = arith.addf %add3A_533, %get3A_546 : vector<16xf32>
        %add3A_548 = arith.constant 5 : i32
        %add3A_549 = arith.addi %mul3A_476, %add3A_548 : i32
        %get3A_550 = arith.index_cast %add3A_549 : i32 to index
        %get3A_551 = arith.constant 0 : index
        %get3A_552 = tpu.vector_load %arg21[%get3A_550, %get3A_551] {strides = array<i32>} : memref<640x16xf32, #tpu.memory_space<vmem>>, vector<1x16xf32>,
        %get3A_553 = vector.shape_cast %get3A_552 : vector<1x16xf32> to vector<16xf32>
        %add3A_554 = arith.addf %add3A_540, %get3A_553 : vector<16xf32>
        %add3A_555 = arith.constant 6 : i32
        %add3A_556 = arith.addi %mul3A_476, %add3A_555 : i32
        %get3A_557 = arith.index_cast %add3A_556 : i32 to index
        %get3A_558 = arith.constant 0 : index
        %get3A_559 = tpu.vector_load %arg19[%get3A_557, %get3A_558] {strides = array<i32>} : memref<640x16xf32, #tpu.memory_space<vmem>>, vector<1x16xf32>,
        %get3A_560 = vector.shape_cast %get3A_559 : vector<1x16xf32> to vector<16xf32>
        %add3A_561 = arith.addf %add3A_547, %get3A_560 : vector<16xf32>
        %add3A_562 = arith.constant 6 : i32
        %add3A_563 = arith.addi %mul3A_476, %add3A_562 : i32
        %get3A_564 = arith.index_cast %add3A_563 : i32 to index
        %get3A_565 = arith.constant 0 : index
        %get3A_566 = tpu.vector_load %arg21[%get3A_564, %get3A_565] {strides = array<i32>} : memref<640x16xf32, #tpu.memory_space<vmem>>, vector<1x16xf32>,
        %get3A_567 = vector.shape_cast %get3A_566 : vector<1x16xf32> to vector<16xf32>
        %add3A_568 = arith.addf %add3A_554, %get3A_567 : vector<16xf32>
        %add3A_569 = arith.constant 7 : i32
        %add3A_570 = arith.addi %mul3A_476, %add3A_569 : i32
        %get3A_571 = arith.index_cast %add3A_570 : i32 to index
        %get3A_572 = arith.constant 0 : index
        %get3A_573 = tpu.vector_load %arg19[%get3A_571, %get3A_572] {strides = array<i32>} : memref<640x16xf32, #tpu.memory_space<vmem>>, vector<1x16xf32>,
        %get3A_574 = vector.shape_cast %get3A_573 : vector<1x16xf32> to vector<16xf32>
        %add3A_575 = arith.addf %add3A_561, %get3A_574 : vector<16xf32>
        %add3A_576 = arith.constant 7 : i32
        %add3A_577 = arith.addi %mul3A_476, %add3A_576 : i32
        %get3A_578 = arith.index_cast %add3A_577 : i32 to index
        %get3A_579 = arith.constant 0 : index
        %get3A_580 = tpu.vector_load %arg21[%get3A_578, %get3A_579] {strides = array<i32>} : memref<640x16xf32, #tpu.memory_space<vmem>>, vector<1x16xf32>,
        %get3A_581 = vector.shape_cast %get3A_580 : vector<1x16xf32> to vector<16xf32>
        %add3A_582 = arith.addf %add3A_568, %get3A_581 : vector<16xf32>
        %add3A_583 = arith.constant 8 : i32
        %add3A_584 = arith.addi %mul3A_476, %add3A_583 : i32
        %get3A_585 = arith.index_cast %add3A_584 : i32 to index
        %get3A_586 = arith.constant 0 : index
        %get3A_587 = tpu.vector_load %arg19[%get3A_585, %get3A_586] {strides = array<i32>} : memref<640x16xf32, #tpu.memory_space<vmem>>, vector<1x16xf32>,
        %get3A_588 = vector.shape_cast %get3A_587 : vector<1x16xf32> to vector<16xf32>
        %add3A_589 = arith.addf %add3A_575, %get3A_588 : vector<16xf32>
        %add3A_590 = arith.constant 8 : i32
        %add3A_591 = arith.addi %mul3A_476, %add3A_590 : i32
        %get3A_592 = arith.index_cast %add3A_591 : i32 to index
        %get3A_593 = arith.constant 0 : index
        %get3A_594 = tpu.vector_load %arg21[%get3A_592, %get3A_593] {strides = array<i32>} : memref<640x16xf32, #tpu.memory_space<vmem>>, vector<1x16xf32>,
        %get3A_595 = vector.shape_cast %get3A_594 : vector<1x16xf32> to vector<16xf32>
        %add3A_596 = arith.addf %add3A_582, %get3A_595 : vector<16xf32>
        %add3A_597 = arith.constant 9 : i32
        %add3A_598 = arith.addi %mul3A_476, %add3A_597 : i32
        %get3A_599 = arith.index_cast %add3A_598 : i32 to index
        %get3A_600 = arith.constant 0 : index
        %get3A_601 = tpu.vector_load %arg19[%get3A_599, %get3A_600] {strides = array<i32>} : memref<640x16xf32, #tpu.memory_space<vmem>>, vector<1x16xf32>,
        %get3A_602 = vector.shape_cast %get3A_601 : vector<1x16xf32> to vector<16xf32>
        %add3A_603 = arith.addf %add3A_589, %get3A_602 : vector<16xf32>
        %add3A_604 = arith.constant 9 : i32
        %add3A_605 = arith.addi %mul3A_476, %add3A_604 : i32
        %get3A_606 = arith.index_cast %add3A_605 : i32 to index
        %get3A_607 = arith.constant 0 : index
        %get3A_608 = tpu.vector_load %arg21[%get3A_606, %get3A_607] {strides = array<i32>} : memref<640x16xf32, #tpu.memory_space<vmem>>, vector<1x16xf32>,
        %get3A_609 = vector.shape_cast %get3A_608 : vector<1x16xf32> to vector<16xf32>
        %add3A_610 = arith.addf %add3A_596, %get3A_609 : vector<16xf32>
        %add3A_611 = arith.constant 10 : i32
        %add3A_612 = arith.addi %mul3A_476, %add3A_611 : i32
        %get3A_613 = arith.index_cast %add3A_612 : i32 to index
        %get3A_614 = arith.constant 0 : index
        %get3A_615 = tpu.vector_load %arg19[%get3A_613, %get3A_614] {strides = array<i32>} : memref<640x16xf32, #tpu.memory_space<vmem>>, vector<1x16xf32>,
        %get3A_616 = vector.shape_cast %get3A_615 : vector<1x16xf32> to vector<16xf32>
        %add3A_617 = arith.addf %add3A_603, %get3A_616 : vector<16xf32>
        %add3A_618 = arith.constant 10 : i32
        %add3A_619 = arith.addi %mul3A_476, %add3A_618 : i32
        %get3A_620 = arith.index_cast %add3A_619 : i32 to index
        %get3A_621 = arith.constant 0 : index
        %get3A_622 = tpu.vector_load %arg21[%get3A_620, %get3A_621] {strides = array<i32>} : memref<640x16xf32, #tpu.memory_space<vmem>>, vector<1x16xf32>,
        %get3A_623 = vector.shape_cast %get3A_622 : vector<1x16xf32> to vector<16xf32>
        %add3A_624 = arith.addf %add3A_610, %get3A_623 : vector<16xf32>
        %add3A_625 = arith.constant 11 : i32
        %add3A_626 = arith.addi %mul3A_476, %add3A_625 : i32
        %get3A_627 = arith.index_cast %add3A_626 : i32 to index
        %get3A_628 = arith.constant 0 : index
        %get3A_629 = tpu.vector_load %arg19[%get3A_627, %get3A_628] {strides = array<i32>} : memref<640x16xf32, #tpu.memory_space<vmem>>, vector<1x16xf32>,
        %get3A_630 = vector.shape_cast %get3A_629 : vector<1x16xf32> to vector<16xf32>
        %add3A_631 = arith.addf %add3A_617, %get3A_630 : vector<16xf32>
        %add3A_632 = arith.constant 11 : i32
        %add3A_633 = arith.addi %mul3A_476, %add3A_632 : i32
        %get3A_634 = arith.index_cast %add3A_633 : i32 to index
        %get3A_635 = arith.constant 0 : index
        %get3A_636 = tpu.vector_load %arg21[%get3A_634, %get3A_635] {strides = array<i32>} : memref<640x16xf32, #tpu.memory_space<vmem>>, vector<1x16xf32>,
        %get3A_637 = vector.shape_cast %get3A_636 : vector<1x16xf32> to vector<16xf32>
        %add3A_638 = arith.addf %add3A_624, %get3A_637 : vector<16xf32>
        %add3A_639 = arith.constant 12 : i32
        %add3A_640 = arith.addi %mul3A_476, %add3A_639 : i32
        %get3A_641 = arith.index_cast %add3A_640 : i32 to index
        %get3A_642 = arith.constant 0 : index
        %get3A_643 = tpu.vector_load %arg19[%get3A_641, %get3A_642] {strides = array<i32>} : memref<640x16xf32, #tpu.memory_space<vmem>>, vector<1x16xf32>,
        %get3A_644 = vector.shape_cast %get3A_643 : vector<1x16xf32> to vector<16xf32>
        %add3A_645 = arith.addf %add3A_631, %get3A_644 : vector<16xf32>
        %add3A_646 = arith.constant 12 : i32
        %add3A_647 = arith.addi %mul3A_476, %add3A_646 : i32
        %get3A_648 = arith.index_cast %add3A_647 : i32 to index
        %get3A_649 = arith.constant 0 : index
        %get3A_650 = tpu.vector_load %arg21[%get3A_648, %get3A_649] {strides = array<i32>} : memref<640x16xf32, #tpu.memory_space<vmem>>, vector<1x16xf32>,
        %get3A_651 = vector.shape_cast %get3A_650 : vector<1x16xf32> to vector<16xf32>
        %add3A_652 = arith.addf %add3A_638, %get3A_651 : vector<16xf32>
        %add3A_653 = arith.constant 13 : i32
        %add3A_654 = arith.addi %mul3A_476, %add3A_653 : i32
        %get3A_655 = arith.index_cast %add3A_654 : i32 to index
        %get3A_656 = arith.constant 0 : index
        %get3A_657 = tpu.vector_load %arg19[%get3A_655, %get3A_656] {strides = array<i32>} : memref<640x16xf32, #tpu.memory_space<vmem>>, vector<1x16xf32>,
        %get3A_658 = vector.shape_cast %get3A_657 : vector<1x16xf32> to vector<16xf32>
        %add3A_659 = arith.addf %add3A_645, %get3A_658 : vector<16xf32>
        %add3A_660 = arith.constant 13 : i32
        %add3A_661 = arith.addi %mul3A_476, %add3A_660 : i32
        %get3A_662 = arith.index_cast %add3A_661 : i32 to index
        %get3A_663 = arith.constant 0 : index
        %get3A_664 = tpu.vector_load %arg21[%get3A_662, %get3A_663] {strides = array<i32>} : memref<640x16xf32, #tpu.memory_space<vmem>>, vector<1x16xf32>,
        %get3A_665 = vector.shape_cast %get3A_664 : vector<1x16xf32> to vector<16xf32>
        %add3A_666 = arith.addf %add3A_652, %get3A_665 : vector<16xf32>
        %add3A_667 = arith.constant 14 : i32
        %add3A_668 = arith.addi %mul3A_476, %add3A_667 : i32
        %get3A_669 = arith.index_cast %add3A_668 : i32 to index
        %get3A_670 = arith.constant 0 : index
        %get3A_671 = tpu.vector_load %arg19[%get3A_669, %get3A_670] {strides = array<i32>} : memref<640x16xf32, #tpu.memory_space<vmem>>, vector<1x16xf32>,
        %get3A_672 = vector.shape_cast %get3A_671 : vector<1x16xf32> to vector<16xf32>
        %add3A_673 = arith.addf %add3A_659, %get3A_672 : vector<16xf32>
        %add3A_674 = arith.constant 14 : i32
        %add3A_675 = arith.addi %mul3A_476, %add3A_674 : i32
        %get3A_676 = arith.index_cast %add3A_675 : i32 to index
        %get3A_677 = arith.constant 0 : index
        %get3A_678 = tpu.vector_load %arg21[%get3A_676, %get3A_677] {strides = array<i32>} : memref<640x16xf32, #tpu.memory_space<vmem>>, vector<1x16xf32>,
        %get3A_679 = vector.shape_cast %get3A_678 : vector<1x16xf32> to vector<16xf32>
        %add3A_680 = arith.addf %add3A_666, %get3A_679 : vector<16xf32>
        %add3A_681 = arith.constant 15 : i32
        %add3A_682 = arith.addi %mul3A_476, %add3A_681 : i32
        %get3A_683 = arith.index_cast %add3A_682 : i32 to index
        %get3A_684 = arith.constant 0 : index
        %get3A_685 = tpu.vector_load %arg19[%get3A_683, %get3A_684] {strides = array<i32>} : memref<640x16xf32, #tpu.memory_space<vmem>>, vector<1x16xf32>,
        %get3A_686 = vector.shape_cast %get3A_685 : vector<1x16xf32> to vector<16xf32>
        %add3A_687 = arith.addf %add3A_673, %get3A_686 : vector<16xf32>
        %add3A_688 = arith.constant 15 : i32
        %add3A_689 = arith.addi %mul3A_476, %add3A_688 : i32
        %get3A_690 = arith.index_cast %add3A_689 : i32 to index
        %get3A_691 = arith.constant 0 : index
        %get3A_692 = tpu.vector_load %arg21[%get3A_690, %get3A_691] {strides = array<i32>} : memref<640x16xf32, #tpu.memory_space<vmem>>, vector<1x16xf32>,
        %get3A_693 = vector.shape_cast %get3A_692 : vector<1x16xf32> to vector<16xf32>
        %add3A_694 = arith.addf %add3A_680, %get3A_693 : vector<16xf32>
        %add3A_695 = arith.constant 16 : i32
        %add3A_696 = arith.addi %mul3A_476, %add3A_695 : i32
        %get3A_697 = arith.index_cast %add3A_696 : i32 to index
        %get3A_698 = arith.constant 0 : index
        %get3A_699 = tpu.vector_load %arg19[%get3A_697, %get3A_698] {strides = array<i32>} : memref<640x16xf32, #tpu.memory_space<vmem>>, vector<1x16xf32>,
        %get3A_700 = vector.shape_cast %get3A_699 : vector<1x16xf32> to vector<16xf32>
        %add3A_701 = arith.addf %add3A_687, %get3A_700 : vector<16xf32>
        %add3A_702 = arith.constant 16 : i32
        %add3A_703 = arith.addi %mul3A_476, %add3A_702 : i32
        %get3A_704 = arith.index_cast %add3A_703 : i32 to index
        %get3A_705 = arith.constant 0 : index
        %get3A_706 = tpu.vector_load %arg21[%get3A_704, %get3A_705] {strides = array<i32>} : memref<640x16xf32, #tpu.memory_space<vmem>>, vector<1x16xf32>,
        %get3A_707 = vector.shape_cast %get3A_706 : vector<1x16xf32> to vector<16xf32>
        %add3A_708 = arith.addf %add3A_694, %get3A_707 : vector<16xf32>
        %add3A_709 = arith.constant 17 : i32
        %add3A_710 = arith.addi %mul3A_476, %add3A_709 : i32
        %get3A_711 = arith.index_cast %add3A_710 : i32 to index
        %get3A_712 = arith.constant 0 : index
        %get3A_713 = tpu.vector_load %arg19[%get3A_711, %get3A_712] {strides = array<i32>} : memref<640x16xf32, #tpu.memory_space<vmem>>, vector<1x16xf32>,
        %get3A_714 = vector.shape_cast %get3A_713 : vector<1x16xf32> to vector<16xf32>
        %add3A_715 = arith.addf %add3A_701, %get3A_714 : vector<16xf32>
        %add3A_716 = arith.constant 17 : i32
        %add3A_717 = arith.addi %mul3A_476, %add3A_716 : i32
        %get3A_718 = arith.index_cast %add3A_717 : i32 to index
        %get3A_719 = arith.constant 0 : index
        %get3A_720 = tpu.vector_load %arg21[%get3A_718, %get3A_719] {strides = array<i32>} : memref<640x16xf32, #tpu.memory_space<vmem>>, vector<1x16xf32>,
        %get3A_721 = vector.shape_cast %get3A_720 : vector<1x16xf32> to vector<16xf32>
        %add3A_722 = arith.addf %add3A_708, %get3A_721 : vector<16xf32>
        %add3A_723 = arith.constant 18 : i32
        %add3A_724 = arith.addi %mul3A_476, %add3A_723 : i32
        %get3A_725 = arith.index_cast %add3A_724 : i32 to index
        %get3A_726 = arith.constant 0 : index
        %get3A_727 = tpu.vector_load %arg19[%get3A_725, %get3A_726] {strides = array<i32>} : memref<640x16xf32, #tpu.memory_space<vmem>>, vector<1x16xf32>,
        %get3A_728 = vector.shape_cast %get3A_727 : vector<1x16xf32> to vector<16xf32>
        %add3A_729 = arith.addf %add3A_715, %get3A_728 : vector<16xf32>
        %add3A_730 = arith.constant 18 : i32
        %add3A_731 = arith.addi %mul3A_476, %add3A_730 : i32
        %get3A_732 = arith.index_cast %add3A_731 : i32 to index
        %get3A_733 = arith.constant 0 : index
        %get3A_734 = tpu.vector_load %arg21[%get3A_732, %get3A_733] {strides = array<i32>} : memref<640x16xf32, #tpu.memory_space<vmem>>, vector<1x16xf32>,
        %get3A_735 = vector.shape_cast %get3A_734 : vector<1x16xf32> to vector<16xf32>
        %add3A_736 = arith.addf %add3A_722, %get3A_735 : vector<16xf32>
        %add3A_737 = arith.constant 19 : i32
        %add3A_738 = arith.addi %mul3A_476, %add3A_737 : i32
        %get3A_739 = arith.index_cast %add3A_738 : i32 to index
        %get3A_740 = arith.constant 0 : index
        %get3A_741 = tpu.vector_load %arg19[%get3A_739, %get3A_740] {strides = array<i32>} : memref<640x16xf32, #tpu.memory_space<vmem>>, vector<1x16xf32>,
        %get3A_742 = vector.shape_cast %get3A_741 : vector<1x16xf32> to vector<16xf32>
        %add3A_743 = arith.addf %add3A_729, %get3A_742 : vector<16xf32>
        %add3A_744 = arith.constant 19 : i32
        %add3A_745 = arith.addi %mul3A_476, %add3A_744 : i32
        %get3A_746 = arith.index_cast %add3A_745 : i32 to index
        %get3A_747 = arith.constant 0 : index
        %get3A_748 = tpu.vector_load %arg21[%get3A_746, %get3A_747] {strides = array<i32>} : memref<640x16xf32, #tpu.memory_space<vmem>>, vector<1x16xf32>,
        %get3A_749 = vector.shape_cast %get3A_748 : vector<1x16xf32> to vector<16xf32>
        %add3A_750 = arith.addf %add3A_736, %get3A_749 : vector<16xf32>
        %mul3A_751 = arith.constant 5.000000e-02 : f32
        %mul3A_752 = vector.broadcast %mul3A_751 : f32 to vector<16xf32>
        %mul3A_753 = arith.mulf %add3A_743, %mul3A_752 : vector<16xf32>
        %mul3A_754 = arith.constant 2 : i32
        %mul3A_755 = arith.muli %scan3A_474, %mul3A_754 : i32
        %mul3A_756 = arith.constant 16 : i32
        %mul3A_757 = arith.muli %mul3A_755, %mul3A_756 : i32
        %swap3A_758 = arith.index_cast %mul3A_757 : i32 to index
        %swap3A_759 = tpu.vector_load %arg25[%swap3A_758] {strides = array<i32>} : memref<1024xf32, #tpu.memory_space<vmem>>, vector<16xf32>,
        %swap3A_760 = vector.shape_cast %swap3A_759 : vector<16xf32> to vector<16xf32>
        %swap3A_761 = vector.shape_cast %mul3A_753 : vector<16xf32> to vector<16xf32>
        tpu.vector_store %arg25[%swap3A_758], %swap3A_761 {strides = array<i32>} : memref<1024xf32, #tpu.memory_space<vmem>>, vector<16xf32>,
        %mul3A_762 = arith.constant 5.000000e-02 : f32
        %mul3A_763 = vector.broadcast %mul3A_762 : f32 to vector<16xf32>
        %mul3A_764 = arith.mulf %add3A_750, %mul3A_763 : vector<16xf32>
        %mul3A_765 = arith.constant 2 : i32
        %mul3A_766 = arith.muli %scan3A_474, %mul3A_765 : i32
        %mul3A_767 = arith.constant 16 : i32
        %mul3A_768 = arith.muli %mul3A_766, %mul3A_767 : i32
        %add3A_769 = arith.constant 16 : i32
        %add3A_770 = arith.addi %mul3A_768, %add3A_769 : i32
        %swap3A_771 = arith.index_cast %add3A_770 : i32 to index
        %swap3A_772 = tpu.vector_load %arg25[%swap3A_771] {strides = array<i32>} : memref<1024xf32, #tpu.memory_space<vmem>>, vector<16xf32>,
        %swap3A_773 = vector.shape_cast %swap3A_772 : vector<16xf32> to vector<16xf32>
        %swap3A_774 = vector.shape_cast %mul3A_764 : vector<16xf32> to vector<16xf32>
        tpu.vector_store %arg25[%swap3A_771], %swap3A_774 {strides = array<i32>} : memref<1024xf32, #tpu.memory_space<vmem>>, vector<16xf32>,
      }
      %scan3A_136 = arith.constant 32 : i32
      %mul3A_137 = arith.constant 26 : i32
      %mul3A_138 = arith.muli %add3A_119, %mul3A_137 : i32
      %dma_start3A_139 = arith.constant 0 : i32
      %dma_start3A_140 = tpu.memref_slice %arg7[%mul3A_138, %dma_start3A_139] : memref<212992x16xf32, #tpu.memory_space<hbm>> -> memref<832x16xf32, #tpu.memory_space<hbm>>
      %dma_start3A_141 = arith.constant 0 : i32
      %dma_start3A_142 = tpu.memref_slice %arg7[%mul3A_138, %dma_start3A_141] : memref<212992x16xf32, #tpu.memory_space<hbm>> -> memref<832x16xf32, #tpu.memory_space<hbm>>
      tpu.enqueue_dma source(%arg17 : memref<832x16xf32, #tpu.memory_space<vmem>>) target(%dma_start3A_142 : memref<832x16xf32, #tpu.memory_space<hbm>>) target_semaphore(%arg29 : memref<!tpu.dma_semaphore, #tpu.memory_space<semaphore_mem>>)
      %mul3A_143 = arith.constant 2 : i32
      %mul3A_144 = arith.muli %add3A_119, %mul3A_143 : i32
      %mul3A_145 = arith.constant 16 : i32
      %mul3A_146 = arith.muli %mul3A_144, %mul3A_145 : i32
      %dma_start3A_147 = tpu.memref_slice %arg8[%mul3A_146] : memref<262144xf32, #tpu.memory_space<hbm>> -> memref<1024xf32, #tpu.memory_space<hbm>>
      %dma_start3A_148 = tpu.memref_slice %arg8[%mul3A_146] : memref<262144xf32, #tpu.memory_space<hbm>> -> memref<1024xf32, #tpu.memory_space<hbm>>
      tpu.enqueue_dma source(%arg25 : memref<1024xf32, #tpu.memory_space<vmem>>) target(%dma_start3A_148 : memref<1024xf32, #tpu.memory_space<hbm>>) target_semaphore(%arg29 : memref<!tpu.dma_semaphore, #tpu.memory_space<semaphore_mem>>)
      %mul3A_149 = arith.constant 26 : i32
      %mul3A_150 = arith.muli %add3A_119, %mul3A_149 : i32
      %dma_start3A_151 = tpu.memref_slice %arg9[%mul3A_150] : memref<212992xf32, #tpu.memory_space<hbm>> -> memref<832xf32, #tpu.memory_space<hbm>>
      %dma_start3A_152 = tpu.memref_slice %arg9[%mul3A_150] : memref<212992xf32, #tpu.memory_space<hbm>> -> memref<832xf32, #tpu.memory_space<hbm>>
      tpu.enqueue_dma source(%arg23 : memref<832xf32, #tpu.memory_space<vmem>>) target(%dma_start3A_152 : memref<832xf32, #tpu.memory_space<hbm>>) target_semaphore(%arg29 : memref<!tpu.dma_semaphore, #tpu.memory_space<semaphore_mem>>)
      %dma_wait3A_153 = arith.constant 0 : i32
      %dma_wait3A_154 = arith.constant 0 : i32
      %dma_wait3A_155 = tpu.memref_slice %arg7[%dma_wait3A_153, %dma_wait3A_154] : memref<212992x16xf32, #tpu.memory_space<hbm>> -> memref<832x16xf32, #tpu.memory_space<hbm>>
      %dma_wait3A_156 = arith.constant 0 : i32
      %dma_wait3A_157 = arith.constant 0 : i32
      %dma_wait3A_158 = tpu.memref_slice %arg7[%dma_wait3A_156, %dma_wait3A_157] : memref<212992x16xf32, #tpu.memory_space<hbm>> -> memref<832x16xf32, #tpu.memory_space<hbm>>
      tpu.wait_dma2 semaphore(%arg29 : memref<!tpu.dma_semaphore, #tpu.memory_space<semaphore_mem>>) src(%arg17 : memref<832x16xf32, #tpu.memory_space<vmem>>) dst(%dma_wait3A_158 : memref<832x16xf32, #tpu.memory_space<hbm>>)
      %dma_wait3A_159 = arith.constant 0 : i32
      %dma_wait3A_160 = tpu.memref_slice %arg8[%dma_wait3A_159] : memref<262144xf32, #tpu.memory_space<hbm>> -> memref<1024xf32, #tpu.memory_space<hbm>>
      %dma_wait3A_161 = arith.constant 0 : i32
      %dma_wait3A_162 = tpu.memref_slice %arg8[%dma_wait3A_161] : memref<262144xf32, #tpu.memory_space<hbm>> -> memref<1024xf32, #tpu.memory_space<hbm>>
      tpu.wait_dma2 semaphore(%arg29 : memref<!tpu.dma_semaphore, #tpu.memory_space<semaphore_mem>>) src(%arg25 : memref<1024xf32, #tpu.memory_space<vmem>>) dst(%dma_wait3A_162 : memref<1024xf32, #tpu.memory_space<hbm>>)
      %dma_wait3A_163 = arith.constant 0 : i32
      %dma_wait3A_164 = tpu.memref_slice %arg9[%dma_wait3A_163] : memref<212992xf32, #tpu.memory_space<hbm>> -> memref<832xf32, #tpu.memory_space<hbm>>
      %dma_wait3A_165 = arith.constant 0 : i32
      %dma_wait3A_166 = tpu.memref_slice %arg9[%dma_wait3A_165] : memref<212992xf32, #tpu.memory_space<hbm>> -> memref<832xf32, #tpu.memory_space<hbm>>
      tpu.wait_dma2 semaphore(%arg29 : memref<!tpu.dma_semaphore, #tpu.memory_space<semaphore_mem>>) src(%arg23 : memref<832xf32, #tpu.memory_space<vmem>>) dst(%dma_wait3A_166 : memref<832xf32, #tpu.memory_space<hbm>>)
      %add3A_167 = arith.constant 2 : i32
      %add3A_168 = arith.addi %add3A_114, %add3A_167 : i32
      %lt3A_169 = arith.constant 8 : i32
      %lt3A_170 = arith.cmpi slt, %add3A_168, %lt3A_169 : i32
      %convert_element_type3A_171 = arith.extui %lt3A_170 : i1 to i32
      %cond3A_172 = arith.constant 0 : i32
      %cond3A_173 = arith.cmpi ne, %convert_element_type3A_171, %cond3A_172 : i32
      scf.if %cond3A_173 {
        %add3A_174 = arith.constant 2 : i32
        %add3A_175 = arith.addi %add3A_114, %add3A_174 : i32
        %mul3A_176 = arith.constant 256 : i32
        %mul3A_177 = arith.muli %add3A, %mul3A_176 : i32
        %add3A_178 = arith.constant 0 : i32
        %add3A_179 = arith.addi %add3A_178, %mul3A_177 : i32
        %mul3A_180 = arith.constant 32 : i32
        %mul3A_181 = arith.muli %add3A_175, %mul3A_180 : i32
        %add3A_182 = arith.addi %add3A_179, %mul3A_181 : i32
        %mul3A_183 = arith.constant 26 : i32
        %mul3A_184 = arith.muli %add3A_182, %mul3A_183 : i32
        "tpu.region"() ({
          %run_scoped3A = tpu.sem_alloc : memref<!tpu.dma_semaphore, #tpu.memory_space<semaphore_mem>>
          %dma_start3A_200 = tpu.memref_slice %arg2[%mul3A_184] : memref<425984xi32, #tpu.memory_space<hbm>> -> memref<832xi32, #tpu.memory_space<hbm>>
          %dma_start3A_201 = tpu.memref_slice %arg2[%mul3A_184] : memref<425984xi32, #tpu.memory_space<hbm>> -> memref<832xi32, #tpu.memory_space<hbm>>
          tpu.enqueue_dma source(%dma_start3A_201 : memref<832xi32, #tpu.memory_space<hbm>>) target(%arg11 : memref<832xi32, #tpu.memory_space<vmem>>) target_semaphore(%run_scoped3A : memref<!tpu.dma_semaphore, #tpu.memory_space<semaphore_mem>>)
          %dma_wait3A_202 = tpu.memref_slice %arg2[%mul3A_184] : memref<425984xi32, #tpu.memory_space<hbm>> -> memref<832xi32, #tpu.memory_space<hbm>>
          %dma_wait3A_203 = tpu.memref_slice %arg2[%mul3A_184] : memref<425984xi32, #tpu.memory_space<hbm>> -> memref<832xi32, #tpu.memory_space<hbm>>
          tpu.wait_dma2 semaphore(%run_scoped3A : memref<!tpu.dma_semaphore, #tpu.memory_space<semaphore_mem>>) src(%dma_wait3A_203 : memref<832xi32, #tpu.memory_space<hbm>>) dst(%arg11 : memref<832xi32, #tpu.memory_space<vmem>>)
          tpu.yield
        }) : () -> ()
        %mul3A_185 = arith.constant 20 : i32
        %mul3A_186 = arith.muli %add3A_182, %mul3A_185 : i32
        "tpu.region"() ({
          %run_scoped3A = tpu.sem_alloc : memref<!tpu.dma_semaphore, #tpu.memory_space<semaphore_mem>>
          %dma_start3A_200 = tpu.memref_slice %arg3[%mul3A_186] : memref<327680xi32, #tpu.memory_space<hbm>> -> memref<640xi32, #tpu.memory_space<hbm>>
          %dma_start3A_201 = tpu.memref_slice %arg3[%mul3A_186] : memref<327680xi32, #tpu.memory_space<hbm>> -> memref<640xi32, #tpu.memory_space<hbm>>
          tpu.enqueue_dma source(%dma_start3A_201 : memref<640xi32, #tpu.memory_space<hbm>>) target(%arg13 : memref<640xi32, #tpu.memory_space<vmem>>) target_semaphore(%run_scoped3A : memref<!tpu.dma_semaphore, #tpu.memory_space<semaphore_mem>>)
          %dma_wait3A_202 = tpu.memref_slice %arg3[%mul3A_186] : memref<327680xi32, #tpu.memory_space<hbm>> -> memref<640xi32, #tpu.memory_space<hbm>>
          %dma_wait3A_203 = tpu.memref_slice %arg3[%mul3A_186] : memref<327680xi32, #tpu.memory_space<hbm>> -> memref<640xi32, #tpu.memory_space<hbm>>
          tpu.wait_dma2 semaphore(%run_scoped3A : memref<!tpu.dma_semaphore, #tpu.memory_space<semaphore_mem>>) src(%dma_wait3A_203 : memref<640xi32, #tpu.memory_space<hbm>>) dst(%arg13 : memref<640xi32, #tpu.memory_space<vmem>>)
          tpu.yield
        }) : () -> ()
        %mul3A_187 = arith.constant 20 : i32
        %mul3A_188 = arith.muli %add3A_182, %mul3A_187 : i32
        "tpu.region"() ({
          %run_scoped3A = tpu.sem_alloc : memref<!tpu.dma_semaphore, #tpu.memory_space<semaphore_mem>>
          %dma_start3A_200 = tpu.memref_slice %arg4[%mul3A_188] : memref<327680xi32, #tpu.memory_space<hbm>> -> memref<640xi32, #tpu.memory_space<hbm>>
          %dma_start3A_201 = tpu.memref_slice %arg4[%mul3A_188] : memref<327680xi32, #tpu.memory_space<hbm>> -> memref<640xi32, #tpu.memory_space<hbm>>
          tpu.enqueue_dma source(%dma_start3A_201 : memref<640xi32, #tpu.memory_space<hbm>>) target(%arg15 : memref<640xi32, #tpu.memory_space<vmem>>) target_semaphore(%run_scoped3A : memref<!tpu.dma_semaphore, #tpu.memory_space<semaphore_mem>>)
          %dma_wait3A_202 = tpu.memref_slice %arg4[%mul3A_188] : memref<327680xi32, #tpu.memory_space<hbm>> -> memref<640xi32, #tpu.memory_space<hbm>>
          %dma_wait3A_203 = tpu.memref_slice %arg4[%mul3A_188] : memref<327680xi32, #tpu.memory_space<hbm>> -> memref<640xi32, #tpu.memory_space<hbm>>
          tpu.wait_dma2 semaphore(%run_scoped3A : memref<!tpu.dma_semaphore, #tpu.memory_space<semaphore_mem>>) src(%dma_wait3A_203 : memref<640xi32, #tpu.memory_space<hbm>>) dst(%arg15 : memref<640xi32, #tpu.memory_space<vmem>>)
          tpu.yield
        }) : () -> ()
        %dma_start3A_189 = arith.constant 0 : i32
        %dma_start3A_190 = arith.constant 0 : i32
        %dma_start3A_191 = tpu.memref_slice %arg5[%dma_start3A_189, %dma_start3A_190] : memref<1000000x16xf32, #tpu.memory_space<hbm>> -> memref<1000000x16xf32, #tpu.memory_space<hbm>>
        tpu.enqueue_indirect_dma source(%dma_start3A_191 : memref<1000000x16xf32, #tpu.memory_space<hbm>>) target(%arg17 : memref<832x16xf32, #tpu.memory_space<vmem>>) offsets(%arg11 : memref<832xi32, #tpu.memory_space<vmem>>) semaphore(%arg27 : memref<!tpu.dma_semaphore, #tpu.memory_space<semaphore_mem>>)
        %dma_start3A_192 = arith.constant 0 : i32
        %dma_start3A_193 = arith.constant 0 : i32
        %dma_start3A_194 = tpu.memref_slice %arg5[%dma_start3A_192, %dma_start3A_193] : memref<1000000x16xf32, #tpu.memory_space<hbm>> -> memref<1000000x16xf32, #tpu.memory_space<hbm>>
        tpu.enqueue_indirect_dma source(%dma_start3A_194 : memref<1000000x16xf32, #tpu.memory_space<hbm>>) target(%arg19 : memref<640x16xf32, #tpu.memory_space<vmem>>) offsets(%arg13 : memref<640xi32, #tpu.memory_space<vmem>>) semaphore(%arg27 : memref<!tpu.dma_semaphore, #tpu.memory_space<semaphore_mem>>)
        %dma_start3A_195 = arith.constant 0 : i32
        %dma_start3A_196 = arith.constant 0 : i32
        %dma_start3A_197 = tpu.memref_slice %arg5[%dma_start3A_195, %dma_start3A_196] : memref<1000000x16xf32, #tpu.memory_space<hbm>> -> memref<1000000x16xf32, #tpu.memory_space<hbm>>
        tpu.enqueue_indirect_dma source(%dma_start3A_197 : memref<1000000x16xf32, #tpu.memory_space<hbm>>) target(%arg21 : memref<640x16xf32, #tpu.memory_space<vmem>>) offsets(%arg15 : memref<640xi32, #tpu.memory_space<vmem>>) semaphore(%arg27 : memref<!tpu.dma_semaphore, #tpu.memory_space<semaphore_mem>>)
        %dma_start3A_198 = arith.constant 0 : i32
        %dma_start3A_199 = tpu.memref_slice %arg6[%dma_start3A_198] : memref<1000000xf32, #tpu.memory_space<hbm>> -> memref<1000000xf32, #tpu.memory_space<hbm>>
        tpu.enqueue_indirect_dma source(%dma_start3A_199 : memref<1000000xf32, #tpu.memory_space<hbm>>) target(%arg23 : memref<832xf32, #tpu.memory_space<vmem>>) offsets(%arg11 : memref<832xi32, #tpu.memory_space<vmem>>) semaphore(%arg27 : memref<!tpu.dma_semaphore, #tpu.memory_space<semaphore_mem>>)
      } else {
      }
    }
    %scan3A_50 = arith.constant 4 : i32
    return
  }
}

#map = affine_map<(d0, d1) -> (0, 0)>
#map1 = affine_map<(d0, d1) -> (0)>
module attributes {stable_mosaic.version = 14 : i64} {
  func.func @_tr_body(%arg0: i32, %arg1: i32, %arg2: memref<16x1000000xf32, #tpu.memory_space<hbm>>, %arg3: memref<16x640xf32, #tpu.memory_space<hbm>>, %arg4: memref<16000000xf32, #tpu.memory_space<hbm>>, %arg5: memref<16x1024xf32, #tpu.memory_space<vmem>>, %arg6: memref<16x1024xf32, #tpu.memory_space<vmem>>, %arg7: memref<16x640xf32, #tpu.memory_space<vmem>>, %arg8: memref<16384xf32, #tpu.memory_space<vmem>>, %arg9: memref<16384xf32, #tpu.memory_space<vmem>>, %arg10: memref<!tpu.dma_semaphore, #tpu.memory_space<semaphore_mem>>, %arg11: memref<!tpu.dma_semaphore, #tpu.memory_space<semaphore_mem>>, %arg12: memref<!tpu.dma_semaphore, #tpu.memory_space<semaphore_mem>>, %arg13: memref<!tpu.dma_semaphore, #tpu.memory_space<semaphore_mem>>) attributes {dimension_semantics = [#tpu.dimension_semantics<core_parallel>, #tpu.dimension_semantics<subcore_parallel>], iteration_bounds = array<i64: 2, 16>, scalar_prefetch = 0 : i64, scratch_operands = 9 : i64, tpu.core_type = #tpu.core_type<sc_vector_subcore>, window_params = [{transform_indices = #map}, {transform_indices = #map}, {transform_indices = #map1}]} {
    %mul3A = arith.constant 2 : i32
    %mul3A_0 = arith.muli %arg1, %mul3A : i32
    %add3A = arith.addi %mul3A_0, %arg0 : i32
    %iota3A = tpu.iota {dimensions = array<i32: 0>} : vector<16xi32>
    %mul3A_1 = arith.constant 16 : i32
    %mul3A_2 = vector.broadcast %mul3A_1 : i32 to vector<16xi32>
    %mul3A_3 = arith.muli %iota3A, %mul3A_2 : vector<16xi32>
    %add3A_4 = arith.constant 0 : i32
    %add3A_5 = vector.broadcast %add3A_4 : i32 to vector<16xi32>
    %add3A_6 = arith.addi %mul3A_3, %add3A_5 : vector<16xi32>
    %mul3A_7 = arith.constant 16 : i32
    %mul3A_8 = vector.broadcast %mul3A_7 : i32 to vector<16xi32>
    %mul3A_9 = arith.muli %iota3A, %mul3A_8 : vector<16xi32>
    %add3A_10 = arith.constant 1 : i32
    %add3A_11 = vector.broadcast %add3A_10 : i32 to vector<16xi32>
    %add3A_12 = arith.addi %mul3A_9, %add3A_11 : vector<16xi32>
    %mul3A_13 = arith.constant 16 : i32
    %mul3A_14 = vector.broadcast %mul3A_13 : i32 to vector<16xi32>
    %mul3A_15 = arith.muli %iota3A, %mul3A_14 : vector<16xi32>
    %add3A_16 = arith.constant 2 : i32
    %add3A_17 = vector.broadcast %add3A_16 : i32 to vector<16xi32>
    %add3A_18 = arith.addi %mul3A_15, %add3A_17 : vector<16xi32>
    %mul3A_19 = arith.constant 16 : i32
    %mul3A_20 = vector.broadcast %mul3A_19 : i32 to vector<16xi32>
    %mul3A_21 = arith.muli %iota3A, %mul3A_20 : vector<16xi32>
    %add3A_22 = arith.constant 3 : i32
    %add3A_23 = vector.broadcast %add3A_22 : i32 to vector<16xi32>
    %add3A_24 = arith.addi %mul3A_21, %add3A_23 : vector<16xi32>
    %mul3A_25 = arith.constant 16 : i32
    %mul3A_26 = vector.broadcast %mul3A_25 : i32 to vector<16xi32>
    %mul3A_27 = arith.muli %iota3A, %mul3A_26 : vector<16xi32>
    %add3A_28 = arith.constant 4 : i32
    %add3A_29 = vector.broadcast %add3A_28 : i32 to vector<16xi32>
    %add3A_30 = arith.addi %mul3A_27, %add3A_29 : vector<16xi32>
    %mul3A_31 = arith.constant 16 : i32
    %mul3A_32 = vector.broadcast %mul3A_31 : i32 to vector<16xi32>
    %mul3A_33 = arith.muli %iota3A, %mul3A_32 : vector<16xi32>
    %add3A_34 = arith.constant 5 : i32
    %add3A_35 = vector.broadcast %add3A_34 : i32 to vector<16xi32>
    %add3A_36 = arith.addi %mul3A_33, %add3A_35 : vector<16xi32>
    %mul3A_37 = arith.constant 16 : i32
    %mul3A_38 = vector.broadcast %mul3A_37 : i32 to vector<16xi32>
    %mul3A_39 = arith.muli %iota3A, %mul3A_38 : vector<16xi32>
    %add3A_40 = arith.constant 6 : i32
    %add3A_41 = vector.broadcast %add3A_40 : i32 to vector<16xi32>
    %add3A_42 = arith.addi %mul3A_39, %add3A_41 : vector<16xi32>
    %mul3A_43 = arith.constant 16 : i32
    %mul3A_44 = vector.broadcast %mul3A_43 : i32 to vector<16xi32>
    %mul3A_45 = arith.muli %iota3A, %mul3A_44 : vector<16xi32>
    %add3A_46 = arith.constant 7 : i32
    %add3A_47 = vector.broadcast %add3A_46 : i32 to vector<16xi32>
    %add3A_48 = arith.addi %mul3A_45, %add3A_47 : vector<16xi32>
    %mul3A_49 = arith.constant 16 : i32
    %mul3A_50 = vector.broadcast %mul3A_49 : i32 to vector<16xi32>
    %mul3A_51 = arith.muli %iota3A, %mul3A_50 : vector<16xi32>
    %add3A_52 = arith.constant 8 : i32
    %add3A_53 = vector.broadcast %add3A_52 : i32 to vector<16xi32>
    %add3A_54 = arith.addi %mul3A_51, %add3A_53 : vector<16xi32>
    %mul3A_55 = arith.constant 16 : i32
    %mul3A_56 = vector.broadcast %mul3A_55 : i32 to vector<16xi32>
    %mul3A_57 = arith.muli %iota3A, %mul3A_56 : vector<16xi32>
    %add3A_58 = arith.constant 9 : i32
    %add3A_59 = vector.broadcast %add3A_58 : i32 to vector<16xi32>
    %add3A_60 = arith.addi %mul3A_57, %add3A_59 : vector<16xi32>
    %mul3A_61 = arith.constant 16 : i32
    %mul3A_62 = vector.broadcast %mul3A_61 : i32 to vector<16xi32>
    %mul3A_63 = arith.muli %iota3A, %mul3A_62 : vector<16xi32>
    %add3A_64 = arith.constant 10 : i32
    %add3A_65 = vector.broadcast %add3A_64 : i32 to vector<16xi32>
    %add3A_66 = arith.addi %mul3A_63, %add3A_65 : vector<16xi32>
    %mul3A_67 = arith.constant 16 : i32
    %mul3A_68 = vector.broadcast %mul3A_67 : i32 to vector<16xi32>
    %mul3A_69 = arith.muli %iota3A, %mul3A_68 : vector<16xi32>
    %add3A_70 = arith.constant 11 : i32
    %add3A_71 = vector.broadcast %add3A_70 : i32 to vector<16xi32>
    %add3A_72 = arith.addi %mul3A_69, %add3A_71 : vector<16xi32>
    %mul3A_73 = arith.constant 16 : i32
    %mul3A_74 = vector.broadcast %mul3A_73 : i32 to vector<16xi32>
    %mul3A_75 = arith.muli %iota3A, %mul3A_74 : vector<16xi32>
    %add3A_76 = arith.constant 12 : i32
    %add3A_77 = vector.broadcast %add3A_76 : i32 to vector<16xi32>
    %add3A_78 = arith.addi %mul3A_75, %add3A_77 : vector<16xi32>
    %mul3A_79 = arith.constant 16 : i32
    %mul3A_80 = vector.broadcast %mul3A_79 : i32 to vector<16xi32>
    %mul3A_81 = arith.muli %iota3A, %mul3A_80 : vector<16xi32>
    %add3A_82 = arith.constant 13 : i32
    %add3A_83 = vector.broadcast %add3A_82 : i32 to vector<16xi32>
    %add3A_84 = arith.addi %mul3A_81, %add3A_83 : vector<16xi32>
    %mul3A_85 = arith.constant 16 : i32
    %mul3A_86 = vector.broadcast %mul3A_85 : i32 to vector<16xi32>
    %mul3A_87 = arith.muli %iota3A, %mul3A_86 : vector<16xi32>
    %add3A_88 = arith.constant 14 : i32
    %add3A_89 = vector.broadcast %add3A_88 : i32 to vector<16xi32>
    %add3A_90 = arith.addi %mul3A_87, %add3A_89 : vector<16xi32>
    %mul3A_91 = arith.constant 16 : i32
    %mul3A_92 = vector.broadcast %mul3A_91 : i32 to vector<16xi32>
    %mul3A_93 = arith.muli %iota3A, %mul3A_92 : vector<16xi32>
    %add3A_94 = arith.constant 15 : i32
    %add3A_95 = vector.broadcast %add3A_94 : i32 to vector<16xi32>
    %add3A_96 = arith.addi %mul3A_93, %add3A_95 : vector<16xi32>
    %lt3A = arith.constant 976 : i32
    %lt3A_97 = arith.cmpi slt, %add3A, %lt3A : i32
    %convert_element_type3A = arith.extui %lt3A_97 : i1 to i32
    %cond3A = arith.constant 0 : i32
    %cond3A_98 = arith.cmpi ne, %convert_element_type3A, %cond3A : i32
    scf.if %cond3A_98 {
      %mul3A_122 = arith.constant 1024 : i32
      %mul3A_123 = arith.muli %add3A, %mul3A_122 : i32
      %dma_start3A = arith.constant 0 : i32
      %dma_start3A_124 = tpu.memref_slice %arg2[%dma_start3A, %mul3A_123] : memref<16x1000000xf32, #tpu.memory_space<hbm>> -> memref<16x1024xf32, #tpu.memory_space<hbm>>
      %dma_start3A_125 = arith.constant 0 : i32
      %dma_start3A_126 = tpu.memref_slice %arg2[%dma_start3A_125, %mul3A_123] : memref<16x1000000xf32, #tpu.memory_space<hbm>> -> memref<16x1024xf32, #tpu.memory_space<hbm>>
      tpu.enqueue_dma source(%dma_start3A_126 : memref<16x1024xf32, #tpu.memory_space<hbm>>) target(%arg5 : memref<16x1024xf32, #tpu.memory_space<vmem>>) target_semaphore(%arg10 : memref<!tpu.dma_semaphore, #tpu.memory_space<semaphore_mem>>)
    } else {
    }
    %add3A_99 = arith.constant 32 : i32
    %add3A_100 = arith.addi %add3A, %add3A_99 : i32
    %lt3A_101 = arith.constant 976 : i32
    %lt3A_102 = arith.cmpi slt, %add3A_100, %lt3A_101 : i32
    %convert_element_type3A_103 = arith.extui %lt3A_102 : i1 to i32
    %cond3A_104 = arith.constant 0 : i32
    %cond3A_105 = arith.cmpi ne, %convert_element_type3A_103, %cond3A_104 : i32
    scf.if %cond3A_105 {
      %mul3A_122 = arith.constant 1024 : i32
      %mul3A_123 = arith.muli %add3A_100, %mul3A_122 : i32
      %dma_start3A = arith.constant 0 : i32
      %dma_start3A_124 = tpu.memref_slice %arg2[%dma_start3A, %mul3A_123] : memref<16x1000000xf32, #tpu.memory_space<hbm>> -> memref<16x1024xf32, #tpu.memory_space<hbm>>
      %dma_start3A_125 = arith.constant 0 : i32
      %dma_start3A_126 = tpu.memref_slice %arg2[%dma_start3A_125, %mul3A_123] : memref<16x1000000xf32, #tpu.memory_space<hbm>> -> memref<16x1024xf32, #tpu.memory_space<hbm>>
      tpu.enqueue_dma source(%dma_start3A_126 : memref<16x1024xf32, #tpu.memory_space<hbm>>) target(%arg6 : memref<16x1024xf32, #tpu.memory_space<vmem>>) target_semaphore(%arg11 : memref<!tpu.dma_semaphore, #tpu.memory_space<semaphore_mem>>)
    } else {
    }
    %scan3A = arith.constant 0 : i32
    %scan3A_106 = arith.constant 0 : i32
    %scan3A_107 = arith.constant 16 : i32
    %scan3A_108 = arith.addi %scan3A_106, %scan3A_107 : i32
    %scan3A_109 = arith.constant 1 : i32
    scf.for %scan3A_122 = %scan3A_106 to %scan3A_108 step %scan3A_109  : i32 {
      %mul3A_123 = arith.constant 2 : i32
      %mul3A_124 = arith.muli %mul3A_123, %scan3A_122 : i32
      %add3A_125 = arith.constant 0 : i32
      %add3A_126 = arith.addi %mul3A_124, %add3A_125 : i32
      %mul3A_127 = arith.constant 32 : i32
      %mul3A_128 = arith.muli %mul3A_127, %add3A_126 : i32
      %add3A_129 = arith.addi %add3A, %mul3A_128 : i32
      %lt3A_130 = arith.constant 976 : i32
      %lt3A_131 = arith.cmpi slt, %add3A_129, %lt3A_130 : i32
      %convert_element_type3A_132 = arith.extui %lt3A_131 : i1 to i32
      %cond3A_133 = arith.constant 0 : i32
      %cond3A_134 = arith.cmpi ne, %convert_element_type3A_132, %cond3A_133 : i32
      scf.if %cond3A_134 {
        %dma_wait3A_147 = arith.constant 0 : i32
        %dma_wait3A_148 = arith.constant 0 : i32
        %dma_wait3A_149 = tpu.memref_slice %arg2[%dma_wait3A_147, %dma_wait3A_148] : memref<16x1000000xf32, #tpu.memory_space<hbm>> -> memref<16x1024xf32, #tpu.memory_space<hbm>>
        %dma_wait3A_150 = arith.constant 0 : i32
        %dma_wait3A_151 = arith.constant 0 : i32
        %dma_wait3A_152 = tpu.memref_slice %arg2[%dma_wait3A_150, %dma_wait3A_151] : memref<16x1000000xf32, #tpu.memory_space<hbm>> -> memref<16x1024xf32, #tpu.memory_space<hbm>>
        tpu.wait_dma2 semaphore(%arg10 : memref<!tpu.dma_semaphore, #tpu.memory_space<semaphore_mem>>) src(%dma_wait3A_152 : memref<16x1024xf32, #tpu.memory_space<hbm>>) dst(%arg5 : memref<16x1024xf32, #tpu.memory_space<vmem>>)
        %ge3A = arith.constant 1 : i32
        %ge3A_153 = arith.cmpi sge, %scan3A_122, %ge3A : i32
        %convert_element_type3A_154 = arith.extui %ge3A_153 : i1 to i32
        %cond3A_155 = arith.constant 0 : i32
        %cond3A_156 = arith.cmpi ne, %convert_element_type3A_154, %cond3A_155 : i32
        scf.if %cond3A_156 {
          %dma_wait3A_175 = arith.constant 0 : i32
          %dma_wait3A_176 = tpu.memref_slice %arg4[%dma_wait3A_175] : memref<16000000xf32, #tpu.memory_space<hbm>> -> memref<16384xf32, #tpu.memory_space<hbm>>
          %dma_wait3A_177 = arith.constant 0 : i32
          %dma_wait3A_178 = tpu.memref_slice %arg4[%dma_wait3A_177] : memref<16000000xf32, #tpu.memory_space<hbm>> -> memref<16384xf32, #tpu.memory_space<hbm>>
          tpu.wait_dma2 semaphore(%arg12 : memref<!tpu.dma_semaphore, #tpu.memory_space<semaphore_mem>>) src(%arg8 : memref<16384xf32, #tpu.memory_space<vmem>>) dst(%dma_wait3A_178 : memref<16384xf32, #tpu.memory_space<hbm>>)
        } else {
        }
        %scan3A_157 = arith.constant 0 : i32
        %scan3A_158 = arith.constant 0 : i32
        %scan3A_159 = arith.constant 64 : i32
        %scan3A_160 = arith.addi %scan3A_158, %scan3A_159 : i32
        %scan3A_161 = arith.constant 1 : i32
        scf.for %scan3A_175 = %scan3A_158 to %scan3A_160 step %scan3A_161  : i32 {
          %mul3A_176 = arith.constant 16 : i32
          %mul3A_177 = arith.muli %scan3A_175, %mul3A_176 : i32
          %get3A = arith.constant 0 : i32
          %get3A_178 = arith.index_cast %get3A : i32 to index
          %get3A_179 = arith.index_cast %mul3A_177 : i32 to index
          %get3A_180 = tpu.vector_load %arg5[%get3A_178, %get3A_179] {strides = array<i32>} : memref<16x1024xf32, #tpu.memory_space<vmem>>, vector<16xf32>,
          %mul3A_181 = arith.constant 256 : i32
          %mul3A_182 = arith.muli %scan3A_175, %mul3A_181 : i32
          %add3A_183 = vector.broadcast %mul3A_182 : i32 to vector<16xi32>
          %add3A_184 = arith.addi %add3A_6, %add3A_183 : vector<16xi32>
          tpu.vector_store_idx %arg8[%add3A_184], %get3A_180 : memref<16384xf32, #tpu.memory_space<vmem>>[vector<16xi32>], vector<16xf32>,
          %mul3A_185 = arith.constant 16 : i32
          %mul3A_186 = arith.muli %scan3A_175, %mul3A_185 : i32
          %get3A_187 = arith.constant 1 : i32
          %get3A_188 = arith.index_cast %get3A_187 : i32 to index
          %get3A_189 = arith.index_cast %mul3A_186 : i32 to index
          %get3A_190 = tpu.vector_load %arg5[%get3A_188, %get3A_189] {strides = array<i32>} : memref<16x1024xf32, #tpu.memory_space<vmem>>, vector<16xf32>,
          %mul3A_191 = arith.constant 256 : i32
          %mul3A_192 = arith.muli %scan3A_175, %mul3A_191 : i32
          %add3A_193 = vector.broadcast %mul3A_192 : i32 to vector<16xi32>
          %add3A_194 = arith.addi %add3A_12, %add3A_193 : vector<16xi32>
          tpu.vector_store_idx %arg8[%add3A_194], %get3A_190 : memref<16384xf32, #tpu.memory_space<vmem>>[vector<16xi32>], vector<16xf32>,
          %mul3A_195 = arith.constant 16 : i32
          %mul3A_196 = arith.muli %scan3A_175, %mul3A_195 : i32
          %get3A_197 = arith.constant 2 : i32
          %get3A_198 = arith.index_cast %get3A_197 : i32 to index
          %get3A_199 = arith.index_cast %mul3A_196 : i32 to index
          %get3A_200 = tpu.vector_load %arg5[%get3A_198, %get3A_199] {strides = array<i32>} : memref<16x1024xf32, #tpu.memory_space<vmem>>, vector<16xf32>,
          %mul3A_201 = arith.constant 256 : i32
          %mul3A_202 = arith.muli %scan3A_175, %mul3A_201 : i32
          %add3A_203 = vector.broadcast %mul3A_202 : i32 to vector<16xi32>
          %add3A_204 = arith.addi %add3A_18, %add3A_203 : vector<16xi32>
          tpu.vector_store_idx %arg8[%add3A_204], %get3A_200 : memref<16384xf32, #tpu.memory_space<vmem>>[vector<16xi32>], vector<16xf32>,
          %mul3A_205 = arith.constant 16 : i32
          %mul3A_206 = arith.muli %scan3A_175, %mul3A_205 : i32
          %get3A_207 = arith.constant 3 : i32
          %get3A_208 = arith.index_cast %get3A_207 : i32 to index
          %get3A_209 = arith.index_cast %mul3A_206 : i32 to index
          %get3A_210 = tpu.vector_load %arg5[%get3A_208, %get3A_209] {strides = array<i32>} : memref<16x1024xf32, #tpu.memory_space<vmem>>, vector<16xf32>,
          %mul3A_211 = arith.constant 256 : i32
          %mul3A_212 = arith.muli %scan3A_175, %mul3A_211 : i32
          %add3A_213 = vector.broadcast %mul3A_212 : i32 to vector<16xi32>
          %add3A_214 = arith.addi %add3A_24, %add3A_213 : vector<16xi32>
          tpu.vector_store_idx %arg8[%add3A_214], %get3A_210 : memref<16384xf32, #tpu.memory_space<vmem>>[vector<16xi32>], vector<16xf32>,
          %mul3A_215 = arith.constant 16 : i32
          %mul3A_216 = arith.muli %scan3A_175, %mul3A_215 : i32
          %get3A_217 = arith.constant 4 : i32
          %get3A_218 = arith.index_cast %get3A_217 : i32 to index
          %get3A_219 = arith.index_cast %mul3A_216 : i32 to index
          %get3A_220 = tpu.vector_load %arg5[%get3A_218, %get3A_219] {strides = array<i32>} : memref<16x1024xf32, #tpu.memory_space<vmem>>, vector<16xf32>,
          %mul3A_221 = arith.constant 256 : i32
          %mul3A_222 = arith.muli %scan3A_175, %mul3A_221 : i32
          %add3A_223 = vector.broadcast %mul3A_222 : i32 to vector<16xi32>
          %add3A_224 = arith.addi %add3A_30, %add3A_223 : vector<16xi32>
          tpu.vector_store_idx %arg8[%add3A_224], %get3A_220 : memref<16384xf32, #tpu.memory_space<vmem>>[vector<16xi32>], vector<16xf32>,
          %mul3A_225 = arith.constant 16 : i32
          %mul3A_226 = arith.muli %scan3A_175, %mul3A_225 : i32
          %get3A_227 = arith.constant 5 : i32
          %get3A_228 = arith.index_cast %get3A_227 : i32 to index
          %get3A_229 = arith.index_cast %mul3A_226 : i32 to index
          %get3A_230 = tpu.vector_load %arg5[%get3A_228, %get3A_229] {strides = array<i32>} : memref<16x1024xf32, #tpu.memory_space<vmem>>, vector<16xf32>,
          %mul3A_231 = arith.constant 256 : i32
          %mul3A_232 = arith.muli %scan3A_175, %mul3A_231 : i32
          %add3A_233 = vector.broadcast %mul3A_232 : i32 to vector<16xi32>
          %add3A_234 = arith.addi %add3A_36, %add3A_233 : vector<16xi32>
          tpu.vector_store_idx %arg8[%add3A_234], %get3A_230 : memref<16384xf32, #tpu.memory_space<vmem>>[vector<16xi32>], vector<16xf32>,
          %mul3A_235 = arith.constant 16 : i32
          %mul3A_236 = arith.muli %scan3A_175, %mul3A_235 : i32
          %get3A_237 = arith.constant 6 : i32
          %get3A_238 = arith.index_cast %get3A_237 : i32 to index
          %get3A_239 = arith.index_cast %mul3A_236 : i32 to index
          %get3A_240 = tpu.vector_load %arg5[%get3A_238, %get3A_239] {strides = array<i32>} : memref<16x1024xf32, #tpu.memory_space<vmem>>, vector<16xf32>,
          %mul3A_241 = arith.constant 256 : i32
          %mul3A_242 = arith.muli %scan3A_175, %mul3A_241 : i32
          %add3A_243 = vector.broadcast %mul3A_242 : i32 to vector<16xi32>
          %add3A_244 = arith.addi %add3A_42, %add3A_243 : vector<16xi32>
          tpu.vector_store_idx %arg8[%add3A_244], %get3A_240 : memref<16384xf32, #tpu.memory_space<vmem>>[vector<16xi32>], vector<16xf32>,
          %mul3A_245 = arith.constant 16 : i32
          %mul3A_246 = arith.muli %scan3A_175, %mul3A_245 : i32
          %get3A_247 = arith.constant 7 : i32
          %get3A_248 = arith.index_cast %get3A_247 : i32 to index
          %get3A_249 = arith.index_cast %mul3A_246 : i32 to index
          %get3A_250 = tpu.vector_load %arg5[%get3A_248, %get3A_249] {strides = array<i32>} : memref<16x1024xf32, #tpu.memory_space<vmem>>, vector<16xf32>,
          %mul3A_251 = arith.constant 256 : i32
          %mul3A_252 = arith.muli %scan3A_175, %mul3A_251 : i32
          %add3A_253 = vector.broadcast %mul3A_252 : i32 to vector<16xi32>
          %add3A_254 = arith.addi %add3A_48, %add3A_253 : vector<16xi32>
          tpu.vector_store_idx %arg8[%add3A_254], %get3A_250 : memref<16384xf32, #tpu.memory_space<vmem>>[vector<16xi32>], vector<16xf32>,
          %mul3A_255 = arith.constant 16 : i32
          %mul3A_256 = arith.muli %scan3A_175, %mul3A_255 : i32
          %get3A_257 = arith.constant 8 : i32
          %get3A_258 = arith.index_cast %get3A_257 : i32 to index
          %get3A_259 = arith.index_cast %mul3A_256 : i32 to index
          %get3A_260 = tpu.vector_load %arg5[%get3A_258, %get3A_259] {strides = array<i32>} : memref<16x1024xf32, #tpu.memory_space<vmem>>, vector<16xf32>,
          %mul3A_261 = arith.constant 256 : i32
          %mul3A_262 = arith.muli %scan3A_175, %mul3A_261 : i32
          %add3A_263 = vector.broadcast %mul3A_262 : i32 to vector<16xi32>
          %add3A_264 = arith.addi %add3A_54, %add3A_263 : vector<16xi32>
          tpu.vector_store_idx %arg8[%add3A_264], %get3A_260 : memref<16384xf32, #tpu.memory_space<vmem>>[vector<16xi32>], vector<16xf32>,
          %mul3A_265 = arith.constant 16 : i32
          %mul3A_266 = arith.muli %scan3A_175, %mul3A_265 : i32
          %get3A_267 = arith.constant 9 : i32
          %get3A_268 = arith.index_cast %get3A_267 : i32 to index
          %get3A_269 = arith.index_cast %mul3A_266 : i32 to index
          %get3A_270 = tpu.vector_load %arg5[%get3A_268, %get3A_269] {strides = array<i32>} : memref<16x1024xf32, #tpu.memory_space<vmem>>, vector<16xf32>,
          %mul3A_271 = arith.constant 256 : i32
          %mul3A_272 = arith.muli %scan3A_175, %mul3A_271 : i32
          %add3A_273 = vector.broadcast %mul3A_272 : i32 to vector<16xi32>
          %add3A_274 = arith.addi %add3A_60, %add3A_273 : vector<16xi32>
          tpu.vector_store_idx %arg8[%add3A_274], %get3A_270 : memref<16384xf32, #tpu.memory_space<vmem>>[vector<16xi32>], vector<16xf32>,
          %mul3A_275 = arith.constant 16 : i32
          %mul3A_276 = arith.muli %scan3A_175, %mul3A_275 : i32
          %get3A_277 = arith.constant 10 : i32
          %get3A_278 = arith.index_cast %get3A_277 : i32 to index
          %get3A_279 = arith.index_cast %mul3A_276 : i32 to index
          %get3A_280 = tpu.vector_load %arg5[%get3A_278, %get3A_279] {strides = array<i32>} : memref<16x1024xf32, #tpu.memory_space<vmem>>, vector<16xf32>,
          %mul3A_281 = arith.constant 256 : i32
          %mul3A_282 = arith.muli %scan3A_175, %mul3A_281 : i32
          %add3A_283 = vector.broadcast %mul3A_282 : i32 to vector<16xi32>
          %add3A_284 = arith.addi %add3A_66, %add3A_283 : vector<16xi32>
          tpu.vector_store_idx %arg8[%add3A_284], %get3A_280 : memref<16384xf32, #tpu.memory_space<vmem>>[vector<16xi32>], vector<16xf32>,
          %mul3A_285 = arith.constant 16 : i32
          %mul3A_286 = arith.muli %scan3A_175, %mul3A_285 : i32
          %get3A_287 = arith.constant 11 : i32
          %get3A_288 = arith.index_cast %get3A_287 : i32 to index
          %get3A_289 = arith.index_cast %mul3A_286 : i32 to index
          %get3A_290 = tpu.vector_load %arg5[%get3A_288, %get3A_289] {strides = array<i32>} : memref<16x1024xf32, #tpu.memory_space<vmem>>, vector<16xf32>,
          %mul3A_291 = arith.constant 256 : i32
          %mul3A_292 = arith.muli %scan3A_175, %mul3A_291 : i32
          %add3A_293 = vector.broadcast %mul3A_292 : i32 to vector<16xi32>
          %add3A_294 = arith.addi %add3A_72, %add3A_293 : vector<16xi32>
          tpu.vector_store_idx %arg8[%add3A_294], %get3A_290 : memref<16384xf32, #tpu.memory_space<vmem>>[vector<16xi32>], vector<16xf32>,
          %mul3A_295 = arith.constant 16 : i32
          %mul3A_296 = arith.muli %scan3A_175, %mul3A_295 : i32
          %get3A_297 = arith.constant 12 : i32
          %get3A_298 = arith.index_cast %get3A_297 : i32 to index
          %get3A_299 = arith.index_cast %mul3A_296 : i32 to index
          %get3A_300 = tpu.vector_load %arg5[%get3A_298, %get3A_299] {strides = array<i32>} : memref<16x1024xf32, #tpu.memory_space<vmem>>, vector<16xf32>,
          %mul3A_301 = arith.constant 256 : i32
          %mul3A_302 = arith.muli %scan3A_175, %mul3A_301 : i32
          %add3A_303 = vector.broadcast %mul3A_302 : i32 to vector<16xi32>
          %add3A_304 = arith.addi %add3A_78, %add3A_303 : vector<16xi32>
          tpu.vector_store_idx %arg8[%add3A_304], %get3A_300 : memref<16384xf32, #tpu.memory_space<vmem>>[vector<16xi32>], vector<16xf32>,
          %mul3A_305 = arith.constant 16 : i32
          %mul3A_306 = arith.muli %scan3A_175, %mul3A_305 : i32
          %get3A_307 = arith.constant 13 : i32
          %get3A_308 = arith.index_cast %get3A_307 : i32 to index
          %get3A_309 = arith.index_cast %mul3A_306 : i32 to index
          %get3A_310 = tpu.vector_load %arg5[%get3A_308, %get3A_309] {strides = array<i32>} : memref<16x1024xf32, #tpu.memory_space<vmem>>, vector<16xf32>,
          %mul3A_311 = arith.constant 256 : i32
          %mul3A_312 = arith.muli %scan3A_175, %mul3A_311 : i32
          %add3A_313 = vector.broadcast %mul3A_312 : i32 to vector<16xi32>
          %add3A_314 = arith.addi %add3A_84, %add3A_313 : vector<16xi32>
          tpu.vector_store_idx %arg8[%add3A_314], %get3A_310 : memref<16384xf32, #tpu.memory_space<vmem>>[vector<16xi32>], vector<16xf32>,
          %mul3A_315 = arith.constant 16 : i32
          %mul3A_316 = arith.muli %scan3A_175, %mul3A_315 : i32
          %get3A_317 = arith.constant 14 : i32
          %get3A_318 = arith.index_cast %get3A_317 : i32 to index
          %get3A_319 = arith.index_cast %mul3A_316 : i32 to index
          %get3A_320 = tpu.vector_load %arg5[%get3A_318, %get3A_319] {strides = array<i32>} : memref<16x1024xf32, #tpu.memory_space<vmem>>, vector<16xf32>,
          %mul3A_321 = arith.constant 256 : i32
          %mul3A_322 = arith.muli %scan3A_175, %mul3A_321 : i32
          %add3A_323 = vector.broadcast %mul3A_322 : i32 to vector<16xi32>
          %add3A_324 = arith.addi %add3A_90, %add3A_323 : vector<16xi32>
          tpu.vector_store_idx %arg8[%add3A_324], %get3A_320 : memref<16384xf32, #tpu.memory_space<vmem>>[vector<16xi32>], vector<16xf32>,
          %mul3A_325 = arith.constant 16 : i32
          %mul3A_326 = arith.muli %scan3A_175, %mul3A_325 : i32
          %get3A_327 = arith.constant 15 : i32
          %get3A_328 = arith.index_cast %get3A_327 : i32 to index
          %get3A_329 = arith.index_cast %mul3A_326 : i32 to index
          %get3A_330 = tpu.vector_load %arg5[%get3A_328, %get3A_329] {strides = array<i32>} : memref<16x1024xf32, #tpu.memory_space<vmem>>, vector<16xf32>,
          %mul3A_331 = arith.constant 256 : i32
          %mul3A_332 = arith.muli %scan3A_175, %mul3A_331 : i32
          %add3A_333 = vector.broadcast %mul3A_332 : i32 to vector<16xi32>
          %add3A_334 = arith.addi %add3A_96, %add3A_333 : vector<16xi32>
          tpu.vector_store_idx %arg8[%add3A_334], %get3A_330 : memref<16384xf32, #tpu.memory_space<vmem>>[vector<16xi32>], vector<16xf32>,
        }
        %scan3A_162 = arith.constant 64 : i32
        %mul3A_163 = arith.constant 1024 : i32
        %mul3A_164 = arith.muli %add3A_129, %mul3A_163 : i32
        %mul3A_165 = arith.constant 16 : i32
        %mul3A_166 = arith.muli %mul3A_164, %mul3A_165 : i32
        %dma_start3A = tpu.memref_slice %arg4[%mul3A_166] : memref<16000000xf32, #tpu.memory_space<hbm>> -> memref<16384xf32, #tpu.memory_space<hbm>>
        %dma_start3A_167 = tpu.memref_slice %arg4[%mul3A_166] : memref<16000000xf32, #tpu.memory_space<hbm>> -> memref<16384xf32, #tpu.memory_space<hbm>>
        tpu.enqueue_dma source(%arg8 : memref<16384xf32, #tpu.memory_space<vmem>>) target(%dma_start3A_167 : memref<16384xf32, #tpu.memory_space<hbm>>) target_semaphore(%arg12 : memref<!tpu.dma_semaphore, #tpu.memory_space<semaphore_mem>>)
        %add3A_168 = arith.constant 64 : i32
        %add3A_169 = arith.addi %add3A_129, %add3A_168 : i32
        %lt3A_170 = arith.constant 976 : i32
        %lt3A_171 = arith.cmpi slt, %add3A_169, %lt3A_170 : i32
        %convert_element_type3A_172 = arith.extui %lt3A_171 : i1 to i32
        %cond3A_173 = arith.constant 0 : i32
        %cond3A_174 = arith.cmpi ne, %convert_element_type3A_172, %cond3A_173 : i32
        scf.if %cond3A_174 {
          %mul3A_175 = arith.constant 1024 : i32
          %mul3A_176 = arith.muli %add3A_169, %mul3A_175 : i32
          %dma_start3A_177 = arith.constant 0 : i32
          %dma_start3A_178 = tpu.memref_slice %arg2[%dma_start3A_177, %mul3A_176] : memref<16x1000000xf32, #tpu.memory_space<hbm>> -> memref<16x1024xf32, #tpu.memory_space<hbm>>
          %dma_start3A_179 = arith.constant 0 : i32
          %dma_start3A_180 = tpu.memref_slice %arg2[%dma_start3A_179, %mul3A_176] : memref<16x1000000xf32, #tpu.memory_space<hbm>> -> memref<16x1024xf32, #tpu.memory_space<hbm>>
          tpu.enqueue_dma source(%dma_start3A_180 : memref<16x1024xf32, #tpu.memory_space<hbm>>) target(%arg5 : memref<16x1024xf32, #tpu.memory_space<vmem>>) target_semaphore(%arg10 : memref<!tpu.dma_semaphore, #tpu.memory_space<semaphore_mem>>)
        } else {
        }
      } else {
      }
      %mul3A_135 = arith.constant 2 : i32
      %mul3A_136 = arith.muli %mul3A_135, %scan3A_122 : i32
      %add3A_137 = arith.constant 1 : i32
      %add3A_138 = arith.addi %mul3A_136, %add3A_137 : i32
      %mul3A_139 = arith.constant 32 : i32
      %mul3A_140 = arith.muli %mul3A_139, %add3A_138 : i32
      %add3A_141 = arith.addi %add3A, %mul3A_140 : i32
      %lt3A_142 = arith.constant 976 : i32
      %lt3A_143 = arith.cmpi slt, %add3A_141, %lt3A_142 : i32
      %convert_element_type3A_144 = arith.extui %lt3A_143 : i1 to i32
      %cond3A_145 = arith.constant 0 : i32
      %cond3A_146 = arith.cmpi ne, %convert_element_type3A_144, %cond3A_145 : i32
      scf.if %cond3A_146 {
        %dma_wait3A_147 = arith.constant 0 : i32
        %dma_wait3A_148 = arith.constant 0 : i32
        %dma_wait3A_149 = tpu.memref_slice %arg2[%dma_wait3A_147, %dma_wait3A_148] : memref<16x1000000xf32, #tpu.memory_space<hbm>> -> memref<16x1024xf32, #tpu.memory_space<hbm>>
        %dma_wait3A_150 = arith.constant 0 : i32
        %dma_wait3A_151 = arith.constant 0 : i32
        %dma_wait3A_152 = tpu.memref_slice %arg2[%dma_wait3A_150, %dma_wait3A_151] : memref<16x1000000xf32, #tpu.memory_space<hbm>> -> memref<16x1024xf32, #tpu.memory_space<hbm>>
        tpu.wait_dma2 semaphore(%arg11 : memref<!tpu.dma_semaphore, #tpu.memory_space<semaphore_mem>>) src(%dma_wait3A_152 : memref<16x1024xf32, #tpu.memory_space<hbm>>) dst(%arg6 : memref<16x1024xf32, #tpu.memory_space<vmem>>)
        %ge3A = arith.constant 1 : i32
        %ge3A_153 = arith.cmpi sge, %scan3A_122, %ge3A : i32
        %convert_element_type3A_154 = arith.extui %ge3A_153 : i1 to i32
        %cond3A_155 = arith.constant 0 : i32
        %cond3A_156 = arith.cmpi ne, %convert_element_type3A_154, %cond3A_155 : i32
        scf.if %cond3A_156 {
          %dma_wait3A_175 = arith.constant 0 : i32
          %dma_wait3A_176 = tpu.memref_slice %arg4[%dma_wait3A_175] : memref<16000000xf32, #tpu.memory_space<hbm>> -> memref<16384xf32, #tpu.memory_space<hbm>>
          %dma_wait3A_177 = arith.constant 0 : i32
          %dma_wait3A_178 = tpu.memref_slice %arg4[%dma_wait3A_177] : memref<16000000xf32, #tpu.memory_space<hbm>> -> memref<16384xf32, #tpu.memory_space<hbm>>
          tpu.wait_dma2 semaphore(%arg13 : memref<!tpu.dma_semaphore, #tpu.memory_space<semaphore_mem>>) src(%arg9 : memref<16384xf32, #tpu.memory_space<vmem>>) dst(%dma_wait3A_178 : memref<16384xf32, #tpu.memory_space<hbm>>)
        } else {
        }
        %scan3A_157 = arith.constant 0 : i32
        %scan3A_158 = arith.constant 0 : i32
        %scan3A_159 = arith.constant 64 : i32
        %scan3A_160 = arith.addi %scan3A_158, %scan3A_159 : i32
        %scan3A_161 = arith.constant 1 : i32
        scf.for %scan3A_175 = %scan3A_158 to %scan3A_160 step %scan3A_161  : i32 {
          %mul3A_176 = arith.constant 16 : i32
          %mul3A_177 = arith.muli %scan3A_175, %mul3A_176 : i32
          %get3A = arith.constant 0 : i32
          %get3A_178 = arith.index_cast %get3A : i32 to index
          %get3A_179 = arith.index_cast %mul3A_177 : i32 to index
          %get3A_180 = tpu.vector_load %arg6[%get3A_178, %get3A_179] {strides = array<i32>} : memref<16x1024xf32, #tpu.memory_space<vmem>>, vector<16xf32>,
          %mul3A_181 = arith.constant 256 : i32
          %mul3A_182 = arith.muli %scan3A_175, %mul3A_181 : i32
          %add3A_183 = vector.broadcast %mul3A_182 : i32 to vector<16xi32>
          %add3A_184 = arith.addi %add3A_6, %add3A_183 : vector<16xi32>
          tpu.vector_store_idx %arg9[%add3A_184], %get3A_180 : memref<16384xf32, #tpu.memory_space<vmem>>[vector<16xi32>], vector<16xf32>,
          %mul3A_185 = arith.constant 16 : i32
          %mul3A_186 = arith.muli %scan3A_175, %mul3A_185 : i32
          %get3A_187 = arith.constant 1 : i32
          %get3A_188 = arith.index_cast %get3A_187 : i32 to index
          %get3A_189 = arith.index_cast %mul3A_186 : i32 to index
          %get3A_190 = tpu.vector_load %arg6[%get3A_188, %get3A_189] {strides = array<i32>} : memref<16x1024xf32, #tpu.memory_space<vmem>>, vector<16xf32>,
          %mul3A_191 = arith.constant 256 : i32
          %mul3A_192 = arith.muli %scan3A_175, %mul3A_191 : i32
          %add3A_193 = vector.broadcast %mul3A_192 : i32 to vector<16xi32>
          %add3A_194 = arith.addi %add3A_12, %add3A_193 : vector<16xi32>
          tpu.vector_store_idx %arg9[%add3A_194], %get3A_190 : memref<16384xf32, #tpu.memory_space<vmem>>[vector<16xi32>], vector<16xf32>,
          %mul3A_195 = arith.constant 16 : i32
          %mul3A_196 = arith.muli %scan3A_175, %mul3A_195 : i32
          %get3A_197 = arith.constant 2 : i32
          %get3A_198 = arith.index_cast %get3A_197 : i32 to index
          %get3A_199 = arith.index_cast %mul3A_196 : i32 to index
          %get3A_200 = tpu.vector_load %arg6[%get3A_198, %get3A_199] {strides = array<i32>} : memref<16x1024xf32, #tpu.memory_space<vmem>>, vector<16xf32>,
          %mul3A_201 = arith.constant 256 : i32
          %mul3A_202 = arith.muli %scan3A_175, %mul3A_201 : i32
          %add3A_203 = vector.broadcast %mul3A_202 : i32 to vector<16xi32>
          %add3A_204 = arith.addi %add3A_18, %add3A_203 : vector<16xi32>
          tpu.vector_store_idx %arg9[%add3A_204], %get3A_200 : memref<16384xf32, #tpu.memory_space<vmem>>[vector<16xi32>], vector<16xf32>,
          %mul3A_205 = arith.constant 16 : i32
          %mul3A_206 = arith.muli %scan3A_175, %mul3A_205 : i32
          %get3A_207 = arith.constant 3 : i32
          %get3A_208 = arith.index_cast %get3A_207 : i32 to index
          %get3A_209 = arith.index_cast %mul3A_206 : i32 to index
          %get3A_210 = tpu.vector_load %arg6[%get3A_208, %get3A_209] {strides = array<i32>} : memref<16x1024xf32, #tpu.memory_space<vmem>>, vector<16xf32>,
          %mul3A_211 = arith.constant 256 : i32
          %mul3A_212 = arith.muli %scan3A_175, %mul3A_211 : i32
          %add3A_213 = vector.broadcast %mul3A_212 : i32 to vector<16xi32>
          %add3A_214 = arith.addi %add3A_24, %add3A_213 : vector<16xi32>
          tpu.vector_store_idx %arg9[%add3A_214], %get3A_210 : memref<16384xf32, #tpu.memory_space<vmem>>[vector<16xi32>], vector<16xf32>,
          %mul3A_215 = arith.constant 16 : i32
          %mul3A_216 = arith.muli %scan3A_175, %mul3A_215 : i32
          %get3A_217 = arith.constant 4 : i32
          %get3A_218 = arith.index_cast %get3A_217 : i32 to index
          %get3A_219 = arith.index_cast %mul3A_216 : i32 to index
          %get3A_220 = tpu.vector_load %arg6[%get3A_218, %get3A_219] {strides = array<i32>} : memref<16x1024xf32, #tpu.memory_space<vmem>>, vector<16xf32>,
          %mul3A_221 = arith.constant 256 : i32
          %mul3A_222 = arith.muli %scan3A_175, %mul3A_221 : i32
          %add3A_223 = vector.broadcast %mul3A_222 : i32 to vector<16xi32>
          %add3A_224 = arith.addi %add3A_30, %add3A_223 : vector<16xi32>
          tpu.vector_store_idx %arg9[%add3A_224], %get3A_220 : memref<16384xf32, #tpu.memory_space<vmem>>[vector<16xi32>], vector<16xf32>,
          %mul3A_225 = arith.constant 16 : i32
          %mul3A_226 = arith.muli %scan3A_175, %mul3A_225 : i32
          %get3A_227 = arith.constant 5 : i32
          %get3A_228 = arith.index_cast %get3A_227 : i32 to index
          %get3A_229 = arith.index_cast %mul3A_226 : i32 to index
          %get3A_230 = tpu.vector_load %arg6[%get3A_228, %get3A_229] {strides = array<i32>} : memref<16x1024xf32, #tpu.memory_space<vmem>>, vector<16xf32>,
          %mul3A_231 = arith.constant 256 : i32
          %mul3A_232 = arith.muli %scan3A_175, %mul3A_231 : i32
          %add3A_233 = vector.broadcast %mul3A_232 : i32 to vector<16xi32>
          %add3A_234 = arith.addi %add3A_36, %add3A_233 : vector<16xi32>
          tpu.vector_store_idx %arg9[%add3A_234], %get3A_230 : memref<16384xf32, #tpu.memory_space<vmem>>[vector<16xi32>], vector<16xf32>,
          %mul3A_235 = arith.constant 16 : i32
          %mul3A_236 = arith.muli %scan3A_175, %mul3A_235 : i32
          %get3A_237 = arith.constant 6 : i32
          %get3A_238 = arith.index_cast %get3A_237 : i32 to index
          %get3A_239 = arith.index_cast %mul3A_236 : i32 to index
          %get3A_240 = tpu.vector_load %arg6[%get3A_238, %get3A_239] {strides = array<i32>} : memref<16x1024xf32, #tpu.memory_space<vmem>>, vector<16xf32>,
          %mul3A_241 = arith.constant 256 : i32
          %mul3A_242 = arith.muli %scan3A_175, %mul3A_241 : i32
          %add3A_243 = vector.broadcast %mul3A_242 : i32 to vector<16xi32>
          %add3A_244 = arith.addi %add3A_42, %add3A_243 : vector<16xi32>
          tpu.vector_store_idx %arg9[%add3A_244], %get3A_240 : memref<16384xf32, #tpu.memory_space<vmem>>[vector<16xi32>], vector<16xf32>,
          %mul3A_245 = arith.constant 16 : i32
          %mul3A_246 = arith.muli %scan3A_175, %mul3A_245 : i32
          %get3A_247 = arith.constant 7 : i32
          %get3A_248 = arith.index_cast %get3A_247 : i32 to index
          %get3A_249 = arith.index_cast %mul3A_246 : i32 to index
          %get3A_250 = tpu.vector_load %arg6[%get3A_248, %get3A_249] {strides = array<i32>} : memref<16x1024xf32, #tpu.memory_space<vmem>>, vector<16xf32>,
          %mul3A_251 = arith.constant 256 : i32
          %mul3A_252 = arith.muli %scan3A_175, %mul3A_251 : i32
          %add3A_253 = vector.broadcast %mul3A_252 : i32 to vector<16xi32>
          %add3A_254 = arith.addi %add3A_48, %add3A_253 : vector<16xi32>
          tpu.vector_store_idx %arg9[%add3A_254], %get3A_250 : memref<16384xf32, #tpu.memory_space<vmem>>[vector<16xi32>], vector<16xf32>,
          %mul3A_255 = arith.constant 16 : i32
          %mul3A_256 = arith.muli %scan3A_175, %mul3A_255 : i32
          %get3A_257 = arith.constant 8 : i32
          %get3A_258 = arith.index_cast %get3A_257 : i32 to index
          %get3A_259 = arith.index_cast %mul3A_256 : i32 to index
          %get3A_260 = tpu.vector_load %arg6[%get3A_258, %get3A_259] {strides = array<i32>} : memref<16x1024xf32, #tpu.memory_space<vmem>>, vector<16xf32>,
          %mul3A_261 = arith.constant 256 : i32
          %mul3A_262 = arith.muli %scan3A_175, %mul3A_261 : i32
          %add3A_263 = vector.broadcast %mul3A_262 : i32 to vector<16xi32>
          %add3A_264 = arith.addi %add3A_54, %add3A_263 : vector<16xi32>
          tpu.vector_store_idx %arg9[%add3A_264], %get3A_260 : memref<16384xf32, #tpu.memory_space<vmem>>[vector<16xi32>], vector<16xf32>,
          %mul3A_265 = arith.constant 16 : i32
          %mul3A_266 = arith.muli %scan3A_175, %mul3A_265 : i32
          %get3A_267 = arith.constant 9 : i32
          %get3A_268 = arith.index_cast %get3A_267 : i32 to index
          %get3A_269 = arith.index_cast %mul3A_266 : i32 to index
          %get3A_270 = tpu.vector_load %arg6[%get3A_268, %get3A_269] {strides = array<i32>} : memref<16x1024xf32, #tpu.memory_space<vmem>>, vector<16xf32>,
          %mul3A_271 = arith.constant 256 : i32
          %mul3A_272 = arith.muli %scan3A_175, %mul3A_271 : i32
          %add3A_273 = vector.broadcast %mul3A_272 : i32 to vector<16xi32>
          %add3A_274 = arith.addi %add3A_60, %add3A_273 : vector<16xi32>
          tpu.vector_store_idx %arg9[%add3A_274], %get3A_270 : memref<16384xf32, #tpu.memory_space<vmem>>[vector<16xi32>], vector<16xf32>,
          %mul3A_275 = arith.constant 16 : i32
          %mul3A_276 = arith.muli %scan3A_175, %mul3A_275 : i32
          %get3A_277 = arith.constant 10 : i32
          %get3A_278 = arith.index_cast %get3A_277 : i32 to index
          %get3A_279 = arith.index_cast %mul3A_276 : i32 to index
          %get3A_280 = tpu.vector_load %arg6[%get3A_278, %get3A_279] {strides = array<i32>} : memref<16x1024xf32, #tpu.memory_space<vmem>>, vector<16xf32>,
          %mul3A_281 = arith.constant 256 : i32
          %mul3A_282 = arith.muli %scan3A_175, %mul3A_281 : i32
          %add3A_283 = vector.broadcast %mul3A_282 : i32 to vector<16xi32>
          %add3A_284 = arith.addi %add3A_66, %add3A_283 : vector<16xi32>
          tpu.vector_store_idx %arg9[%add3A_284], %get3A_280 : memref<16384xf32, #tpu.memory_space<vmem>>[vector<16xi32>], vector<16xf32>,
          %mul3A_285 = arith.constant 16 : i32
          %mul3A_286 = arith.muli %scan3A_175, %mul3A_285 : i32
          %get3A_287 = arith.constant 11 : i32
          %get3A_288 = arith.index_cast %get3A_287 : i32 to index
          %get3A_289 = arith.index_cast %mul3A_286 : i32 to index
          %get3A_290 = tpu.vector_load %arg6[%get3A_288, %get3A_289] {strides = array<i32>} : memref<16x1024xf32, #tpu.memory_space<vmem>>, vector<16xf32>,
          %mul3A_291 = arith.constant 256 : i32
          %mul3A_292 = arith.muli %scan3A_175, %mul3A_291 : i32
          %add3A_293 = vector.broadcast %mul3A_292 : i32 to vector<16xi32>
          %add3A_294 = arith.addi %add3A_72, %add3A_293 : vector<16xi32>
          tpu.vector_store_idx %arg9[%add3A_294], %get3A_290 : memref<16384xf32, #tpu.memory_space<vmem>>[vector<16xi32>], vector<16xf32>,
          %mul3A_295 = arith.constant 16 : i32
          %mul3A_296 = arith.muli %scan3A_175, %mul3A_295 : i32
          %get3A_297 = arith.constant 12 : i32
          %get3A_298 = arith.index_cast %get3A_297 : i32 to index
          %get3A_299 = arith.index_cast %mul3A_296 : i32 to index
          %get3A_300 = tpu.vector_load %arg6[%get3A_298, %get3A_299] {strides = array<i32>} : memref<16x1024xf32, #tpu.memory_space<vmem>>, vector<16xf32>,
          %mul3A_301 = arith.constant 256 : i32
          %mul3A_302 = arith.muli %scan3A_175, %mul3A_301 : i32
          %add3A_303 = vector.broadcast %mul3A_302 : i32 to vector<16xi32>
          %add3A_304 = arith.addi %add3A_78, %add3A_303 : vector<16xi32>
          tpu.vector_store_idx %arg9[%add3A_304], %get3A_300 : memref<16384xf32, #tpu.memory_space<vmem>>[vector<16xi32>], vector<16xf32>,
          %mul3A_305 = arith.constant 16 : i32
          %mul3A_306 = arith.muli %scan3A_175, %mul3A_305 : i32
          %get3A_307 = arith.constant 13 : i32
          %get3A_308 = arith.index_cast %get3A_307 : i32 to index
          %get3A_309 = arith.index_cast %mul3A_306 : i32 to index
          %get3A_310 = tpu.vector_load %arg6[%get3A_308, %get3A_309] {strides = array<i32>} : memref<16x1024xf32, #tpu.memory_space<vmem>>, vector<16xf32>,
          %mul3A_311 = arith.constant 256 : i32
          %mul3A_312 = arith.muli %scan3A_175, %mul3A_311 : i32
          %add3A_313 = vector.broadcast %mul3A_312 : i32 to vector<16xi32>
          %add3A_314 = arith.addi %add3A_84, %add3A_313 : vector<16xi32>
          tpu.vector_store_idx %arg9[%add3A_314], %get3A_310 : memref<16384xf32, #tpu.memory_space<vmem>>[vector<16xi32>], vector<16xf32>,
          %mul3A_315 = arith.constant 16 : i32
          %mul3A_316 = arith.muli %scan3A_175, %mul3A_315 : i32
          %get3A_317 = arith.constant 14 : i32
          %get3A_318 = arith.index_cast %get3A_317 : i32 to index
          %get3A_319 = arith.index_cast %mul3A_316 : i32 to index
          %get3A_320 = tpu.vector_load %arg6[%get3A_318, %get3A_319] {strides = array<i32>} : memref<16x1024xf32, #tpu.memory_space<vmem>>, vector<16xf32>,
          %mul3A_321 = arith.constant 256 : i32
          %mul3A_322 = arith.muli %scan3A_175, %mul3A_321 : i32
          %add3A_323 = vector.broadcast %mul3A_322 : i32 to vector<16xi32>
          %add3A_324 = arith.addi %add3A_90, %add3A_323 : vector<16xi32>
          tpu.vector_store_idx %arg9[%add3A_324], %get3A_320 : memref<16384xf32, #tpu.memory_space<vmem>>[vector<16xi32>], vector<16xf32>,
          %mul3A_325 = arith.constant 16 : i32
          %mul3A_326 = arith.muli %scan3A_175, %mul3A_325 : i32
          %get3A_327 = arith.constant 15 : i32
          %get3A_328 = arith.index_cast %get3A_327 : i32 to index
          %get3A_329 = arith.index_cast %mul3A_326 : i32 to index
          %get3A_330 = tpu.vector_load %arg6[%get3A_328, %get3A_329] {strides = array<i32>} : memref<16x1024xf32, #tpu.memory_space<vmem>>, vector<16xf32>,
          %mul3A_331 = arith.constant 256 : i32
          %mul3A_332 = arith.muli %scan3A_175, %mul3A_331 : i32
          %add3A_333 = vector.broadcast %mul3A_332 : i32 to vector<16xi32>
          %add3A_334 = arith.addi %add3A_96, %add3A_333 : vector<16xi32>
          tpu.vector_store_idx %arg9[%add3A_334], %get3A_330 : memref<16384xf32, #tpu.memory_space<vmem>>[vector<16xi32>], vector<16xf32>,
        }
        %scan3A_162 = arith.constant 64 : i32
        %mul3A_163 = arith.constant 1024 : i32
        %mul3A_164 = arith.muli %add3A_141, %mul3A_163 : i32
        %mul3A_165 = arith.constant 16 : i32
        %mul3A_166 = arith.muli %mul3A_164, %mul3A_165 : i32
        %dma_start3A = tpu.memref_slice %arg4[%mul3A_166] : memref<16000000xf32, #tpu.memory_space<hbm>> -> memref<16384xf32, #tpu.memory_space<hbm>>
        %dma_start3A_167 = tpu.memref_slice %arg4[%mul3A_166] : memref<16000000xf32, #tpu.memory_space<hbm>> -> memref<16384xf32, #tpu.memory_space<hbm>>
        tpu.enqueue_dma source(%arg9 : memref<16384xf32, #tpu.memory_space<vmem>>) target(%dma_start3A_167 : memref<16384xf32, #tpu.memory_space<hbm>>) target_semaphore(%arg13 : memref<!tpu.dma_semaphore, #tpu.memory_space<semaphore_mem>>)
        %add3A_168 = arith.constant 64 : i32
        %add3A_169 = arith.addi %add3A_141, %add3A_168 : i32
        %lt3A_170 = arith.constant 976 : i32
        %lt3A_171 = arith.cmpi slt, %add3A_169, %lt3A_170 : i32
        %convert_element_type3A_172 = arith.extui %lt3A_171 : i1 to i32
        %cond3A_173 = arith.constant 0 : i32
        %cond3A_174 = arith.cmpi ne, %convert_element_type3A_172, %cond3A_173 : i32
        scf.if %cond3A_174 {
          %mul3A_175 = arith.constant 1024 : i32
          %mul3A_176 = arith.muli %add3A_169, %mul3A_175 : i32
          %dma_start3A_177 = arith.constant 0 : i32
          %dma_start3A_178 = tpu.memref_slice %arg2[%dma_start3A_177, %mul3A_176] : memref<16x1000000xf32, #tpu.memory_space<hbm>> -> memref<16x1024xf32, #tpu.memory_space<hbm>>
          %dma_start3A_179 = arith.constant 0 : i32
          %dma_start3A_180 = tpu.memref_slice %arg2[%dma_start3A_179, %mul3A_176] : memref<16x1000000xf32, #tpu.memory_space<hbm>> -> memref<16x1024xf32, #tpu.memory_space<hbm>>
          tpu.enqueue_dma source(%dma_start3A_180 : memref<16x1024xf32, #tpu.memory_space<hbm>>) target(%arg6 : memref<16x1024xf32, #tpu.memory_space<vmem>>) target_semaphore(%arg11 : memref<!tpu.dma_semaphore, #tpu.memory_space<semaphore_mem>>)
        } else {
        }
      } else {
      }
    }
    %scan3A_110 = arith.constant 16 : i32
    %dma_wait3A = arith.constant 0 : i32
    %dma_wait3A_111 = tpu.memref_slice %arg4[%dma_wait3A] : memref<16000000xf32, #tpu.memory_space<hbm>> -> memref<16384xf32, #tpu.memory_space<hbm>>
    %dma_wait3A_112 = arith.constant 0 : i32
    %dma_wait3A_113 = tpu.memref_slice %arg4[%dma_wait3A_112] : memref<16000000xf32, #tpu.memory_space<hbm>> -> memref<16384xf32, #tpu.memory_space<hbm>>
    tpu.wait_dma2 semaphore(%arg12 : memref<!tpu.dma_semaphore, #tpu.memory_space<semaphore_mem>>) src(%arg8 : memref<16384xf32, #tpu.memory_space<vmem>>) dst(%dma_wait3A_113 : memref<16384xf32, #tpu.memory_space<hbm>>)
    %dma_wait3A_114 = arith.constant 0 : i32
    %dma_wait3A_115 = tpu.memref_slice %arg4[%dma_wait3A_114] : memref<16000000xf32, #tpu.memory_space<hbm>> -> memref<16384xf32, #tpu.memory_space<hbm>>
    %dma_wait3A_116 = arith.constant 0 : i32
    %dma_wait3A_117 = tpu.memref_slice %arg4[%dma_wait3A_116] : memref<16000000xf32, #tpu.memory_space<hbm>> -> memref<16384xf32, #tpu.memory_space<hbm>>
    tpu.wait_dma2 semaphore(%arg13 : memref<!tpu.dma_semaphore, #tpu.memory_space<semaphore_mem>>) src(%arg9 : memref<16384xf32, #tpu.memory_space<vmem>>) dst(%dma_wait3A_117 : memref<16384xf32, #tpu.memory_space<hbm>>)
    %eq3A = arith.constant 0 : i32
    %eq3A_118 = arith.cmpi eq, %add3A, %eq3A : i32
    %convert_element_type3A_119 = arith.extui %eq3A_118 : i1 to i32
    %cond3A_120 = arith.constant 0 : i32
    %cond3A_121 = arith.cmpi ne, %convert_element_type3A_119, %cond3A_120 : i32
    scf.if %cond3A_121 {
      "tpu.region"() ({
        %run_scoped3A = tpu.sem_alloc : memref<!tpu.dma_semaphore, #tpu.memory_space<semaphore_mem>>
        tpu.enqueue_dma source(%arg3 : memref<16x640xf32, #tpu.memory_space<hbm>>) target(%arg7 : memref<16x640xf32, #tpu.memory_space<vmem>>) target_semaphore(%run_scoped3A : memref<!tpu.dma_semaphore, #tpu.memory_space<semaphore_mem>>)
        tpu.wait_dma2 semaphore(%run_scoped3A : memref<!tpu.dma_semaphore, #tpu.memory_space<semaphore_mem>>) src(%arg3 : memref<16x640xf32, #tpu.memory_space<hbm>>) dst(%arg7 : memref<16x640xf32, #tpu.memory_space<vmem>>)
        tpu.yield
      }) : () -> ()
      %scan3A_122 = arith.constant 0 : i32
      %scan3A_123 = arith.constant 0 : i32
      %scan3A_124 = arith.constant 40 : i32
      %scan3A_125 = arith.addi %scan3A_123, %scan3A_124 : i32
      %scan3A_126 = arith.constant 1 : i32
      scf.for %scan3A_128 = %scan3A_123 to %scan3A_125 step %scan3A_126  : i32 {
        %mul3A_129 = arith.constant 16 : i32
        %mul3A_130 = arith.muli %scan3A_128, %mul3A_129 : i32
        %get3A = arith.constant 0 : i32
        %get3A_131 = arith.index_cast %get3A : i32 to index
        %get3A_132 = arith.index_cast %mul3A_130 : i32 to index
        %get3A_133 = tpu.vector_load %arg7[%get3A_131, %get3A_132] {strides = array<i32>} : memref<16x640xf32, #tpu.memory_space<vmem>>, vector<16xf32>,
        %mul3A_134 = arith.constant 256 : i32
        %mul3A_135 = arith.muli %scan3A_128, %mul3A_134 : i32
        %add3A_136 = vector.broadcast %mul3A_135 : i32 to vector<16xi32>
        %add3A_137 = arith.addi %add3A_6, %add3A_136 : vector<16xi32>
        tpu.vector_store_idx %arg8[%add3A_137], %get3A_133 : memref<16384xf32, #tpu.memory_space<vmem>>[vector<16xi32>], vector<16xf32>,
        %mul3A_138 = arith.constant 16 : i32
        %mul3A_139 = arith.muli %scan3A_128, %mul3A_138 : i32
        %get3A_140 = arith.constant 1 : i32
        %get3A_141 = arith.index_cast %get3A_140 : i32 to index
        %get3A_142 = arith.index_cast %mul3A_139 : i32 to index
        %get3A_143 = tpu.vector_load %arg7[%get3A_141, %get3A_142] {strides = array<i32>} : memref<16x640xf32, #tpu.memory_space<vmem>>, vector<16xf32>,
        %mul3A_144 = arith.constant 256 : i32
        %mul3A_145 = arith.muli %scan3A_128, %mul3A_144 : i32
        %add3A_146 = vector.broadcast %mul3A_145 : i32 to vector<16xi32>
        %add3A_147 = arith.addi %add3A_12, %add3A_146 : vector<16xi32>
        tpu.vector_store_idx %arg8[%add3A_147], %get3A_143 : memref<16384xf32, #tpu.memory_space<vmem>>[vector<16xi32>], vector<16xf32>,
        %mul3A_148 = arith.constant 16 : i32
        %mul3A_149 = arith.muli %scan3A_128, %mul3A_148 : i32
        %get3A_150 = arith.constant 2 : i32
        %get3A_151 = arith.index_cast %get3A_150 : i32 to index
        %get3A_152 = arith.index_cast %mul3A_149 : i32 to index
        %get3A_153 = tpu.vector_load %arg7[%get3A_151, %get3A_152] {strides = array<i32>} : memref<16x640xf32, #tpu.memory_space<vmem>>, vector<16xf32>,
        %mul3A_154 = arith.constant 256 : i32
        %mul3A_155 = arith.muli %scan3A_128, %mul3A_154 : i32
        %add3A_156 = vector.broadcast %mul3A_155 : i32 to vector<16xi32>
        %add3A_157 = arith.addi %add3A_18, %add3A_156 : vector<16xi32>
        tpu.vector_store_idx %arg8[%add3A_157], %get3A_153 : memref<16384xf32, #tpu.memory_space<vmem>>[vector<16xi32>], vector<16xf32>,
        %mul3A_158 = arith.constant 16 : i32
        %mul3A_159 = arith.muli %scan3A_128, %mul3A_158 : i32
        %get3A_160 = arith.constant 3 : i32
        %get3A_161 = arith.index_cast %get3A_160 : i32 to index
        %get3A_162 = arith.index_cast %mul3A_159 : i32 to index
        %get3A_163 = tpu.vector_load %arg7[%get3A_161, %get3A_162] {strides = array<i32>} : memref<16x640xf32, #tpu.memory_space<vmem>>, vector<16xf32>,
        %mul3A_164 = arith.constant 256 : i32
        %mul3A_165 = arith.muli %scan3A_128, %mul3A_164 : i32
        %add3A_166 = vector.broadcast %mul3A_165 : i32 to vector<16xi32>
        %add3A_167 = arith.addi %add3A_24, %add3A_166 : vector<16xi32>
        tpu.vector_store_idx %arg8[%add3A_167], %get3A_163 : memref<16384xf32, #tpu.memory_space<vmem>>[vector<16xi32>], vector<16xf32>,
        %mul3A_168 = arith.constant 16 : i32
        %mul3A_169 = arith.muli %scan3A_128, %mul3A_168 : i32
        %get3A_170 = arith.constant 4 : i32
        %get3A_171 = arith.index_cast %get3A_170 : i32 to index
        %get3A_172 = arith.index_cast %mul3A_169 : i32 to index
        %get3A_173 = tpu.vector_load %arg7[%get3A_171, %get3A_172] {strides = array<i32>} : memref<16x640xf32, #tpu.memory_space<vmem>>, vector<16xf32>,
        %mul3A_174 = arith.constant 256 : i32
        %mul3A_175 = arith.muli %scan3A_128, %mul3A_174 : i32
        %add3A_176 = vector.broadcast %mul3A_175 : i32 to vector<16xi32>
        %add3A_177 = arith.addi %add3A_30, %add3A_176 : vector<16xi32>
        tpu.vector_store_idx %arg8[%add3A_177], %get3A_173 : memref<16384xf32, #tpu.memory_space<vmem>>[vector<16xi32>], vector<16xf32>,
        %mul3A_178 = arith.constant 16 : i32
        %mul3A_179 = arith.muli %scan3A_128, %mul3A_178 : i32
        %get3A_180 = arith.constant 5 : i32
        %get3A_181 = arith.index_cast %get3A_180 : i32 to index
        %get3A_182 = arith.index_cast %mul3A_179 : i32 to index
        %get3A_183 = tpu.vector_load %arg7[%get3A_181, %get3A_182] {strides = array<i32>} : memref<16x640xf32, #tpu.memory_space<vmem>>, vector<16xf32>,
        %mul3A_184 = arith.constant 256 : i32
        %mul3A_185 = arith.muli %scan3A_128, %mul3A_184 : i32
        %add3A_186 = vector.broadcast %mul3A_185 : i32 to vector<16xi32>
        %add3A_187 = arith.addi %add3A_36, %add3A_186 : vector<16xi32>
        tpu.vector_store_idx %arg8[%add3A_187], %get3A_183 : memref<16384xf32, #tpu.memory_space<vmem>>[vector<16xi32>], vector<16xf32>,
        %mul3A_188 = arith.constant 16 : i32
        %mul3A_189 = arith.muli %scan3A_128, %mul3A_188 : i32
        %get3A_190 = arith.constant 6 : i32
        %get3A_191 = arith.index_cast %get3A_190 : i32 to index
        %get3A_192 = arith.index_cast %mul3A_189 : i32 to index
        %get3A_193 = tpu.vector_load %arg7[%get3A_191, %get3A_192] {strides = array<i32>} : memref<16x640xf32, #tpu.memory_space<vmem>>, vector<16xf32>,
        %mul3A_194 = arith.constant 256 : i32
        %mul3A_195 = arith.muli %scan3A_128, %mul3A_194 : i32
        %add3A_196 = vector.broadcast %mul3A_195 : i32 to vector<16xi32>
        %add3A_197 = arith.addi %add3A_42, %add3A_196 : vector<16xi32>
        tpu.vector_store_idx %arg8[%add3A_197], %get3A_193 : memref<16384xf32, #tpu.memory_space<vmem>>[vector<16xi32>], vector<16xf32>,
        %mul3A_198 = arith.constant 16 : i32
        %mul3A_199 = arith.muli %scan3A_128, %mul3A_198 : i32
        %get3A_200 = arith.constant 7 : i32
        %get3A_201 = arith.index_cast %get3A_200 : i32 to index
        %get3A_202 = arith.index_cast %mul3A_199 : i32 to index
        %get3A_203 = tpu.vector_load %arg7[%get3A_201, %get3A_202] {strides = array<i32>} : memref<16x640xf32, #tpu.memory_space<vmem>>, vector<16xf32>,
        %mul3A_204 = arith.constant 256 : i32
        %mul3A_205 = arith.muli %scan3A_128, %mul3A_204 : i32
        %add3A_206 = vector.broadcast %mul3A_205 : i32 to vector<16xi32>
        %add3A_207 = arith.addi %add3A_48, %add3A_206 : vector<16xi32>
        tpu.vector_store_idx %arg8[%add3A_207], %get3A_203 : memref<16384xf32, #tpu.memory_space<vmem>>[vector<16xi32>], vector<16xf32>,
        %mul3A_208 = arith.constant 16 : i32
        %mul3A_209 = arith.muli %scan3A_128, %mul3A_208 : i32
        %get3A_210 = arith.constant 8 : i32
        %get3A_211 = arith.index_cast %get3A_210 : i32 to index
        %get3A_212 = arith.index_cast %mul3A_209 : i32 to index
        %get3A_213 = tpu.vector_load %arg7[%get3A_211, %get3A_212] {strides = array<i32>} : memref<16x640xf32, #tpu.memory_space<vmem>>, vector<16xf32>,
        %mul3A_214 = arith.constant 256 : i32
        %mul3A_215 = arith.muli %scan3A_128, %mul3A_214 : i32
        %add3A_216 = vector.broadcast %mul3A_215 : i32 to vector<16xi32>
        %add3A_217 = arith.addi %add3A_54, %add3A_216 : vector<16xi32>
        tpu.vector_store_idx %arg8[%add3A_217], %get3A_213 : memref<16384xf32, #tpu.memory_space<vmem>>[vector<16xi32>], vector<16xf32>,
        %mul3A_218 = arith.constant 16 : i32
        %mul3A_219 = arith.muli %scan3A_128, %mul3A_218 : i32
        %get3A_220 = arith.constant 9 : i32
        %get3A_221 = arith.index_cast %get3A_220 : i32 to index
        %get3A_222 = arith.index_cast %mul3A_219 : i32 to index
        %get3A_223 = tpu.vector_load %arg7[%get3A_221, %get3A_222] {strides = array<i32>} : memref<16x640xf32, #tpu.memory_space<vmem>>, vector<16xf32>,
        %mul3A_224 = arith.constant 256 : i32
        %mul3A_225 = arith.muli %scan3A_128, %mul3A_224 : i32
        %add3A_226 = vector.broadcast %mul3A_225 : i32 to vector<16xi32>
        %add3A_227 = arith.addi %add3A_60, %add3A_226 : vector<16xi32>
        tpu.vector_store_idx %arg8[%add3A_227], %get3A_223 : memref<16384xf32, #tpu.memory_space<vmem>>[vector<16xi32>], vector<16xf32>,
        %mul3A_228 = arith.constant 16 : i32
        %mul3A_229 = arith.muli %scan3A_128, %mul3A_228 : i32
        %get3A_230 = arith.constant 10 : i32
        %get3A_231 = arith.index_cast %get3A_230 : i32 to index
        %get3A_232 = arith.index_cast %mul3A_229 : i32 to index
        %get3A_233 = tpu.vector_load %arg7[%get3A_231, %get3A_232] {strides = array<i32>} : memref<16x640xf32, #tpu.memory_space<vmem>>, vector<16xf32>,
        %mul3A_234 = arith.constant 256 : i32
        %mul3A_235 = arith.muli %scan3A_128, %mul3A_234 : i32
        %add3A_236 = vector.broadcast %mul3A_235 : i32 to vector<16xi32>
        %add3A_237 = arith.addi %add3A_66, %add3A_236 : vector<16xi32>
        tpu.vector_store_idx %arg8[%add3A_237], %get3A_233 : memref<16384xf32, #tpu.memory_space<vmem>>[vector<16xi32>], vector<16xf32>,
        %mul3A_238 = arith.constant 16 : i32
        %mul3A_239 = arith.muli %scan3A_128, %mul3A_238 : i32
        %get3A_240 = arith.constant 11 : i32
        %get3A_241 = arith.index_cast %get3A_240 : i32 to index
        %get3A_242 = arith.index_cast %mul3A_239 : i32 to index
        %get3A_243 = tpu.vector_load %arg7[%get3A_241, %get3A_242] {strides = array<i32>} : memref<16x640xf32, #tpu.memory_space<vmem>>, vector<16xf32>,
        %mul3A_244 = arith.constant 256 : i32
        %mul3A_245 = arith.muli %scan3A_128, %mul3A_244 : i32
        %add3A_246 = vector.broadcast %mul3A_245 : i32 to vector<16xi32>
        %add3A_247 = arith.addi %add3A_72, %add3A_246 : vector<16xi32>
        tpu.vector_store_idx %arg8[%add3A_247], %get3A_243 : memref<16384xf32, #tpu.memory_space<vmem>>[vector<16xi32>], vector<16xf32>,
        %mul3A_248 = arith.constant 16 : i32
        %mul3A_249 = arith.muli %scan3A_128, %mul3A_248 : i32
        %get3A_250 = arith.constant 12 : i32
        %get3A_251 = arith.index_cast %get3A_250 : i32 to index
        %get3A_252 = arith.index_cast %mul3A_249 : i32 to index
        %get3A_253 = tpu.vector_load %arg7[%get3A_251, %get3A_252] {strides = array<i32>} : memref<16x640xf32, #tpu.memory_space<vmem>>, vector<16xf32>,
        %mul3A_254 = arith.constant 256 : i32
        %mul3A_255 = arith.muli %scan3A_128, %mul3A_254 : i32
        %add3A_256 = vector.broadcast %mul3A_255 : i32 to vector<16xi32>
        %add3A_257 = arith.addi %add3A_78, %add3A_256 : vector<16xi32>
        tpu.vector_store_idx %arg8[%add3A_257], %get3A_253 : memref<16384xf32, #tpu.memory_space<vmem>>[vector<16xi32>], vector<16xf32>,
        %mul3A_258 = arith.constant 16 : i32
        %mul3A_259 = arith.muli %scan3A_128, %mul3A_258 : i32
        %get3A_260 = arith.constant 13 : i32
        %get3A_261 = arith.index_cast %get3A_260 : i32 to index
        %get3A_262 = arith.index_cast %mul3A_259 : i32 to index
        %get3A_263 = tpu.vector_load %arg7[%get3A_261, %get3A_262] {strides = array<i32>} : memref<16x640xf32, #tpu.memory_space<vmem>>, vector<16xf32>,
        %mul3A_264 = arith.constant 256 : i32
        %mul3A_265 = arith.muli %scan3A_128, %mul3A_264 : i32
        %add3A_266 = vector.broadcast %mul3A_265 : i32 to vector<16xi32>
        %add3A_267 = arith.addi %add3A_84, %add3A_266 : vector<16xi32>
        tpu.vector_store_idx %arg8[%add3A_267], %get3A_263 : memref<16384xf32, #tpu.memory_space<vmem>>[vector<16xi32>], vector<16xf32>,
        %mul3A_268 = arith.constant 16 : i32
        %mul3A_269 = arith.muli %scan3A_128, %mul3A_268 : i32
        %get3A_270 = arith.constant 14 : i32
        %get3A_271 = arith.index_cast %get3A_270 : i32 to index
        %get3A_272 = arith.index_cast %mul3A_269 : i32 to index
        %get3A_273 = tpu.vector_load %arg7[%get3A_271, %get3A_272] {strides = array<i32>} : memref<16x640xf32, #tpu.memory_space<vmem>>, vector<16xf32>,
        %mul3A_274 = arith.constant 256 : i32
        %mul3A_275 = arith.muli %scan3A_128, %mul3A_274 : i32
        %add3A_276 = vector.broadcast %mul3A_275 : i32 to vector<16xi32>
        %add3A_277 = arith.addi %add3A_90, %add3A_276 : vector<16xi32>
        tpu.vector_store_idx %arg8[%add3A_277], %get3A_273 : memref<16384xf32, #tpu.memory_space<vmem>>[vector<16xi32>], vector<16xf32>,
        %mul3A_278 = arith.constant 16 : i32
        %mul3A_279 = arith.muli %scan3A_128, %mul3A_278 : i32
        %get3A_280 = arith.constant 15 : i32
        %get3A_281 = arith.index_cast %get3A_280 : i32 to index
        %get3A_282 = arith.index_cast %mul3A_279 : i32 to index
        %get3A_283 = tpu.vector_load %arg7[%get3A_281, %get3A_282] {strides = array<i32>} : memref<16x640xf32, #tpu.memory_space<vmem>>, vector<16xf32>,
        %mul3A_284 = arith.constant 256 : i32
        %mul3A_285 = arith.muli %scan3A_128, %mul3A_284 : i32
        %add3A_286 = vector.broadcast %mul3A_285 : i32 to vector<16xi32>
        %add3A_287 = arith.addi %add3A_96, %add3A_286 : vector<16xi32>
        tpu.vector_store_idx %arg8[%add3A_287], %get3A_283 : memref<16384xf32, #tpu.memory_space<vmem>>[vector<16xi32>], vector<16xf32>,
      }
      %scan3A_127 = arith.constant 40 : i32
      "tpu.region"() ({
        %run_scoped3A = tpu.sem_alloc : memref<!tpu.dma_semaphore, #tpu.memory_space<semaphore_mem>>
        %dma_start3A = arith.constant 0 : i32
        %dma_start3A_128 = tpu.memref_slice %arg8[%dma_start3A] : memref<16384xf32, #tpu.memory_space<vmem>> -> memref<10240xf32, #tpu.memory_space<vmem>>
        %dma_start3A_129 = arith.constant 15989760 : i32
        %dma_start3A_130 = tpu.memref_slice %arg4[%dma_start3A_129] : memref<16000000xf32, #tpu.memory_space<hbm>> -> memref<10240xf32, #tpu.memory_space<hbm>>
        %dma_start3A_131 = arith.constant 15989760 : i32
        %dma_start3A_132 = tpu.memref_slice %arg4[%dma_start3A_131] : memref<16000000xf32, #tpu.memory_space<hbm>> -> memref<10240xf32, #tpu.memory_space<hbm>>
        %dma_start3A_133 = arith.constant 0 : i32
        %dma_start3A_134 = tpu.memref_slice %arg8[%dma_start3A_133] : memref<16384xf32, #tpu.memory_space<vmem>> -> memref<10240xf32, #tpu.memory_space<vmem>>
        tpu.enqueue_dma source(%dma_start3A_134 : memref<10240xf32, #tpu.memory_space<vmem>>) target(%dma_start3A_132 : memref<10240xf32, #tpu.memory_space<hbm>>) target_semaphore(%run_scoped3A : memref<!tpu.dma_semaphore, #tpu.memory_space<semaphore_mem>>)
        %dma_wait3A_135 = arith.constant 0 : i32
        %dma_wait3A_136 = tpu.memref_slice %arg8[%dma_wait3A_135] : memref<16384xf32, #tpu.memory_space<vmem>> -> memref<10240xf32, #tpu.memory_space<vmem>>
        %dma_wait3A_137 = arith.constant 15989760 : i32
        %dma_wait3A_138 = tpu.memref_slice %arg4[%dma_wait3A_137] : memref<16000000xf32, #tpu.memory_space<hbm>> -> memref<10240xf32, #tpu.memory_space<hbm>>
        %dma_wait3A_139 = arith.constant 15989760 : i32
        %dma_wait3A_140 = tpu.memref_slice %arg4[%dma_wait3A_139] : memref<16000000xf32, #tpu.memory_space<hbm>> -> memref<10240xf32, #tpu.memory_space<hbm>>
        %dma_wait3A_141 = arith.constant 0 : i32
        %dma_wait3A_142 = tpu.memref_slice %arg8[%dma_wait3A_141] : memref<16384xf32, #tpu.memory_space<vmem>> -> memref<10240xf32, #tpu.memory_space<vmem>>
        tpu.wait_dma2 semaphore(%run_scoped3A : memref<!tpu.dma_semaphore, #tpu.memory_space<semaphore_mem>>) src(%dma_wait3A_142 : memref<10240xf32, #tpu.memory_space<vmem>>) dst(%dma_wait3A_140 : memref<10240xf32, #tpu.memory_space<hbm>>)
        tpu.yield
      }) : () -> ()
    } else {
    }
    return
  }
}

#map = affine_map<(d0, d1) -> (0)>
#map1 = affine_map<(d0, d1) -> (0, 0)>
module attributes {stable_mosaic.version = 14 : i64} {
  func.func @_sc_body(%arg0: i32, %arg1: i32, %arg2: memref<425984xi32, #tpu.memory_space<hbm>>, %arg3: memref<327680xi32, #tpu.memory_space<hbm>>, %arg4: memref<327680xi32, #tpu.memory_space<hbm>>, %arg5: memref<1000000x16xf32, #tpu.memory_space<hbm>>, %arg6: memref<1000000xf32, #tpu.memory_space<hbm>>, %arg7: memref<212992x16xf32, #tpu.memory_space<hbm>>, %arg8: memref<262144xf32, #tpu.memory_space<hbm>>, %arg9: memref<212992xf32, #tpu.memory_space<hbm>>, %arg10: memref<832xi32, #tpu.memory_space<vmem>>, %arg11: memref<832xi32, #tpu.memory_space<vmem>>, %arg12: memref<640xi32, #tpu.memory_space<vmem>>, %arg13: memref<640xi32, #tpu.memory_space<vmem>>, %arg14: memref<640xi32, #tpu.memory_space<vmem>>, %arg15: memref<640xi32, #tpu.memory_space<vmem>>, %arg16: memref<832x16xf32, #tpu.memory_space<vmem>>, %arg17: memref<832x16xf32, #tpu.memory_space<vmem>>, %arg18: memref<640x16xf32, #tpu.memory_space<vmem>>, %arg19: memref<640x16xf32, #tpu.memory_space<vmem>>, %arg20: memref<640x16xf32, #tpu.memory_space<vmem>>, %arg21: memref<640x16xf32, #tpu.memory_space<vmem>>, %arg22: memref<832xf32, #tpu.memory_space<vmem>>, %arg23: memref<832xf32, #tpu.memory_space<vmem>>, %arg24: memref<1024xf32, #tpu.memory_space<vmem>>, %arg25: memref<1024xf32, #tpu.memory_space<vmem>>, %arg26: memref<!tpu.dma_semaphore, #tpu.memory_space<semaphore_mem>>, %arg27: memref<!tpu.dma_semaphore, #tpu.memory_space<semaphore_mem>>, %arg28: memref<!tpu.dma_semaphore, #tpu.memory_space<semaphore_mem>>, %arg29: memref<!tpu.dma_semaphore, #tpu.memory_space<semaphore_mem>>) attributes {dimension_semantics = [#tpu.dimension_semantics<core_parallel>, #tpu.dimension_semantics<subcore_parallel>], iteration_bounds = array<i64: 2, 16>, scalar_prefetch = 0 : i64, scratch_operands = 20 : i64, tpu.core_type = #tpu.core_type<sc_vector_subcore>, window_params = [{transform_indices = #map}, {transform_indices = #map}, {transform_indices = #map}, {transform_indices = #map1}, {transform_indices = #map}, {transform_indices = #map1}, {transform_indices = #map}, {transform_indices = #map}]} {
    %mul3A = arith.constant 2 : i32
    %mul3A_0 = arith.muli %arg1, %mul3A : i32
    %add3A = arith.addi %mul3A_0, %arg0 : i32
    %mul3A_1 = arith.constant 256 : i32
    %mul3A_2 = arith.muli %add3A, %mul3A_1 : i32
    %add3A_3 = arith.constant 8192 : i32
    %add3A_4 = arith.addi %add3A_3, %mul3A_2 : i32
    %add3A_5 = arith.constant 0 : i32
    %add3A_6 = arith.addi %add3A_4, %add3A_5 : i32
    %mul3A_7 = arith.constant 26 : i32
    %mul3A_8 = arith.muli %add3A_6, %mul3A_7 : i32
    "tpu.region"() ({
      %run_scoped3A = tpu.sem_alloc : memref<!tpu.dma_semaphore, #tpu.memory_space<semaphore_mem>>
      %dma_start3A_51 = tpu.memref_slice %arg2[%mul3A_8] : memref<425984xi32, #tpu.memory_space<hbm>> -> memref<832xi32, #tpu.memory_space<hbm>>
      %dma_start3A_52 = tpu.memref_slice %arg2[%mul3A_8] : memref<425984xi32, #tpu.memory_space<hbm>> -> memref<832xi32, #tpu.memory_space<hbm>>
      tpu.enqueue_dma source(%dma_start3A_52 : memref<832xi32, #tpu.memory_space<hbm>>) target(%arg10 : memref<832xi32, #tpu.memory_space<vmem>>) target_semaphore(%run_scoped3A : memref<!tpu.dma_semaphore, #tpu.memory_space<semaphore_mem>>)
      %dma_wait3A = tpu.memref_slice %arg2[%mul3A_8] : memref<425984xi32, #tpu.memory_space<hbm>> -> memref<832xi32, #tpu.memory_space<hbm>>
      %dma_wait3A_53 = tpu.memref_slice %arg2[%mul3A_8] : memref<425984xi32, #tpu.memory_space<hbm>> -> memref<832xi32, #tpu.memory_space<hbm>>
      tpu.wait_dma2 semaphore(%run_scoped3A : memref<!tpu.dma_semaphore, #tpu.memory_space<semaphore_mem>>) src(%dma_wait3A_53 : memref<832xi32, #tpu.memory_space<hbm>>) dst(%arg10 : memref<832xi32, #tpu.memory_space<vmem>>)
      tpu.yield
    }) : () -> ()
    %mul3A_9 = arith.constant 20 : i32
    %mul3A_10 = arith.muli %add3A_6, %mul3A_9 : i32
    "tpu.region"() ({
      %run_scoped3A = tpu.sem_alloc : memref<!tpu.dma_semaphore, #tpu.memory_space<semaphore_mem>>
      %dma_start3A_51 = tpu.memref_slice %arg3[%mul3A_10] : memref<327680xi32, #tpu.memory_space<hbm>> -> memref<640xi32, #tpu.memory_space<hbm>>
      %dma_start3A_52 = tpu.memref_slice %arg3[%mul3A_10] : memref<327680xi32, #tpu.memory_space<hbm>> -> memref<640xi32, #tpu.memory_space<hbm>>
      tpu.enqueue_dma source(%dma_start3A_52 : memref<640xi32, #tpu.memory_space<hbm>>) target(%arg12 : memref<640xi32, #tpu.memory_space<vmem>>) target_semaphore(%run_scoped3A : memref<!tpu.dma_semaphore, #tpu.memory_space<semaphore_mem>>)
      %dma_wait3A = tpu.memref_slice %arg3[%mul3A_10] : memref<327680xi32, #tpu.memory_space<hbm>> -> memref<640xi32, #tpu.memory_space<hbm>>
      %dma_wait3A_53 = tpu.memref_slice %arg3[%mul3A_10] : memref<327680xi32, #tpu.memory_space<hbm>> -> memref<640xi32, #tpu.memory_space<hbm>>
      tpu.wait_dma2 semaphore(%run_scoped3A : memref<!tpu.dma_semaphore, #tpu.memory_space<semaphore_mem>>) src(%dma_wait3A_53 : memref<640xi32, #tpu.memory_space<hbm>>) dst(%arg12 : memref<640xi32, #tpu.memory_space<vmem>>)
      tpu.yield
    }) : () -> ()
    %mul3A_11 = arith.constant 20 : i32
    %mul3A_12 = arith.muli %add3A_6, %mul3A_11 : i32
    "tpu.region"() ({
      %run_scoped3A = tpu.sem_alloc : memref<!tpu.dma_semaphore, #tpu.memory_space<semaphore_mem>>
      %dma_start3A_51 = tpu.memref_slice %arg4[%mul3A_12] : memref<327680xi32, #tpu.memory_space<hbm>> -> memref<640xi32, #tpu.memory_space<hbm>>
      %dma_start3A_52 = tpu.memref_slice %arg4[%mul3A_12] : memref<327680xi32, #tpu.memory_space<hbm>> -> memref<640xi32, #tpu.memory_space<hbm>>
      tpu.enqueue_dma source(%dma_start3A_52 : memref<640xi32, #tpu.memory_space<hbm>>) target(%arg14 : memref<640xi32, #tpu.memory_space<vmem>>) target_semaphore(%run_scoped3A : memref<!tpu.dma_semaphore, #tpu.memory_space<semaphore_mem>>)
      %dma_wait3A = tpu.memref_slice %arg4[%mul3A_12] : memref<327680xi32, #tpu.memory_space<hbm>> -> memref<640xi32, #tpu.memory_space<hbm>>
      %dma_wait3A_53 = tpu.memref_slice %arg4[%mul3A_12] : memref<327680xi32, #tpu.memory_space<hbm>> -> memref<640xi32, #tpu.memory_space<hbm>>
      tpu.wait_dma2 semaphore(%run_scoped3A : memref<!tpu.dma_semaphore, #tpu.memory_space<semaphore_mem>>) src(%dma_wait3A_53 : memref<640xi32, #tpu.memory_space<hbm>>) dst(%arg14 : memref<640xi32, #tpu.memory_space<vmem>>)
      tpu.yield
    }) : () -> ()
    %dma_start3A = arith.constant 0 : i32
    %dma_start3A_13 = arith.constant 0 : i32
    %dma_start3A_14 = tpu.memref_slice %arg5[%dma_start3A, %dma_start3A_13] : memref<1000000x16xf32, #tpu.memory_space<hbm>> -> memref<1000000x16xf32, #tpu.memory_space<hbm>>
    tpu.enqueue_indirect_dma source(%dma_start3A_14 : memref<1000000x16xf32, #tpu.memory_space<hbm>>) target(%arg16 : memref<832x16xf32, #tpu.memory_space<vmem>>) offsets(%arg10 : memref<832xi32, #tpu.memory_space<vmem>>) semaphore(%arg26 : memref<!tpu.dma_semaphore, #tpu.memory_space<semaphore_mem>>)
    %dma_start3A_15 = arith.constant 0 : i32
    %dma_start3A_16 = arith.constant 0 : i32
    %dma_start3A_17 = tpu.memref_slice %arg5[%dma_start3A_15, %dma_start3A_16] : memref<1000000x16xf32, #tpu.memory_space<hbm>> -> memref<1000000x16xf32, #tpu.memory_space<hbm>>
    tpu.enqueue_indirect_dma source(%dma_start3A_17 : memref<1000000x16xf32, #tpu.memory_space<hbm>>) target(%arg18 : memref<640x16xf32, #tpu.memory_space<vmem>>) offsets(%arg12 : memref<640xi32, #tpu.memory_space<vmem>>) semaphore(%arg26 : memref<!tpu.dma_semaphore, #tpu.memory_space<semaphore_mem>>)
    %dma_start3A_18 = arith.constant 0 : i32
    %dma_start3A_19 = arith.constant 0 : i32
    %dma_start3A_20 = tpu.memref_slice %arg5[%dma_start3A_18, %dma_start3A_19] : memref<1000000x16xf32, #tpu.memory_space<hbm>> -> memref<1000000x16xf32, #tpu.memory_space<hbm>>
    tpu.enqueue_indirect_dma source(%dma_start3A_20 : memref<1000000x16xf32, #tpu.memory_space<hbm>>) target(%arg20 : memref<640x16xf32, #tpu.memory_space<vmem>>) offsets(%arg14 : memref<640xi32, #tpu.memory_space<vmem>>) semaphore(%arg26 : memref<!tpu.dma_semaphore, #tpu.memory_space<semaphore_mem>>)
    %dma_start3A_21 = arith.constant 0 : i32
    %dma_start3A_22 = tpu.memref_slice %arg6[%dma_start3A_21] : memref<1000000xf32, #tpu.memory_space<hbm>> -> memref<1000000xf32, #tpu.memory_space<hbm>>
    tpu.enqueue_indirect_dma source(%dma_start3A_22 : memref<1000000xf32, #tpu.memory_space<hbm>>) target(%arg22 : memref<832xf32, #tpu.memory_space<vmem>>) offsets(%arg10 : memref<832xi32, #tpu.memory_space<vmem>>) semaphore(%arg26 : memref<!tpu.dma_semaphore, #tpu.memory_space<semaphore_mem>>)
    %mul3A_23 = arith.constant 256 : i32
    %mul3A_24 = arith.muli %add3A, %mul3A_23 : i32
    %add3A_25 = arith.constant 8192 : i32
    %add3A_26 = arith.addi %add3A_25, %mul3A_24 : i32
    %add3A_27 = arith.constant 32 : i32
    %add3A_28 = arith.addi %add3A_26, %add3A_27 : i32
    %mul3A_29 = arith.constant 26 : i32
    %mul3A_30 = arith.muli %add3A_28, %mul3A_29 : i32
    "tpu.region"() ({
      %run_scoped3A = tpu.sem_alloc : memref<!tpu.dma_semaphore, #tpu.memory_space<semaphore_mem>>
      %dma_start3A_51 = tpu.memref_slice %arg2[%mul3A_30] : memref<425984xi32, #tpu.memory_space<hbm>> -> memref<832xi32, #tpu.memory_space<hbm>>
      %dma_start3A_52 = tpu.memref_slice %arg2[%mul3A_30] : memref<425984xi32, #tpu.memory_space<hbm>> -> memref<832xi32, #tpu.memory_space<hbm>>
      tpu.enqueue_dma source(%dma_start3A_52 : memref<832xi32, #tpu.memory_space<hbm>>) target(%arg11 : memref<832xi32, #tpu.memory_space<vmem>>) target_semaphore(%run_scoped3A : memref<!tpu.dma_semaphore, #tpu.memory_space<semaphore_mem>>)
      %dma_wait3A = tpu.memref_slice %arg2[%mul3A_30] : memref<425984xi32, #tpu.memory_space<hbm>> -> memref<832xi32, #tpu.memory_space<hbm>>
      %dma_wait3A_53 = tpu.memref_slice %arg2[%mul3A_30] : memref<425984xi32, #tpu.memory_space<hbm>> -> memref<832xi32, #tpu.memory_space<hbm>>
      tpu.wait_dma2 semaphore(%run_scoped3A : memref<!tpu.dma_semaphore, #tpu.memory_space<semaphore_mem>>) src(%dma_wait3A_53 : memref<832xi32, #tpu.memory_space<hbm>>) dst(%arg11 : memref<832xi32, #tpu.memory_space<vmem>>)
      tpu.yield
    }) : () -> ()
    %mul3A_31 = arith.constant 20 : i32
    %mul3A_32 = arith.muli %add3A_28, %mul3A_31 : i32
    "tpu.region"() ({
      %run_scoped3A = tpu.sem_alloc : memref<!tpu.dma_semaphore, #tpu.memory_space<semaphore_mem>>
      %dma_start3A_51 = tpu.memref_slice %arg3[%mul3A_32] : memref<327680xi32, #tpu.memory_space<hbm>> -> memref<640xi32, #tpu.memory_space<hbm>>
      %dma_start3A_52 = tpu.memref_slice %arg3[%mul3A_32] : memref<327680xi32, #tpu.memory_space<hbm>> -> memref<640xi32, #tpu.memory_space<hbm>>
      tpu.enqueue_dma source(%dma_start3A_52 : memref<640xi32, #tpu.memory_space<hbm>>) target(%arg13 : memref<640xi32, #tpu.memory_space<vmem>>) target_semaphore(%run_scoped3A : memref<!tpu.dma_semaphore, #tpu.memory_space<semaphore_mem>>)
      %dma_wait3A = tpu.memref_slice %arg3[%mul3A_32] : memref<327680xi32, #tpu.memory_space<hbm>> -> memref<640xi32, #tpu.memory_space<hbm>>
      %dma_wait3A_53 = tpu.memref_slice %arg3[%mul3A_32] : memref<327680xi32, #tpu.memory_space<hbm>> -> memref<640xi32, #tpu.memory_space<hbm>>
      tpu.wait_dma2 semaphore(%run_scoped3A : memref<!tpu.dma_semaphore, #tpu.memory_space<semaphore_mem>>) src(%dma_wait3A_53 : memref<640xi32, #tpu.memory_space<hbm>>) dst(%arg13 : memref<640xi32, #tpu.memory_space<vmem>>)
      tpu.yield
    }) : () -> ()
    %mul3A_33 = arith.constant 20 : i32
    %mul3A_34 = arith.muli %add3A_28, %mul3A_33 : i32
    "tpu.region"() ({
      %run_scoped3A = tpu.sem_alloc : memref<!tpu.dma_semaphore, #tpu.memory_space<semaphore_mem>>
      %dma_start3A_51 = tpu.memref_slice %arg4[%mul3A_34] : memref<327680xi32, #tpu.memory_space<hbm>> -> memref<640xi32, #tpu.memory_space<hbm>>
      %dma_start3A_52 = tpu.memref_slice %arg4[%mul3A_34] : memref<327680xi32, #tpu.memory_space<hbm>> -> memref<640xi32, #tpu.memory_space<hbm>>
      tpu.enqueue_dma source(%dma_start3A_52 : memref<640xi32, #tpu.memory_space<hbm>>) target(%arg15 : memref<640xi32, #tpu.memory_space<vmem>>) target_semaphore(%run_scoped3A : memref<!tpu.dma_semaphore, #tpu.memory_space<semaphore_mem>>)
      %dma_wait3A = tpu.memref_slice %arg4[%mul3A_34] : memref<327680xi32, #tpu.memory_space<hbm>> -> memref<640xi32, #tpu.memory_space<hbm>>
      %dma_wait3A_53 = tpu.memref_slice %arg4[%mul3A_34] : memref<327680xi32, #tpu.memory_space<hbm>> -> memref<640xi32, #tpu.memory_space<hbm>>
      tpu.wait_dma2 semaphore(%run_scoped3A : memref<!tpu.dma_semaphore, #tpu.memory_space<semaphore_mem>>) src(%dma_wait3A_53 : memref<640xi32, #tpu.memory_space<hbm>>) dst(%arg15 : memref<640xi32, #tpu.memory_space<vmem>>)
      tpu.yield
    }) : () -> ()
    %dma_start3A_35 = arith.constant 0 : i32
    %dma_start3A_36 = arith.constant 0 : i32
    %dma_start3A_37 = tpu.memref_slice %arg5[%dma_start3A_35, %dma_start3A_36] : memref<1000000x16xf32, #tpu.memory_space<hbm>> -> memref<1000000x16xf32, #tpu.memory_space<hbm>>
    tpu.enqueue_indirect_dma source(%dma_start3A_37 : memref<1000000x16xf32, #tpu.memory_space<hbm>>) target(%arg17 : memref<832x16xf32, #tpu.memory_space<vmem>>) offsets(%arg11 : memref<832xi32, #tpu.memory_space<vmem>>) semaphore(%arg27 : memref<!tpu.dma_semaphore, #tpu.memory_space<semaphore_mem>>)
    %dma_start3A_38 = arith.constant 0 : i32
    %dma_start3A_39 = arith.constant 0 : i32
    %dma_start3A_40 = tpu.memref_slice %arg5[%dma_start3A_38, %dma_start3A_39] : memref<1000000x16xf32, #tpu.memory_space<hbm>> -> memref<1000000x16xf32, #tpu.memory_space<hbm>>
    tpu.enqueue_indirect_dma source(%dma_start3A_40 : memref<1000000x16xf32, #tpu.memory_space<hbm>>) target(%arg19 : memref<640x16xf32, #tpu.memory_space<vmem>>) offsets(%arg13 : memref<640xi32, #tpu.memory_space<vmem>>) semaphore(%arg27 : memref<!tpu.dma_semaphore, #tpu.memory_space<semaphore_mem>>)
    %dma_start3A_41 = arith.constant 0 : i32
    %dma_start3A_42 = arith.constant 0 : i32
    %dma_start3A_43 = tpu.memref_slice %arg5[%dma_start3A_41, %dma_start3A_42] : memref<1000000x16xf32, #tpu.memory_space<hbm>> -> memref<1000000x16xf32, #tpu.memory_space<hbm>>
    tpu.enqueue_indirect_dma source(%dma_start3A_43 : memref<1000000x16xf32, #tpu.memory_space<hbm>>) target(%arg21 : memref<640x16xf32, #tpu.memory_space<vmem>>) offsets(%arg15 : memref<640xi32, #tpu.memory_space<vmem>>) semaphore(%arg27 : memref<!tpu.dma_semaphore, #tpu.memory_space<semaphore_mem>>)
    %dma_start3A_44 = arith.constant 0 : i32
    %dma_start3A_45 = tpu.memref_slice %arg6[%dma_start3A_44] : memref<1000000xf32, #tpu.memory_space<hbm>> -> memref<1000000xf32, #tpu.memory_space<hbm>>
    tpu.enqueue_indirect_dma source(%dma_start3A_45 : memref<1000000xf32, #tpu.memory_space<hbm>>) target(%arg23 : memref<832xf32, #tpu.memory_space<vmem>>) offsets(%arg11 : memref<832xi32, #tpu.memory_space<vmem>>) semaphore(%arg27 : memref<!tpu.dma_semaphore, #tpu.memory_space<semaphore_mem>>)
    %scan3A = arith.constant 0 : i32
    %scan3A_46 = arith.constant 0 : i32
    %scan3A_47 = arith.constant 4 : i32
    %scan3A_48 = arith.addi %scan3A_46, %scan3A_47 : i32
    %scan3A_49 = arith.constant 1 : i32
    scf.for %scan3A_51 = %scan3A_46 to %scan3A_48 step %scan3A_49  : i32 {
      %mul3A_52 = arith.constant 2 : i32
      %mul3A_53 = arith.muli %mul3A_52, %scan3A_51 : i32
      %add3A_54 = arith.constant 0 : i32
      %add3A_55 = arith.addi %mul3A_53, %add3A_54 : i32
      %mul3A_56 = arith.constant 256 : i32
      %mul3A_57 = arith.muli %add3A, %mul3A_56 : i32
      %mul3A_58 = arith.constant 32 : i32
      %mul3A_59 = arith.muli %add3A_55, %mul3A_58 : i32
      %add3A_60 = arith.addi %mul3A_57, %mul3A_59 : i32
      %dma_wait3A = arith.constant 0 : i32
      %dma_wait3A_61 = arith.constant 0 : i32
      %dma_wait3A_62 = tpu.memref_slice %arg5[%dma_wait3A, %dma_wait3A_61] : memref<1000000x16xf32, #tpu.memory_space<hbm>> -> memref<1000000x16xf32, #tpu.memory_space<hbm>>
      tpu.wait_indirect_dma semaphore(%arg26 : memref<!tpu.dma_semaphore, #tpu.memory_space<semaphore_mem>>) src(%dma_wait3A_62 : memref<1000000x16xf32, #tpu.memory_space<hbm>>) dst(%arg16 : memref<832x16xf32, #tpu.memory_space<vmem>>)
      %dma_wait3A_63 = arith.constant 0 : i32
      %dma_wait3A_64 = arith.constant 0 : i32
      %dma_wait3A_65 = tpu.memref_slice %arg5[%dma_wait3A_63, %dma_wait3A_64] : memref<1000000x16xf32, #tpu.memory_space<hbm>> -> memref<1000000x16xf32, #tpu.memory_space<hbm>>
      tpu.wait_indirect_dma semaphore(%arg26 : memref<!tpu.dma_semaphore, #tpu.memory_space<semaphore_mem>>) src(%dma_wait3A_65 : memref<1000000x16xf32, #tpu.memory_space<hbm>>) dst(%arg18 : memref<640x16xf32, #tpu.memory_space<vmem>>)
      %dma_wait3A_66 = arith.constant 0 : i32
      %dma_wait3A_67 = arith.constant 0 : i32
      %dma_wait3A_68 = tpu.memref_slice %arg5[%dma_wait3A_66, %dma_wait3A_67] : memref<1000000x16xf32, #tpu.memory_space<hbm>> -> memref<1000000x16xf32, #tpu.memory_space<hbm>>
      tpu.wait_indirect_dma semaphore(%arg26 : memref<!tpu.dma_semaphore, #tpu.memory_space<semaphore_mem>>) src(%dma_wait3A_68 : memref<1000000x16xf32, #tpu.memory_space<hbm>>) dst(%arg20 : memref<640x16xf32, #tpu.memory_space<vmem>>)
      %dma_wait3A_69 = arith.constant 0 : i32
      %dma_wait3A_70 = tpu.memref_slice %arg6[%dma_wait3A_69] : memref<1000000xf32, #tpu.memory_space<hbm>> -> memref<1000000xf32, #tpu.memory_space<hbm>>
      tpu.wait_indirect_dma semaphore(%arg26 : memref<!tpu.dma_semaphore, #tpu.memory_space<semaphore_mem>>) src(%dma_wait3A_70 : memref<1000000xf32, #tpu.memory_space<hbm>>) dst(%arg22 : memref<832xf32, #tpu.memory_space<vmem>>)
      %scan3A_71 = arith.constant 0 : i32
      %scan3A_72 = arith.constant 0 : i32
      %scan3A_73 = arith.constant 32 : i32
      %scan3A_74 = arith.addi %scan3A_72, %scan3A_73 : i32
      %scan3A_75 = arith.constant 2 : i32
      scf.for %scan3A_174 = %scan3A_72 to %scan3A_74 step %scan3A_75  : i32 {
        %mul3A_175 = arith.constant 20 : i32
        %mul3A_176 = arith.muli %scan3A_174, %mul3A_175 : i32
        %get3A = arith.index_cast %mul3A_176 : i32 to index
        %get3A_177 = arith.constant 0 : index
        %get3A_178 = tpu.vector_load %arg18[%get3A, %get3A_177] {strides = array<i32>} : memref<640x16xf32, #tpu.memory_space<vmem>>, vector<1x16xf32>,
        %get3A_179 = vector.shape_cast %get3A_178 : vector<1x16xf32> to vector<16xf32>
        %get3A_180 = arith.index_cast %mul3A_176 : i32 to index
        %get3A_181 = arith.constant 0 : index
        %get3A_182 = tpu.vector_load %arg20[%get3A_180, %get3A_181] {strides = array<i32>} : memref<640x16xf32, #tpu.memory_space<vmem>>, vector<1x16xf32>,
        %get3A_183 = vector.shape_cast %get3A_182 : vector<1x16xf32> to vector<16xf32>
        %add3A_184 = arith.constant 1 : i32
        %add3A_185 = arith.addi %mul3A_176, %add3A_184 : i32
        %get3A_186 = arith.index_cast %add3A_185 : i32 to index
        %get3A_187 = arith.constant 0 : index
        %get3A_188 = tpu.vector_load %arg18[%get3A_186, %get3A_187] {strides = array<i32>} : memref<640x16xf32, #tpu.memory_space<vmem>>, vector<1x16xf32>,
        %get3A_189 = vector.shape_cast %get3A_188 : vector<1x16xf32> to vector<16xf32>
        %add3A_190 = arith.addf %get3A_179, %get3A_189 : vector<16xf32>
        %add3A_191 = arith.constant 1 : i32
        %add3A_192 = arith.addi %mul3A_176, %add3A_191 : i32
        %get3A_193 = arith.index_cast %add3A_192 : i32 to index
        %get3A_194 = arith.constant 0 : index
        %get3A_195 = tpu.vector_load %arg20[%get3A_193, %get3A_194] {strides = array<i32>} : memref<640x16xf32, #tpu.memory_space<vmem>>, vector<1x16xf32>,
        %get3A_196 = vector.shape_cast %get3A_195 : vector<1x16xf32> to vector<16xf32>
        %add3A_197 = arith.addf %get3A_183, %get3A_196 : vector<16xf32>
        %add3A_198 = arith.constant 2 : i32
        %add3A_199 = arith.addi %mul3A_176, %add3A_198 : i32
        %get3A_200 = arith.index_cast %add3A_199 : i32 to index
        %get3A_201 = arith.constant 0 : index
        %get3A_202 = tpu.vector_load %arg18[%get3A_200, %get3A_201] {strides = array<i32>} : memref<640x16xf32, #tpu.memory_space<vmem>>, vector<1x16xf32>,
        %get3A_203 = vector.shape_cast %get3A_202 : vector<1x16xf32> to vector<16xf32>
        %add3A_204 = arith.addf %add3A_190, %get3A_203 : vector<16xf32>
        %add3A_205 = arith.constant 2 : i32
        %add3A_206 = arith.addi %mul3A_176, %add3A_205 : i32
        %get3A_207 = arith.index_cast %add3A_206 : i32 to index
        %get3A_208 = arith.constant 0 : index
        %get3A_209 = tpu.vector_load %arg20[%get3A_207, %get3A_208] {strides = array<i32>} : memref<640x16xf32, #tpu.memory_space<vmem>>, vector<1x16xf32>,
        %get3A_210 = vector.shape_cast %get3A_209 : vector<1x16xf32> to vector<16xf32>
        %add3A_211 = arith.addf %add3A_197, %get3A_210 : vector<16xf32>
        %add3A_212 = arith.constant 3 : i32
        %add3A_213 = arith.addi %mul3A_176, %add3A_212 : i32
        %get3A_214 = arith.index_cast %add3A_213 : i32 to index
        %get3A_215 = arith.constant 0 : index
        %get3A_216 = tpu.vector_load %arg18[%get3A_214, %get3A_215] {strides = array<i32>} : memref<640x16xf32, #tpu.memory_space<vmem>>, vector<1x16xf32>,
        %get3A_217 = vector.shape_cast %get3A_216 : vector<1x16xf32> to vector<16xf32>
        %add3A_218 = arith.addf %add3A_204, %get3A_217 : vector<16xf32>
        %add3A_219 = arith.constant 3 : i32
        %add3A_220 = arith.addi %mul3A_176, %add3A_219 : i32
        %get3A_221 = arith.index_cast %add3A_220 : i32 to index
        %get3A_222 = arith.constant 0 : index
        %get3A_223 = tpu.vector_load %arg20[%get3A_221, %get3A_222] {strides = array<i32>} : memref<640x16xf32, #tpu.memory_space<vmem>>, vector<1x16xf32>,
        %get3A_224 = vector.shape_cast %get3A_223 : vector<1x16xf32> to vector<16xf32>
        %add3A_225 = arith.addf %add3A_211, %get3A_224 : vector<16xf32>
        %add3A_226 = arith.constant 4 : i32
        %add3A_227 = arith.addi %mul3A_176, %add3A_226 : i32
        %get3A_228 = arith.index_cast %add3A_227 : i32 to index
        %get3A_229 = arith.constant 0 : index
        %get3A_230 = tpu.vector_load %arg18[%get3A_228, %get3A_229] {strides = array<i32>} : memref<640x16xf32, #tpu.memory_space<vmem>>, vector<1x16xf32>,
        %get3A_231 = vector.shape_cast %get3A_230 : vector<1x16xf32> to vector<16xf32>
        %add3A_232 = arith.addf %add3A_218, %get3A_231 : vector<16xf32>
        %add3A_233 = arith.constant 4 : i32
        %add3A_234 = arith.addi %mul3A_176, %add3A_233 : i32
        %get3A_235 = arith.index_cast %add3A_234 : i32 to index
        %get3A_236 = arith.constant 0 : index
        %get3A_237 = tpu.vector_load %arg20[%get3A_235, %get3A_236] {strides = array<i32>} : memref<640x16xf32, #tpu.memory_space<vmem>>, vector<1x16xf32>,
        %get3A_238 = vector.shape_cast %get3A_237 : vector<1x16xf32> to vector<16xf32>
        %add3A_239 = arith.addf %add3A_225, %get3A_238 : vector<16xf32>
        %add3A_240 = arith.constant 5 : i32
        %add3A_241 = arith.addi %mul3A_176, %add3A_240 : i32
        %get3A_242 = arith.index_cast %add3A_241 : i32 to index
        %get3A_243 = arith.constant 0 : index
        %get3A_244 = tpu.vector_load %arg18[%get3A_242, %get3A_243] {strides = array<i32>} : memref<640x16xf32, #tpu.memory_space<vmem>>, vector<1x16xf32>,
        %get3A_245 = vector.shape_cast %get3A_244 : vector<1x16xf32> to vector<16xf32>
        %add3A_246 = arith.addf %add3A_232, %get3A_245 : vector<16xf32>
        %add3A_247 = arith.constant 5 : i32
        %add3A_248 = arith.addi %mul3A_176, %add3A_247 : i32
        %get3A_249 = arith.index_cast %add3A_248 : i32 to index
        %get3A_250 = arith.constant 0 : index
        %get3A_251 = tpu.vector_load %arg20[%get3A_249, %get3A_250] {strides = array<i32>} : memref<640x16xf32, #tpu.memory_space<vmem>>, vector<1x16xf32>,
        %get3A_252 = vector.shape_cast %get3A_251 : vector<1x16xf32> to vector<16xf32>
        %add3A_253 = arith.addf %add3A_239, %get3A_252 : vector<16xf32>
        %add3A_254 = arith.constant 6 : i32
        %add3A_255 = arith.addi %mul3A_176, %add3A_254 : i32
        %get3A_256 = arith.index_cast %add3A_255 : i32 to index
        %get3A_257 = arith.constant 0 : index
        %get3A_258 = tpu.vector_load %arg18[%get3A_256, %get3A_257] {strides = array<i32>} : memref<640x16xf32, #tpu.memory_space<vmem>>, vector<1x16xf32>,
        %get3A_259 = vector.shape_cast %get3A_258 : vector<1x16xf32> to vector<16xf32>
        %add3A_260 = arith.addf %add3A_246, %get3A_259 : vector<16xf32>
        %add3A_261 = arith.constant 6 : i32
        %add3A_262 = arith.addi %mul3A_176, %add3A_261 : i32
        %get3A_263 = arith.index_cast %add3A_262 : i32 to index
        %get3A_264 = arith.constant 0 : index
        %get3A_265 = tpu.vector_load %arg20[%get3A_263, %get3A_264] {strides = array<i32>} : memref<640x16xf32, #tpu.memory_space<vmem>>, vector<1x16xf32>,
        %get3A_266 = vector.shape_cast %get3A_265 : vector<1x16xf32> to vector<16xf32>
        %add3A_267 = arith.addf %add3A_253, %get3A_266 : vector<16xf32>
        %add3A_268 = arith.constant 7 : i32
        %add3A_269 = arith.addi %mul3A_176, %add3A_268 : i32
        %get3A_270 = arith.index_cast %add3A_269 : i32 to index
        %get3A_271 = arith.constant 0 : index
        %get3A_272 = tpu.vector_load %arg18[%get3A_270, %get3A_271] {strides = array<i32>} : memref<640x16xf32, #tpu.memory_space<vmem>>, vector<1x16xf32>,
        %get3A_273 = vector.shape_cast %get3A_272 : vector<1x16xf32> to vector<16xf32>
        %add3A_274 = arith.addf %add3A_260, %get3A_273 : vector<16xf32>
        %add3A_275 = arith.constant 7 : i32
        %add3A_276 = arith.addi %mul3A_176, %add3A_275 : i32
        %get3A_277 = arith.index_cast %add3A_276 : i32 to index
        %get3A_278 = arith.constant 0 : index
        %get3A_279 = tpu.vector_load %arg20[%get3A_277, %get3A_278] {strides = array<i32>} : memref<640x16xf32, #tpu.memory_space<vmem>>, vector<1x16xf32>,
        %get3A_280 = vector.shape_cast %get3A_279 : vector<1x16xf32> to vector<16xf32>
        %add3A_281 = arith.addf %add3A_267, %get3A_280 : vector<16xf32>
        %add3A_282 = arith.constant 8 : i32
        %add3A_283 = arith.addi %mul3A_176, %add3A_282 : i32
        %get3A_284 = arith.index_cast %add3A_283 : i32 to index
        %get3A_285 = arith.constant 0 : index
        %get3A_286 = tpu.vector_load %arg18[%get3A_284, %get3A_285] {strides = array<i32>} : memref<640x16xf32, #tpu.memory_space<vmem>>, vector<1x16xf32>,
        %get3A_287 = vector.shape_cast %get3A_286 : vector<1x16xf32> to vector<16xf32>
        %add3A_288 = arith.addf %add3A_274, %get3A_287 : vector<16xf32>
        %add3A_289 = arith.constant 8 : i32
        %add3A_290 = arith.addi %mul3A_176, %add3A_289 : i32
        %get3A_291 = arith.index_cast %add3A_290 : i32 to index
        %get3A_292 = arith.constant 0 : index
        %get3A_293 = tpu.vector_load %arg20[%get3A_291, %get3A_292] {strides = array<i32>} : memref<640x16xf32, #tpu.memory_space<vmem>>, vector<1x16xf32>,
        %get3A_294 = vector.shape_cast %get3A_293 : vector<1x16xf32> to vector<16xf32>
        %add3A_295 = arith.addf %add3A_281, %get3A_294 : vector<16xf32>
        %add3A_296 = arith.constant 9 : i32
        %add3A_297 = arith.addi %mul3A_176, %add3A_296 : i32
        %get3A_298 = arith.index_cast %add3A_297 : i32 to index
        %get3A_299 = arith.constant 0 : index
        %get3A_300 = tpu.vector_load %arg18[%get3A_298, %get3A_299] {strides = array<i32>} : memref<640x16xf32, #tpu.memory_space<vmem>>, vector<1x16xf32>,
        %get3A_301 = vector.shape_cast %get3A_300 : vector<1x16xf32> to vector<16xf32>
        %add3A_302 = arith.addf %add3A_288, %get3A_301 : vector<16xf32>
        %add3A_303 = arith.constant 9 : i32
        %add3A_304 = arith.addi %mul3A_176, %add3A_303 : i32
        %get3A_305 = arith.index_cast %add3A_304 : i32 to index
        %get3A_306 = arith.constant 0 : index
        %get3A_307 = tpu.vector_load %arg20[%get3A_305, %get3A_306] {strides = array<i32>} : memref<640x16xf32, #tpu.memory_space<vmem>>, vector<1x16xf32>,
        %get3A_308 = vector.shape_cast %get3A_307 : vector<1x16xf32> to vector<16xf32>
        %add3A_309 = arith.addf %add3A_295, %get3A_308 : vector<16xf32>
        %add3A_310 = arith.constant 10 : i32
        %add3A_311 = arith.addi %mul3A_176, %add3A_310 : i32
        %get3A_312 = arith.index_cast %add3A_311 : i32 to index
        %get3A_313 = arith.constant 0 : index
        %get3A_314 = tpu.vector_load %arg18[%get3A_312, %get3A_313] {strides = array<i32>} : memref<640x16xf32, #tpu.memory_space<vmem>>, vector<1x16xf32>,
        %get3A_315 = vector.shape_cast %get3A_314 : vector<1x16xf32> to vector<16xf32>
        %add3A_316 = arith.addf %add3A_302, %get3A_315 : vector<16xf32>
        %add3A_317 = arith.constant 10 : i32
        %add3A_318 = arith.addi %mul3A_176, %add3A_317 : i32
        %get3A_319 = arith.index_cast %add3A_318 : i32 to index
        %get3A_320 = arith.constant 0 : index
        %get3A_321 = tpu.vector_load %arg20[%get3A_319, %get3A_320] {strides = array<i32>} : memref<640x16xf32, #tpu.memory_space<vmem>>, vector<1x16xf32>,
        %get3A_322 = vector.shape_cast %get3A_321 : vector<1x16xf32> to vector<16xf32>
        %add3A_323 = arith.addf %add3A_309, %get3A_322 : vector<16xf32>
        %add3A_324 = arith.constant 11 : i32
        %add3A_325 = arith.addi %mul3A_176, %add3A_324 : i32
        %get3A_326 = arith.index_cast %add3A_325 : i32 to index
        %get3A_327 = arith.constant 0 : index
        %get3A_328 = tpu.vector_load %arg18[%get3A_326, %get3A_327] {strides = array<i32>} : memref<640x16xf32, #tpu.memory_space<vmem>>, vector<1x16xf32>,
        %get3A_329 = vector.shape_cast %get3A_328 : vector<1x16xf32> to vector<16xf32>
        %add3A_330 = arith.addf %add3A_316, %get3A_329 : vector<16xf32>
        %add3A_331 = arith.constant 11 : i32
        %add3A_332 = arith.addi %mul3A_176, %add3A_331 : i32
        %get3A_333 = arith.index_cast %add3A_332 : i32 to index
        %get3A_334 = arith.constant 0 : index
        %get3A_335 = tpu.vector_load %arg20[%get3A_333, %get3A_334] {strides = array<i32>} : memref<640x16xf32, #tpu.memory_space<vmem>>, vector<1x16xf32>,
        %get3A_336 = vector.shape_cast %get3A_335 : vector<1x16xf32> to vector<16xf32>
        %add3A_337 = arith.addf %add3A_323, %get3A_336 : vector<16xf32>
        %add3A_338 = arith.constant 12 : i32
        %add3A_339 = arith.addi %mul3A_176, %add3A_338 : i32
        %get3A_340 = arith.index_cast %add3A_339 : i32 to index
        %get3A_341 = arith.constant 0 : index
        %get3A_342 = tpu.vector_load %arg18[%get3A_340, %get3A_341] {strides = array<i32>} : memref<640x16xf32, #tpu.memory_space<vmem>>, vector<1x16xf32>,
        %get3A_343 = vector.shape_cast %get3A_342 : vector<1x16xf32> to vector<16xf32>
        %add3A_344 = arith.addf %add3A_330, %get3A_343 : vector<16xf32>
        %add3A_345 = arith.constant 12 : i32
        %add3A_346 = arith.addi %mul3A_176, %add3A_345 : i32
        %get3A_347 = arith.index_cast %add3A_346 : i32 to index
        %get3A_348 = arith.constant 0 : index
        %get3A_349 = tpu.vector_load %arg20[%get3A_347, %get3A_348] {strides = array<i32>} : memref<640x16xf32, #tpu.memory_space<vmem>>, vector<1x16xf32>,
        %get3A_350 = vector.shape_cast %get3A_349 : vector<1x16xf32> to vector<16xf32>
        %add3A_351 = arith.addf %add3A_337, %get3A_350 : vector<16xf32>
        %add3A_352 = arith.constant 13 : i32
        %add3A_353 = arith.addi %mul3A_176, %add3A_352 : i32
        %get3A_354 = arith.index_cast %add3A_353 : i32 to index
        %get3A_355 = arith.constant 0 : index
        %get3A_356 = tpu.vector_load %arg18[%get3A_354, %get3A_355] {strides = array<i32>} : memref<640x16xf32, #tpu.memory_space<vmem>>, vector<1x16xf32>,
        %get3A_357 = vector.shape_cast %get3A_356 : vector<1x16xf32> to vector<16xf32>
        %add3A_358 = arith.addf %add3A_344, %get3A_357 : vector<16xf32>
        %add3A_359 = arith.constant 13 : i32
        %add3A_360 = arith.addi %mul3A_176, %add3A_359 : i32
        %get3A_361 = arith.index_cast %add3A_360 : i32 to index
        %get3A_362 = arith.constant 0 : index
        %get3A_363 = tpu.vector_load %arg20[%get3A_361, %get3A_362] {strides = array<i32>} : memref<640x16xf32, #tpu.memory_space<vmem>>, vector<1x16xf32>,
        %get3A_364 = vector.shape_cast %get3A_363 : vector<1x16xf32> to vector<16xf32>
        %add3A_365 = arith.addf %add3A_351, %get3A_364 : vector<16xf32>
        %add3A_366 = arith.constant 14 : i32
        %add3A_367 = arith.addi %mul3A_176, %add3A_366 : i32
        %get3A_368 = arith.index_cast %add3A_367 : i32 to index
        %get3A_369 = arith.constant 0 : index
        %get3A_370 = tpu.vector_load %arg18[%get3A_368, %get3A_369] {strides = array<i32>} : memref<640x16xf32, #tpu.memory_space<vmem>>, vector<1x16xf32>,
        %get3A_371 = vector.shape_cast %get3A_370 : vector<1x16xf32> to vector<16xf32>
        %add3A_372 = arith.addf %add3A_358, %get3A_371 : vector<16xf32>
        %add3A_373 = arith.constant 14 : i32
        %add3A_374 = arith.addi %mul3A_176, %add3A_373 : i32
        %get3A_375 = arith.index_cast %add3A_374 : i32 to index
        %get3A_376 = arith.constant 0 : index
        %get3A_377 = tpu.vector_load %arg20[%get3A_375, %get3A_376] {strides = array<i32>} : memref<640x16xf32, #tpu.memory_space<vmem>>, vector<1x16xf32>,
        %get3A_378 = vector.shape_cast %get3A_377 : vector<1x16xf32> to vector<16xf32>
        %add3A_379 = arith.addf %add3A_365, %get3A_378 : vector<16xf32>
        %add3A_380 = arith.constant 15 : i32
        %add3A_381 = arith.addi %mul3A_176, %add3A_380 : i32
        %get3A_382 = arith.index_cast %add3A_381 : i32 to index
        %get3A_383 = arith.constant 0 : index
        %get3A_384 = tpu.vector_load %arg18[%get3A_382, %get3A_383] {strides = array<i32>} : memref<640x16xf32, #tpu.memory_space<vmem>>, vector<1x16xf32>,
        %get3A_385 = vector.shape_cast %get3A_384 : vector<1x16xf32> to vector<16xf32>
        %add3A_386 = arith.addf %add3A_372, %get3A_385 : vector<16xf32>
        %add3A_387 = arith.constant 15 : i32
        %add3A_388 = arith.addi %mul3A_176, %add3A_387 : i32
        %get3A_389 = arith.index_cast %add3A_388 : i32 to index
        %get3A_390 = arith.constant 0 : index
        %get3A_391 = tpu.vector_load %arg20[%get3A_389, %get3A_390] {strides = array<i32>} : memref<640x16xf32, #tpu.memory_space<vmem>>, vector<1x16xf32>,
        %get3A_392 = vector.shape_cast %get3A_391 : vector<1x16xf32> to vector<16xf32>
        %add3A_393 = arith.addf %add3A_379, %get3A_392 : vector<16xf32>
        %add3A_394 = arith.constant 16 : i32
        %add3A_395 = arith.addi %mul3A_176, %add3A_394 : i32
        %get3A_396 = arith.index_cast %add3A_395 : i32 to index
        %get3A_397 = arith.constant 0 : index
        %get3A_398 = tpu.vector_load %arg18[%get3A_396, %get3A_397] {strides = array<i32>} : memref<640x16xf32, #tpu.memory_space<vmem>>, vector<1x16xf32>,
        %get3A_399 = vector.shape_cast %get3A_398 : vector<1x16xf32> to vector<16xf32>
        %add3A_400 = arith.addf %add3A_386, %get3A_399 : vector<16xf32>
        %add3A_401 = arith.constant 16 : i32
        %add3A_402 = arith.addi %mul3A_176, %add3A_401 : i32
        %get3A_403 = arith.index_cast %add3A_402 : i32 to index
        %get3A_404 = arith.constant 0 : index
        %get3A_405 = tpu.vector_load %arg20[%get3A_403, %get3A_404] {strides = array<i32>} : memref<640x16xf32, #tpu.memory_space<vmem>>, vector<1x16xf32>,
        %get3A_406 = vector.shape_cast %get3A_405 : vector<1x16xf32> to vector<16xf32>
        %add3A_407 = arith.addf %add3A_393, %get3A_406 : vector<16xf32>
        %add3A_408 = arith.constant 17 : i32
        %add3A_409 = arith.addi %mul3A_176, %add3A_408 : i32
        %get3A_410 = arith.index_cast %add3A_409 : i32 to index
        %get3A_411 = arith.constant 0 : index
        %get3A_412 = tpu.vector_load %arg18[%get3A_410, %get3A_411] {strides = array<i32>} : memref<640x16xf32, #tpu.memory_space<vmem>>, vector<1x16xf32>,
        %get3A_413 = vector.shape_cast %get3A_412 : vector<1x16xf32> to vector<16xf32>
        %add3A_414 = arith.addf %add3A_400, %get3A_413 : vector<16xf32>
        %add3A_415 = arith.constant 17 : i32
        %add3A_416 = arith.addi %mul3A_176, %add3A_415 : i32
        %get3A_417 = arith.index_cast %add3A_416 : i32 to index
        %get3A_418 = arith.constant 0 : index
        %get3A_419 = tpu.vector_load %arg20[%get3A_417, %get3A_418] {strides = array<i32>} : memref<640x16xf32, #tpu.memory_space<vmem>>, vector<1x16xf32>,
        %get3A_420 = vector.shape_cast %get3A_419 : vector<1x16xf32> to vector<16xf32>
        %add3A_421 = arith.addf %add3A_407, %get3A_420 : vector<16xf32>
        %add3A_422 = arith.constant 18 : i32
        %add3A_423 = arith.addi %mul3A_176, %add3A_422 : i32
        %get3A_424 = arith.index_cast %add3A_423 : i32 to index
        %get3A_425 = arith.constant 0 : index
        %get3A_426 = tpu.vector_load %arg18[%get3A_424, %get3A_425] {strides = array<i32>} : memref<640x16xf32, #tpu.memory_space<vmem>>, vector<1x16xf32>,
        %get3A_427 = vector.shape_cast %get3A_426 : vector<1x16xf32> to vector<16xf32>
        %add3A_428 = arith.addf %add3A_414, %get3A_427 : vector<16xf32>
        %add3A_429 = arith.constant 18 : i32
        %add3A_430 = arith.addi %mul3A_176, %add3A_429 : i32
        %get3A_431 = arith.index_cast %add3A_430 : i32 to index
        %get3A_432 = arith.constant 0 : index
        %get3A_433 = tpu.vector_load %arg20[%get3A_431, %get3A_432] {strides = array<i32>} : memref<640x16xf32, #tpu.memory_space<vmem>>, vector<1x16xf32>,
        %get3A_434 = vector.shape_cast %get3A_433 : vector<1x16xf32> to vector<16xf32>
        %add3A_435 = arith.addf %add3A_421, %get3A_434 : vector<16xf32>
        %add3A_436 = arith.constant 19 : i32
        %add3A_437 = arith.addi %mul3A_176, %add3A_436 : i32
        %get3A_438 = arith.index_cast %add3A_437 : i32 to index
        %get3A_439 = arith.constant 0 : index
        %get3A_440 = tpu.vector_load %arg18[%get3A_438, %get3A_439] {strides = array<i32>} : memref<640x16xf32, #tpu.memory_space<vmem>>, vector<1x16xf32>,
        %get3A_441 = vector.shape_cast %get3A_440 : vector<1x16xf32> to vector<16xf32>
        %add3A_442 = arith.addf %add3A_428, %get3A_441 : vector<16xf32>
        %add3A_443 = arith.constant 19 : i32
        %add3A_444 = arith.addi %mul3A_176, %add3A_443 : i32
        %get3A_445 = arith.index_cast %add3A_444 : i32 to index
        %get3A_446 = arith.constant 0 : index
        %get3A_447 = tpu.vector_load %arg20[%get3A_445, %get3A_446] {strides = array<i32>} : memref<640x16xf32, #tpu.memory_space<vmem>>, vector<1x16xf32>,
        %get3A_448 = vector.shape_cast %get3A_447 : vector<1x16xf32> to vector<16xf32>
        %add3A_449 = arith.addf %add3A_435, %get3A_448 : vector<16xf32>
        %mul3A_450 = arith.constant 5.000000e-02 : f32
        %mul3A_451 = vector.broadcast %mul3A_450 : f32 to vector<16xf32>
        %mul3A_452 = arith.mulf %add3A_442, %mul3A_451 : vector<16xf32>
        %mul3A_453 = arith.constant 2 : i32
        %mul3A_454 = arith.muli %scan3A_174, %mul3A_453 : i32
        %mul3A_455 = arith.constant 16 : i32
        %mul3A_456 = arith.muli %mul3A_454, %mul3A_455 : i32
        %swap3A = arith.index_cast %mul3A_456 : i32 to index
        %swap3A_457 = tpu.vector_load %arg24[%swap3A] {strides = array<i32>} : memref<1024xf32, #tpu.memory_space<vmem>>, vector<16xf32>,
        %swap3A_458 = vector.shape_cast %swap3A_457 : vector<16xf32> to vector<16xf32>
        %swap3A_459 = vector.shape_cast %mul3A_452 : vector<16xf32> to vector<16xf32>
        tpu.vector_store %arg24[%swap3A], %swap3A_459 {strides = array<i32>} : memref<1024xf32, #tpu.memory_space<vmem>>, vector<16xf32>,
        %mul3A_460 = arith.constant 5.000000e-02 : f32
        %mul3A_461 = vector.broadcast %mul3A_460 : f32 to vector<16xf32>
        %mul3A_462 = arith.mulf %add3A_449, %mul3A_461 : vector<16xf32>
        %mul3A_463 = arith.constant 2 : i32
        %mul3A_464 = arith.muli %scan3A_174, %mul3A_463 : i32
        %mul3A_465 = arith.constant 16 : i32
        %mul3A_466 = arith.muli %mul3A_464, %mul3A_465 : i32
        %add3A_467 = arith.constant 16 : i32
        %add3A_468 = arith.addi %mul3A_466, %add3A_467 : i32
        %swap3A_469 = arith.index_cast %add3A_468 : i32 to index
        %swap3A_470 = tpu.vector_load %arg24[%swap3A_469] {strides = array<i32>} : memref<1024xf32, #tpu.memory_space<vmem>>, vector<16xf32>,
        %swap3A_471 = vector.shape_cast %swap3A_470 : vector<16xf32> to vector<16xf32>
        %swap3A_472 = vector.shape_cast %mul3A_462 : vector<16xf32> to vector<16xf32>
        tpu.vector_store %arg24[%swap3A_469], %swap3A_472 {strides = array<i32>} : memref<1024xf32, #tpu.memory_space<vmem>>, vector<16xf32>,
        %scan3A_473 = arith.constant 1 : i32
        %scan3A_474 = arith.addi %scan3A_174, %scan3A_473 : i32
        %mul3A_475 = arith.constant 20 : i32
        %mul3A_476 = arith.muli %scan3A_474, %mul3A_475 : i32
        %get3A_477 = arith.index_cast %mul3A_476 : i32 to index
        %get3A_478 = arith.constant 0 : index
        %get3A_479 = tpu.vector_load %arg18[%get3A_477, %get3A_478] {strides = array<i32>} : memref<640x16xf32, #tpu.memory_space<vmem>>, vector<1x16xf32>,
        %get3A_480 = vector.shape_cast %get3A_479 : vector<1x16xf32> to vector<16xf32>
        %get3A_481 = arith.index_cast %mul3A_476 : i32 to index
        %get3A_482 = arith.constant 0 : index
        %get3A_483 = tpu.vector_load %arg20[%get3A_481, %get3A_482] {strides = array<i32>} : memref<640x16xf32, #tpu.memory_space<vmem>>, vector<1x16xf32>,
        %get3A_484 = vector.shape_cast %get3A_483 : vector<1x16xf32> to vector<16xf32>
        %add3A_485 = arith.constant 1 : i32
        %add3A_486 = arith.addi %mul3A_476, %add3A_485 : i32
        %get3A_487 = arith.index_cast %add3A_486 : i32 to index
        %get3A_488 = arith.constant 0 : index
        %get3A_489 = tpu.vector_load %arg18[%get3A_487, %get3A_488] {strides = array<i32>} : memref<640x16xf32, #tpu.memory_space<vmem>>, vector<1x16xf32>,
        %get3A_490 = vector.shape_cast %get3A_489 : vector<1x16xf32> to vector<16xf32>
        %add3A_491 = arith.addf %get3A_480, %get3A_490 : vector<16xf32>
        %add3A_492 = arith.constant 1 : i32
        %add3A_493 = arith.addi %mul3A_476, %add3A_492 : i32
        %get3A_494 = arith.index_cast %add3A_493 : i32 to index
        %get3A_495 = arith.constant 0 : index
        %get3A_496 = tpu.vector_load %arg20[%get3A_494, %get3A_495] {strides = array<i32>} : memref<640x16xf32, #tpu.memory_space<vmem>>, vector<1x16xf32>,
        %get3A_497 = vector.shape_cast %get3A_496 : vector<1x16xf32> to vector<16xf32>
        %add3A_498 = arith.addf %get3A_484, %get3A_497 : vector<16xf32>
        %add3A_499 = arith.constant 2 : i32
        %add3A_500 = arith.addi %mul3A_476, %add3A_499 : i32
        %get3A_501 = arith.index_cast %add3A_500 : i32 to index
        %get3A_502 = arith.constant 0 : index
        %get3A_503 = tpu.vector_load %arg18[%get3A_501, %get3A_502] {strides = array<i32>} : memref<640x16xf32, #tpu.memory_space<vmem>>, vector<1x16xf32>,
        %get3A_504 = vector.shape_cast %get3A_503 : vector<1x16xf32> to vector<16xf32>
        %add3A_505 = arith.addf %add3A_491, %get3A_504 : vector<16xf32>
        %add3A_506 = arith.constant 2 : i32
        %add3A_507 = arith.addi %mul3A_476, %add3A_506 : i32
        %get3A_508 = arith.index_cast %add3A_507 : i32 to index
        %get3A_509 = arith.constant 0 : index
        %get3A_510 = tpu.vector_load %arg20[%get3A_508, %get3A_509] {strides = array<i32>} : memref<640x16xf32, #tpu.memory_space<vmem>>, vector<1x16xf32>,
        %get3A_511 = vector.shape_cast %get3A_510 : vector<1x16xf32> to vector<16xf32>
        %add3A_512 = arith.addf %add3A_498, %get3A_511 : vector<16xf32>
        %add3A_513 = arith.constant 3 : i32
        %add3A_514 = arith.addi %mul3A_476, %add3A_513 : i32
        %get3A_515 = arith.index_cast %add3A_514 : i32 to index
        %get3A_516 = arith.constant 0 : index
        %get3A_517 = tpu.vector_load %arg18[%get3A_515, %get3A_516] {strides = array<i32>} : memref<640x16xf32, #tpu.memory_space<vmem>>, vector<1x16xf32>,
        %get3A_518 = vector.shape_cast %get3A_517 : vector<1x16xf32> to vector<16xf32>
        %add3A_519 = arith.addf %add3A_505, %get3A_518 : vector<16xf32>
        %add3A_520 = arith.constant 3 : i32
        %add3A_521 = arith.addi %mul3A_476, %add3A_520 : i32
        %get3A_522 = arith.index_cast %add3A_521 : i32 to index
        %get3A_523 = arith.constant 0 : index
        %get3A_524 = tpu.vector_load %arg20[%get3A_522, %get3A_523] {strides = array<i32>} : memref<640x16xf32, #tpu.memory_space<vmem>>, vector<1x16xf32>,
        %get3A_525 = vector.shape_cast %get3A_524 : vector<1x16xf32> to vector<16xf32>
        %add3A_526 = arith.addf %add3A_512, %get3A_525 : vector<16xf32>
        %add3A_527 = arith.constant 4 : i32
        %add3A_528 = arith.addi %mul3A_476, %add3A_527 : i32
        %get3A_529 = arith.index_cast %add3A_528 : i32 to index
        %get3A_530 = arith.constant 0 : index
        %get3A_531 = tpu.vector_load %arg18[%get3A_529, %get3A_530] {strides = array<i32>} : memref<640x16xf32, #tpu.memory_space<vmem>>, vector<1x16xf32>,
        %get3A_532 = vector.shape_cast %get3A_531 : vector<1x16xf32> to vector<16xf32>
        %add3A_533 = arith.addf %add3A_519, %get3A_532 : vector<16xf32>
        %add3A_534 = arith.constant 4 : i32
        %add3A_535 = arith.addi %mul3A_476, %add3A_534 : i32
        %get3A_536 = arith.index_cast %add3A_535 : i32 to index
        %get3A_537 = arith.constant 0 : index
        %get3A_538 = tpu.vector_load %arg20[%get3A_536, %get3A_537] {strides = array<i32>} : memref<640x16xf32, #tpu.memory_space<vmem>>, vector<1x16xf32>,
        %get3A_539 = vector.shape_cast %get3A_538 : vector<1x16xf32> to vector<16xf32>
        %add3A_540 = arith.addf %add3A_526, %get3A_539 : vector<16xf32>
        %add3A_541 = arith.constant 5 : i32
        %add3A_542 = arith.addi %mul3A_476, %add3A_541 : i32
        %get3A_543 = arith.index_cast %add3A_542 : i32 to index
        %get3A_544 = arith.constant 0 : index
        %get3A_545 = tpu.vector_load %arg18[%get3A_543, %get3A_544] {strides = array<i32>} : memref<640x16xf32, #tpu.memory_space<vmem>>, vector<1x16xf32>,
        %get3A_546 = vector.shape_cast %get3A_545 : vector<1x16xf32> to vector<16xf32>
        %add3A_547 = arith.addf %add3A_533, %get3A_546 : vector<16xf32>
        %add3A_548 = arith.constant 5 : i32
        %add3A_549 = arith.addi %mul3A_476, %add3A_548 : i32
        %get3A_550 = arith.index_cast %add3A_549 : i32 to index
        %get3A_551 = arith.constant 0 : index
        %get3A_552 = tpu.vector_load %arg20[%get3A_550, %get3A_551] {strides = array<i32>} : memref<640x16xf32, #tpu.memory_space<vmem>>, vector<1x16xf32>,
        %get3A_553 = vector.shape_cast %get3A_552 : vector<1x16xf32> to vector<16xf32>
        %add3A_554 = arith.addf %add3A_540, %get3A_553 : vector<16xf32>
        %add3A_555 = arith.constant 6 : i32
        %add3A_556 = arith.addi %mul3A_476, %add3A_555 : i32
        %get3A_557 = arith.index_cast %add3A_556 : i32 to index
        %get3A_558 = arith.constant 0 : index
        %get3A_559 = tpu.vector_load %arg18[%get3A_557, %get3A_558] {strides = array<i32>} : memref<640x16xf32, #tpu.memory_space<vmem>>, vector<1x16xf32>,
        %get3A_560 = vector.shape_cast %get3A_559 : vector<1x16xf32> to vector<16xf32>
        %add3A_561 = arith.addf %add3A_547, %get3A_560 : vector<16xf32>
        %add3A_562 = arith.constant 6 : i32
        %add3A_563 = arith.addi %mul3A_476, %add3A_562 : i32
        %get3A_564 = arith.index_cast %add3A_563 : i32 to index
        %get3A_565 = arith.constant 0 : index
        %get3A_566 = tpu.vector_load %arg20[%get3A_564, %get3A_565] {strides = array<i32>} : memref<640x16xf32, #tpu.memory_space<vmem>>, vector<1x16xf32>,
        %get3A_567 = vector.shape_cast %get3A_566 : vector<1x16xf32> to vector<16xf32>
        %add3A_568 = arith.addf %add3A_554, %get3A_567 : vector<16xf32>
        %add3A_569 = arith.constant 7 : i32
        %add3A_570 = arith.addi %mul3A_476, %add3A_569 : i32
        %get3A_571 = arith.index_cast %add3A_570 : i32 to index
        %get3A_572 = arith.constant 0 : index
        %get3A_573 = tpu.vector_load %arg18[%get3A_571, %get3A_572] {strides = array<i32>} : memref<640x16xf32, #tpu.memory_space<vmem>>, vector<1x16xf32>,
        %get3A_574 = vector.shape_cast %get3A_573 : vector<1x16xf32> to vector<16xf32>
        %add3A_575 = arith.addf %add3A_561, %get3A_574 : vector<16xf32>
        %add3A_576 = arith.constant 7 : i32
        %add3A_577 = arith.addi %mul3A_476, %add3A_576 : i32
        %get3A_578 = arith.index_cast %add3A_577 : i32 to index
        %get3A_579 = arith.constant 0 : index
        %get3A_580 = tpu.vector_load %arg20[%get3A_578, %get3A_579] {strides = array<i32>} : memref<640x16xf32, #tpu.memory_space<vmem>>, vector<1x16xf32>,
        %get3A_581 = vector.shape_cast %get3A_580 : vector<1x16xf32> to vector<16xf32>
        %add3A_582 = arith.addf %add3A_568, %get3A_581 : vector<16xf32>
        %add3A_583 = arith.constant 8 : i32
        %add3A_584 = arith.addi %mul3A_476, %add3A_583 : i32
        %get3A_585 = arith.index_cast %add3A_584 : i32 to index
        %get3A_586 = arith.constant 0 : index
        %get3A_587 = tpu.vector_load %arg18[%get3A_585, %get3A_586] {strides = array<i32>} : memref<640x16xf32, #tpu.memory_space<vmem>>, vector<1x16xf32>,
        %get3A_588 = vector.shape_cast %get3A_587 : vector<1x16xf32> to vector<16xf32>
        %add3A_589 = arith.addf %add3A_575, %get3A_588 : vector<16xf32>
        %add3A_590 = arith.constant 8 : i32
        %add3A_591 = arith.addi %mul3A_476, %add3A_590 : i32
        %get3A_592 = arith.index_cast %add3A_591 : i32 to index
        %get3A_593 = arith.constant 0 : index
        %get3A_594 = tpu.vector_load %arg20[%get3A_592, %get3A_593] {strides = array<i32>} : memref<640x16xf32, #tpu.memory_space<vmem>>, vector<1x16xf32>,
        %get3A_595 = vector.shape_cast %get3A_594 : vector<1x16xf32> to vector<16xf32>
        %add3A_596 = arith.addf %add3A_582, %get3A_595 : vector<16xf32>
        %add3A_597 = arith.constant 9 : i32
        %add3A_598 = arith.addi %mul3A_476, %add3A_597 : i32
        %get3A_599 = arith.index_cast %add3A_598 : i32 to index
        %get3A_600 = arith.constant 0 : index
        %get3A_601 = tpu.vector_load %arg18[%get3A_599, %get3A_600] {strides = array<i32>} : memref<640x16xf32, #tpu.memory_space<vmem>>, vector<1x16xf32>,
        %get3A_602 = vector.shape_cast %get3A_601 : vector<1x16xf32> to vector<16xf32>
        %add3A_603 = arith.addf %add3A_589, %get3A_602 : vector<16xf32>
        %add3A_604 = arith.constant 9 : i32
        %add3A_605 = arith.addi %mul3A_476, %add3A_604 : i32
        %get3A_606 = arith.index_cast %add3A_605 : i32 to index
        %get3A_607 = arith.constant 0 : index
        %get3A_608 = tpu.vector_load %arg20[%get3A_606, %get3A_607] {strides = array<i32>} : memref<640x16xf32, #tpu.memory_space<vmem>>, vector<1x16xf32>,
        %get3A_609 = vector.shape_cast %get3A_608 : vector<1x16xf32> to vector<16xf32>
        %add3A_610 = arith.addf %add3A_596, %get3A_609 : vector<16xf32>
        %add3A_611 = arith.constant 10 : i32
        %add3A_612 = arith.addi %mul3A_476, %add3A_611 : i32
        %get3A_613 = arith.index_cast %add3A_612 : i32 to index
        %get3A_614 = arith.constant 0 : index
        %get3A_615 = tpu.vector_load %arg18[%get3A_613, %get3A_614] {strides = array<i32>} : memref<640x16xf32, #tpu.memory_space<vmem>>, vector<1x16xf32>,
        %get3A_616 = vector.shape_cast %get3A_615 : vector<1x16xf32> to vector<16xf32>
        %add3A_617 = arith.addf %add3A_603, %get3A_616 : vector<16xf32>
        %add3A_618 = arith.constant 10 : i32
        %add3A_619 = arith.addi %mul3A_476, %add3A_618 : i32
        %get3A_620 = arith.index_cast %add3A_619 : i32 to index
        %get3A_621 = arith.constant 0 : index
        %get3A_622 = tpu.vector_load %arg20[%get3A_620, %get3A_621] {strides = array<i32>} : memref<640x16xf32, #tpu.memory_space<vmem>>, vector<1x16xf32>,
        %get3A_623 = vector.shape_cast %get3A_622 : vector<1x16xf32> to vector<16xf32>
        %add3A_624 = arith.addf %add3A_610, %get3A_623 : vector<16xf32>
        %add3A_625 = arith.constant 11 : i32
        %add3A_626 = arith.addi %mul3A_476, %add3A_625 : i32
        %get3A_627 = arith.index_cast %add3A_626 : i32 to index
        %get3A_628 = arith.constant 0 : index
        %get3A_629 = tpu.vector_load %arg18[%get3A_627, %get3A_628] {strides = array<i32>} : memref<640x16xf32, #tpu.memory_space<vmem>>, vector<1x16xf32>,
        %get3A_630 = vector.shape_cast %get3A_629 : vector<1x16xf32> to vector<16xf32>
        %add3A_631 = arith.addf %add3A_617, %get3A_630 : vector<16xf32>
        %add3A_632 = arith.constant 11 : i32
        %add3A_633 = arith.addi %mul3A_476, %add3A_632 : i32
        %get3A_634 = arith.index_cast %add3A_633 : i32 to index
        %get3A_635 = arith.constant 0 : index
        %get3A_636 = tpu.vector_load %arg20[%get3A_634, %get3A_635] {strides = array<i32>} : memref<640x16xf32, #tpu.memory_space<vmem>>, vector<1x16xf32>,
        %get3A_637 = vector.shape_cast %get3A_636 : vector<1x16xf32> to vector<16xf32>
        %add3A_638 = arith.addf %add3A_624, %get3A_637 : vector<16xf32>
        %add3A_639 = arith.constant 12 : i32
        %add3A_640 = arith.addi %mul3A_476, %add3A_639 : i32
        %get3A_641 = arith.index_cast %add3A_640 : i32 to index
        %get3A_642 = arith.constant 0 : index
        %get3A_643 = tpu.vector_load %arg18[%get3A_641, %get3A_642] {strides = array<i32>} : memref<640x16xf32, #tpu.memory_space<vmem>>, vector<1x16xf32>,
        %get3A_644 = vector.shape_cast %get3A_643 : vector<1x16xf32> to vector<16xf32>
        %add3A_645 = arith.addf %add3A_631, %get3A_644 : vector<16xf32>
        %add3A_646 = arith.constant 12 : i32
        %add3A_647 = arith.addi %mul3A_476, %add3A_646 : i32
        %get3A_648 = arith.index_cast %add3A_647 : i32 to index
        %get3A_649 = arith.constant 0 : index
        %get3A_650 = tpu.vector_load %arg20[%get3A_648, %get3A_649] {strides = array<i32>} : memref<640x16xf32, #tpu.memory_space<vmem>>, vector<1x16xf32>,
        %get3A_651 = vector.shape_cast %get3A_650 : vector<1x16xf32> to vector<16xf32>
        %add3A_652 = arith.addf %add3A_638, %get3A_651 : vector<16xf32>
        %add3A_653 = arith.constant 13 : i32
        %add3A_654 = arith.addi %mul3A_476, %add3A_653 : i32
        %get3A_655 = arith.index_cast %add3A_654 : i32 to index
        %get3A_656 = arith.constant 0 : index
        %get3A_657 = tpu.vector_load %arg18[%get3A_655, %get3A_656] {strides = array<i32>} : memref<640x16xf32, #tpu.memory_space<vmem>>, vector<1x16xf32>,
        %get3A_658 = vector.shape_cast %get3A_657 : vector<1x16xf32> to vector<16xf32>
        %add3A_659 = arith.addf %add3A_645, %get3A_658 : vector<16xf32>
        %add3A_660 = arith.constant 13 : i32
        %add3A_661 = arith.addi %mul3A_476, %add3A_660 : i32
        %get3A_662 = arith.index_cast %add3A_661 : i32 to index
        %get3A_663 = arith.constant 0 : index
        %get3A_664 = tpu.vector_load %arg20[%get3A_662, %get3A_663] {strides = array<i32>} : memref<640x16xf32, #tpu.memory_space<vmem>>, vector<1x16xf32>,
        %get3A_665 = vector.shape_cast %get3A_664 : vector<1x16xf32> to vector<16xf32>
        %add3A_666 = arith.addf %add3A_652, %get3A_665 : vector<16xf32>
        %add3A_667 = arith.constant 14 : i32
        %add3A_668 = arith.addi %mul3A_476, %add3A_667 : i32
        %get3A_669 = arith.index_cast %add3A_668 : i32 to index
        %get3A_670 = arith.constant 0 : index
        %get3A_671 = tpu.vector_load %arg18[%get3A_669, %get3A_670] {strides = array<i32>} : memref<640x16xf32, #tpu.memory_space<vmem>>, vector<1x16xf32>,
        %get3A_672 = vector.shape_cast %get3A_671 : vector<1x16xf32> to vector<16xf32>
        %add3A_673 = arith.addf %add3A_659, %get3A_672 : vector<16xf32>
        %add3A_674 = arith.constant 14 : i32
        %add3A_675 = arith.addi %mul3A_476, %add3A_674 : i32
        %get3A_676 = arith.index_cast %add3A_675 : i32 to index
        %get3A_677 = arith.constant 0 : index
        %get3A_678 = tpu.vector_load %arg20[%get3A_676, %get3A_677] {strides = array<i32>} : memref<640x16xf32, #tpu.memory_space<vmem>>, vector<1x16xf32>,
        %get3A_679 = vector.shape_cast %get3A_678 : vector<1x16xf32> to vector<16xf32>
        %add3A_680 = arith.addf %add3A_666, %get3A_679 : vector<16xf32>
        %add3A_681 = arith.constant 15 : i32
        %add3A_682 = arith.addi %mul3A_476, %add3A_681 : i32
        %get3A_683 = arith.index_cast %add3A_682 : i32 to index
        %get3A_684 = arith.constant 0 : index
        %get3A_685 = tpu.vector_load %arg18[%get3A_683, %get3A_684] {strides = array<i32>} : memref<640x16xf32, #tpu.memory_space<vmem>>, vector<1x16xf32>,
        %get3A_686 = vector.shape_cast %get3A_685 : vector<1x16xf32> to vector<16xf32>
        %add3A_687 = arith.addf %add3A_673, %get3A_686 : vector<16xf32>
        %add3A_688 = arith.constant 15 : i32
        %add3A_689 = arith.addi %mul3A_476, %add3A_688 : i32
        %get3A_690 = arith.index_cast %add3A_689 : i32 to index
        %get3A_691 = arith.constant 0 : index
        %get3A_692 = tpu.vector_load %arg20[%get3A_690, %get3A_691] {strides = array<i32>} : memref<640x16xf32, #tpu.memory_space<vmem>>, vector<1x16xf32>,
        %get3A_693 = vector.shape_cast %get3A_692 : vector<1x16xf32> to vector<16xf32>
        %add3A_694 = arith.addf %add3A_680, %get3A_693 : vector<16xf32>
        %add3A_695 = arith.constant 16 : i32
        %add3A_696 = arith.addi %mul3A_476, %add3A_695 : i32
        %get3A_697 = arith.index_cast %add3A_696 : i32 to index
        %get3A_698 = arith.constant 0 : index
        %get3A_699 = tpu.vector_load %arg18[%get3A_697, %get3A_698] {strides = array<i32>} : memref<640x16xf32, #tpu.memory_space<vmem>>, vector<1x16xf32>,
        %get3A_700 = vector.shape_cast %get3A_699 : vector<1x16xf32> to vector<16xf32>
        %add3A_701 = arith.addf %add3A_687, %get3A_700 : vector<16xf32>
        %add3A_702 = arith.constant 16 : i32
        %add3A_703 = arith.addi %mul3A_476, %add3A_702 : i32
        %get3A_704 = arith.index_cast %add3A_703 : i32 to index
        %get3A_705 = arith.constant 0 : index
        %get3A_706 = tpu.vector_load %arg20[%get3A_704, %get3A_705] {strides = array<i32>} : memref<640x16xf32, #tpu.memory_space<vmem>>, vector<1x16xf32>,
        %get3A_707 = vector.shape_cast %get3A_706 : vector<1x16xf32> to vector<16xf32>
        %add3A_708 = arith.addf %add3A_694, %get3A_707 : vector<16xf32>
        %add3A_709 = arith.constant 17 : i32
        %add3A_710 = arith.addi %mul3A_476, %add3A_709 : i32
        %get3A_711 = arith.index_cast %add3A_710 : i32 to index
        %get3A_712 = arith.constant 0 : index
        %get3A_713 = tpu.vector_load %arg18[%get3A_711, %get3A_712] {strides = array<i32>} : memref<640x16xf32, #tpu.memory_space<vmem>>, vector<1x16xf32>,
        %get3A_714 = vector.shape_cast %get3A_713 : vector<1x16xf32> to vector<16xf32>
        %add3A_715 = arith.addf %add3A_701, %get3A_714 : vector<16xf32>
        %add3A_716 = arith.constant 17 : i32
        %add3A_717 = arith.addi %mul3A_476, %add3A_716 : i32
        %get3A_718 = arith.index_cast %add3A_717 : i32 to index
        %get3A_719 = arith.constant 0 : index
        %get3A_720 = tpu.vector_load %arg20[%get3A_718, %get3A_719] {strides = array<i32>} : memref<640x16xf32, #tpu.memory_space<vmem>>, vector<1x16xf32>,
        %get3A_721 = vector.shape_cast %get3A_720 : vector<1x16xf32> to vector<16xf32>
        %add3A_722 = arith.addf %add3A_708, %get3A_721 : vector<16xf32>
        %add3A_723 = arith.constant 18 : i32
        %add3A_724 = arith.addi %mul3A_476, %add3A_723 : i32
        %get3A_725 = arith.index_cast %add3A_724 : i32 to index
        %get3A_726 = arith.constant 0 : index
        %get3A_727 = tpu.vector_load %arg18[%get3A_725, %get3A_726] {strides = array<i32>} : memref<640x16xf32, #tpu.memory_space<vmem>>, vector<1x16xf32>,
        %get3A_728 = vector.shape_cast %get3A_727 : vector<1x16xf32> to vector<16xf32>
        %add3A_729 = arith.addf %add3A_715, %get3A_728 : vector<16xf32>
        %add3A_730 = arith.constant 18 : i32
        %add3A_731 = arith.addi %mul3A_476, %add3A_730 : i32
        %get3A_732 = arith.index_cast %add3A_731 : i32 to index
        %get3A_733 = arith.constant 0 : index
        %get3A_734 = tpu.vector_load %arg20[%get3A_732, %get3A_733] {strides = array<i32>} : memref<640x16xf32, #tpu.memory_space<vmem>>, vector<1x16xf32>,
        %get3A_735 = vector.shape_cast %get3A_734 : vector<1x16xf32> to vector<16xf32>
        %add3A_736 = arith.addf %add3A_722, %get3A_735 : vector<16xf32>
        %add3A_737 = arith.constant 19 : i32
        %add3A_738 = arith.addi %mul3A_476, %add3A_737 : i32
        %get3A_739 = arith.index_cast %add3A_738 : i32 to index
        %get3A_740 = arith.constant 0 : index
        %get3A_741 = tpu.vector_load %arg18[%get3A_739, %get3A_740] {strides = array<i32>} : memref<640x16xf32, #tpu.memory_space<vmem>>, vector<1x16xf32>,
        %get3A_742 = vector.shape_cast %get3A_741 : vector<1x16xf32> to vector<16xf32>
        %add3A_743 = arith.addf %add3A_729, %get3A_742 : vector<16xf32>
        %add3A_744 = arith.constant 19 : i32
        %add3A_745 = arith.addi %mul3A_476, %add3A_744 : i32
        %get3A_746 = arith.index_cast %add3A_745 : i32 to index
        %get3A_747 = arith.constant 0 : index
        %get3A_748 = tpu.vector_load %arg20[%get3A_746, %get3A_747] {strides = array<i32>} : memref<640x16xf32, #tpu.memory_space<vmem>>, vector<1x16xf32>,
        %get3A_749 = vector.shape_cast %get3A_748 : vector<1x16xf32> to vector<16xf32>
        %add3A_750 = arith.addf %add3A_736, %get3A_749 : vector<16xf32>
        %mul3A_751 = arith.constant 5.000000e-02 : f32
        %mul3A_752 = vector.broadcast %mul3A_751 : f32 to vector<16xf32>
        %mul3A_753 = arith.mulf %add3A_743, %mul3A_752 : vector<16xf32>
        %mul3A_754 = arith.constant 2 : i32
        %mul3A_755 = arith.muli %scan3A_474, %mul3A_754 : i32
        %mul3A_756 = arith.constant 16 : i32
        %mul3A_757 = arith.muli %mul3A_755, %mul3A_756 : i32
        %swap3A_758 = arith.index_cast %mul3A_757 : i32 to index
        %swap3A_759 = tpu.vector_load %arg24[%swap3A_758] {strides = array<i32>} : memref<1024xf32, #tpu.memory_space<vmem>>, vector<16xf32>,
        %swap3A_760 = vector.shape_cast %swap3A_759 : vector<16xf32> to vector<16xf32>
        %swap3A_761 = vector.shape_cast %mul3A_753 : vector<16xf32> to vector<16xf32>
        tpu.vector_store %arg24[%swap3A_758], %swap3A_761 {strides = array<i32>} : memref<1024xf32, #tpu.memory_space<vmem>>, vector<16xf32>,
        %mul3A_762 = arith.constant 5.000000e-02 : f32
        %mul3A_763 = vector.broadcast %mul3A_762 : f32 to vector<16xf32>
        %mul3A_764 = arith.mulf %add3A_750, %mul3A_763 : vector<16xf32>
        %mul3A_765 = arith.constant 2 : i32
        %mul3A_766 = arith.muli %scan3A_474, %mul3A_765 : i32
        %mul3A_767 = arith.constant 16 : i32
        %mul3A_768 = arith.muli %mul3A_766, %mul3A_767 : i32
        %add3A_769 = arith.constant 16 : i32
        %add3A_770 = arith.addi %mul3A_768, %add3A_769 : i32
        %swap3A_771 = arith.index_cast %add3A_770 : i32 to index
        %swap3A_772 = tpu.vector_load %arg24[%swap3A_771] {strides = array<i32>} : memref<1024xf32, #tpu.memory_space<vmem>>, vector<16xf32>,
        %swap3A_773 = vector.shape_cast %swap3A_772 : vector<16xf32> to vector<16xf32>
        %swap3A_774 = vector.shape_cast %mul3A_764 : vector<16xf32> to vector<16xf32>
        tpu.vector_store %arg24[%swap3A_771], %swap3A_774 {strides = array<i32>} : memref<1024xf32, #tpu.memory_space<vmem>>, vector<16xf32>,
      }
      %scan3A_76 = arith.constant 32 : i32
      %mul3A_77 = arith.constant 26 : i32
      %mul3A_78 = arith.muli %add3A_60, %mul3A_77 : i32
      %dma_start3A_79 = arith.constant 0 : i32
      %dma_start3A_80 = tpu.memref_slice %arg7[%mul3A_78, %dma_start3A_79] : memref<212992x16xf32, #tpu.memory_space<hbm>> -> memref<832x16xf32, #tpu.memory_space<hbm>>
      %dma_start3A_81 = arith.constant 0 : i32
      %dma_start3A_82 = tpu.memref_slice %arg7[%mul3A_78, %dma_start3A_81] : memref<212992x16xf32, #tpu.memory_space<hbm>> -> memref<832x16xf32, #tpu.memory_space<hbm>>
      tpu.enqueue_dma source(%arg16 : memref<832x16xf32, #tpu.memory_space<vmem>>) target(%dma_start3A_82 : memref<832x16xf32, #tpu.memory_space<hbm>>) target_semaphore(%arg28 : memref<!tpu.dma_semaphore, #tpu.memory_space<semaphore_mem>>)
      %mul3A_83 = arith.constant 2 : i32
      %mul3A_84 = arith.muli %add3A_60, %mul3A_83 : i32
      %mul3A_85 = arith.constant 16 : i32
      %mul3A_86 = arith.muli %mul3A_84, %mul3A_85 : i32
      %dma_start3A_87 = tpu.memref_slice %arg8[%mul3A_86] : memref<262144xf32, #tpu.memory_space<hbm>> -> memref<1024xf32, #tpu.memory_space<hbm>>
      %dma_start3A_88 = tpu.memref_slice %arg8[%mul3A_86] : memref<262144xf32, #tpu.memory_space<hbm>> -> memref<1024xf32, #tpu.memory_space<hbm>>
      tpu.enqueue_dma source(%arg24 : memref<1024xf32, #tpu.memory_space<vmem>>) target(%dma_start3A_88 : memref<1024xf32, #tpu.memory_space<hbm>>) target_semaphore(%arg28 : memref<!tpu.dma_semaphore, #tpu.memory_space<semaphore_mem>>)
      %mul3A_89 = arith.constant 26 : i32
      %mul3A_90 = arith.muli %add3A_60, %mul3A_89 : i32
      %dma_start3A_91 = tpu.memref_slice %arg9[%mul3A_90] : memref<212992xf32, #tpu.memory_space<hbm>> -> memref<832xf32, #tpu.memory_space<hbm>>
      %dma_start3A_92 = tpu.memref_slice %arg9[%mul3A_90] : memref<212992xf32, #tpu.memory_space<hbm>> -> memref<832xf32, #tpu.memory_space<hbm>>
      tpu.enqueue_dma source(%arg22 : memref<832xf32, #tpu.memory_space<vmem>>) target(%dma_start3A_92 : memref<832xf32, #tpu.memory_space<hbm>>) target_semaphore(%arg28 : memref<!tpu.dma_semaphore, #tpu.memory_space<semaphore_mem>>)
      %dma_wait3A_93 = arith.constant 0 : i32
      %dma_wait3A_94 = arith.constant 0 : i32
      %dma_wait3A_95 = tpu.memref_slice %arg7[%dma_wait3A_93, %dma_wait3A_94] : memref<212992x16xf32, #tpu.memory_space<hbm>> -> memref<832x16xf32, #tpu.memory_space<hbm>>
      %dma_wait3A_96 = arith.constant 0 : i32
      %dma_wait3A_97 = arith.constant 0 : i32
      %dma_wait3A_98 = tpu.memref_slice %arg7[%dma_wait3A_96, %dma_wait3A_97] : memref<212992x16xf32, #tpu.memory_space<hbm>> -> memref<832x16xf32, #tpu.memory_space<hbm>>
      tpu.wait_dma2 semaphore(%arg28 : memref<!tpu.dma_semaphore, #tpu.memory_space<semaphore_mem>>) src(%arg16 : memref<832x16xf32, #tpu.memory_space<vmem>>) dst(%dma_wait3A_98 : memref<832x16xf32, #tpu.memory_space<hbm>>)
      %dma_wait3A_99 = arith.constant 0 : i32
      %dma_wait3A_100 = tpu.memref_slice %arg8[%dma_wait3A_99] : memref<262144xf32, #tpu.memory_space<hbm>> -> memref<1024xf32, #tpu.memory_space<hbm>>
      %dma_wait3A_101 = arith.constant 0 : i32
      %dma_wait3A_102 = tpu.memref_slice %arg8[%dma_wait3A_101] : memref<262144xf32, #tpu.memory_space<hbm>> -> memref<1024xf32, #tpu.memory_space<hbm>>
      tpu.wait_dma2 semaphore(%arg28 : memref<!tpu.dma_semaphore, #tpu.memory_space<semaphore_mem>>) src(%arg24 : memref<1024xf32, #tpu.memory_space<vmem>>) dst(%dma_wait3A_102 : memref<1024xf32, #tpu.memory_space<hbm>>)
      %dma_wait3A_103 = arith.constant 0 : i32
      %dma_wait3A_104 = tpu.memref_slice %arg9[%dma_wait3A_103] : memref<212992xf32, #tpu.memory_space<hbm>> -> memref<832xf32, #tpu.memory_space<hbm>>
      %dma_wait3A_105 = arith.constant 0 : i32
      %dma_wait3A_106 = tpu.memref_slice %arg9[%dma_wait3A_105] : memref<212992xf32, #tpu.memory_space<hbm>> -> memref<832xf32, #tpu.memory_space<hbm>>
      tpu.wait_dma2 semaphore(%arg28 : memref<!tpu.dma_semaphore, #tpu.memory_space<semaphore_mem>>) src(%arg22 : memref<832xf32, #tpu.memory_space<vmem>>) dst(%dma_wait3A_106 : memref<832xf32, #tpu.memory_space<hbm>>)
      %add3A_107 = arith.constant 2 : i32
      %add3A_108 = arith.addi %add3A_55, %add3A_107 : i32
      %lt3A = arith.constant 8 : i32
      %lt3A_109 = arith.cmpi slt, %add3A_108, %lt3A : i32
      %convert_element_type3A = arith.extui %lt3A_109 : i1 to i32
      %cond3A = arith.constant 0 : i32
      %cond3A_110 = arith.cmpi ne, %convert_element_type3A, %cond3A : i32
      scf.if %cond3A_110 {
        %add3A_174 = arith.constant 2 : i32
        %add3A_175 = arith.addi %add3A_55, %add3A_174 : i32
        %mul3A_176 = arith.constant 256 : i32
        %mul3A_177 = arith.muli %add3A, %mul3A_176 : i32
        %add3A_178 = arith.constant 8192 : i32
        %add3A_179 = arith.addi %add3A_178, %mul3A_177 : i32
        %mul3A_180 = arith.constant 32 : i32
        %mul3A_181 = arith.muli %add3A_175, %mul3A_180 : i32
        %add3A_182 = arith.addi %add3A_179, %mul3A_181 : i32
        %mul3A_183 = arith.constant 26 : i32
        %mul3A_184 = arith.muli %add3A_182, %mul3A_183 : i32
        "tpu.region"() ({
          %run_scoped3A = tpu.sem_alloc : memref<!tpu.dma_semaphore, #tpu.memory_space<semaphore_mem>>
          %dma_start3A_200 = tpu.memref_slice %arg2[%mul3A_184] : memref<425984xi32, #tpu.memory_space<hbm>> -> memref<832xi32, #tpu.memory_space<hbm>>
          %dma_start3A_201 = tpu.memref_slice %arg2[%mul3A_184] : memref<425984xi32, #tpu.memory_space<hbm>> -> memref<832xi32, #tpu.memory_space<hbm>>
          tpu.enqueue_dma source(%dma_start3A_201 : memref<832xi32, #tpu.memory_space<hbm>>) target(%arg10 : memref<832xi32, #tpu.memory_space<vmem>>) target_semaphore(%run_scoped3A : memref<!tpu.dma_semaphore, #tpu.memory_space<semaphore_mem>>)
          %dma_wait3A_202 = tpu.memref_slice %arg2[%mul3A_184] : memref<425984xi32, #tpu.memory_space<hbm>> -> memref<832xi32, #tpu.memory_space<hbm>>
          %dma_wait3A_203 = tpu.memref_slice %arg2[%mul3A_184] : memref<425984xi32, #tpu.memory_space<hbm>> -> memref<832xi32, #tpu.memory_space<hbm>>
          tpu.wait_dma2 semaphore(%run_scoped3A : memref<!tpu.dma_semaphore, #tpu.memory_space<semaphore_mem>>) src(%dma_wait3A_203 : memref<832xi32, #tpu.memory_space<hbm>>) dst(%arg10 : memref<832xi32, #tpu.memory_space<vmem>>)
          tpu.yield
        }) : () -> ()
        %mul3A_185 = arith.constant 20 : i32
        %mul3A_186 = arith.muli %add3A_182, %mul3A_185 : i32
        "tpu.region"() ({
          %run_scoped3A = tpu.sem_alloc : memref<!tpu.dma_semaphore, #tpu.memory_space<semaphore_mem>>
          %dma_start3A_200 = tpu.memref_slice %arg3[%mul3A_186] : memref<327680xi32, #tpu.memory_space<hbm>> -> memref<640xi32, #tpu.memory_space<hbm>>
          %dma_start3A_201 = tpu.memref_slice %arg3[%mul3A_186] : memref<327680xi32, #tpu.memory_space<hbm>> -> memref<640xi32, #tpu.memory_space<hbm>>
          tpu.enqueue_dma source(%dma_start3A_201 : memref<640xi32, #tpu.memory_space<hbm>>) target(%arg12 : memref<640xi32, #tpu.memory_space<vmem>>) target_semaphore(%run_scoped3A : memref<!tpu.dma_semaphore, #tpu.memory_space<semaphore_mem>>)
          %dma_wait3A_202 = tpu.memref_slice %arg3[%mul3A_186] : memref<327680xi32, #tpu.memory_space<hbm>> -> memref<640xi32, #tpu.memory_space<hbm>>
          %dma_wait3A_203 = tpu.memref_slice %arg3[%mul3A_186] : memref<327680xi32, #tpu.memory_space<hbm>> -> memref<640xi32, #tpu.memory_space<hbm>>
          tpu.wait_dma2 semaphore(%run_scoped3A : memref<!tpu.dma_semaphore, #tpu.memory_space<semaphore_mem>>) src(%dma_wait3A_203 : memref<640xi32, #tpu.memory_space<hbm>>) dst(%arg12 : memref<640xi32, #tpu.memory_space<vmem>>)
          tpu.yield
        }) : () -> ()
        %mul3A_187 = arith.constant 20 : i32
        %mul3A_188 = arith.muli %add3A_182, %mul3A_187 : i32
        "tpu.region"() ({
          %run_scoped3A = tpu.sem_alloc : memref<!tpu.dma_semaphore, #tpu.memory_space<semaphore_mem>>
          %dma_start3A_200 = tpu.memref_slice %arg4[%mul3A_188] : memref<327680xi32, #tpu.memory_space<hbm>> -> memref<640xi32, #tpu.memory_space<hbm>>
          %dma_start3A_201 = tpu.memref_slice %arg4[%mul3A_188] : memref<327680xi32, #tpu.memory_space<hbm>> -> memref<640xi32, #tpu.memory_space<hbm>>
          tpu.enqueue_dma source(%dma_start3A_201 : memref<640xi32, #tpu.memory_space<hbm>>) target(%arg14 : memref<640xi32, #tpu.memory_space<vmem>>) target_semaphore(%run_scoped3A : memref<!tpu.dma_semaphore, #tpu.memory_space<semaphore_mem>>)
          %dma_wait3A_202 = tpu.memref_slice %arg4[%mul3A_188] : memref<327680xi32, #tpu.memory_space<hbm>> -> memref<640xi32, #tpu.memory_space<hbm>>
          %dma_wait3A_203 = tpu.memref_slice %arg4[%mul3A_188] : memref<327680xi32, #tpu.memory_space<hbm>> -> memref<640xi32, #tpu.memory_space<hbm>>
          tpu.wait_dma2 semaphore(%run_scoped3A : memref<!tpu.dma_semaphore, #tpu.memory_space<semaphore_mem>>) src(%dma_wait3A_203 : memref<640xi32, #tpu.memory_space<hbm>>) dst(%arg14 : memref<640xi32, #tpu.memory_space<vmem>>)
          tpu.yield
        }) : () -> ()
        %dma_start3A_189 = arith.constant 0 : i32
        %dma_start3A_190 = arith.constant 0 : i32
        %dma_start3A_191 = tpu.memref_slice %arg5[%dma_start3A_189, %dma_start3A_190] : memref<1000000x16xf32, #tpu.memory_space<hbm>> -> memref<1000000x16xf32, #tpu.memory_space<hbm>>
        tpu.enqueue_indirect_dma source(%dma_start3A_191 : memref<1000000x16xf32, #tpu.memory_space<hbm>>) target(%arg16 : memref<832x16xf32, #tpu.memory_space<vmem>>) offsets(%arg10 : memref<832xi32, #tpu.memory_space<vmem>>) semaphore(%arg26 : memref<!tpu.dma_semaphore, #tpu.memory_space<semaphore_mem>>)
        %dma_start3A_192 = arith.constant 0 : i32
        %dma_start3A_193 = arith.constant 0 : i32
        %dma_start3A_194 = tpu.memref_slice %arg5[%dma_start3A_192, %dma_start3A_193] : memref<1000000x16xf32, #tpu.memory_space<hbm>> -> memref<1000000x16xf32, #tpu.memory_space<hbm>>
        tpu.enqueue_indirect_dma source(%dma_start3A_194 : memref<1000000x16xf32, #tpu.memory_space<hbm>>) target(%arg18 : memref<640x16xf32, #tpu.memory_space<vmem>>) offsets(%arg12 : memref<640xi32, #tpu.memory_space<vmem>>) semaphore(%arg26 : memref<!tpu.dma_semaphore, #tpu.memory_space<semaphore_mem>>)
        %dma_start3A_195 = arith.constant 0 : i32
        %dma_start3A_196 = arith.constant 0 : i32
        %dma_start3A_197 = tpu.memref_slice %arg5[%dma_start3A_195, %dma_start3A_196] : memref<1000000x16xf32, #tpu.memory_space<hbm>> -> memref<1000000x16xf32, #tpu.memory_space<hbm>>
        tpu.enqueue_indirect_dma source(%dma_start3A_197 : memref<1000000x16xf32, #tpu.memory_space<hbm>>) target(%arg20 : memref<640x16xf32, #tpu.memory_space<vmem>>) offsets(%arg14 : memref<640xi32, #tpu.memory_space<vmem>>) semaphore(%arg26 : memref<!tpu.dma_semaphore, #tpu.memory_space<semaphore_mem>>)
        %dma_start3A_198 = arith.constant 0 : i32
        %dma_start3A_199 = tpu.memref_slice %arg6[%dma_start3A_198] : memref<1000000xf32, #tpu.memory_space<hbm>> -> memref<1000000xf32, #tpu.memory_space<hbm>>
        tpu.enqueue_indirect_dma source(%dma_start3A_199 : memref<1000000xf32, #tpu.memory_space<hbm>>) target(%arg22 : memref<832xf32, #tpu.memory_space<vmem>>) offsets(%arg10 : memref<832xi32, #tpu.memory_space<vmem>>) semaphore(%arg26 : memref<!tpu.dma_semaphore, #tpu.memory_space<semaphore_mem>>)
      } else {
      }
      %mul3A_111 = arith.constant 2 : i32
      %mul3A_112 = arith.muli %mul3A_111, %scan3A_51 : i32
      %add3A_113 = arith.constant 1 : i32
      %add3A_114 = arith.addi %mul3A_112, %add3A_113 : i32
      %mul3A_115 = arith.constant 256 : i32
      %mul3A_116 = arith.muli %add3A, %mul3A_115 : i32
      %mul3A_117 = arith.constant 32 : i32
      %mul3A_118 = arith.muli %add3A_114, %mul3A_117 : i32
      %add3A_119 = arith.addi %mul3A_116, %mul3A_118 : i32
      %dma_wait3A_120 = arith.constant 0 : i32
      %dma_wait3A_121 = arith.constant 0 : i32
      %dma_wait3A_122 = tpu.memref_slice %arg5[%dma_wait3A_120, %dma_wait3A_121] : memref<1000000x16xf32, #tpu.memory_space<hbm>> -> memref<1000000x16xf32, #tpu.memory_space<hbm>>
      tpu.wait_indirect_dma semaphore(%arg27 : memref<!tpu.dma_semaphore, #tpu.memory_space<semaphore_mem>>) src(%dma_wait3A_122 : memref<1000000x16xf32, #tpu.memory_space<hbm>>) dst(%arg17 : memref<832x16xf32, #tpu.memory_space<vmem>>)
      %dma_wait3A_123 = arith.constant 0 : i32
      %dma_wait3A_124 = arith.constant 0 : i32
      %dma_wait3A_125 = tpu.memref_slice %arg5[%dma_wait3A_123, %dma_wait3A_124] : memref<1000000x16xf32, #tpu.memory_space<hbm>> -> memref<1000000x16xf32, #tpu.memory_space<hbm>>
      tpu.wait_indirect_dma semaphore(%arg27 : memref<!tpu.dma_semaphore, #tpu.memory_space<semaphore_mem>>) src(%dma_wait3A_125 : memref<1000000x16xf32, #tpu.memory_space<hbm>>) dst(%arg19 : memref<640x16xf32, #tpu.memory_space<vmem>>)
      %dma_wait3A_126 = arith.constant 0 : i32
      %dma_wait3A_127 = arith.constant 0 : i32
      %dma_wait3A_128 = tpu.memref_slice %arg5[%dma_wait3A_126, %dma_wait3A_127] : memref<1000000x16xf32, #tpu.memory_space<hbm>> -> memref<1000000x16xf32, #tpu.memory_space<hbm>>
      tpu.wait_indirect_dma semaphore(%arg27 : memref<!tpu.dma_semaphore, #tpu.memory_space<semaphore_mem>>) src(%dma_wait3A_128 : memref<1000000x16xf32, #tpu.memory_space<hbm>>) dst(%arg21 : memref<640x16xf32, #tpu.memory_space<vmem>>)
      %dma_wait3A_129 = arith.constant 0 : i32
      %dma_wait3A_130 = tpu.memref_slice %arg6[%dma_wait3A_129] : memref<1000000xf32, #tpu.memory_space<hbm>> -> memref<1000000xf32, #tpu.memory_space<hbm>>
      tpu.wait_indirect_dma semaphore(%arg27 : memref<!tpu.dma_semaphore, #tpu.memory_space<semaphore_mem>>) src(%dma_wait3A_130 : memref<1000000xf32, #tpu.memory_space<hbm>>) dst(%arg23 : memref<832xf32, #tpu.memory_space<vmem>>)
      %scan3A_131 = arith.constant 0 : i32
      %scan3A_132 = arith.constant 0 : i32
      %scan3A_133 = arith.constant 32 : i32
      %scan3A_134 = arith.addi %scan3A_132, %scan3A_133 : i32
      %scan3A_135 = arith.constant 2 : i32
      scf.for %scan3A_174 = %scan3A_132 to %scan3A_134 step %scan3A_135  : i32 {
        %mul3A_175 = arith.constant 20 : i32
        %mul3A_176 = arith.muli %scan3A_174, %mul3A_175 : i32
        %get3A = arith.index_cast %mul3A_176 : i32 to index
        %get3A_177 = arith.constant 0 : index
        %get3A_178 = tpu.vector_load %arg19[%get3A, %get3A_177] {strides = array<i32>} : memref<640x16xf32, #tpu.memory_space<vmem>>, vector<1x16xf32>,
        %get3A_179 = vector.shape_cast %get3A_178 : vector<1x16xf32> to vector<16xf32>
        %get3A_180 = arith.index_cast %mul3A_176 : i32 to index
        %get3A_181 = arith.constant 0 : index
        %get3A_182 = tpu.vector_load %arg21[%get3A_180, %get3A_181] {strides = array<i32>} : memref<640x16xf32, #tpu.memory_space<vmem>>, vector<1x16xf32>,
        %get3A_183 = vector.shape_cast %get3A_182 : vector<1x16xf32> to vector<16xf32>
        %add3A_184 = arith.constant 1 : i32
        %add3A_185 = arith.addi %mul3A_176, %add3A_184 : i32
        %get3A_186 = arith.index_cast %add3A_185 : i32 to index
        %get3A_187 = arith.constant 0 : index
        %get3A_188 = tpu.vector_load %arg19[%get3A_186, %get3A_187] {strides = array<i32>} : memref<640x16xf32, #tpu.memory_space<vmem>>, vector<1x16xf32>,
        %get3A_189 = vector.shape_cast %get3A_188 : vector<1x16xf32> to vector<16xf32>
        %add3A_190 = arith.addf %get3A_179, %get3A_189 : vector<16xf32>
        %add3A_191 = arith.constant 1 : i32
        %add3A_192 = arith.addi %mul3A_176, %add3A_191 : i32
        %get3A_193 = arith.index_cast %add3A_192 : i32 to index
        %get3A_194 = arith.constant 0 : index
        %get3A_195 = tpu.vector_load %arg21[%get3A_193, %get3A_194] {strides = array<i32>} : memref<640x16xf32, #tpu.memory_space<vmem>>, vector<1x16xf32>,
        %get3A_196 = vector.shape_cast %get3A_195 : vector<1x16xf32> to vector<16xf32>
        %add3A_197 = arith.addf %get3A_183, %get3A_196 : vector<16xf32>
        %add3A_198 = arith.constant 2 : i32
        %add3A_199 = arith.addi %mul3A_176, %add3A_198 : i32
        %get3A_200 = arith.index_cast %add3A_199 : i32 to index
        %get3A_201 = arith.constant 0 : index
        %get3A_202 = tpu.vector_load %arg19[%get3A_200, %get3A_201] {strides = array<i32>} : memref<640x16xf32, #tpu.memory_space<vmem>>, vector<1x16xf32>,
        %get3A_203 = vector.shape_cast %get3A_202 : vector<1x16xf32> to vector<16xf32>
        %add3A_204 = arith.addf %add3A_190, %get3A_203 : vector<16xf32>
        %add3A_205 = arith.constant 2 : i32
        %add3A_206 = arith.addi %mul3A_176, %add3A_205 : i32
        %get3A_207 = arith.index_cast %add3A_206 : i32 to index
        %get3A_208 = arith.constant 0 : index
        %get3A_209 = tpu.vector_load %arg21[%get3A_207, %get3A_208] {strides = array<i32>} : memref<640x16xf32, #tpu.memory_space<vmem>>, vector<1x16xf32>,
        %get3A_210 = vector.shape_cast %get3A_209 : vector<1x16xf32> to vector<16xf32>
        %add3A_211 = arith.addf %add3A_197, %get3A_210 : vector<16xf32>
        %add3A_212 = arith.constant 3 : i32
        %add3A_213 = arith.addi %mul3A_176, %add3A_212 : i32
        %get3A_214 = arith.index_cast %add3A_213 : i32 to index
        %get3A_215 = arith.constant 0 : index
        %get3A_216 = tpu.vector_load %arg19[%get3A_214, %get3A_215] {strides = array<i32>} : memref<640x16xf32, #tpu.memory_space<vmem>>, vector<1x16xf32>,
        %get3A_217 = vector.shape_cast %get3A_216 : vector<1x16xf32> to vector<16xf32>
        %add3A_218 = arith.addf %add3A_204, %get3A_217 : vector<16xf32>
        %add3A_219 = arith.constant 3 : i32
        %add3A_220 = arith.addi %mul3A_176, %add3A_219 : i32
        %get3A_221 = arith.index_cast %add3A_220 : i32 to index
        %get3A_222 = arith.constant 0 : index
        %get3A_223 = tpu.vector_load %arg21[%get3A_221, %get3A_222] {strides = array<i32>} : memref<640x16xf32, #tpu.memory_space<vmem>>, vector<1x16xf32>,
        %get3A_224 = vector.shape_cast %get3A_223 : vector<1x16xf32> to vector<16xf32>
        %add3A_225 = arith.addf %add3A_211, %get3A_224 : vector<16xf32>
        %add3A_226 = arith.constant 4 : i32
        %add3A_227 = arith.addi %mul3A_176, %add3A_226 : i32
        %get3A_228 = arith.index_cast %add3A_227 : i32 to index
        %get3A_229 = arith.constant 0 : index
        %get3A_230 = tpu.vector_load %arg19[%get3A_228, %get3A_229] {strides = array<i32>} : memref<640x16xf32, #tpu.memory_space<vmem>>, vector<1x16xf32>,
        %get3A_231 = vector.shape_cast %get3A_230 : vector<1x16xf32> to vector<16xf32>
        %add3A_232 = arith.addf %add3A_218, %get3A_231 : vector<16xf32>
        %add3A_233 = arith.constant 4 : i32
        %add3A_234 = arith.addi %mul3A_176, %add3A_233 : i32
        %get3A_235 = arith.index_cast %add3A_234 : i32 to index
        %get3A_236 = arith.constant 0 : index
        %get3A_237 = tpu.vector_load %arg21[%get3A_235, %get3A_236] {strides = array<i32>} : memref<640x16xf32, #tpu.memory_space<vmem>>, vector<1x16xf32>,
        %get3A_238 = vector.shape_cast %get3A_237 : vector<1x16xf32> to vector<16xf32>
        %add3A_239 = arith.addf %add3A_225, %get3A_238 : vector<16xf32>
        %add3A_240 = arith.constant 5 : i32
        %add3A_241 = arith.addi %mul3A_176, %add3A_240 : i32
        %get3A_242 = arith.index_cast %add3A_241 : i32 to index
        %get3A_243 = arith.constant 0 : index
        %get3A_244 = tpu.vector_load %arg19[%get3A_242, %get3A_243] {strides = array<i32>} : memref<640x16xf32, #tpu.memory_space<vmem>>, vector<1x16xf32>,
        %get3A_245 = vector.shape_cast %get3A_244 : vector<1x16xf32> to vector<16xf32>
        %add3A_246 = arith.addf %add3A_232, %get3A_245 : vector<16xf32>
        %add3A_247 = arith.constant 5 : i32
        %add3A_248 = arith.addi %mul3A_176, %add3A_247 : i32
        %get3A_249 = arith.index_cast %add3A_248 : i32 to index
        %get3A_250 = arith.constant 0 : index
        %get3A_251 = tpu.vector_load %arg21[%get3A_249, %get3A_250] {strides = array<i32>} : memref<640x16xf32, #tpu.memory_space<vmem>>, vector<1x16xf32>,
        %get3A_252 = vector.shape_cast %get3A_251 : vector<1x16xf32> to vector<16xf32>
        %add3A_253 = arith.addf %add3A_239, %get3A_252 : vector<16xf32>
        %add3A_254 = arith.constant 6 : i32
        %add3A_255 = arith.addi %mul3A_176, %add3A_254 : i32
        %get3A_256 = arith.index_cast %add3A_255 : i32 to index
        %get3A_257 = arith.constant 0 : index
        %get3A_258 = tpu.vector_load %arg19[%get3A_256, %get3A_257] {strides = array<i32>} : memref<640x16xf32, #tpu.memory_space<vmem>>, vector<1x16xf32>,
        %get3A_259 = vector.shape_cast %get3A_258 : vector<1x16xf32> to vector<16xf32>
        %add3A_260 = arith.addf %add3A_246, %get3A_259 : vector<16xf32>
        %add3A_261 = arith.constant 6 : i32
        %add3A_262 = arith.addi %mul3A_176, %add3A_261 : i32
        %get3A_263 = arith.index_cast %add3A_262 : i32 to index
        %get3A_264 = arith.constant 0 : index
        %get3A_265 = tpu.vector_load %arg21[%get3A_263, %get3A_264] {strides = array<i32>} : memref<640x16xf32, #tpu.memory_space<vmem>>, vector<1x16xf32>,
        %get3A_266 = vector.shape_cast %get3A_265 : vector<1x16xf32> to vector<16xf32>
        %add3A_267 = arith.addf %add3A_253, %get3A_266 : vector<16xf32>
        %add3A_268 = arith.constant 7 : i32
        %add3A_269 = arith.addi %mul3A_176, %add3A_268 : i32
        %get3A_270 = arith.index_cast %add3A_269 : i32 to index
        %get3A_271 = arith.constant 0 : index
        %get3A_272 = tpu.vector_load %arg19[%get3A_270, %get3A_271] {strides = array<i32>} : memref<640x16xf32, #tpu.memory_space<vmem>>, vector<1x16xf32>,
        %get3A_273 = vector.shape_cast %get3A_272 : vector<1x16xf32> to vector<16xf32>
        %add3A_274 = arith.addf %add3A_260, %get3A_273 : vector<16xf32>
        %add3A_275 = arith.constant 7 : i32
        %add3A_276 = arith.addi %mul3A_176, %add3A_275 : i32
        %get3A_277 = arith.index_cast %add3A_276 : i32 to index
        %get3A_278 = arith.constant 0 : index
        %get3A_279 = tpu.vector_load %arg21[%get3A_277, %get3A_278] {strides = array<i32>} : memref<640x16xf32, #tpu.memory_space<vmem>>, vector<1x16xf32>,
        %get3A_280 = vector.shape_cast %get3A_279 : vector<1x16xf32> to vector<16xf32>
        %add3A_281 = arith.addf %add3A_267, %get3A_280 : vector<16xf32>
        %add3A_282 = arith.constant 8 : i32
        %add3A_283 = arith.addi %mul3A_176, %add3A_282 : i32
        %get3A_284 = arith.index_cast %add3A_283 : i32 to index
        %get3A_285 = arith.constant 0 : index
        %get3A_286 = tpu.vector_load %arg19[%get3A_284, %get3A_285] {strides = array<i32>} : memref<640x16xf32, #tpu.memory_space<vmem>>, vector<1x16xf32>,
        %get3A_287 = vector.shape_cast %get3A_286 : vector<1x16xf32> to vector<16xf32>
        %add3A_288 = arith.addf %add3A_274, %get3A_287 : vector<16xf32>
        %add3A_289 = arith.constant 8 : i32
        %add3A_290 = arith.addi %mul3A_176, %add3A_289 : i32
        %get3A_291 = arith.index_cast %add3A_290 : i32 to index
        %get3A_292 = arith.constant 0 : index
        %get3A_293 = tpu.vector_load %arg21[%get3A_291, %get3A_292] {strides = array<i32>} : memref<640x16xf32, #tpu.memory_space<vmem>>, vector<1x16xf32>,
        %get3A_294 = vector.shape_cast %get3A_293 : vector<1x16xf32> to vector<16xf32>
        %add3A_295 = arith.addf %add3A_281, %get3A_294 : vector<16xf32>
        %add3A_296 = arith.constant 9 : i32
        %add3A_297 = arith.addi %mul3A_176, %add3A_296 : i32
        %get3A_298 = arith.index_cast %add3A_297 : i32 to index
        %get3A_299 = arith.constant 0 : index
        %get3A_300 = tpu.vector_load %arg19[%get3A_298, %get3A_299] {strides = array<i32>} : memref<640x16xf32, #tpu.memory_space<vmem>>, vector<1x16xf32>,
        %get3A_301 = vector.shape_cast %get3A_300 : vector<1x16xf32> to vector<16xf32>
        %add3A_302 = arith.addf %add3A_288, %get3A_301 : vector<16xf32>
        %add3A_303 = arith.constant 9 : i32
        %add3A_304 = arith.addi %mul3A_176, %add3A_303 : i32
        %get3A_305 = arith.index_cast %add3A_304 : i32 to index
        %get3A_306 = arith.constant 0 : index
        %get3A_307 = tpu.vector_load %arg21[%get3A_305, %get3A_306] {strides = array<i32>} : memref<640x16xf32, #tpu.memory_space<vmem>>, vector<1x16xf32>,
        %get3A_308 = vector.shape_cast %get3A_307 : vector<1x16xf32> to vector<16xf32>
        %add3A_309 = arith.addf %add3A_295, %get3A_308 : vector<16xf32>
        %add3A_310 = arith.constant 10 : i32
        %add3A_311 = arith.addi %mul3A_176, %add3A_310 : i32
        %get3A_312 = arith.index_cast %add3A_311 : i32 to index
        %get3A_313 = arith.constant 0 : index
        %get3A_314 = tpu.vector_load %arg19[%get3A_312, %get3A_313] {strides = array<i32>} : memref<640x16xf32, #tpu.memory_space<vmem>>, vector<1x16xf32>,
        %get3A_315 = vector.shape_cast %get3A_314 : vector<1x16xf32> to vector<16xf32>
        %add3A_316 = arith.addf %add3A_302, %get3A_315 : vector<16xf32>
        %add3A_317 = arith.constant 10 : i32
        %add3A_318 = arith.addi %mul3A_176, %add3A_317 : i32
        %get3A_319 = arith.index_cast %add3A_318 : i32 to index
        %get3A_320 = arith.constant 0 : index
        %get3A_321 = tpu.vector_load %arg21[%get3A_319, %get3A_320] {strides = array<i32>} : memref<640x16xf32, #tpu.memory_space<vmem>>, vector<1x16xf32>,
        %get3A_322 = vector.shape_cast %get3A_321 : vector<1x16xf32> to vector<16xf32>
        %add3A_323 = arith.addf %add3A_309, %get3A_322 : vector<16xf32>
        %add3A_324 = arith.constant 11 : i32
        %add3A_325 = arith.addi %mul3A_176, %add3A_324 : i32
        %get3A_326 = arith.index_cast %add3A_325 : i32 to index
        %get3A_327 = arith.constant 0 : index
        %get3A_328 = tpu.vector_load %arg19[%get3A_326, %get3A_327] {strides = array<i32>} : memref<640x16xf32, #tpu.memory_space<vmem>>, vector<1x16xf32>,
        %get3A_329 = vector.shape_cast %get3A_328 : vector<1x16xf32> to vector<16xf32>
        %add3A_330 = arith.addf %add3A_316, %get3A_329 : vector<16xf32>
        %add3A_331 = arith.constant 11 : i32
        %add3A_332 = arith.addi %mul3A_176, %add3A_331 : i32
        %get3A_333 = arith.index_cast %add3A_332 : i32 to index
        %get3A_334 = arith.constant 0 : index
        %get3A_335 = tpu.vector_load %arg21[%get3A_333, %get3A_334] {strides = array<i32>} : memref<640x16xf32, #tpu.memory_space<vmem>>, vector<1x16xf32>,
        %get3A_336 = vector.shape_cast %get3A_335 : vector<1x16xf32> to vector<16xf32>
        %add3A_337 = arith.addf %add3A_323, %get3A_336 : vector<16xf32>
        %add3A_338 = arith.constant 12 : i32
        %add3A_339 = arith.addi %mul3A_176, %add3A_338 : i32
        %get3A_340 = arith.index_cast %add3A_339 : i32 to index
        %get3A_341 = arith.constant 0 : index
        %get3A_342 = tpu.vector_load %arg19[%get3A_340, %get3A_341] {strides = array<i32>} : memref<640x16xf32, #tpu.memory_space<vmem>>, vector<1x16xf32>,
        %get3A_343 = vector.shape_cast %get3A_342 : vector<1x16xf32> to vector<16xf32>
        %add3A_344 = arith.addf %add3A_330, %get3A_343 : vector<16xf32>
        %add3A_345 = arith.constant 12 : i32
        %add3A_346 = arith.addi %mul3A_176, %add3A_345 : i32
        %get3A_347 = arith.index_cast %add3A_346 : i32 to index
        %get3A_348 = arith.constant 0 : index
        %get3A_349 = tpu.vector_load %arg21[%get3A_347, %get3A_348] {strides = array<i32>} : memref<640x16xf32, #tpu.memory_space<vmem>>, vector<1x16xf32>,
        %get3A_350 = vector.shape_cast %get3A_349 : vector<1x16xf32> to vector<16xf32>
        %add3A_351 = arith.addf %add3A_337, %get3A_350 : vector<16xf32>
        %add3A_352 = arith.constant 13 : i32
        %add3A_353 = arith.addi %mul3A_176, %add3A_352 : i32
        %get3A_354 = arith.index_cast %add3A_353 : i32 to index
        %get3A_355 = arith.constant 0 : index
        %get3A_356 = tpu.vector_load %arg19[%get3A_354, %get3A_355] {strides = array<i32>} : memref<640x16xf32, #tpu.memory_space<vmem>>, vector<1x16xf32>,
        %get3A_357 = vector.shape_cast %get3A_356 : vector<1x16xf32> to vector<16xf32>
        %add3A_358 = arith.addf %add3A_344, %get3A_357 : vector<16xf32>
        %add3A_359 = arith.constant 13 : i32
        %add3A_360 = arith.addi %mul3A_176, %add3A_359 : i32
        %get3A_361 = arith.index_cast %add3A_360 : i32 to index
        %get3A_362 = arith.constant 0 : index
        %get3A_363 = tpu.vector_load %arg21[%get3A_361, %get3A_362] {strides = array<i32>} : memref<640x16xf32, #tpu.memory_space<vmem>>, vector<1x16xf32>,
        %get3A_364 = vector.shape_cast %get3A_363 : vector<1x16xf32> to vector<16xf32>
        %add3A_365 = arith.addf %add3A_351, %get3A_364 : vector<16xf32>
        %add3A_366 = arith.constant 14 : i32
        %add3A_367 = arith.addi %mul3A_176, %add3A_366 : i32
        %get3A_368 = arith.index_cast %add3A_367 : i32 to index
        %get3A_369 = arith.constant 0 : index
        %get3A_370 = tpu.vector_load %arg19[%get3A_368, %get3A_369] {strides = array<i32>} : memref<640x16xf32, #tpu.memory_space<vmem>>, vector<1x16xf32>,
        %get3A_371 = vector.shape_cast %get3A_370 : vector<1x16xf32> to vector<16xf32>
        %add3A_372 = arith.addf %add3A_358, %get3A_371 : vector<16xf32>
        %add3A_373 = arith.constant 14 : i32
        %add3A_374 = arith.addi %mul3A_176, %add3A_373 : i32
        %get3A_375 = arith.index_cast %add3A_374 : i32 to index
        %get3A_376 = arith.constant 0 : index
        %get3A_377 = tpu.vector_load %arg21[%get3A_375, %get3A_376] {strides = array<i32>} : memref<640x16xf32, #tpu.memory_space<vmem>>, vector<1x16xf32>,
        %get3A_378 = vector.shape_cast %get3A_377 : vector<1x16xf32> to vector<16xf32>
        %add3A_379 = arith.addf %add3A_365, %get3A_378 : vector<16xf32>
        %add3A_380 = arith.constant 15 : i32
        %add3A_381 = arith.addi %mul3A_176, %add3A_380 : i32
        %get3A_382 = arith.index_cast %add3A_381 : i32 to index
        %get3A_383 = arith.constant 0 : index
        %get3A_384 = tpu.vector_load %arg19[%get3A_382, %get3A_383] {strides = array<i32>} : memref<640x16xf32, #tpu.memory_space<vmem>>, vector<1x16xf32>,
        %get3A_385 = vector.shape_cast %get3A_384 : vector<1x16xf32> to vector<16xf32>
        %add3A_386 = arith.addf %add3A_372, %get3A_385 : vector<16xf32>
        %add3A_387 = arith.constant 15 : i32
        %add3A_388 = arith.addi %mul3A_176, %add3A_387 : i32
        %get3A_389 = arith.index_cast %add3A_388 : i32 to index
        %get3A_390 = arith.constant 0 : index
        %get3A_391 = tpu.vector_load %arg21[%get3A_389, %get3A_390] {strides = array<i32>} : memref<640x16xf32, #tpu.memory_space<vmem>>, vector<1x16xf32>,
        %get3A_392 = vector.shape_cast %get3A_391 : vector<1x16xf32> to vector<16xf32>
        %add3A_393 = arith.addf %add3A_379, %get3A_392 : vector<16xf32>
        %add3A_394 = arith.constant 16 : i32
        %add3A_395 = arith.addi %mul3A_176, %add3A_394 : i32
        %get3A_396 = arith.index_cast %add3A_395 : i32 to index
        %get3A_397 = arith.constant 0 : index
        %get3A_398 = tpu.vector_load %arg19[%get3A_396, %get3A_397] {strides = array<i32>} : memref<640x16xf32, #tpu.memory_space<vmem>>, vector<1x16xf32>,
        %get3A_399 = vector.shape_cast %get3A_398 : vector<1x16xf32> to vector<16xf32>
        %add3A_400 = arith.addf %add3A_386, %get3A_399 : vector<16xf32>
        %add3A_401 = arith.constant 16 : i32
        %add3A_402 = arith.addi %mul3A_176, %add3A_401 : i32
        %get3A_403 = arith.index_cast %add3A_402 : i32 to index
        %get3A_404 = arith.constant 0 : index
        %get3A_405 = tpu.vector_load %arg21[%get3A_403, %get3A_404] {strides = array<i32>} : memref<640x16xf32, #tpu.memory_space<vmem>>, vector<1x16xf32>,
        %get3A_406 = vector.shape_cast %get3A_405 : vector<1x16xf32> to vector<16xf32>
        %add3A_407 = arith.addf %add3A_393, %get3A_406 : vector<16xf32>
        %add3A_408 = arith.constant 17 : i32
        %add3A_409 = arith.addi %mul3A_176, %add3A_408 : i32
        %get3A_410 = arith.index_cast %add3A_409 : i32 to index
        %get3A_411 = arith.constant 0 : index
        %get3A_412 = tpu.vector_load %arg19[%get3A_410, %get3A_411] {strides = array<i32>} : memref<640x16xf32, #tpu.memory_space<vmem>>, vector<1x16xf32>,
        %get3A_413 = vector.shape_cast %get3A_412 : vector<1x16xf32> to vector<16xf32>
        %add3A_414 = arith.addf %add3A_400, %get3A_413 : vector<16xf32>
        %add3A_415 = arith.constant 17 : i32
        %add3A_416 = arith.addi %mul3A_176, %add3A_415 : i32
        %get3A_417 = arith.index_cast %add3A_416 : i32 to index
        %get3A_418 = arith.constant 0 : index
        %get3A_419 = tpu.vector_load %arg21[%get3A_417, %get3A_418] {strides = array<i32>} : memref<640x16xf32, #tpu.memory_space<vmem>>, vector<1x16xf32>,
        %get3A_420 = vector.shape_cast %get3A_419 : vector<1x16xf32> to vector<16xf32>
        %add3A_421 = arith.addf %add3A_407, %get3A_420 : vector<16xf32>
        %add3A_422 = arith.constant 18 : i32
        %add3A_423 = arith.addi %mul3A_176, %add3A_422 : i32
        %get3A_424 = arith.index_cast %add3A_423 : i32 to index
        %get3A_425 = arith.constant 0 : index
        %get3A_426 = tpu.vector_load %arg19[%get3A_424, %get3A_425] {strides = array<i32>} : memref<640x16xf32, #tpu.memory_space<vmem>>, vector<1x16xf32>,
        %get3A_427 = vector.shape_cast %get3A_426 : vector<1x16xf32> to vector<16xf32>
        %add3A_428 = arith.addf %add3A_414, %get3A_427 : vector<16xf32>
        %add3A_429 = arith.constant 18 : i32
        %add3A_430 = arith.addi %mul3A_176, %add3A_429 : i32
        %get3A_431 = arith.index_cast %add3A_430 : i32 to index
        %get3A_432 = arith.constant 0 : index
        %get3A_433 = tpu.vector_load %arg21[%get3A_431, %get3A_432] {strides = array<i32>} : memref<640x16xf32, #tpu.memory_space<vmem>>, vector<1x16xf32>,
        %get3A_434 = vector.shape_cast %get3A_433 : vector<1x16xf32> to vector<16xf32>
        %add3A_435 = arith.addf %add3A_421, %get3A_434 : vector<16xf32>
        %add3A_436 = arith.constant 19 : i32
        %add3A_437 = arith.addi %mul3A_176, %add3A_436 : i32
        %get3A_438 = arith.index_cast %add3A_437 : i32 to index
        %get3A_439 = arith.constant 0 : index
        %get3A_440 = tpu.vector_load %arg19[%get3A_438, %get3A_439] {strides = array<i32>} : memref<640x16xf32, #tpu.memory_space<vmem>>, vector<1x16xf32>,
        %get3A_441 = vector.shape_cast %get3A_440 : vector<1x16xf32> to vector<16xf32>
        %add3A_442 = arith.addf %add3A_428, %get3A_441 : vector<16xf32>
        %add3A_443 = arith.constant 19 : i32
        %add3A_444 = arith.addi %mul3A_176, %add3A_443 : i32
        %get3A_445 = arith.index_cast %add3A_444 : i32 to index
        %get3A_446 = arith.constant 0 : index
        %get3A_447 = tpu.vector_load %arg21[%get3A_445, %get3A_446] {strides = array<i32>} : memref<640x16xf32, #tpu.memory_space<vmem>>, vector<1x16xf32>,
        %get3A_448 = vector.shape_cast %get3A_447 : vector<1x16xf32> to vector<16xf32>
        %add3A_449 = arith.addf %add3A_435, %get3A_448 : vector<16xf32>
        %mul3A_450 = arith.constant 5.000000e-02 : f32
        %mul3A_451 = vector.broadcast %mul3A_450 : f32 to vector<16xf32>
        %mul3A_452 = arith.mulf %add3A_442, %mul3A_451 : vector<16xf32>
        %mul3A_453 = arith.constant 2 : i32
        %mul3A_454 = arith.muli %scan3A_174, %mul3A_453 : i32
        %mul3A_455 = arith.constant 16 : i32
        %mul3A_456 = arith.muli %mul3A_454, %mul3A_455 : i32
        %swap3A = arith.index_cast %mul3A_456 : i32 to index
        %swap3A_457 = tpu.vector_load %arg25[%swap3A] {strides = array<i32>} : memref<1024xf32, #tpu.memory_space<vmem>>, vector<16xf32>,
        %swap3A_458 = vector.shape_cast %swap3A_457 : vector<16xf32> to vector<16xf32>
        %swap3A_459 = vector.shape_cast %mul3A_452 : vector<16xf32> to vector<16xf32>
        tpu.vector_store %arg25[%swap3A], %swap3A_459 {strides = array<i32>} : memref<1024xf32, #tpu.memory_space<vmem>>, vector<16xf32>,
        %mul3A_460 = arith.constant 5.000000e-02 : f32
        %mul3A_461 = vector.broadcast %mul3A_460 : f32 to vector<16xf32>
        %mul3A_462 = arith.mulf %add3A_449, %mul3A_461 : vector<16xf32>
        %mul3A_463 = arith.constant 2 : i32
        %mul3A_464 = arith.muli %scan3A_174, %mul3A_463 : i32
        %mul3A_465 = arith.constant 16 : i32
        %mul3A_466 = arith.muli %mul3A_464, %mul3A_465 : i32
        %add3A_467 = arith.constant 16 : i32
        %add3A_468 = arith.addi %mul3A_466, %add3A_467 : i32
        %swap3A_469 = arith.index_cast %add3A_468 : i32 to index
        %swap3A_470 = tpu.vector_load %arg25[%swap3A_469] {strides = array<i32>} : memref<1024xf32, #tpu.memory_space<vmem>>, vector<16xf32>,
        %swap3A_471 = vector.shape_cast %swap3A_470 : vector<16xf32> to vector<16xf32>
        %swap3A_472 = vector.shape_cast %mul3A_462 : vector<16xf32> to vector<16xf32>
        tpu.vector_store %arg25[%swap3A_469], %swap3A_472 {strides = array<i32>} : memref<1024xf32, #tpu.memory_space<vmem>>, vector<16xf32>,
        %scan3A_473 = arith.constant 1 : i32
        %scan3A_474 = arith.addi %scan3A_174, %scan3A_473 : i32
        %mul3A_475 = arith.constant 20 : i32
        %mul3A_476 = arith.muli %scan3A_474, %mul3A_475 : i32
        %get3A_477 = arith.index_cast %mul3A_476 : i32 to index
        %get3A_478 = arith.constant 0 : index
        %get3A_479 = tpu.vector_load %arg19[%get3A_477, %get3A_478] {strides = array<i32>} : memref<640x16xf32, #tpu.memory_space<vmem>>, vector<1x16xf32>,
        %get3A_480 = vector.shape_cast %get3A_479 : vector<1x16xf32> to vector<16xf32>
        %get3A_481 = arith.index_cast %mul3A_476 : i32 to index
        %get3A_482 = arith.constant 0 : index
        %get3A_483 = tpu.vector_load %arg21[%get3A_481, %get3A_482] {strides = array<i32>} : memref<640x16xf32, #tpu.memory_space<vmem>>, vector<1x16xf32>,
        %get3A_484 = vector.shape_cast %get3A_483 : vector<1x16xf32> to vector<16xf32>
        %add3A_485 = arith.constant 1 : i32
        %add3A_486 = arith.addi %mul3A_476, %add3A_485 : i32
        %get3A_487 = arith.index_cast %add3A_486 : i32 to index
        %get3A_488 = arith.constant 0 : index
        %get3A_489 = tpu.vector_load %arg19[%get3A_487, %get3A_488] {strides = array<i32>} : memref<640x16xf32, #tpu.memory_space<vmem>>, vector<1x16xf32>,
        %get3A_490 = vector.shape_cast %get3A_489 : vector<1x16xf32> to vector<16xf32>
        %add3A_491 = arith.addf %get3A_480, %get3A_490 : vector<16xf32>
        %add3A_492 = arith.constant 1 : i32
        %add3A_493 = arith.addi %mul3A_476, %add3A_492 : i32
        %get3A_494 = arith.index_cast %add3A_493 : i32 to index
        %get3A_495 = arith.constant 0 : index
        %get3A_496 = tpu.vector_load %arg21[%get3A_494, %get3A_495] {strides = array<i32>} : memref<640x16xf32, #tpu.memory_space<vmem>>, vector<1x16xf32>,
        %get3A_497 = vector.shape_cast %get3A_496 : vector<1x16xf32> to vector<16xf32>
        %add3A_498 = arith.addf %get3A_484, %get3A_497 : vector<16xf32>
        %add3A_499 = arith.constant 2 : i32
        %add3A_500 = arith.addi %mul3A_476, %add3A_499 : i32
        %get3A_501 = arith.index_cast %add3A_500 : i32 to index
        %get3A_502 = arith.constant 0 : index
        %get3A_503 = tpu.vector_load %arg19[%get3A_501, %get3A_502] {strides = array<i32>} : memref<640x16xf32, #tpu.memory_space<vmem>>, vector<1x16xf32>,
        %get3A_504 = vector.shape_cast %get3A_503 : vector<1x16xf32> to vector<16xf32>
        %add3A_505 = arith.addf %add3A_491, %get3A_504 : vector<16xf32>
        %add3A_506 = arith.constant 2 : i32
        %add3A_507 = arith.addi %mul3A_476, %add3A_506 : i32
        %get3A_508 = arith.index_cast %add3A_507 : i32 to index
        %get3A_509 = arith.constant 0 : index
        %get3A_510 = tpu.vector_load %arg21[%get3A_508, %get3A_509] {strides = array<i32>} : memref<640x16xf32, #tpu.memory_space<vmem>>, vector<1x16xf32>,
        %get3A_511 = vector.shape_cast %get3A_510 : vector<1x16xf32> to vector<16xf32>
        %add3A_512 = arith.addf %add3A_498, %get3A_511 : vector<16xf32>
        %add3A_513 = arith.constant 3 : i32
        %add3A_514 = arith.addi %mul3A_476, %add3A_513 : i32
        %get3A_515 = arith.index_cast %add3A_514 : i32 to index
        %get3A_516 = arith.constant 0 : index
        %get3A_517 = tpu.vector_load %arg19[%get3A_515, %get3A_516] {strides = array<i32>} : memref<640x16xf32, #tpu.memory_space<vmem>>, vector<1x16xf32>,
        %get3A_518 = vector.shape_cast %get3A_517 : vector<1x16xf32> to vector<16xf32>
        %add3A_519 = arith.addf %add3A_505, %get3A_518 : vector<16xf32>
        %add3A_520 = arith.constant 3 : i32
        %add3A_521 = arith.addi %mul3A_476, %add3A_520 : i32
        %get3A_522 = arith.index_cast %add3A_521 : i32 to index
        %get3A_523 = arith.constant 0 : index
        %get3A_524 = tpu.vector_load %arg21[%get3A_522, %get3A_523] {strides = array<i32>} : memref<640x16xf32, #tpu.memory_space<vmem>>, vector<1x16xf32>,
        %get3A_525 = vector.shape_cast %get3A_524 : vector<1x16xf32> to vector<16xf32>
        %add3A_526 = arith.addf %add3A_512, %get3A_525 : vector<16xf32>
        %add3A_527 = arith.constant 4 : i32
        %add3A_528 = arith.addi %mul3A_476, %add3A_527 : i32
        %get3A_529 = arith.index_cast %add3A_528 : i32 to index
        %get3A_530 = arith.constant 0 : index
        %get3A_531 = tpu.vector_load %arg19[%get3A_529, %get3A_530] {strides = array<i32>} : memref<640x16xf32, #tpu.memory_space<vmem>>, vector<1x16xf32>,
        %get3A_532 = vector.shape_cast %get3A_531 : vector<1x16xf32> to vector<16xf32>
        %add3A_533 = arith.addf %add3A_519, %get3A_532 : vector<16xf32>
        %add3A_534 = arith.constant 4 : i32
        %add3A_535 = arith.addi %mul3A_476, %add3A_534 : i32
        %get3A_536 = arith.index_cast %add3A_535 : i32 to index
        %get3A_537 = arith.constant 0 : index
        %get3A_538 = tpu.vector_load %arg21[%get3A_536, %get3A_537] {strides = array<i32>} : memref<640x16xf32, #tpu.memory_space<vmem>>, vector<1x16xf32>,
        %get3A_539 = vector.shape_cast %get3A_538 : vector<1x16xf32> to vector<16xf32>
        %add3A_540 = arith.addf %add3A_526, %get3A_539 : vector<16xf32>
        %add3A_541 = arith.constant 5 : i32
        %add3A_542 = arith.addi %mul3A_476, %add3A_541 : i32
        %get3A_543 = arith.index_cast %add3A_542 : i32 to index
        %get3A_544 = arith.constant 0 : index
        %get3A_545 = tpu.vector_load %arg19[%get3A_543, %get3A_544] {strides = array<i32>} : memref<640x16xf32, #tpu.memory_space<vmem>>, vector<1x16xf32>,
        %get3A_546 = vector.shape_cast %get3A_545 : vector<1x16xf32> to vector<16xf32>
        %add3A_547 = arith.addf %add3A_533, %get3A_546 : vector<16xf32>
        %add3A_548 = arith.constant 5 : i32
        %add3A_549 = arith.addi %mul3A_476, %add3A_548 : i32
        %get3A_550 = arith.index_cast %add3A_549 : i32 to index
        %get3A_551 = arith.constant 0 : index
        %get3A_552 = tpu.vector_load %arg21[%get3A_550, %get3A_551] {strides = array<i32>} : memref<640x16xf32, #tpu.memory_space<vmem>>, vector<1x16xf32>,
        %get3A_553 = vector.shape_cast %get3A_552 : vector<1x16xf32> to vector<16xf32>
        %add3A_554 = arith.addf %add3A_540, %get3A_553 : vector<16xf32>
        %add3A_555 = arith.constant 6 : i32
        %add3A_556 = arith.addi %mul3A_476, %add3A_555 : i32
        %get3A_557 = arith.index_cast %add3A_556 : i32 to index
        %get3A_558 = arith.constant 0 : index
        %get3A_559 = tpu.vector_load %arg19[%get3A_557, %get3A_558] {strides = array<i32>} : memref<640x16xf32, #tpu.memory_space<vmem>>, vector<1x16xf32>,
        %get3A_560 = vector.shape_cast %get3A_559 : vector<1x16xf32> to vector<16xf32>
        %add3A_561 = arith.addf %add3A_547, %get3A_560 : vector<16xf32>
        %add3A_562 = arith.constant 6 : i32
        %add3A_563 = arith.addi %mul3A_476, %add3A_562 : i32
        %get3A_564 = arith.index_cast %add3A_563 : i32 to index
        %get3A_565 = arith.constant 0 : index
        %get3A_566 = tpu.vector_load %arg21[%get3A_564, %get3A_565] {strides = array<i32>} : memref<640x16xf32, #tpu.memory_space<vmem>>, vector<1x16xf32>,
        %get3A_567 = vector.shape_cast %get3A_566 : vector<1x16xf32> to vector<16xf32>
        %add3A_568 = arith.addf %add3A_554, %get3A_567 : vector<16xf32>
        %add3A_569 = arith.constant 7 : i32
        %add3A_570 = arith.addi %mul3A_476, %add3A_569 : i32
        %get3A_571 = arith.index_cast %add3A_570 : i32 to index
        %get3A_572 = arith.constant 0 : index
        %get3A_573 = tpu.vector_load %arg19[%get3A_571, %get3A_572] {strides = array<i32>} : memref<640x16xf32, #tpu.memory_space<vmem>>, vector<1x16xf32>,
        %get3A_574 = vector.shape_cast %get3A_573 : vector<1x16xf32> to vector<16xf32>
        %add3A_575 = arith.addf %add3A_561, %get3A_574 : vector<16xf32>
        %add3A_576 = arith.constant 7 : i32
        %add3A_577 = arith.addi %mul3A_476, %add3A_576 : i32
        %get3A_578 = arith.index_cast %add3A_577 : i32 to index
        %get3A_579 = arith.constant 0 : index
        %get3A_580 = tpu.vector_load %arg21[%get3A_578, %get3A_579] {strides = array<i32>} : memref<640x16xf32, #tpu.memory_space<vmem>>, vector<1x16xf32>,
        %get3A_581 = vector.shape_cast %get3A_580 : vector<1x16xf32> to vector<16xf32>
        %add3A_582 = arith.addf %add3A_568, %get3A_581 : vector<16xf32>
        %add3A_583 = arith.constant 8 : i32
        %add3A_584 = arith.addi %mul3A_476, %add3A_583 : i32
        %get3A_585 = arith.index_cast %add3A_584 : i32 to index
        %get3A_586 = arith.constant 0 : index
        %get3A_587 = tpu.vector_load %arg19[%get3A_585, %get3A_586] {strides = array<i32>} : memref<640x16xf32, #tpu.memory_space<vmem>>, vector<1x16xf32>,
        %get3A_588 = vector.shape_cast %get3A_587 : vector<1x16xf32> to vector<16xf32>
        %add3A_589 = arith.addf %add3A_575, %get3A_588 : vector<16xf32>
        %add3A_590 = arith.constant 8 : i32
        %add3A_591 = arith.addi %mul3A_476, %add3A_590 : i32
        %get3A_592 = arith.index_cast %add3A_591 : i32 to index
        %get3A_593 = arith.constant 0 : index
        %get3A_594 = tpu.vector_load %arg21[%get3A_592, %get3A_593] {strides = array<i32>} : memref<640x16xf32, #tpu.memory_space<vmem>>, vector<1x16xf32>,
        %get3A_595 = vector.shape_cast %get3A_594 : vector<1x16xf32> to vector<16xf32>
        %add3A_596 = arith.addf %add3A_582, %get3A_595 : vector<16xf32>
        %add3A_597 = arith.constant 9 : i32
        %add3A_598 = arith.addi %mul3A_476, %add3A_597 : i32
        %get3A_599 = arith.index_cast %add3A_598 : i32 to index
        %get3A_600 = arith.constant 0 : index
        %get3A_601 = tpu.vector_load %arg19[%get3A_599, %get3A_600] {strides = array<i32>} : memref<640x16xf32, #tpu.memory_space<vmem>>, vector<1x16xf32>,
        %get3A_602 = vector.shape_cast %get3A_601 : vector<1x16xf32> to vector<16xf32>
        %add3A_603 = arith.addf %add3A_589, %get3A_602 : vector<16xf32>
        %add3A_604 = arith.constant 9 : i32
        %add3A_605 = arith.addi %mul3A_476, %add3A_604 : i32
        %get3A_606 = arith.index_cast %add3A_605 : i32 to index
        %get3A_607 = arith.constant 0 : index
        %get3A_608 = tpu.vector_load %arg21[%get3A_606, %get3A_607] {strides = array<i32>} : memref<640x16xf32, #tpu.memory_space<vmem>>, vector<1x16xf32>,
        %get3A_609 = vector.shape_cast %get3A_608 : vector<1x16xf32> to vector<16xf32>
        %add3A_610 = arith.addf %add3A_596, %get3A_609 : vector<16xf32>
        %add3A_611 = arith.constant 10 : i32
        %add3A_612 = arith.addi %mul3A_476, %add3A_611 : i32
        %get3A_613 = arith.index_cast %add3A_612 : i32 to index
        %get3A_614 = arith.constant 0 : index
        %get3A_615 = tpu.vector_load %arg19[%get3A_613, %get3A_614] {strides = array<i32>} : memref<640x16xf32, #tpu.memory_space<vmem>>, vector<1x16xf32>,
        %get3A_616 = vector.shape_cast %get3A_615 : vector<1x16xf32> to vector<16xf32>
        %add3A_617 = arith.addf %add3A_603, %get3A_616 : vector<16xf32>
        %add3A_618 = arith.constant 10 : i32
        %add3A_619 = arith.addi %mul3A_476, %add3A_618 : i32
        %get3A_620 = arith.index_cast %add3A_619 : i32 to index
        %get3A_621 = arith.constant 0 : index
        %get3A_622 = tpu.vector_load %arg21[%get3A_620, %get3A_621] {strides = array<i32>} : memref<640x16xf32, #tpu.memory_space<vmem>>, vector<1x16xf32>,
        %get3A_623 = vector.shape_cast %get3A_622 : vector<1x16xf32> to vector<16xf32>
        %add3A_624 = arith.addf %add3A_610, %get3A_623 : vector<16xf32>
        %add3A_625 = arith.constant 11 : i32
        %add3A_626 = arith.addi %mul3A_476, %add3A_625 : i32
        %get3A_627 = arith.index_cast %add3A_626 : i32 to index
        %get3A_628 = arith.constant 0 : index
        %get3A_629 = tpu.vector_load %arg19[%get3A_627, %get3A_628] {strides = array<i32>} : memref<640x16xf32, #tpu.memory_space<vmem>>, vector<1x16xf32>,
        %get3A_630 = vector.shape_cast %get3A_629 : vector<1x16xf32> to vector<16xf32>
        %add3A_631 = arith.addf %add3A_617, %get3A_630 : vector<16xf32>
        %add3A_632 = arith.constant 11 : i32
        %add3A_633 = arith.addi %mul3A_476, %add3A_632 : i32
        %get3A_634 = arith.index_cast %add3A_633 : i32 to index
        %get3A_635 = arith.constant 0 : index
        %get3A_636 = tpu.vector_load %arg21[%get3A_634, %get3A_635] {strides = array<i32>} : memref<640x16xf32, #tpu.memory_space<vmem>>, vector<1x16xf32>,
        %get3A_637 = vector.shape_cast %get3A_636 : vector<1x16xf32> to vector<16xf32>
        %add3A_638 = arith.addf %add3A_624, %get3A_637 : vector<16xf32>
        %add3A_639 = arith.constant 12 : i32
        %add3A_640 = arith.addi %mul3A_476, %add3A_639 : i32
        %get3A_641 = arith.index_cast %add3A_640 : i32 to index
        %get3A_642 = arith.constant 0 : index
        %get3A_643 = tpu.vector_load %arg19[%get3A_641, %get3A_642] {strides = array<i32>} : memref<640x16xf32, #tpu.memory_space<vmem>>, vector<1x16xf32>,
        %get3A_644 = vector.shape_cast %get3A_643 : vector<1x16xf32> to vector<16xf32>
        %add3A_645 = arith.addf %add3A_631, %get3A_644 : vector<16xf32>
        %add3A_646 = arith.constant 12 : i32
        %add3A_647 = arith.addi %mul3A_476, %add3A_646 : i32
        %get3A_648 = arith.index_cast %add3A_647 : i32 to index
        %get3A_649 = arith.constant 0 : index
        %get3A_650 = tpu.vector_load %arg21[%get3A_648, %get3A_649] {strides = array<i32>} : memref<640x16xf32, #tpu.memory_space<vmem>>, vector<1x16xf32>,
        %get3A_651 = vector.shape_cast %get3A_650 : vector<1x16xf32> to vector<16xf32>
        %add3A_652 = arith.addf %add3A_638, %get3A_651 : vector<16xf32>
        %add3A_653 = arith.constant 13 : i32
        %add3A_654 = arith.addi %mul3A_476, %add3A_653 : i32
        %get3A_655 = arith.index_cast %add3A_654 : i32 to index
        %get3A_656 = arith.constant 0 : index
        %get3A_657 = tpu.vector_load %arg19[%get3A_655, %get3A_656] {strides = array<i32>} : memref<640x16xf32, #tpu.memory_space<vmem>>, vector<1x16xf32>,
        %get3A_658 = vector.shape_cast %get3A_657 : vector<1x16xf32> to vector<16xf32>
        %add3A_659 = arith.addf %add3A_645, %get3A_658 : vector<16xf32>
        %add3A_660 = arith.constant 13 : i32
        %add3A_661 = arith.addi %mul3A_476, %add3A_660 : i32
        %get3A_662 = arith.index_cast %add3A_661 : i32 to index
        %get3A_663 = arith.constant 0 : index
        %get3A_664 = tpu.vector_load %arg21[%get3A_662, %get3A_663] {strides = array<i32>} : memref<640x16xf32, #tpu.memory_space<vmem>>, vector<1x16xf32>,
        %get3A_665 = vector.shape_cast %get3A_664 : vector<1x16xf32> to vector<16xf32>
        %add3A_666 = arith.addf %add3A_652, %get3A_665 : vector<16xf32>
        %add3A_667 = arith.constant 14 : i32
        %add3A_668 = arith.addi %mul3A_476, %add3A_667 : i32
        %get3A_669 = arith.index_cast %add3A_668 : i32 to index
        %get3A_670 = arith.constant 0 : index
        %get3A_671 = tpu.vector_load %arg19[%get3A_669, %get3A_670] {strides = array<i32>} : memref<640x16xf32, #tpu.memory_space<vmem>>, vector<1x16xf32>,
        %get3A_672 = vector.shape_cast %get3A_671 : vector<1x16xf32> to vector<16xf32>
        %add3A_673 = arith.addf %add3A_659, %get3A_672 : vector<16xf32>
        %add3A_674 = arith.constant 14 : i32
        %add3A_675 = arith.addi %mul3A_476, %add3A_674 : i32
        %get3A_676 = arith.index_cast %add3A_675 : i32 to index
        %get3A_677 = arith.constant 0 : index
        %get3A_678 = tpu.vector_load %arg21[%get3A_676, %get3A_677] {strides = array<i32>} : memref<640x16xf32, #tpu.memory_space<vmem>>, vector<1x16xf32>,
        %get3A_679 = vector.shape_cast %get3A_678 : vector<1x16xf32> to vector<16xf32>
        %add3A_680 = arith.addf %add3A_666, %get3A_679 : vector<16xf32>
        %add3A_681 = arith.constant 15 : i32
        %add3A_682 = arith.addi %mul3A_476, %add3A_681 : i32
        %get3A_683 = arith.index_cast %add3A_682 : i32 to index
        %get3A_684 = arith.constant 0 : index
        %get3A_685 = tpu.vector_load %arg19[%get3A_683, %get3A_684] {strides = array<i32>} : memref<640x16xf32, #tpu.memory_space<vmem>>, vector<1x16xf32>,
        %get3A_686 = vector.shape_cast %get3A_685 : vector<1x16xf32> to vector<16xf32>
        %add3A_687 = arith.addf %add3A_673, %get3A_686 : vector<16xf32>
        %add3A_688 = arith.constant 15 : i32
        %add3A_689 = arith.addi %mul3A_476, %add3A_688 : i32
        %get3A_690 = arith.index_cast %add3A_689 : i32 to index
        %get3A_691 = arith.constant 0 : index
        %get3A_692 = tpu.vector_load %arg21[%get3A_690, %get3A_691] {strides = array<i32>} : memref<640x16xf32, #tpu.memory_space<vmem>>, vector<1x16xf32>,
        %get3A_693 = vector.shape_cast %get3A_692 : vector<1x16xf32> to vector<16xf32>
        %add3A_694 = arith.addf %add3A_680, %get3A_693 : vector<16xf32>
        %add3A_695 = arith.constant 16 : i32
        %add3A_696 = arith.addi %mul3A_476, %add3A_695 : i32
        %get3A_697 = arith.index_cast %add3A_696 : i32 to index
        %get3A_698 = arith.constant 0 : index
        %get3A_699 = tpu.vector_load %arg19[%get3A_697, %get3A_698] {strides = array<i32>} : memref<640x16xf32, #tpu.memory_space<vmem>>, vector<1x16xf32>,
        %get3A_700 = vector.shape_cast %get3A_699 : vector<1x16xf32> to vector<16xf32>
        %add3A_701 = arith.addf %add3A_687, %get3A_700 : vector<16xf32>
        %add3A_702 = arith.constant 16 : i32
        %add3A_703 = arith.addi %mul3A_476, %add3A_702 : i32
        %get3A_704 = arith.index_cast %add3A_703 : i32 to index
        %get3A_705 = arith.constant 0 : index
        %get3A_706 = tpu.vector_load %arg21[%get3A_704, %get3A_705] {strides = array<i32>} : memref<640x16xf32, #tpu.memory_space<vmem>>, vector<1x16xf32>,
        %get3A_707 = vector.shape_cast %get3A_706 : vector<1x16xf32> to vector<16xf32>
        %add3A_708 = arith.addf %add3A_694, %get3A_707 : vector<16xf32>
        %add3A_709 = arith.constant 17 : i32
        %add3A_710 = arith.addi %mul3A_476, %add3A_709 : i32
        %get3A_711 = arith.index_cast %add3A_710 : i32 to index
        %get3A_712 = arith.constant 0 : index
        %get3A_713 = tpu.vector_load %arg19[%get3A_711, %get3A_712] {strides = array<i32>} : memref<640x16xf32, #tpu.memory_space<vmem>>, vector<1x16xf32>,
        %get3A_714 = vector.shape_cast %get3A_713 : vector<1x16xf32> to vector<16xf32>
        %add3A_715 = arith.addf %add3A_701, %get3A_714 : vector<16xf32>
        %add3A_716 = arith.constant 17 : i32
        %add3A_717 = arith.addi %mul3A_476, %add3A_716 : i32
        %get3A_718 = arith.index_cast %add3A_717 : i32 to index
        %get3A_719 = arith.constant 0 : index
        %get3A_720 = tpu.vector_load %arg21[%get3A_718, %get3A_719] {strides = array<i32>} : memref<640x16xf32, #tpu.memory_space<vmem>>, vector<1x16xf32>,
        %get3A_721 = vector.shape_cast %get3A_720 : vector<1x16xf32> to vector<16xf32>
        %add3A_722 = arith.addf %add3A_708, %get3A_721 : vector<16xf32>
        %add3A_723 = arith.constant 18 : i32
        %add3A_724 = arith.addi %mul3A_476, %add3A_723 : i32
        %get3A_725 = arith.index_cast %add3A_724 : i32 to index
        %get3A_726 = arith.constant 0 : index
        %get3A_727 = tpu.vector_load %arg19[%get3A_725, %get3A_726] {strides = array<i32>} : memref<640x16xf32, #tpu.memory_space<vmem>>, vector<1x16xf32>,
        %get3A_728 = vector.shape_cast %get3A_727 : vector<1x16xf32> to vector<16xf32>
        %add3A_729 = arith.addf %add3A_715, %get3A_728 : vector<16xf32>
        %add3A_730 = arith.constant 18 : i32
        %add3A_731 = arith.addi %mul3A_476, %add3A_730 : i32
        %get3A_732 = arith.index_cast %add3A_731 : i32 to index
        %get3A_733 = arith.constant 0 : index
        %get3A_734 = tpu.vector_load %arg21[%get3A_732, %get3A_733] {strides = array<i32>} : memref<640x16xf32, #tpu.memory_space<vmem>>, vector<1x16xf32>,
        %get3A_735 = vector.shape_cast %get3A_734 : vector<1x16xf32> to vector<16xf32>
        %add3A_736 = arith.addf %add3A_722, %get3A_735 : vector<16xf32>
        %add3A_737 = arith.constant 19 : i32
        %add3A_738 = arith.addi %mul3A_476, %add3A_737 : i32
        %get3A_739 = arith.index_cast %add3A_738 : i32 to index
        %get3A_740 = arith.constant 0 : index
        %get3A_741 = tpu.vector_load %arg19[%get3A_739, %get3A_740] {strides = array<i32>} : memref<640x16xf32, #tpu.memory_space<vmem>>, vector<1x16xf32>,
        %get3A_742 = vector.shape_cast %get3A_741 : vector<1x16xf32> to vector<16xf32>
        %add3A_743 = arith.addf %add3A_729, %get3A_742 : vector<16xf32>
        %add3A_744 = arith.constant 19 : i32
        %add3A_745 = arith.addi %mul3A_476, %add3A_744 : i32
        %get3A_746 = arith.index_cast %add3A_745 : i32 to index
        %get3A_747 = arith.constant 0 : index
        %get3A_748 = tpu.vector_load %arg21[%get3A_746, %get3A_747] {strides = array<i32>} : memref<640x16xf32, #tpu.memory_space<vmem>>, vector<1x16xf32>,
        %get3A_749 = vector.shape_cast %get3A_748 : vector<1x16xf32> to vector<16xf32>
        %add3A_750 = arith.addf %add3A_736, %get3A_749 : vector<16xf32>
        %mul3A_751 = arith.constant 5.000000e-02 : f32
        %mul3A_752 = vector.broadcast %mul3A_751 : f32 to vector<16xf32>
        %mul3A_753 = arith.mulf %add3A_743, %mul3A_752 : vector<16xf32>
        %mul3A_754 = arith.constant 2 : i32
        %mul3A_755 = arith.muli %scan3A_474, %mul3A_754 : i32
        %mul3A_756 = arith.constant 16 : i32
        %mul3A_757 = arith.muli %mul3A_755, %mul3A_756 : i32
        %swap3A_758 = arith.index_cast %mul3A_757 : i32 to index
        %swap3A_759 = tpu.vector_load %arg25[%swap3A_758] {strides = array<i32>} : memref<1024xf32, #tpu.memory_space<vmem>>, vector<16xf32>,
        %swap3A_760 = vector.shape_cast %swap3A_759 : vector<16xf32> to vector<16xf32>
        %swap3A_761 = vector.shape_cast %mul3A_753 : vector<16xf32> to vector<16xf32>
        tpu.vector_store %arg25[%swap3A_758], %swap3A_761 {strides = array<i32>} : memref<1024xf32, #tpu.memory_space<vmem>>, vector<16xf32>,
        %mul3A_762 = arith.constant 5.000000e-02 : f32
        %mul3A_763 = vector.broadcast %mul3A_762 : f32 to vector<16xf32>
        %mul3A_764 = arith.mulf %add3A_750, %mul3A_763 : vector<16xf32>
        %mul3A_765 = arith.constant 2 : i32
        %mul3A_766 = arith.muli %scan3A_474, %mul3A_765 : i32
        %mul3A_767 = arith.constant 16 : i32
        %mul3A_768 = arith.muli %mul3A_766, %mul3A_767 : i32
        %add3A_769 = arith.constant 16 : i32
        %add3A_770 = arith.addi %mul3A_768, %add3A_769 : i32
        %swap3A_771 = arith.index_cast %add3A_770 : i32 to index
        %swap3A_772 = tpu.vector_load %arg25[%swap3A_771] {strides = array<i32>} : memref<1024xf32, #tpu.memory_space<vmem>>, vector<16xf32>,
        %swap3A_773 = vector.shape_cast %swap3A_772 : vector<16xf32> to vector<16xf32>
        %swap3A_774 = vector.shape_cast %mul3A_764 : vector<16xf32> to vector<16xf32>
        tpu.vector_store %arg25[%swap3A_771], %swap3A_774 {strides = array<i32>} : memref<1024xf32, #tpu.memory_space<vmem>>, vector<16xf32>,
      }
      %scan3A_136 = arith.constant 32 : i32
      %mul3A_137 = arith.constant 26 : i32
      %mul3A_138 = arith.muli %add3A_119, %mul3A_137 : i32
      %dma_start3A_139 = arith.constant 0 : i32
      %dma_start3A_140 = tpu.memref_slice %arg7[%mul3A_138, %dma_start3A_139] : memref<212992x16xf32, #tpu.memory_space<hbm>> -> memref<832x16xf32, #tpu.memory_space<hbm>>
      %dma_start3A_141 = arith.constant 0 : i32
      %dma_start3A_142 = tpu.memref_slice %arg7[%mul3A_138, %dma_start3A_141] : memref<212992x16xf32, #tpu.memory_space<hbm>> -> memref<832x16xf32, #tpu.memory_space<hbm>>
      tpu.enqueue_dma source(%arg17 : memref<832x16xf32, #tpu.memory_space<vmem>>) target(%dma_start3A_142 : memref<832x16xf32, #tpu.memory_space<hbm>>) target_semaphore(%arg29 : memref<!tpu.dma_semaphore, #tpu.memory_space<semaphore_mem>>)
      %mul3A_143 = arith.constant 2 : i32
      %mul3A_144 = arith.muli %add3A_119, %mul3A_143 : i32
      %mul3A_145 = arith.constant 16 : i32
      %mul3A_146 = arith.muli %mul3A_144, %mul3A_145 : i32
      %dma_start3A_147 = tpu.memref_slice %arg8[%mul3A_146] : memref<262144xf32, #tpu.memory_space<hbm>> -> memref<1024xf32, #tpu.memory_space<hbm>>
      %dma_start3A_148 = tpu.memref_slice %arg8[%mul3A_146] : memref<262144xf32, #tpu.memory_space<hbm>> -> memref<1024xf32, #tpu.memory_space<hbm>>
      tpu.enqueue_dma source(%arg25 : memref<1024xf32, #tpu.memory_space<vmem>>) target(%dma_start3A_148 : memref<1024xf32, #tpu.memory_space<hbm>>) target_semaphore(%arg29 : memref<!tpu.dma_semaphore, #tpu.memory_space<semaphore_mem>>)
      %mul3A_149 = arith.constant 26 : i32
      %mul3A_150 = arith.muli %add3A_119, %mul3A_149 : i32
      %dma_start3A_151 = tpu.memref_slice %arg9[%mul3A_150] : memref<212992xf32, #tpu.memory_space<hbm>> -> memref<832xf32, #tpu.memory_space<hbm>>
      %dma_start3A_152 = tpu.memref_slice %arg9[%mul3A_150] : memref<212992xf32, #tpu.memory_space<hbm>> -> memref<832xf32, #tpu.memory_space<hbm>>
      tpu.enqueue_dma source(%arg23 : memref<832xf32, #tpu.memory_space<vmem>>) target(%dma_start3A_152 : memref<832xf32, #tpu.memory_space<hbm>>) target_semaphore(%arg29 : memref<!tpu.dma_semaphore, #tpu.memory_space<semaphore_mem>>)
      %dma_wait3A_153 = arith.constant 0 : i32
      %dma_wait3A_154 = arith.constant 0 : i32
      %dma_wait3A_155 = tpu.memref_slice %arg7[%dma_wait3A_153, %dma_wait3A_154] : memref<212992x16xf32, #tpu.memory_space<hbm>> -> memref<832x16xf32, #tpu.memory_space<hbm>>
      %dma_wait3A_156 = arith.constant 0 : i32
      %dma_wait3A_157 = arith.constant 0 : i32
      %dma_wait3A_158 = tpu.memref_slice %arg7[%dma_wait3A_156, %dma_wait3A_157] : memref<212992x16xf32, #tpu.memory_space<hbm>> -> memref<832x16xf32, #tpu.memory_space<hbm>>
      tpu.wait_dma2 semaphore(%arg29 : memref<!tpu.dma_semaphore, #tpu.memory_space<semaphore_mem>>) src(%arg17 : memref<832x16xf32, #tpu.memory_space<vmem>>) dst(%dma_wait3A_158 : memref<832x16xf32, #tpu.memory_space<hbm>>)
      %dma_wait3A_159 = arith.constant 0 : i32
      %dma_wait3A_160 = tpu.memref_slice %arg8[%dma_wait3A_159] : memref<262144xf32, #tpu.memory_space<hbm>> -> memref<1024xf32, #tpu.memory_space<hbm>>
      %dma_wait3A_161 = arith.constant 0 : i32
      %dma_wait3A_162 = tpu.memref_slice %arg8[%dma_wait3A_161] : memref<262144xf32, #tpu.memory_space<hbm>> -> memref<1024xf32, #tpu.memory_space<hbm>>
      tpu.wait_dma2 semaphore(%arg29 : memref<!tpu.dma_semaphore, #tpu.memory_space<semaphore_mem>>) src(%arg25 : memref<1024xf32, #tpu.memory_space<vmem>>) dst(%dma_wait3A_162 : memref<1024xf32, #tpu.memory_space<hbm>>)
      %dma_wait3A_163 = arith.constant 0 : i32
      %dma_wait3A_164 = tpu.memref_slice %arg9[%dma_wait3A_163] : memref<212992xf32, #tpu.memory_space<hbm>> -> memref<832xf32, #tpu.memory_space<hbm>>
      %dma_wait3A_165 = arith.constant 0 : i32
      %dma_wait3A_166 = tpu.memref_slice %arg9[%dma_wait3A_165] : memref<212992xf32, #tpu.memory_space<hbm>> -> memref<832xf32, #tpu.memory_space<hbm>>
      tpu.wait_dma2 semaphore(%arg29 : memref<!tpu.dma_semaphore, #tpu.memory_space<semaphore_mem>>) src(%arg23 : memref<832xf32, #tpu.memory_space<vmem>>) dst(%dma_wait3A_166 : memref<832xf32, #tpu.memory_space<hbm>>)
      %add3A_167 = arith.constant 2 : i32
      %add3A_168 = arith.addi %add3A_114, %add3A_167 : i32
      %lt3A_169 = arith.constant 8 : i32
      %lt3A_170 = arith.cmpi slt, %add3A_168, %lt3A_169 : i32
      %convert_element_type3A_171 = arith.extui %lt3A_170 : i1 to i32
      %cond3A_172 = arith.constant 0 : i32
      %cond3A_173 = arith.cmpi ne, %convert_element_type3A_171, %cond3A_172 : i32
      scf.if %cond3A_173 {
        %add3A_174 = arith.constant 2 : i32
        %add3A_175 = arith.addi %add3A_114, %add3A_174 : i32
        %mul3A_176 = arith.constant 256 : i32
        %mul3A_177 = arith.muli %add3A, %mul3A_176 : i32
        %add3A_178 = arith.constant 8192 : i32
        %add3A_179 = arith.addi %add3A_178, %mul3A_177 : i32
        %mul3A_180 = arith.constant 32 : i32
        %mul3A_181 = arith.muli %add3A_175, %mul3A_180 : i32
        %add3A_182 = arith.addi %add3A_179, %mul3A_181 : i32
        %mul3A_183 = arith.constant 26 : i32
        %mul3A_184 = arith.muli %add3A_182, %mul3A_183 : i32
        "tpu.region"() ({
          %run_scoped3A = tpu.sem_alloc : memref<!tpu.dma_semaphore, #tpu.memory_space<semaphore_mem>>
          %dma_start3A_200 = tpu.memref_slice %arg2[%mul3A_184] : memref<425984xi32, #tpu.memory_space<hbm>> -> memref<832xi32, #tpu.memory_space<hbm>>
          %dma_start3A_201 = tpu.memref_slice %arg2[%mul3A_184] : memref<425984xi32, #tpu.memory_space<hbm>> -> memref<832xi32, #tpu.memory_space<hbm>>
          tpu.enqueue_dma source(%dma_start3A_201 : memref<832xi32, #tpu.memory_space<hbm>>) target(%arg11 : memref<832xi32, #tpu.memory_space<vmem>>) target_semaphore(%run_scoped3A : memref<!tpu.dma_semaphore, #tpu.memory_space<semaphore_mem>>)
          %dma_wait3A_202 = tpu.memref_slice %arg2[%mul3A_184] : memref<425984xi32, #tpu.memory_space<hbm>> -> memref<832xi32, #tpu.memory_space<hbm>>
          %dma_wait3A_203 = tpu.memref_slice %arg2[%mul3A_184] : memref<425984xi32, #tpu.memory_space<hbm>> -> memref<832xi32, #tpu.memory_space<hbm>>
          tpu.wait_dma2 semaphore(%run_scoped3A : memref<!tpu.dma_semaphore, #tpu.memory_space<semaphore_mem>>) src(%dma_wait3A_203 : memref<832xi32, #tpu.memory_space<hbm>>) dst(%arg11 : memref<832xi32, #tpu.memory_space<vmem>>)
          tpu.yield
        }) : () -> ()
        %mul3A_185 = arith.constant 20 : i32
        %mul3A_186 = arith.muli %add3A_182, %mul3A_185 : i32
        "tpu.region"() ({
          %run_scoped3A = tpu.sem_alloc : memref<!tpu.dma_semaphore, #tpu.memory_space<semaphore_mem>>
          %dma_start3A_200 = tpu.memref_slice %arg3[%mul3A_186] : memref<327680xi32, #tpu.memory_space<hbm>> -> memref<640xi32, #tpu.memory_space<hbm>>
          %dma_start3A_201 = tpu.memref_slice %arg3[%mul3A_186] : memref<327680xi32, #tpu.memory_space<hbm>> -> memref<640xi32, #tpu.memory_space<hbm>>
          tpu.enqueue_dma source(%dma_start3A_201 : memref<640xi32, #tpu.memory_space<hbm>>) target(%arg13 : memref<640xi32, #tpu.memory_space<vmem>>) target_semaphore(%run_scoped3A : memref<!tpu.dma_semaphore, #tpu.memory_space<semaphore_mem>>)
          %dma_wait3A_202 = tpu.memref_slice %arg3[%mul3A_186] : memref<327680xi32, #tpu.memory_space<hbm>> -> memref<640xi32, #tpu.memory_space<hbm>>
          %dma_wait3A_203 = tpu.memref_slice %arg3[%mul3A_186] : memref<327680xi32, #tpu.memory_space<hbm>> -> memref<640xi32, #tpu.memory_space<hbm>>
          tpu.wait_dma2 semaphore(%run_scoped3A : memref<!tpu.dma_semaphore, #tpu.memory_space<semaphore_mem>>) src(%dma_wait3A_203 : memref<640xi32, #tpu.memory_space<hbm>>) dst(%arg13 : memref<640xi32, #tpu.memory_space<vmem>>)
          tpu.yield
        }) : () -> ()
        %mul3A_187 = arith.constant 20 : i32
        %mul3A_188 = arith.muli %add3A_182, %mul3A_187 : i32
        "tpu.region"() ({
          %run_scoped3A = tpu.sem_alloc : memref<!tpu.dma_semaphore, #tpu.memory_space<semaphore_mem>>
          %dma_start3A_200 = tpu.memref_slice %arg4[%mul3A_188] : memref<327680xi32, #tpu.memory_space<hbm>> -> memref<640xi32, #tpu.memory_space<hbm>>
          %dma_start3A_201 = tpu.memref_slice %arg4[%mul3A_188] : memref<327680xi32, #tpu.memory_space<hbm>> -> memref<640xi32, #tpu.memory_space<hbm>>
          tpu.enqueue_dma source(%dma_start3A_201 : memref<640xi32, #tpu.memory_space<hbm>>) target(%arg15 : memref<640xi32, #tpu.memory_space<vmem>>) target_semaphore(%run_scoped3A : memref<!tpu.dma_semaphore, #tpu.memory_space<semaphore_mem>>)
          %dma_wait3A_202 = tpu.memref_slice %arg4[%mul3A_188] : memref<327680xi32, #tpu.memory_space<hbm>> -> memref<640xi32, #tpu.memory_space<hbm>>
          %dma_wait3A_203 = tpu.memref_slice %arg4[%mul3A_188] : memref<327680xi32, #tpu.memory_space<hbm>> -> memref<640xi32, #tpu.memory_space<hbm>>
          tpu.wait_dma2 semaphore(%run_scoped3A : memref<!tpu.dma_semaphore, #tpu.memory_space<semaphore_mem>>) src(%dma_wait3A_203 : memref<640xi32, #tpu.memory_space<hbm>>) dst(%arg15 : memref<640xi32, #tpu.memory_space<vmem>>)
          tpu.yield
        }) : () -> ()
        %dma_start3A_189 = arith.constant 0 : i32
        %dma_start3A_190 = arith.constant 0 : i32
        %dma_start3A_191 = tpu.memref_slice %arg5[%dma_start3A_189, %dma_start3A_190] : memref<1000000x16xf32, #tpu.memory_space<hbm>> -> memref<1000000x16xf32, #tpu.memory_space<hbm>>
        tpu.enqueue_indirect_dma source(%dma_start3A_191 : memref<1000000x16xf32, #tpu.memory_space<hbm>>) target(%arg17 : memref<832x16xf32, #tpu.memory_space<vmem>>) offsets(%arg11 : memref<832xi32, #tpu.memory_space<vmem>>) semaphore(%arg27 : memref<!tpu.dma_semaphore, #tpu.memory_space<semaphore_mem>>)
        %dma_start3A_192 = arith.constant 0 : i32
        %dma_start3A_193 = arith.constant 0 : i32
        %dma_start3A_194 = tpu.memref_slice %arg5[%dma_start3A_192, %dma_start3A_193] : memref<1000000x16xf32, #tpu.memory_space<hbm>> -> memref<1000000x16xf32, #tpu.memory_space<hbm>>
        tpu.enqueue_indirect_dma source(%dma_start3A_194 : memref<1000000x16xf32, #tpu.memory_space<hbm>>) target(%arg19 : memref<640x16xf32, #tpu.memory_space<vmem>>) offsets(%arg13 : memref<640xi32, #tpu.memory_space<vmem>>) semaphore(%arg27 : memref<!tpu.dma_semaphore, #tpu.memory_space<semaphore_mem>>)
        %dma_start3A_195 = arith.constant 0 : i32
        %dma_start3A_196 = arith.constant 0 : i32
        %dma_start3A_197 = tpu.memref_slice %arg5[%dma_start3A_195, %dma_start3A_196] : memref<1000000x16xf32, #tpu.memory_space<hbm>> -> memref<1000000x16xf32, #tpu.memory_space<hbm>>
        tpu.enqueue_indirect_dma source(%dma_start3A_197 : memref<1000000x16xf32, #tpu.memory_space<hbm>>) target(%arg21 : memref<640x16xf32, #tpu.memory_space<vmem>>) offsets(%arg15 : memref<640xi32, #tpu.memory_space<vmem>>) semaphore(%arg27 : memref<!tpu.dma_semaphore, #tpu.memory_space<semaphore_mem>>)
        %dma_start3A_198 = arith.constant 0 : i32
        %dma_start3A_199 = tpu.memref_slice %arg6[%dma_start3A_198] : memref<1000000xf32, #tpu.memory_space<hbm>> -> memref<1000000xf32, #tpu.memory_space<hbm>>
        tpu.enqueue_indirect_dma source(%dma_start3A_199 : memref<1000000xf32, #tpu.memory_space<hbm>>) target(%arg23 : memref<832xf32, #tpu.memory_space<vmem>>) offsets(%arg11 : memref<832xi32, #tpu.memory_space<vmem>>) semaphore(%arg27 : memref<!tpu.dma_semaphore, #tpu.memory_space<semaphore_mem>>)
      } else {
      }
    }
    %scan3A_50 = arith.constant 4 : i32
    return
  }
}

module attributes {stable_mosaic.version = 14 : i64} {
  func.func @_tc_body(%arg0: i32, %arg1: memref<2048x416xf32, #tpu.memory_space<vmem>>, %arg2: memref<2048x32xf32, #tpu.memory_space<vmem>>, %arg3: memref<2048x26xf32, #tpu.memory_space<vmem>>, %arg4: memref<2048x13xf32, #tpu.memory_space<vmem>>, %arg5: memref<416x16xf32, #tpu.memory_space<vmem>>, %arg6: memref<32x16xf32, #tpu.memory_space<vmem>>, %arg7: memref<416x64xf32, #tpu.memory_space<vmem>>, %arg8: memref<32x64xf32, #tpu.memory_space<vmem>>, %arg9: memref<13x64xf32, #tpu.memory_space<vmem>>, %arg10: memref<1x64xf32, #tpu.memory_space<vmem>>, %arg11: memref<64x12xf32, #tpu.memory_space<vmem>>, %arg12: memref<1x12xf32, #tpu.memory_space<vmem>>, %arg13: memref<26x1xf32, #tpu.memory_space<vmem>>, %arg14: memref<16x1xf32, #tpu.memory_space<vmem>>, %arg15: memref<12x1xf32, #tpu.memory_space<vmem>>, %arg16: memref<1x1xf32, #tpu.memory_space<vmem>>, %arg17: memref<2048x1xf32, #tpu.memory_space<vmem>>) attributes {dimension_semantics = [#tpu.dimension_semantics<arbitrary>], iteration_bounds = array<i64: 4>, scalar_prefetch = 0 : i64, scratch_operands = 0 : i64, tpu.core_type = #tpu.core_type<tc>, window_params = [{transform_indices = @transform_0, window_bounds = array<i64: 2048, 416>}, {transform_indices = @transform_1, window_bounds = array<i64: 2048, 32>}, {transform_indices = @transform_2, window_bounds = array<i64: 2048, 26>}, {transform_indices = @transform_3, window_bounds = array<i64: 2048, 13>}, {pipeline_mode = #tpu.pipeline_mode<synchronous>, transform_indices = @transform_4, window_bounds = array<i64: 416, 16>}, {pipeline_mode = #tpu.pipeline_mode<synchronous>, transform_indices = @transform_5, window_bounds = array<i64: 32, 16>}, {pipeline_mode = #tpu.pipeline_mode<synchronous>, transform_indices = @transform_6, window_bounds = array<i64: 416, 64>}, {pipeline_mode = #tpu.pipeline_mode<synchronous>, transform_indices = @transform_7, window_bounds = array<i64: 32, 64>}, {pipeline_mode = #tpu.pipeline_mode<synchronous>, transform_indices = @transform_8, window_bounds = array<i64: 13, 64>}, {pipeline_mode = #tpu.pipeline_mode<synchronous>, transform_indices = @transform_9, window_bounds = array<i64: 1, 64>}, {pipeline_mode = #tpu.pipeline_mode<synchronous>, transform_indices = @transform_10, window_bounds = array<i64: 64, 12>}, {pipeline_mode = #tpu.pipeline_mode<synchronous>, transform_indices = @transform_11, window_bounds = array<i64: 1, 12>}, {pipeline_mode = #tpu.pipeline_mode<synchronous>, transform_indices = @transform_12, window_bounds = array<i64: 26, 1>}, {pipeline_mode = #tpu.pipeline_mode<synchronous>, transform_indices = @transform_13, window_bounds = array<i64: 16, 1>}, {pipeline_mode = #tpu.pipeline_mode<synchronous>, transform_indices = @transform_14, window_bounds = array<i64: 12, 1>}, {pipeline_mode = #tpu.pipeline_mode<synchronous>, transform_indices = @transform_15, window_bounds = array<i64: 1, 1>}, {transform_indices = @transform_16, window_bounds = array<i64: 2048, 1>}]} {
    %get3A = arith.constant 0 : index
    %get3A_0 = arith.constant 0 : index
    %get3A_1 = vector.load %arg1[%get3A, %get3A_0] : memref<2048x416xf32, #tpu.memory_space<vmem>>, vector<2048x416xf32>
    %get3A_2 = arith.constant 0 : index
    %get3A_3 = arith.constant 0 : index
    %get3A_4 = vector.load %arg2[%get3A_2, %get3A_3] : memref<2048x32xf32, #tpu.memory_space<vmem>>, vector<2048x32xf32>
    %get3A_5 = arith.constant 0 : index
    %get3A_6 = arith.constant 0 : index
    %get3A_7 = vector.load %arg3[%get3A_5, %get3A_6] : memref<2048x26xf32, #tpu.memory_space<vmem>>, vector<2048x26xf32>
    %get3A_8 = arith.constant 0 : index
    %get3A_9 = arith.constant 0 : index
    %get3A_10 = vector.load %arg4[%get3A_8, %get3A_9] : memref<2048x13xf32, #tpu.memory_space<vmem>>, vector<2048x13xf32>
    %get3A_11 = arith.constant 0 : index
    %get3A_12 = arith.constant 0 : index
    %get3A_13 = vector.load %arg5[%get3A_11, %get3A_12] : memref<416x16xf32, #tpu.memory_space<vmem>>, vector<416x16xf32>
    %convert_element_type3A = arith.truncf %get3A_1 : vector<2048x416xf32> to vector<2048x416xbf16>
    %convert_element_type3A_14 = arith.truncf %get3A_13 : vector<416x16xf32> to vector<416x16xbf16>
    %dot_general3A = arith.constant dense<0.000000e+00> : vector<2048x16xf32>
    %dot_general3A_15 = tpu.matmul %convert_element_type3A, %convert_element_type3A_14, %dot_general3A {dimension_numbers = #tpu.dot_dimension_numbers<[1], [0], [0], [1], [0, 0, 1, 1], [], []>, transpose_lhs_hint = false} : vector<2048x416xbf16>, vector<416x16xbf16>, vector<2048x16xf32> -> vector<2048x16xf32>
    %get3A_16 = arith.constant 0 : index
    %get3A_17 = arith.constant 0 : index
    %get3A_18 = vector.load %arg6[%get3A_16, %get3A_17] : memref<32x16xf32, #tpu.memory_space<vmem>>, vector<32x16xf32>
    %convert_element_type3A_19 = arith.truncf %get3A_4 : vector<2048x32xf32> to vector<2048x32xbf16>
    %convert_element_type3A_20 = arith.truncf %get3A_18 : vector<32x16xf32> to vector<32x16xbf16>
    %dot_general3A_21 = arith.constant dense<0.000000e+00> : vector<2048x16xf32>
    %dot_general3A_22 = tpu.matmul %convert_element_type3A_19, %convert_element_type3A_20, %dot_general3A_21 {dimension_numbers = #tpu.dot_dimension_numbers<[1], [0], [0], [1], [0, 0, 1, 1], [], []>, transpose_lhs_hint = false} : vector<2048x32xbf16>, vector<32x16xbf16>, vector<2048x16xf32> -> vector<2048x16xf32>
    %add3A = arith.addf %dot_general3A_15, %dot_general3A_22 : vector<2048x16xf32>
    %mul3A = arith.mulf %get3A_1, %get3A_1 : vector<2048x416xf32>
    %get3A_23 = arith.constant 0 : index
    %get3A_24 = arith.constant 0 : index
    %get3A_25 = vector.load %arg5[%get3A_23, %get3A_24] : memref<416x16xf32, #tpu.memory_space<vmem>>, vector<416x16xf32>
    %dot_general3A_26 = arith.constant dense<0.000000e+00> : vector<2048x16xf32>
    %dot_general3A_27 = tpu.matmul %mul3A, %get3A_25, %dot_general3A_26 {dimension_numbers = #tpu.dot_dimension_numbers<[1], [0], [0], [1], [0, 0, 1, 1], [], []>, transpose_lhs_hint = false} : vector<2048x416xf32>, vector<416x16xf32>, vector<2048x16xf32> -> vector<2048x16xf32>
    %mul3A_28 = arith.mulf %get3A_4, %get3A_4 : vector<2048x32xf32>
    %get3A_29 = arith.constant 0 : index
    %get3A_30 = arith.constant 0 : index
    %get3A_31 = vector.load %arg6[%get3A_29, %get3A_30] : memref<32x16xf32, #tpu.memory_space<vmem>>, vector<32x16xf32>
    %dot_general3A_32 = arith.constant dense<0.000000e+00> : vector<2048x16xf32>
    %dot_general3A_33 = tpu.matmul %mul3A_28, %get3A_31, %dot_general3A_32 {dimension_numbers = #tpu.dot_dimension_numbers<[1], [0], [0], [1], [0, 0, 1, 1], [], []>, transpose_lhs_hint = false} : vector<2048x32xf32>, vector<32x16xf32>, vector<2048x16xf32> -> vector<2048x16xf32>
    %add3A_34 = arith.addf %dot_general3A_27, %dot_general3A_33 : vector<2048x16xf32>
    %mul3A_35 = arith.mulf %add3A, %add3A : vector<2048x16xf32>
    %sub3A = arith.subf %mul3A_35, %add3A_34 : vector<2048x16xf32>
    %mul3A_36 = arith.constant 5.000000e-01 : f32
    %mul3A_37 = vector.broadcast %mul3A_36 : f32 to vector<2048x16xf32>
    %mul3A_38 = arith.mulf %mul3A_37, %sub3A : vector<2048x16xf32>
    %get3A_39 = arith.constant 0 : index
    %get3A_40 = arith.constant 0 : index
    %get3A_41 = vector.load %arg7[%get3A_39, %get3A_40] : memref<416x64xf32, #tpu.memory_space<vmem>>, vector<416x64xf32>
    %convert_element_type3A_42 = arith.truncf %get3A_1 : vector<2048x416xf32> to vector<2048x416xbf16>
    %convert_element_type3A_43 = arith.truncf %get3A_41 : vector<416x64xf32> to vector<416x64xbf16>
    %dot_general3A_44 = arith.constant dense<0.000000e+00> : vector<2048x64xf32>
    %dot_general3A_45 = tpu.matmul %convert_element_type3A_42, %convert_element_type3A_43, %dot_general3A_44 {dimension_numbers = #tpu.dot_dimension_numbers<[1], [0], [0], [1], [0, 0, 1, 1], [], []>, transpose_lhs_hint = false} : vector<2048x416xbf16>, vector<416x64xbf16>, vector<2048x64xf32> -> vector<2048x64xf32>
    %get3A_46 = arith.constant 0 : index
    %get3A_47 = arith.constant 0 : index
    %get3A_48 = vector.load %arg8[%get3A_46, %get3A_47] : memref<32x64xf32, #tpu.memory_space<vmem>>, vector<32x64xf32>
    %convert_element_type3A_49 = arith.truncf %get3A_4 : vector<2048x32xf32> to vector<2048x32xbf16>
    %convert_element_type3A_50 = arith.truncf %get3A_48 : vector<32x64xf32> to vector<32x64xbf16>
    %dot_general3A_51 = arith.constant dense<0.000000e+00> : vector<2048x64xf32>
    %dot_general3A_52 = tpu.matmul %convert_element_type3A_49, %convert_element_type3A_50, %dot_general3A_51 {dimension_numbers = #tpu.dot_dimension_numbers<[1], [0], [0], [1], [0, 0, 1, 1], [], []>, transpose_lhs_hint = false} : vector<2048x32xbf16>, vector<32x64xbf16>, vector<2048x64xf32> -> vector<2048x64xf32>
    %add3A_53 = arith.addf %dot_general3A_45, %dot_general3A_52 : vector<2048x64xf32>
    %get3A_54 = arith.constant 0 : index
    %get3A_55 = arith.constant 0 : index
    %get3A_56 = vector.load %arg9[%get3A_54, %get3A_55] : memref<13x64xf32, #tpu.memory_space<vmem>>, vector<13x64xf32>
    %convert_element_type3A_57 = arith.truncf %get3A_10 : vector<2048x13xf32> to vector<2048x13xbf16>
    %convert_element_type3A_58 = arith.truncf %get3A_56 : vector<13x64xf32> to vector<13x64xbf16>
    %dot_general3A_59 = arith.constant dense<0.000000e+00> : vector<2048x64xf32>
    %dot_general3A_60 = tpu.matmul %convert_element_type3A_57, %convert_element_type3A_58, %dot_general3A_59 {dimension_numbers = #tpu.dot_dimension_numbers<[1], [0], [0], [1], [0, 0, 1, 1], [], []>, transpose_lhs_hint = false} : vector<2048x13xbf16>, vector<13x64xbf16>, vector<2048x64xf32> -> vector<2048x64xf32>
    %add3A_61 = arith.addf %add3A_53, %dot_general3A_60 : vector<2048x64xf32>
    %get3A_62 = arith.constant 0 : index
    %get3A_63 = arith.constant 0 : index
    %get3A_64 = vector.load %arg10[%get3A_62, %get3A_63] : memref<1x64xf32, #tpu.memory_space<vmem>>, vector<1x64xf32>
    %add3A_65 = vector.broadcast %get3A_64 : vector<1x64xf32> to vector<2048x64xf32>
    %add3A_66 = arith.addf %add3A_61, %add3A_65 : vector<2048x64xf32>
    %max3A = arith.constant 0.000000e+00 : f32
    %max3A_67 = vector.broadcast %max3A : f32 to vector<2048x64xf32>
    %max3A_68 = arith.maximumf %add3A_66, %max3A_67 : vector<2048x64xf32>
    %get3A_69 = arith.constant 0 : index
    %get3A_70 = arith.constant 0 : index
    %get3A_71 = vector.load %arg11[%get3A_69, %get3A_70] : memref<64x12xf32, #tpu.memory_space<vmem>>, vector<64x12xf32>
    %convert_element_type3A_72 = arith.truncf %max3A_68 : vector<2048x64xf32> to vector<2048x64xbf16>
    %convert_element_type3A_73 = arith.truncf %get3A_71 : vector<64x12xf32> to vector<64x12xbf16>
    %dot_general3A_74 = arith.constant dense<0.000000e+00> : vector<2048x12xf32>
    %dot_general3A_75 = tpu.matmul %convert_element_type3A_72, %convert_element_type3A_73, %dot_general3A_74 {dimension_numbers = #tpu.dot_dimension_numbers<[1], [0], [0], [1], [0, 0, 1, 1], [], []>, transpose_lhs_hint = false} : vector<2048x64xbf16>, vector<64x12xbf16>, vector<2048x12xf32> -> vector<2048x12xf32>
    %get3A_76 = arith.constant 0 : index
    %get3A_77 = arith.constant 0 : index
    %get3A_78 = vector.load %arg12[%get3A_76, %get3A_77] : memref<1x12xf32, #tpu.memory_space<vmem>>, vector<1x12xf32>
    %add3A_79 = vector.broadcast %get3A_78 : vector<1x12xf32> to vector<2048x12xf32>
    %add3A_80 = arith.addf %dot_general3A_75, %add3A_79 : vector<2048x12xf32>
    %max3A_81 = arith.constant 0.000000e+00 : f32
    %max3A_82 = vector.broadcast %max3A_81 : f32 to vector<2048x12xf32>
    %max3A_83 = arith.maximumf %add3A_80, %max3A_82 : vector<2048x12xf32>
    %get3A_84 = arith.constant 0 : index
    %get3A_85 = arith.constant 0 : index
    %get3A_86 = vector.load %arg13[%get3A_84, %get3A_85] : memref<26x1xf32, #tpu.memory_space<vmem>>, vector<26x1xf32>
    %dot_general3A_87 = arith.constant dense<0.000000e+00> : vector<2048x1xf32>
    %dot_general3A_88 = tpu.matmul %get3A_7, %get3A_86, %dot_general3A_87 {dimension_numbers = #tpu.dot_dimension_numbers<[1], [0], [0], [1], [0, 0, 1, 1], [], []>, transpose_lhs_hint = false} : vector<2048x26xf32>, vector<26x1xf32>, vector<2048x1xf32> -> vector<2048x1xf32>
    %get3A_89 = arith.constant 0 : index
    %get3A_90 = arith.constant 0 : index
    %get3A_91 = vector.load %arg14[%get3A_89, %get3A_90] : memref<16x1xf32, #tpu.memory_space<vmem>>, vector<16x1xf32>
    %dot_general3A_92 = arith.constant dense<0.000000e+00> : vector<2048x1xf32>
    %dot_general3A_93 = tpu.matmul %mul3A_38, %get3A_91, %dot_general3A_92 {dimension_numbers = #tpu.dot_dimension_numbers<[1], [0], [0], [1], [0, 0, 1, 1], [], []>, transpose_lhs_hint = false} : vector<2048x16xf32>, vector<16x1xf32>, vector<2048x1xf32> -> vector<2048x1xf32>
    %add3A_94 = arith.addf %dot_general3A_88, %dot_general3A_93 : vector<2048x1xf32>
    %get3A_95 = arith.constant 0 : index
    %get3A_96 = arith.constant 0 : index
    %get3A_97 = vector.load %arg15[%get3A_95, %get3A_96] : memref<12x1xf32, #tpu.memory_space<vmem>>, vector<12x1xf32>
    %dot_general3A_98 = arith.constant dense<0.000000e+00> : vector<2048x1xf32>
    %dot_general3A_99 = tpu.matmul %max3A_83, %get3A_97, %dot_general3A_98 {dimension_numbers = #tpu.dot_dimension_numbers<[1], [0], [0], [1], [0, 0, 1, 1], [], []>, transpose_lhs_hint = false} : vector<2048x12xf32>, vector<12x1xf32>, vector<2048x1xf32> -> vector<2048x1xf32>
    %add3A_100 = arith.addf %add3A_94, %dot_general3A_99 : vector<2048x1xf32>
    %get3A_101 = arith.constant 0 : index
    %get3A_102 = arith.constant 0 : index
    %get3A_103 = vector.load %arg16[%get3A_101, %get3A_102] : memref<1x1xf32, #tpu.memory_space<vmem>>, vector<1x1xf32>
    %add3A_104 = vector.broadcast %get3A_103 : vector<1x1xf32> to vector<2048x1xf32>
    %add3A_105 = arith.addf %add3A_100, %add3A_104 : vector<2048x1xf32>
    %neg3A = arith.constant 0.000000e+00 : f32
    %neg3A_106 = vector.broadcast %neg3A : f32 to vector<2048x1xf32>
    %neg3A_107 = arith.subf %neg3A_106, %add3A_105 : vector<2048x1xf32>
    %exp3A = math.exp %neg3A_107 : vector<2048x1xf32>
    %add3A_108 = arith.constant 1.000000e+00 : f32
    %add3A_109 = vector.broadcast %add3A_108 : f32 to vector<2048x1xf32>
    %add3A_110 = arith.addf %add3A_109, %exp3A : vector<2048x1xf32>
    %div3A = arith.constant 1.000000e+00 : f32
    %div3A_111 = vector.broadcast %div3A : f32 to vector<2048x1xf32>
    %div3A_112 = arith.divf %div3A_111, %add3A_110 : vector<2048x1xf32>
    %swap3A = arith.constant 0 : index
    %swap3A_113 = arith.constant 0 : index
    %swap3A_114 = vector.load %arg17[%swap3A, %swap3A_113] : memref<2048x1xf32, #tpu.memory_space<vmem>>, vector<2048x1xf32>
    tpu.vector_store %arg17[%swap3A, %swap3A_113], %div3A_112 {strides = array<i32>} : memref<2048x1xf32, #tpu.memory_space<vmem>>, vector<2048x1xf32>,
    return
  }
  func.func @transform_0(%arg0: i32) -> (i32, i32) {
    %c0_i32 = arith.constant 0 : i32
    %c0_i32_0 = arith.constant 0 : i32
    return %arg0, %c0_i32 : i32, i32
  }
  func.func @transform_1(%arg0: i32) -> (i32, i32) {
    %c0_i32 = arith.constant 0 : i32
    %c0_i32_0 = arith.constant 0 : i32
    return %arg0, %c0_i32 : i32, i32
  }
  func.func @transform_2(%arg0: i32) -> (i32, i32) {
    %c0_i32 = arith.constant 0 : i32
    %c0_i32_0 = arith.constant 0 : i32
    return %arg0, %c0_i32 : i32, i32
  }
  func.func @transform_3(%arg0: i32) -> (i32, i32) {
    %c0_i32 = arith.constant 0 : i32
    %c0_i32_0 = arith.constant 0 : i32
    return %arg0, %c0_i32 : i32, i32
  }
  func.func @transform_4(%arg0: i32) -> (i32, i32) {
    %c0_i32 = arith.constant 0 : i32
    %c0_i32_0 = arith.constant 0 : i32
    %c0_i32_1 = arith.constant 0 : i32
    return %c0_i32, %c0_i32_0 : i32, i32
  }
  func.func @transform_5(%arg0: i32) -> (i32, i32) {
    %c0_i32 = arith.constant 0 : i32
    %c0_i32_0 = arith.constant 0 : i32
    %c0_i32_1 = arith.constant 0 : i32
    return %c0_i32, %c0_i32_0 : i32, i32
  }
  func.func @transform_6(%arg0: i32) -> (i32, i32) {
    %c0_i32 = arith.constant 0 : i32
    %c0_i32_0 = arith.constant 0 : i32
    %c0_i32_1 = arith.constant 0 : i32
    return %c0_i32, %c0_i32_0 : i32, i32
  }
  func.func @transform_7(%arg0: i32) -> (i32, i32) {
    %c0_i32 = arith.constant 0 : i32
    %c0_i32_0 = arith.constant 0 : i32
    %c0_i32_1 = arith.constant 0 : i32
    return %c0_i32, %c0_i32_0 : i32, i32
  }
  func.func @transform_8(%arg0: i32) -> (i32, i32) {
    %c0_i32 = arith.constant 0 : i32
    %c0_i32_0 = arith.constant 0 : i32
    %c0_i32_1 = arith.constant 0 : i32
    return %c0_i32, %c0_i32_0 : i32, i32
  }
  func.func @transform_9(%arg0: i32) -> (i32, i32) {
    %c0_i32 = arith.constant 0 : i32
    %c0_i32_0 = arith.constant 0 : i32
    %c0_i32_1 = arith.constant 0 : i32
    return %c0_i32, %c0_i32_0 : i32, i32
  }
  func.func @transform_10(%arg0: i32) -> (i32, i32) {
    %c0_i32 = arith.constant 0 : i32
    %c0_i32_0 = arith.constant 0 : i32
    %c0_i32_1 = arith.constant 0 : i32
    return %c0_i32, %c0_i32_0 : i32, i32
  }
  func.func @transform_11(%arg0: i32) -> (i32, i32) {
    %c0_i32 = arith.constant 0 : i32
    %c0_i32_0 = arith.constant 0 : i32
    %c0_i32_1 = arith.constant 0 : i32
    return %c0_i32, %c0_i32_0 : i32, i32
  }
  func.func @transform_12(%arg0: i32) -> (i32, i32) {
    %c0_i32 = arith.constant 0 : i32
    %c0_i32_0 = arith.constant 0 : i32
    %c0_i32_1 = arith.constant 0 : i32
    return %c0_i32, %c0_i32_0 : i32, i32
  }
  func.func @transform_13(%arg0: i32) -> (i32, i32) {
    %c0_i32 = arith.constant 0 : i32
    %c0_i32_0 = arith.constant 0 : i32
    %c0_i32_1 = arith.constant 0 : i32
    return %c0_i32, %c0_i32_0 : i32, i32
  }
  func.func @transform_14(%arg0: i32) -> (i32, i32) {
    %c0_i32 = arith.constant 0 : i32
    %c0_i32_0 = arith.constant 0 : i32
    %c0_i32_1 = arith.constant 0 : i32
    return %c0_i32, %c0_i32_0 : i32, i32
  }
  func.func @transform_15(%arg0: i32) -> (i32, i32) {
    %c0_i32 = arith.constant 0 : i32
    %c0_i32_0 = arith.constant 0 : i32
    %c0_i32_1 = arith.constant 0 : i32
    return %c0_i32, %c0_i32_0 : i32, i32
  }
  func.func @transform_16(%arg0: i32) -> (i32, i32) {
    %c0_i32 = arith.constant 0 : i32
    %c0_i32_0 = arith.constant 0 : i32
    return %arg0, %c0_i32 : i32, i32
  }
}

</mosaic_0001>

<sc_bundles>
// kernel: kernel.10.cloned.1.call-start
scs
__scs_entry_jumppad:
0x0: {  	(pc) =	sbr.rel $0x88, $3  }
0x1: {  	(tag) =	ssettag $0x0;
	lr =	simm.s32 $0x1  }
0x2: {  	[smem:$0x3F95] =	sst lr;
	_ =	strace $0xD0000000  }
0x3: {  	_ = 	snop  }
0x4: {  	_ = 	snop  }
0x5: {  	_ = 	snop  }
0x6: {  	_ = 	snop  }
0x7: {  	_ = 	snop  }
__scs_overlays_trampoline_lowered:
0x8: {  	[smem:$0x3FA4] =	sst s0  }
0x9: {  	[smem:$0x3FA5] =	sst s1  }
0xa: {  	[smem:$0x3FA6] =	sst s2  }
0xb: {  	[smem:$0x3FA7] =	sst s3  }
0xc: {  	[smem:$0x3FA8] =	sst s4  }
0xd: {  	[smem:$0x3FA9] =	sst s5  }
0xe: {  	[smem:$0x3FAA] =	sst s6  }
0xf: {  	[smem:$0x3FAB] =	sst s7  }
0x10: {  	[smem:$0x3FAC] =	sst s8  }
0x11: {  	[smem:$0x3FAD] =	sst s9;
	s0 =	simm.s32 @!p0 $0x0  }
0x12: {  	s1 =	sld [smem:$0x3F93];
	s0 =	simm.s32 @p0 $0x1  }
0x13: {  	[smem:$0x3FAE] =	sst s0;
	s0 =	simm.s32 @!p1 $0x0  }
0x14: {  	s2 =	sld [smem:$0x3F92];
	s0 =	simm.s32 @p1 $0x1  }
0x15: {  	[smem:$0x3FAF] =	sst s0;
	s0 =	simm.s32 @!p2 $0x0  }
0x16: {  	s3 =	sld [smem:$0x3FDB];
	s0 =	simm.s32 @p2 $0x1  }
0x17: {  	s4 =	simm.s32 $0x1BF5;
	[smem:$0x3FB1] =	sst s0  }
0x18: {  	s0 =	sld [smem:$0x3F94];
	_ =	swait.ge [sflag:s4], $0x0  }
0x19: {  	s7 =	sld [smem:$0x3F95]  }
0x1a: {  	s8 =	sadd.s32 $0xFFFFE003, lr  }
0x1b: {  	s9 =	sadd.s32 $0xFFFFFEF7, lr;
	s5 =	simm.s32 $0xFFFFFFFF;
	p2 =	slt.u32 s8, $0xFFFFF086  }
0x1c: {  	p1 =	slt.u32 s9, $0xF7A;
	s5 =	simm.s32 @!p2 $0x0  }
0x1d: {  	s5 =	simm.s32 @p1 $0x1;
	p0 =	seq.s32 s7, s2  }
0x1e: {  	s7 =	smul.u32 @!p0 $0xF7A, s2;
	p2 =	seq.s32 @!p0 s5, $0x0  }
0x1f: {  	s9 =	smul.u32 $0xF7A, s1;
	s8 =	simm.s32 @!p0 $0x1BF5;
	p2 =	por !p2, p0  }
0x20: {  	[sflag:s8] =	ssyncset.s32 @!p0 $0xFFFFF086;
	s6 =	sadd.s32 @!p0 s3, s7;
	s7 =	simm.s32 @!p0 $0x108  }
0x21: {  	s3 =	sadd.s32 s3, s9;
	s6 =	sadd.s32 @!p0 $0x88, s6;
	s7 =	simm.s32 @p2 $0x1082  }
0x22: {  	[simem:s7], [sflag:s8] =	dma.local @!p0 [hbm:s6], $0xF7A  }
0x23: {  	s9 =	sor.u32 $0xD0000000, s2;
	s6 =	simm.s32 $0x108;
	_ =	swait.ge @!p0 [sflag:s8], $0x0  }
0x24: {  	s3 =	sadd.s32 $0x88, s3;
	s6 =	simm.s32 @!p1 $0x1082;
	[sflag:s4] =	ssyncset.s32 $0xFFFFF086  }
0x25: {  	[simem:s6], [sflag:s4] =	dma.local [hbm:s3], $0xF7A  }
0x26: {  	[smem:$0x3F95] =	sst s1;
	(tag) =	ssettag s2;
	_ =	strace s9  }
0x27: {  	s1 =	sld [smem:$0x3FA5]  }
0x28: {  	s2 =	sld [smem:$0x3FA6]  }
0x29: {  	s4 =	sld [smem:$0x3FA8]  }
0x2a: {  	p0 =	seq.s32 s5, $0x0;
	s5 =	sld [smem:$0x3FA9]  }
0x2b: {  	s6 =	sld [smem:$0x3FAA]  }
0x2c: {  	s7 =	sld [smem:$0x3FAB]  }
0x2d: {  	s3 =	simm.s32 $0x108;
	s8 =	sld [smem:$0x3FAC]  }
0x2e: {  	s3 =	simm.s32 @!p0 $0x1082;
	s9 =	sld [smem:$0x3FAD]  }
0x2f: {  	lr =	sadd.s32 s0, s3;
	s0 =	sld [smem:$0x3FA4]  }
0x30: {  	s3 =	sld [smem:$0x3FA7]  }
0x31: {  	[smem:$0x3FB0] =	sst s10  }
0x32: {  	s10 =	sld [smem:$0x3FAE];
	_ =	sdelay $0x3  }
0x33: {  	p0 =	seq.s32 s10, $0x1;
	s10 =	sld [smem:$0x3FB0];
	_ =	sdelay $0x3  }
0x34: {  	[smem:$0x3FB0] =	sst s10  }
0x35: {  	s10 =	sld [smem:$0x3FAF];
	_ =	sdelay $0x3  }
0x36: {  	p1 =	seq.s32 s10, $0x1;
	s10 =	sld [smem:$0x3FB0];
	_ =	sdelay $0x3  }
0x37: {  	[smem:$0x3FB0] =	sst s10  }
0x38: {  	s10 =	sld [smem:$0x3FB1]  }
0x39: {  	_ = 	snop;
	(pc) =	sbr.ind lr, $3  }
0x3a: {  	_ = 	snop  }
0x3b: {  	_ = 	snop  }
0x3c: {  	p2 =	seq.s32 s10, $0x1;
	s10 =	sld [smem:$0x3FB0]  }
0x3d: {  	_ =	shalt  }
0x3e: {  	_ =	shalt  }
0x3f: {  	_ =	shalt  }
0x40: {  	_ =	shalt  }
0x41: {  	_ =	shalt  }
0x42: {  	_ =	shalt  }
0x43: {  	_ =	shalt  }
0x44: {  	_ =	shalt  }
0x45: {  	_ =	shalt  }
0x46: {  	_ =	shalt  }
0x47: {  	_ =	shalt  }
0x48: {  	_ =	shalt  }
0x49: {  	_ =	shalt  }
0x4a: {  	_ =	shalt  }
0x4b: {  	_ =	shalt  }
0x4c: {  	_ =	shalt  }
0x4d: {  	_ =	shalt  }
0x4e: {  	_ =	shalt  }
0x4f: {  	_ =	shalt  }
0x50: {  	_ =	shalt  }
0x51: {  	_ =	shalt  }
0x52: {  	_ =	shalt  }
0x53: {  	_ =	shalt  }
0x54: {  	_ =	shalt  }
0x55: {  	_ =	shalt  }
0x56: {  	_ =	shalt  }
0x57: {  	_ =	shalt  }
0x58: {  	_ =	shalt  }
0x59: {  	_ =	shalt  }
0x5a: {  	_ =	shalt  }
0x5b: {  	_ =	shalt  }
0x5c: {  	_ =	shalt  }
0x5d: {  	_ =	shalt  }
0x5e: {  	_ =	shalt  }
0x5f: {  	_ =	shalt  }
0x60: {  	_ =	shalt  }
0x61: {  	_ =	shalt  }
0x62: {  	_ =	shalt  }
0x63: {  	_ =	shalt  }
0x64: {  	_ =	shalt  }
0x65: {  	_ =	shalt  }
0x66: {  	_ =	shalt  }
0x67: {  	_ =	shalt  }
0x68: {  	_ =	shalt  }
0x69: {  	_ =	shalt  }
0x6a: {  	_ =	shalt  }
0x6b: {  	_ =	shalt  }
0x6c: {  	_ =	shalt  }
0x6d: {  	_ =	shalt  }
0x6e: {  	_ =	shalt  }
0x6f: {  	_ =	shalt  }
0x70: {  	_ =	shalt  }
0x71: {  	_ =	shalt  }
0x72: {  	_ =	shalt  }
0x73: {  	_ =	shalt  }
0x74: {  	_ =	shalt  }
0x75: {  	_ =	shalt  }
0x76: {  	_ =	shalt  }
0x77: {  	_ =	shalt  }
0x78: {  	_ =	shalt  }
0x79: {  	_ =	shalt  }
0x7a: {  	_ =	shalt  }
0x7b: {  	_ =	shalt  }
0x7c: {  	_ =	shalt  }
0x7d: {  	_ =	shalt  }
0x7e: {  	_ =	shalt  }
0x7f: {  	_ =	shalt  }
0x80: {  	_ =	shalt  }
0x81: {  	_ =	shalt  }
0x82: {  	_ =	shalt  }
0x83: {  	_ =	shalt  }
0x84: {  	_ =	shalt  }
0x85: {  	_ =	shalt  }
0x86: {  	_ =	shalt  }
0x87: {  	_ =	shalt  }
.Lfunc_end0:
.L_simem_size_0:
called_computation.1_lowered:
.L_overlay_start_0:
0x88: {  	s2 =	sld [smem:$0x3FD9]  }
0x89: {  	s3 =	sld [smem:$0x3FFE];
	_ =	sdelay $0x1  }
0x8a: {  	s1 =	srdreg.scid  }
0x8b: {  	s0 =	sand.u32 $0x1, s1  }
0x8c: {  	s16 =	sshll.u32 s0, $0xA;
	s2 =	sadd.s32 s3, s2  }
0x8d: {  	s2 =	sadd.s32 s2, s16  }
0x8e: {  	[smem:$0x3FBC] =	sst s2  }
0x8f: {  	_ = 	snop  }
0x90: {  	(tm) =	ssettm $0x1  }
0x91: {  	s17 =	sld [smem:$0x3FFB];
	_ =	sdelay $0x3  }
0x92: {  	_ =	strace s17  }
0x93: {  	s2 =	sld [smem:$0x3FFC];
	_ =	sdelay $0x3  }
0x94: {  	_ =	strace s2  }
0x95: {  	s2 =	sld [smem:$0x3FFD];
	_ =	sdelay $0x3  }
0x96: {  	_ =	strace s2  }
0x97: {  	_ =	strace $0x8FFFFFFF  }
0x98: {  	s18 =	sld [smem:$0x3FDB];
	_ =	sdelay $0x1  }
0x99: {  	s19 =	simm.s32 $_scs_section_size  }
0x9a: {  	s4 =	simm.s32 $_size__tile_overlayer_lowered;
	s5 =	simm.s32 $_tile_overlayer_lowered  }
0x9b: {  	s22 =	simm.s32 $0x1BFF;
	s21 =	sshll.u32 s5, $0x1;
	s2 =	sadd.s32 s19, s18  }
0x9c: {  	s6 =	simm.s32 $0x0;
	s20 =	sshll.u32 s4, $0x1;
	s4 =	sadd.s32 s21, s2  }
0x9d: {  	[timem:s6], [sflag:s22] =	dma.local [hbm:s4], s20  }
0x9e: {  	_ =	swait.ge [sflag:s22], s20  }
0x9f: {  	s3 =	ssub.s32 $0x0, s20;
	[sflag:s22] =	ssyncset.done $0x0  }
0xa0: {  	[sflag:s22] =	ssyncadd.s32 s3;
	_ =	sdelay $0x1  }
0xa1: {  	s23 =	simm.s32 $0x1B8B  }
0xa2: {  	_ =	swait.ge [sflag:s23], $0x1  }
0xa3: {  	[sflag:s23] =	ssyncset.done $0x0  }
0xa4: {  	s25 =	simm.s32 $0x1B8E;
	s24 =	sld [smem:$0x3FFE];
	[sflag:s23] =	ssyncadd.s32 $0xFFFFFFFF  }
0xa5: {  	s26 =	simm.s32 $execute0_lowered;
	[smem:$0x3FD2] =	sst s25  }
0xa6: {  	s4 =	sshll.u32 s26, $0x1;
	_ =	strace $0x80000049;
	[dreg:$0x1] =	wrdreg $0xFFFFFFFF  }
0xa7: {  	s28 =	simm.s32 $_size_execute0_lowered;
	s2 =	sadd.s32 s2, s4;
	[dreg:$0x0] =	wrdreg $0x0  }
0xa8: {  	s4 =	sshll.u32 s28, $0x1;
	[dreg:$0x2] =	wrdreg s2  }
0xa9: {  	[dreg:$0x3] =	wrdreg s4  }
0xaa: {  	[dreg:$0x4] =	wrdreg $0xC0  }
0xab: {  	_ =	task [dreg:s6], $0x5FFFF  }
0xac: {  	[dreg:$0x1] =	wrdreg $0xFFFFFFFF  }
0xad: {  	[dreg:$0x0] =	wrdreg $0x60  }
0xae: {  	[dreg:$0x2] =	wrdreg s24  }
0xaf: {  	[dreg:$0x3] =	wrdreg $0x9  }
0xb0: {  	_ =	task.clear_ibuf [dreg:s6], $0x4FFFF;
	_ =	strace $0x90000049  }
0xb1: {  	s29 =	simm.s32 $0x9;
	_ =	strace $0x8000004B  }
0xb2: {  	_ =	swait.ge [sflag:s29], $0x1  }
0xb3: {  	[sflag:s29] =	ssyncadd.s32 $0xFFFFFFFF  }
0xb4: {  	_ =	strace $0x9000004B  }
0xb5: {  	_ =	sfence  }
0xb6: {  	s30 =	sld [smem:$0x0];
	_ =	sdelay $0x2  }
0xb7: {  	s31 =	sshll.u32 s1, $0xD;
	s1 =	sshrl.u32 s1, $0x2  }
0xb8: {  	s3 =	sand.u32 $0x4000, s31;
	s1 =	sadd.s32 s1, s30  }
0xb9: {  	s0 =	sor.u32 s3, s0;
	s1 =	sshll.u32 s1, $0x11  }
0xba: {  	s0 =	sor.u32 s1, s0  }
0xbb: {  	s0 =	sadd.s32 $0x8F2B, s0  }
0xbc: {  	[sflag:s0] =	ssyncadd.remote.s32 $0x1  }
0xbd: {  	_ =	sfence.sel $0xFFFF  }
0xbe: {  	[dreg:$0x0] =	wrdreg $0xFFFFFFFF;
	(pc) =	sbr.abs _section_cstart, $3  }
0xbf: {  	[dreg:$0x1] =	wrdreg $0xFFFFFFFF  }
0xc0: {  	_ =	task.clear_ibuf [dreg:s6], $0x2FFFF;
	_ =	strace $0x9FFFFFFF  }
0xc1: {  	(tm) =	ssettm $0x7FFFFFFF  }
tec
execute0_lowered:
.L_overlay_start_1:
0x0: {  	(tag) =	ssettag $0x1  }
0x1: {  	s0 =	rddreg [dreg:$0x0]  }
0x2: {  	s1 =	simm.s32 $0x0;
	s2 =	srdreg.scid;
	s6 =	stileid.u32  }
0x3: {  	s21 =	simm.s32 $0x5;
	s31 =	simm.s32 $0x900;
	s22 =	simm.s32 $0x11BC0  }
0x4: {  	s23 =	simm.s32 $0x1;
	[smem:$0x7FF] =	sst s1;
	s3 =	sadd.s32 $0x1EB400, s0  }
0x5: {  	s4 =	sadd.s32 $0x202400, s0;
	s5 =	sadd.s32 $0x1F8400, s0;
	s2 =	sand.u32 $0x1, s2  }
0x6: {  	s8 =	sshll.u32 s6, $0x1;
	s6 =	sadd.s32 $0x2E00, s0;
	s7 =	sadd.s32 $0x20C400, s0  }
0x7: {  	s11 =	sadd.s32 $0x29AE00, s0;
	_ =	strace $0x8000004A;
	s10 =	sor.u32 s2, s8  }
0x8: {  	s8 =	sadd.s32 $0x22AE00, s0;
	s2 =	ssub.s32 $0x2, s2;
	s12 =	smul.u32 $0x340, s10  }
0x9: {  	s9 =	sshll.u32 s10, $0x8;
	s13 =	smul.u32 $0x280, s10;
	s15 =	sshrl.u32 s2, $0x1  }
0xa: {  	s10 =	sadd.s32 $0x292E00, s0;
	s14 =	sor.u32 $0x20, s9;
	s24 =	ssub.s32 s2, s15  }
0xb: {  	s18 =	sor.u32 $0x40, s9;
	s30 =	sor.u32 $0x60, s9;
	s15 =	simm.s32 $0x0  }
0xc: {  	s16 =	smul.u32 $0x1A, s14;
	s12 =	sadd.s32 s3, s12;
	[dreg:$0x8] =	wrdreg s30  }
0xd: {  	s25 =	smul.u32 $0x14, s14;
	s26 =	sadd.s32 s4, s13;
	[dreg:$0x2] =	wrdreg s12  }
0xe: {  	s13 =	sadd.s32 s5, s13;
	s0 =	smax.u32 s24, $0x1;
	[dreg:$0x3] =	wrdreg s26  }
0xf: {  	s24 =	simm.s32 $0x340;
	s14 =	simm.s32 $0x2;
	[dreg:$0x4] =	wrdreg s13  }
.Ltmp0:
0x10: {  	[dreg:$0x9] =	wrdreg s0;
	s28 =	sshrl.u32 s16, $0x3;
	(pc) =	sbr.rel .LBB2_1-.Ltmp0, $4  }
0x11: {  	s26 =	simm.s32 $0x280;
	s2 =	sshrl.u32 s25, $0x3;
	s12 =	sadd.s32 s3, s28  }
0x12: {  	s0 =	simm.s32 $0xE00;
	s29 =	sadd.s32 s4, s2;
	[dreg:$0x5] =	wrdreg s12  }
0x13: {  	s13 =	simm.s32 $0x3;
	s2 =	sadd.s32 s5, s2;
	[dreg:$0x6] =	wrdreg s29  }
0x14: {  	s16 =	simm.s32 $0x4;
	[dreg:$0x7] =	wrdreg s2;
	s2 =	simm.s32 $0x4480  }
.LBB2_8:
0x15: {  	s15 =	rddreg [dreg:$0xa]  }
0x16: {  	s12 =	rddreg [dreg:$0x9];
	s15 =	sadd.s32 $0x1, s15  }
0x17: {  	p0 =	sne.s32 s15, s12  }
.Ltmp1:
0x18: {  	_ = 	snop;
	(pc) =	sbr.rel @!p0 .LBB2_9-.Ltmp1, $1  }
0x19: {  	_ =	sdelay $0x3  }
.LBB2_1:
0x1a: {  	[dreg:$0xa] =	wrdreg s15  }
0x1b: {  	s12 =	rddreg [dreg:$0x2]  }
0x1c: {  	[tilespmem:s1], [sflag:$0x5] =	stream.linear.gather [hbm4b:s12+s1], $0x340, $0x38;
	[tilespmem:$0x12700] =	vst v63  }
0x1d: {  	_ =	swait.ge [sflag:s21], $0x340  }
0x1e: {  	[sflag:s21] =	ssyncset.done $0x0  }
0x1f: {  	s25 =	simm.s32 $0x680;
	s20 =	rddreg [dreg:$0x3];
	[sflag:s21] =	ssyncadd.s32 $0xFFFFFCC0  }
0x20: {  	[tilespmem:s25], [sflag:$0x5] =	stream.linear.gather [hbm4b:s20+s1], $0x280, $0x38;
	[tilespmem:$0x12700] =	vst v63  }
0x21: {  	_ =	swait.ge [sflag:s21], $0x280  }
0x22: {  	[sflag:s21] =	ssyncset.done $0x0  }
0x23: {  	s17 =	simm.s32 $0xB80;
	s28 =	rddreg [dreg:$0x4];
	[sflag:s21] =	ssyncadd.s32 $0xFFFFFD80  }
0x24: {  	[tilespmem:s17], [sflag:$0x5] =	stream.linear.gather [hbm4b:s28+s1], $0x280, $0x38;
	[tilespmem:$0x12700] =	vst v63  }
0x25: {  	_ =	swait.ge [sflag:s21], $0x280  }
0x26: {  	[sflag:s21] =	ssyncset.done $0x0  }
0x27: {  	s29 =	simm.s32 $0x1080;
	[sflag:s21] =	ssyncadd.s32 $0xFFFFFD80  }
0x28: {  	[tilespmem:s29], [sflag:$0x1] =	stream.indirect.gather [hbm4b:s6+s24], $0x10, s1, s24, $0xb8;
	[tilespmem:$0x12700] =	vst v63  }
0x29: {  	s30 =	simm.s32 $0x7880  }
0x2a: {  	[tilespmem:s30], [sflag:$0x1] =	stream.indirect.gather [hbm4b:s6+s26], $0x10, s25, s26, $0xb8;
	[tilespmem:$0x12700] =	vst v63  }
0x2b: {  	s15 =	simm.s32 $0xC880  }
0x2c: {  	[tilespmem:s15], [sflag:$0x1] =	stream.indirect.gather [hbm4b:s6+s26], $0x10, s17, s26, $0xb8;
	[tilespmem:$0x12700] =	vst v63  }
0x2d: {  	s19 =	simm.s32 $0x11880  }
0x2e: {  	[tilespmem:s19], [sflag:$0x1] =	stream.indirect.gather [hbm4b:s7+s24], $0x1, s1, s24, $0xb8;
	[tilespmem:$0x12700] =	vst v63  }
0x2f: {  	s20 =	rddreg [dreg:$0x5]  }
0x30: {  	[tilespmem:s24], [sflag:$0x5] =	stream.linear.gather [hbm4b:s20+s1], $0x340, $0x38;
	[tilespmem:$0x12700] =	vst v63  }
0x31: {  	_ =	swait.ge [sflag:s21], $0x340  }
0x32: {  	[sflag:s21] =	ssyncset.done $0x0  }
0x33: {  	s25 =	rddreg [dreg:$0x6];
	[sflag:s21] =	ssyncadd.s32 $0xFFFFFCC0  }
0x34: {  	[tilespmem:s31], [sflag:$0x5] =	stream.linear.gather [hbm4b:s25+s1], $0x280, $0x38;
	[tilespmem:$0x12700] =	vst v63  }
0x35: {  	_ =	swait.ge [sflag:s21], $0x280  }
0x36: {  	[sflag:s21] =	ssyncset.done $0x0  }
0x37: {  	s28 =	rddreg [dreg:$0x7];
	[sflag:s21] =	ssyncadd.s32 $0xFFFFFD80  }
0x38: {  	[tilespmem:s0], [sflag:$0x5] =	stream.linear.gather [hbm4b:s28+s1], $0x280, $0x38;
	[tilespmem:$0x12700] =	vst v63  }
0x39: {  	_ =	swait.ge [sflag:s21], $0x280  }
0x3a: {  	[sflag:s21] =	ssyncset.done $0x0  }
0x3b: {  	[sflag:s21] =	ssyncadd.s32 $0xFFFFFD80  }
0x3c: {  	[tilespmem:s2], [sflag:$0x2] =	stream.indirect.gather [hbm4b:s6+s24], $0x10, s24, s24, $0xb8;
	[tilespmem:$0x12700] =	vst v63  }
0x3d: {  	s29 =	simm.s32 $0xA080  }
0x3e: {  	[tilespmem:s29], [sflag:$0x2] =	stream.indirect.gather [hbm4b:s6+s26], $0x10, s31, s26, $0xb8;
	[tilespmem:$0x12700] =	vst v63  }
0x3f: {  	s30 =	simm.s32 $0xF080  }
0x40: {  	[tilespmem:s30], [sflag:$0x2] =	stream.indirect.gather [hbm4b:s6+s26], $0x10, s0, s26, $0xb8;
	[tilespmem:$0x12700] =	vst v63  }
0x41: {  	s20 =	simm.s32 $0x0  }
0x42: {  	[tilespmem:s22], [sflag:$0x2] =	stream.indirect.gather [hbm4b:s7+s24], $0x1, s24, s24, $0xb8;
	[tilespmem:$0x12700] =	vst v63  }
.LBB2_2:
0x43: {  	_ =	swait.ge [sflag:s23], $0x3400  }
0x44: {  	[sflag:s23] =	ssyncset.done $0x0  }
0x45: {  	[sflag:s23] =	ssyncadd.s32 $0xFFFFCC00  }
0x46: {  	_ =	swait.ge [sflag:s23], $0x2800  }
0x47: {  	[sflag:s23] =	ssyncset.done $0x0  }
0x48: {  	[sflag:s23] =	ssyncadd.s32 $0xFFFFD800  }
0x49: {  	_ =	swait.ge [sflag:s23], $0x2800  }
0x4a: {  	[sflag:s23] =	ssyncset.done $0x0  }
0x4b: {  	[sflag:s23] =	ssyncadd.s32 $0xFFFFD800  }
0x4c: {  	_ =	swait.ge [sflag:s23], $0x340  }
0x4d: {  	[sflag:s23] =	ssyncset.done $0x0  }
0x4e: {  	s12 =	simm.s32 $0xC9C0;
	[sflag:s23] =	ssyncadd.s32 $0xFFFFFCC0  }
0x4f: {  	v0 =	vld [tilespmem:s12+$0xFFFFFEC0]  }
0x50: {  	s17 =	simm.s32 $0x79C0;
	v1 =	vld [tilespmem:s12+$0xFFFFFED0]  }
0x51: {  	v2 =	vld [tilespmem:s17+$0xFFFFFED0]  }
0x52: {  	v3 =	vld [tilespmem:s17+$0xFFFFFEC0]  }
0x53: {  	v4 =	vld [tilespmem:s12+$0xFFFFFEE0]  }
0x54: {  	v5 =	vld [tilespmem:s17+$0xFFFFFEE0]  }
0x55: {  	v6 =	vld [tilespmem:s12+$0xFFFFFEF0]  }
0x56: {  	v0 =	vadd.f32 v1, v0;
	v1 =	vld [tilespmem:s17+$0xFFFFFEF0]  }
0x57: {  	v2 =	vadd.f32 v2, v3;
	v3 =	vld [tilespmem:s12+$0xFFFFFF00]  }
0x58: {  	v22 =	vld [tilespmem:s17+$0xFFFFFF00];
	v0 =	vadd.f32 v4, v0  }
0x59: {  	v23 =	vld [tilespmem:s12+$0xFFFFFF10];
	v2 =	vadd.f32 v5, v2  }
0x5a: {  	v24 =	vld [tilespmem:s17+$0xFFFFFF10];
	v0 =	vadd.f32 v6, v0  }
0x5b: {  	v1 =	vadd.f32 v1, v2;
	v2 =	vld [tilespmem:s12+$0xFFFFFF20]  }
0x5c: {  	v0 =	vadd.f32 v3, v0;
	v3 =	vld [tilespmem:s17+$0xFFFFFF20]  }
0x5d: {  	v25 =	vld [tilespmem:s12+$0xFFFFFF30];
	v1 =	vadd.f32 v22, v1  }
0x5e: {  	v26 =	vld [tilespmem:s17+$0xFFFFFF30];
	v0 =	vadd.f32 v23, v0  }
0x5f: {  	v27 =	vld [tilespmem:s12+$0xFFFFFF40];
	v1 =	vadd.f32 v24, v1  }
0x60: {  	v0 =	vadd.f32 v2, v0;
	v2 =	vld [tilespmem:s17+$0xFFFFFF40]  }
0x61: {  	v1 =	vadd.f32 v3, v1;
	v3 =	vld [tilespmem:s12+$0xFFFFFF50]  }
0x62: {  	v28 =	vld [tilespmem:s17+$0xFFFFFF50];
	v0 =	vadd.f32 v25, v0  }
0x63: {  	v29 =	vld [tilespmem:s12+$0xFFFFFF60];
	v1 =	vadd.f32 v26, v1  }
0x64: {  	v30 =	vld [tilespmem:s17+$0xFFFFFF60];
	v0 =	vadd.f32 v27, v0  }
0x65: {  	v1 =	vadd.f32 v2, v1;
	v2 =	vld [tilespmem:s12+$0xFFFFFF70]  }
0x66: {  	v0 =	vadd.f32 v3, v0;
	v3 =	vld [tilespmem:s17+$0xFFFFFF70]  }
0x67: {  	v31 =	vld [tilespmem:s12+$0xFFFFFF80];
	v1 =	vadd.f32 v28, v1  }
0x68: {  	v32 =	vld [tilespmem:s17+$0xFFFFFF80];
	v0 =	vadd.f32 v29, v0  }
0x69: {  	v33 =	vld [tilespmem:s12+$0xFFFFFF90];
	v1 =	vadd.f32 v30, v1  }
0x6a: {  	v0 =	vadd.f32 v2, v0;
	v2 =	vld [tilespmem:s17+$0xFFFFFF90]  }
0x6b: {  	v1 =	vadd.f32 v3, v1;
	v3 =	vld [tilespmem:s12+$0xFFFFFFA0]  }
0x6c: {  	v34 =	vld [tilespmem:s17+$0xFFFFFFA0];
	v0 =	vadd.f32 v31, v0  }
0x6d: {  	v35 =	vld [tilespmem:s12+$0xFFFFFFB0];
	v1 =	vadd.f32 v32, v1  }
0x6e: {  	v36 =	vld [tilespmem:s17+$0xFFFFFFB0];
	v0 =	vadd.f32 v33, v0  }
0x6f: {  	v1 =	vadd.f32 v2, v1;
	v2 =	vld [tilespmem:s12+$0xFFFFFFC0]  }
0x70: {  	v0 =	vadd.f32 v3, v0;
	v3 =	vld [tilespmem:s17+$0xFFFFFFC0]  }
0x71: {  	v37 =	vld [tilespmem:s12+$0xFFFFFFD0];
	v1 =	vadd.f32 v34, v1  }
0x72: {  	v38 =	vld [tilespmem:s17+$0xFFFFFFD0];
	v0 =	vadd.f32 v35, v0  }
0x73: {  	v39 =	vld [tilespmem:s12+$0xFFFFFFE0];
	v1 =	vadd.f32 v36, v1  }
0x74: {  	v0 =	vadd.f32 v2, v0;
	v2 =	vld [tilespmem:s17+$0xFFFFFFE0]  }
0x75: {  	v1 =	vadd.f32 v3, v1;
	v3 =	vld [tilespmem:s12+$0xFFFFFFF0]  }
0x76: {  	v40 =	vld [tilespmem:s17+$0xFFFFFFF0];
	v0 =	vadd.f32 v37, v0  }
0x77: {  	v1 =	vadd.f32 v38, v1  }
0x78: {  	v0 =	vadd.f32 v39, v0  }
0x79: {  	v1 =	vadd.f32 v2, v1  }
0x7a: {  	v0 =	vadd.f32 v3, v0  }
0x7b: {  	v1 =	vadd.f32 v40, v1  }
0x7c: {  	v0 =	vmul.f32 $5.000000070e-02, v0  }
0x7d: {  	s28 =	simm.s32 $0x11F20;
	v1 =	vmul.f32 $5.000000070e-02, v1  }
0x7e: {  	[tilespmem:s28+$0xFFFFFFF0] =	vst v0  }
0x7f: {  	[tilespmem:s28+$0xFFFFFFE0] =	vst v1  }
0x80: {  	v0 =	vld [tilespmem:s17+$0x0]  }
0x81: {  	v1 =	vld [tilespmem:s12+$0x0]  }
0x82: {  	v2 =	vld [tilespmem:s12+$0x10]  }
0x83: {  	v3 =	vld [tilespmem:s17+$0x10]  }
0x84: {  	v41 =	vld [tilespmem:s12+$0x20]  }
0x85: {  	v42 =	vld [tilespmem:s17+$0x20]  }
0x86: {  	v43 =	vld [tilespmem:s12+$0x30]  }
0x87: {  	v1 =	vadd.f32 v2, v1;
	v2 =	vld [tilespmem:s17+$0x30]  }
0x88: {  	v7 =	vld [tilespmem:s12+$0x40];
	v0 =	vadd.f32 v3, v0  }
0x89: {  	v3 =	vld [tilespmem:s17+$0x40]  }
0x8a: {  	v44 =	vld [tilespmem:s12+$0x50];
	v1 =	vadd.f32 v41, v1;
	v0 =	vadd.f32 v42, v0  }
0x8b: {  	v45 =	vld [tilespmem:s17+$0x50]  }
0x8c: {  	v46 =	vld [tilespmem:s12+$0x60];
	v1 =	vadd.f32 v43, v1;
	v0 =	vadd.f32 v2, v0  }
0x8d: {  	v2 =	vld [tilespmem:s17+$0x60]  }
0x8e: {  	v47 =	vld [tilespmem:s12+$0x70];
	v1 =	vadd.f32 v7, v1;
	v0 =	vadd.f32 v3, v0  }
0x8f: {  	v3 =	vld [tilespmem:s17+$0x70]  }
0x90: {  	v48 =	vld [tilespmem:s12+$0x80];
	v1 =	vadd.f32 v44, v1;
	v0 =	vadd.f32 v45, v0  }
0x91: {  	v49 =	vld [tilespmem:s17+$0x80]  }
0x92: {  	v50 =	vld [tilespmem:s12+$0x90];
	v1 =	vadd.f32 v46, v1;
	v0 =	vadd.f32 v2, v0  }
0x93: {  	v2 =	vld [tilespmem:s17+$0x90]  }
0x94: {  	v51 =	vld [tilespmem:s12+$0xA0];
	v1 =	vadd.f32 v47, v1;
	v0 =	vadd.f32 v3, v0  }
0x95: {  	v3 =	vld [tilespmem:s17+$0xA0]  }
0x96: {  	v52 =	vld [tilespmem:s12+$0xB0];
	v1 =	vadd.f32 v48, v1;
	v0 =	vadd.f32 v49, v0  }
0x97: {  	v53 =	vld [tilespmem:s17+$0xB0]  }
0x98: {  	v54 =	vld [tilespmem:s12+$0xC0];
	v1 =	vadd.f32 v50, v1;
	v0 =	vadd.f32 v2, v0  }
0x99: {  	v2 =	vld [tilespmem:s17+$0xC0]  }
0x9a: {  	v55 =	vld [tilespmem:s12+$0xD0];
	v1 =	vadd.f32 v51, v1;
	v0 =	vadd.f32 v3, v0  }
0x9b: {  	v3 =	vld [tilespmem:s17+$0xD0]  }
0x9c: {  	v56 =	vld [tilespmem:s12+$0xE0];
	v1 =	vadd.f32 v52, v1;
	v0 =	vadd.f32 v53, v0  }
0x9d: {  	v57 =	vld [tilespmem:s17+$0xE0]  }
0x9e: {  	v58 =	vld [tilespmem:s12+$0xF0];
	v1 =	vadd.f32 v54, v1;
	v0 =	vadd.f32 v2, v0  }
0x9f: {  	v2 =	vld [tilespmem:s17+$0xF0]  }
0xa0: {  	v59 =	vld [tilespmem:s12+$0x100];
	v1 =	vadd.f32 v55, v1;
	v0 =	vadd.f32 v3, v0  }
0xa1: {  	v3 =	vld [tilespmem:s17+$0x100]  }
0xa2: {  	v60 =	vld [tilespmem:s12+$0x110];
	v1 =	vadd.f32 v56, v1;
	v0 =	vadd.f32 v57, v0  }
0xa3: {  	v61 =	vld [tilespmem:s17+$0x110]  }
0xa4: {  	v1 =	vadd.f32 v58, v1;
	v0 =	vadd.f32 v2, v0  }
0xa5: {  	v62 =	vld [tilespmem:s12+$0x120]  }
0xa6: {  	v2 =	vld [tilespmem:s17+$0x120];
	v1 =	vadd.f32 v59, v1;
	v0 =	vadd.f32 v3, v0  }
0xa7: {  	v63 =	vld [tilespmem:s12+$0x130]  }
0xa8: {  	v1 =	vadd.f32 v60, v1;
	v3 =	vadd.f32 v61, v0;
	v0 =	vld [tilespmem:s17+$0x130];
	_ =	sdelay $0x1  }
0xa9: {  	v1 =	vadd.f32 v62, v1  }
0xaa: {  	v2 =	vadd.f32 v2, v3  }
0xab: {  	s15 =	simm.s32 $0x0;
	s25 =	simm.s32 $0xCC40;
	s12 =	simm.s32 $0x11F20;
	v1 =	vadd.f32 v63, v1  }
.LBB2_3:
0xac: {  	s15 =	sadd.s32 $0x2, s15;
	v0 =	vadd.f32 v0, v2;
	s17 =	sadd.s32 $0x280, s17;
	s28 =	sadd.s32 $0x40, s28  }
0xad: {  	p0 =	slt.u32 s15, $0x1E;
	v1 =	vmul.f32 $5.000000070e-02, v1  }
0xae: {  	v0 =	vmul.f32 $5.000000070e-02, v0  }
0xaf: {  	[tilespmem:s12+$0x10] =	vst v1  }
0xb0: {  	[tilespmem:s12+$0x0] =	vst v0;
	s12 =	smov.u32 s28  }
0xb1: {  	v0 =	vld [tilespmem:s25+$0xFFFFFEC0]  }
0xb2: {  	v1 =	vld [tilespmem:s25+$0xFFFFFED0]  }
0xb3: {  	v2 =	vld [tilespmem:s17+$0xFFFFFED0]  }
0xb4: {  	v3 =	vld [tilespmem:s17+$0xFFFFFEC0]  }
0xb5: {  	v4 =	vld [tilespmem:s25+$0xFFFFFEE0]  }
0xb6: {  	v5 =	vld [tilespmem:s17+$0xFFFFFEE0]  }
0xb7: {  	v6 =	vld [tilespmem:s25+$0xFFFFFEF0]  }
0xb8: {  	v0 =	vadd.f32 v1, v0;
	v1 =	vld [tilespmem:s17+$0xFFFFFEF0]  }
0xb9: {  	v2 =	vadd.f32 v2, v3;
	v3 =	vld [tilespmem:s25+$0xFFFFFF00]  }
0xba: {  	v0 =	vadd.f32 v4, v0;
	v4 =	vld [tilespmem:s17+$0xFFFFFF00]  }
0xbb: {  	v2 =	vadd.f32 v5, v2;
	v5 =	vld [tilespmem:s25+$0xFFFFFF10]  }
0xbc: {  	v0 =	vadd.f32 v6, v0;
	v6 =	vld [tilespmem:s17+$0xFFFFFF10]  }
0xbd: {  	v1 =	vadd.f32 v1, v2;
	v2 =	vld [tilespmem:s25+$0xFFFFFF20]  }
0xbe: {  	v0 =	vadd.f32 v3, v0;
	v3 =	vld [tilespmem:s17+$0xFFFFFF20]  }
0xbf: {  	v1 =	vadd.f32 v4, v1;
	v4 =	vld [tilespmem:s25+$0xFFFFFF30]  }
0xc0: {  	v0 =	vadd.f32 v5, v0;
	v5 =	vld [tilespmem:s17+$0xFFFFFF30]  }
0xc1: {  	v1 =	vadd.f32 v6, v1;
	v6 =	vld [tilespmem:s25+$0xFFFFFF40]  }
0xc2: {  	v0 =	vadd.f32 v2, v0;
	v2 =	vld [tilespmem:s17+$0xFFFFFF40]  }
0xc3: {  	v1 =	vadd.f32 v3, v1;
	v3 =	vld [tilespmem:s25+$0xFFFFFF50]  }
0xc4: {  	v0 =	vadd.f32 v4, v0;
	v4 =	vld [tilespmem:s17+$0xFFFFFF50]  }
0xc5: {  	v1 =	vadd.f32 v5, v1;
	v5 =	vld [tilespmem:s25+$0xFFFFFF60]  }
0xc6: {  	v0 =	vadd.f32 v6, v0;
	v6 =	vld [tilespmem:s17+$0xFFFFFF60]  }
0xc7: {  	v1 =	vadd.f32 v2, v1;
	v2 =	vld [tilespmem:s25+$0xFFFFFF70]  }
0xc8: {  	v0 =	vadd.f32 v3, v0;
	v3 =	vld [tilespmem:s17+$0xFFFFFF70]  }
0xc9: {  	v1 =	vadd.f32 v4, v1;
	v4 =	vld [tilespmem:s25+$0xFFFFFF80]  }
0xca: {  	v0 =	vadd.f32 v5, v0;
	v5 =	vld [tilespmem:s17+$0xFFFFFF80]  }
0xcb: {  	v1 =	vadd.f32 v6, v1;
	v6 =	vld [tilespmem:s25+$0xFFFFFF90]  }
0xcc: {  	v0 =	vadd.f32 v2, v0;
	v2 =	vld [tilespmem:s17+$0xFFFFFF90]  }
0xcd: {  	v1 =	vadd.f32 v3, v1;
	v3 =	vld [tilespmem:s25+$0xFFFFFFA0]  }
0xce: {  	v0 =	vadd.f32 v4, v0;
	v4 =	vld [tilespmem:s17+$0xFFFFFFA0]  }
0xcf: {  	v1 =	vadd.f32 v5, v1;
	v5 =	vld [tilespmem:s25+$0xFFFFFFB0]  }
0xd0: {  	v0 =	vadd.f32 v6, v0;
	v6 =	vld [tilespmem:s17+$0xFFFFFFB0]  }
0xd1: {  	v1 =	vadd.f32 v2, v1;
	v2 =	vld [tilespmem:s25+$0xFFFFFFC0]  }
0xd2: {  	v0 =	vadd.f32 v3, v0;
	v3 =	vld [tilespmem:s17+$0xFFFFFFC0]  }
0xd3: {  	v1 =	vadd.f32 v4, v1;
	v4 =	vld [tilespmem:s25+$0xFFFFFFD0]  }
0xd4: {  	v0 =	vadd.f32 v5, v0;
	v5 =	vld [tilespmem:s17+$0xFFFFFFD0]  }
0xd5: {  	v1 =	vadd.f32 v6, v1;
	v6 =	vld [tilespmem:s25+$0xFFFFFFE0]  }
0xd6: {  	v0 =	vadd.f32 v2, v0;
	v2 =	vld [tilespmem:s17+$0xFFFFFFE0]  }
0xd7: {  	v1 =	vadd.f32 v3, v1;
	v3 =	vld [tilespmem:s25+$0xFFFFFFF0]  }
0xd8: {  	v0 =	vadd.f32 v4, v0;
	v4 =	vld [tilespmem:s17+$0xFFFFFFF0]  }
0xd9: {  	v1 =	vadd.f32 v5, v1  }
0xda: {  	v0 =	vadd.f32 v6, v0  }
0xdb: {  	v1 =	vadd.f32 v2, v1  }
0xdc: {  	v0 =	vadd.f32 v3, v0  }
0xdd: {  	v1 =	vadd.f32 v4, v1  }
0xde: {  	v0 =	vmul.f32 $5.000000070e-02, v0  }
0xdf: {  	v1 =	vmul.f32 $5.000000070e-02, v1  }
0xe0: {  	[tilespmem:s28+$0xFFFFFFF0] =	vst v0  }
0xe1: {  	[tilespmem:s28+$0xFFFFFFE0] =	vst v1  }
0xe2: {  	v0 =	vld [tilespmem:s17+$0x0]  }
0xe3: {  	v1 =	vld [tilespmem:s25+$0x0]  }
0xe4: {  	v2 =	vld [tilespmem:s25+$0x10]  }
0xe5: {  	v3 =	vld [tilespmem:s17+$0x10]  }
0xe6: {  	v4 =	vld [tilespmem:s25+$0x20]  }
0xe7: {  	v5 =	vld [tilespmem:s17+$0x20]  }
0xe8: {  	v6 =	vld [tilespmem:s25+$0x30]  }
0xe9: {  	v1 =	vadd.f32 v2, v1;
	v2 =	vld [tilespmem:s17+$0x30]  }
0xea: {  	v0 =	vadd.f32 v3, v0;
	v3 =	vld [tilespmem:s25+$0x40]  }
0xeb: {  	v1 =	vadd.f32 v4, v1;
	v4 =	vld [tilespmem:s17+$0x40]  }
0xec: {  	v0 =	vadd.f32 v5, v0;
	v5 =	vld [tilespmem:s25+$0x50]  }
0xed: {  	v1 =	vadd.f32 v6, v1;
	v6 =	vld [tilespmem:s17+$0x50]  }
0xee: {  	v0 =	vadd.f32 v2, v0;
	v2 =	vld [tilespmem:s25+$0x60]  }
0xef: {  	v1 =	vadd.f32 v3, v1;
	v3 =	vld [tilespmem:s17+$0x60]  }
0xf0: {  	v0 =	vadd.f32 v4, v0;
	v4 =	vld [tilespmem:s25+$0x70]  }
0xf1: {  	v1 =	vadd.f32 v5, v1;
	v5 =	vld [tilespmem:s17+$0x70]  }
0xf2: {  	v0 =	vadd.f32 v6, v0;
	v6 =	vld [tilespmem:s25+$0x80]  }
0xf3: {  	v1 =	vadd.f32 v2, v1;
	v2 =	vld [tilespmem:s17+$0x80]  }
0xf4: {  	v0 =	vadd.f32 v3, v0;
	v3 =	vld [tilespmem:s25+$0x90]  }
0xf5: {  	v1 =	vadd.f32 v4, v1;
	v4 =	vld [tilespmem:s17+$0x90]  }
0xf6: {  	v0 =	vadd.f32 v5, v0;
	v5 =	vld [tilespmem:s25+$0xA0]  }
0xf7: {  	v1 =	vadd.f32 v6, v1;
	v6 =	vld [tilespmem:s17+$0xA0]  }
0xf8: {  	v0 =	vadd.f32 v2, v0;
	v2 =	vld [tilespmem:s25+$0xB0]  }
0xf9: {  	v1 =	vadd.f32 v3, v1;
	v3 =	vld [tilespmem:s17+$0xB0]  }
0xfa: {  	v0 =	vadd.f32 v4, v0;
	v4 =	vld [tilespmem:s25+$0xC0]  }
0xfb: {  	v1 =	vadd.f32 v5, v1;
	v5 =	vld [tilespmem:s17+$0xC0]  }
0xfc: {  	v0 =	vadd.f32 v6, v0;
	v6 =	vld [tilespmem:s25+$0xD0]  }
0xfd: {  	v1 =	vadd.f32 v2, v1;
	v2 =	vld [tilespmem:s17+$0xD0]  }
0xfe: {  	v0 =	vadd.f32 v3, v0;
	v3 =	vld [tilespmem:s25+$0xE0]  }
0xff: {  	v1 =	vadd.f32 v4, v1;
	v4 =	vld [tilespmem:s17+$0xE0]  }
0x100: {  	v0 =	vadd.f32 v5, v0;
	v5 =	vld [tilespmem:s25+$0xF0]  }
0x101: {  	v1 =	vadd.f32 v6, v1;
	v6 =	vld [tilespmem:s17+$0xF0]  }
0x102: {  	v0 =	vadd.f32 v2, v0;
	v2 =	vld [tilespmem:s25+$0x100]  }
0x103: {  	v1 =	vadd.f32 v3, v1;
	v3 =	vld [tilespmem:s17+$0x100]  }
0x104: {  	v0 =	vadd.f32 v4, v0;
	v4 =	vld [tilespmem:s25+$0x110]  }
0x105: {  	v1 =	vadd.f32 v5, v1;
	v5 =	vld [tilespmem:s17+$0x110]  }
0x106: {  	v0 =	vadd.f32 v6, v0;
	v6 =	vld [tilespmem:s25+$0x120]  }
0x107: {  	v1 =	vadd.f32 v2, v1;
	v2 =	vld [tilespmem:s17+$0x120]  }
0x108: {  	v3 =	vadd.f32 v3, v0;
	v7 =	vld [tilespmem:s25+$0x130]  }
.Ltmp2:
0x109: {  	v1 =	vadd.f32 v4, v1;
	v0 =	vld [tilespmem:s17+$0x130];
	(pc) =	sbr.rel @p0 .LBB2_3-.Ltmp2, $4  }
0x10a: {  	v3 =	vadd.f32 v5, v3  }
0x10b: {  	v1 =	vadd.f32 v6, v1  }
0x10c: {  	v2 =	vadd.f32 v2, v3  }
0x10d: {  	s25 =	sadd.s32 $0x280, s25;
	v1 =	vadd.f32 v7, v1  }
0x10e: {  	v0 =	vadd.f32 v0, v2;
	s17 =	sshll.u32 s20, $0x6  }
0x10f: {  	v1 =	vmul.f32 $5.000000070e-02, v1;
	s28 =	sor.u32 s9, s17  }
0x110: {  	v0 =	vmul.f32 $5.000000070e-02, v0;
	s15 =	smul.u32 $0x34, s28  }
0x111: {  	[tilespmem:s12+$0x10] =	vst v1  }
0x112: {  	s25 =	simm.s32 $0x1080;
	[tilespmem:s12+$0x0] =	vst v0;
	s19 =	sadd.s32 s8, s15  }
0x113: {  	[hbm4b:s19+s1] =	stream.linear.scatter [tilespmem:s25], [sflag:$0x3], $0x3400, $0x38;
	[tilespmem:$0x12700] =	vst v63  }
0x114: {  	s19 =	sshll.u32 s28, $0x2  }
0x115: {  	s25 =	smul.u32 $0x1A, s28;
	s12 =	sadd.s32 s10, s19;
	s19 =	simm.s32 $0x11F00  }
0x116: {  	[hbm4b:s12+s1] =	stream.linear.scatter [tilespmem:s19], [sflag:$0x3], $0x400, $0x38;
	[tilespmem:$0x12700] =	vst v63  }
0x117: {  	s15 =	sshrl.u32 s25, $0x3  }
0x118: {  	s19 =	simm.s32 $0x11880;
	s12 =	sadd.s32 s11, s15  }
0x119: {  	[hbm4b:s12+s1] =	stream.linear.scatter [tilespmem:s19], [sflag:$0x3], $0x340, $0x38;
	[tilespmem:$0x12700] =	vst v63  }
0x11a: {  	_ =	swait.ge [sflag:s13], $0x3400  }
0x11b: {  	[sflag:s13] =	ssyncset.done $0x0  }
0x11c: {  	[sflag:s13] =	ssyncadd.s32 $0xFFFFCC00  }
0x11d: {  	p0 =	seq.s32 s20, $0x3;
	_ =	swait.ge [sflag:s13], $0x400  }
0x11e: {  	s12 =	sadd.s32 @!p0 s17, s18;
	[sflag:s13] =	ssyncset.done $0x0  }
0x11f: {  	s15 =	smul.u32 @!p0 $0x1A, s12;
	[sflag:s13] =	ssyncadd.s32 $0xFFFFFC00  }
0x120: {  	_ =	swait.ge [sflag:s13], $0x340  }
0x121: {  	s15 =	sshrl.u32 @!p0 s15, $0x3;
	[sflag:s13] =	ssyncset.done $0x0  }
0x122: {  	s25 =	simm.s32 @!p0 $0x0;
	s15 =	sadd.s32 @!p0 s3, s15;
	[sflag:s13] =	ssyncadd.s32 $0xFFFFFCC0  }
0x123: {  	[tilespmem:s25], [sflag:$0x5] =	stream.linear.gather @!p0 [hbm4b:s15+s25], $0x340, $0x38;
	[tilespmem:$0x12700] =	vst v63  }
0x124: {  	s12 =	smul.u32 @!p0 $0x14, s12;
	s15 =	simm.s32 @!p0 $0x5  }
0x125: {  	_ =	swait.ge @!p0 [sflag:s15], $0x340  }
0x126: {  	s12 =	sshrl.u32 @!p0 s12, $0x3;
	[sflag:s15] =	ssyncset.done @!p0 $0x0  }
0x127: {  	s30 =	simm.s32 @!p0 $0x680;
	s29 =	sadd.s32 @!p0 s4, s12;
	[sflag:s15] =	ssyncadd.s32 @!p0 $0xFFFFFCC0  }
0x128: {  	[tilespmem:s30], [sflag:$0x5] =	stream.linear.gather @!p0 [hbm4b:s29+s25], $0x280, $0x38;
	[tilespmem:$0x12700] =	vst v63  }
0x129: {  	_ =	swait.ge @!p0 [sflag:s15], $0x280  }
0x12a: {  	[sflag:s15] =	ssyncset.done @!p0 $0x0  }
0x12b: {  	s12 =	sadd.s32 @!p0 s5, s12;
	s29 =	simm.s32 @!p0 $0xB80;
	[sflag:s15] =	ssyncadd.s32 @!p0 $0xFFFFFD80  }
0x12c: {  	[tilespmem:s29], [sflag:$0x5] =	stream.linear.gather @!p0 [hbm4b:s12+s25], $0x280, $0x38;
	[tilespmem:$0x12700] =	vst v63  }
0x12d: {  	_ =	swait.ge @!p0 [sflag:s15], $0x280  }
0x12e: {  	[sflag:s15] =	ssyncset.done @!p0 $0x0  }
0x12f: {  	s12 =	simm.s32 @!p0 $0x340;
	[sflag:s15] =	ssyncadd.s32 @!p0 $0xFFFFFD80;
	s15 =	simm.s32 @!p0 $0x1080  }
0x130: {  	[tilespmem:s15], [sflag:$0x1] =	stream.indirect.gather @!p0 [hbm4b:s6+s12], $0x10, s25, s12, $0xb8;
	[tilespmem:$0x12700] =	vst v63  }
0x131: {  	s19 =	simm.s32 @!p0 $0x7880;
	s15 =	simm.s32 @!p0 $0x280  }
0x132: {  	[tilespmem:s19], [sflag:$0x1] =	stream.indirect.gather @!p0 [hbm4b:s6+s15], $0x10, s30, s15, $0xb8;
	[tilespmem:$0x12700] =	vst v63  }
0x133: {  	s19 =	simm.s32 @!p0 $0xC880  }
0x134: {  	[tilespmem:s19], [sflag:$0x1] =	stream.indirect.gather @!p0 [hbm4b:s6+s15], $0x10, s29, s15, $0xb8;
	[tilespmem:$0x12700] =	vst v63  }
0x135: {  	s15 =	simm.s32 @!p0 $0x11880  }
0x136: {  	[tilespmem:s15], [sflag:$0x1] =	stream.indirect.gather @!p0 [hbm4b:s7+s12], $0x1, s25, s12, $0xb8;
	[tilespmem:$0x12700] =	vst v63  }
0x137: {  	_ =	swait.ge [sflag:s14], $0x3400  }
0x138: {  	[sflag:s14] =	ssyncset.done $0x0  }
0x139: {  	[sflag:s14] =	ssyncadd.s32 $0xFFFFCC00  }
0x13a: {  	_ =	swait.ge [sflag:s14], $0x2800  }
0x13b: {  	[sflag:s14] =	ssyncset.done $0x0  }
0x13c: {  	[sflag:s14] =	ssyncadd.s32 $0xFFFFD800  }
0x13d: {  	_ =	swait.ge [sflag:s14], $0x2800  }
0x13e: {  	[sflag:s14] =	ssyncset.done $0x0  }
0x13f: {  	[sflag:s14] =	ssyncadd.s32 $0xFFFFD800  }
0x140: {  	_ =	swait.ge [sflag:s14], $0x340  }
0x141: {  	[sflag:s14] =	ssyncset.done $0x0  }
0x142: {  	s25 =	simm.s32 $0xF1C0;
	[sflag:s14] =	ssyncadd.s32 $0xFFFFFCC0  }
0x143: {  	v0 =	vld [tilespmem:s25+$0xFFFFFEC0]  }
0x144: {  	s29 =	simm.s32 $0xA1C0;
	v1 =	vld [tilespmem:s25+$0xFFFFFED0]  }
0x145: {  	v2 =	vld [tilespmem:s29+$0xFFFFFED0]  }
0x146: {  	v3 =	vld [tilespmem:s29+$0xFFFFFEC0]  }
0x147: {  	v4 =	vld [tilespmem:s25+$0xFFFFFEE0]  }
0x148: {  	v5 =	vld [tilespmem:s29+$0xFFFFFEE0]  }
0x149: {  	v6 =	vld [tilespmem:s25+$0xFFFFFEF0]  }
0x14a: {  	v0 =	vadd.f32 v1, v0;
	v1 =	vld [tilespmem:s29+$0xFFFFFEF0]  }
0x14b: {  	v2 =	vadd.f32 v2, v3;
	v3 =	vld [tilespmem:s25+$0xFFFFFF00]  }
0x14c: {  	v22 =	vld [tilespmem:s29+$0xFFFFFF00];
	v0 =	vadd.f32 v4, v0  }
0x14d: {  	v23 =	vld [tilespmem:s25+$0xFFFFFF10];
	v2 =	vadd.f32 v5, v2  }
0x14e: {  	v24 =	vld [tilespmem:s29+$0xFFFFFF10];
	v0 =	vadd.f32 v6, v0  }
0x14f: {  	v1 =	vadd.f32 v1, v2;
	v2 =	vld [tilespmem:s25+$0xFFFFFF20]  }
0x150: {  	v0 =	vadd.f32 v3, v0;
	v3 =	vld [tilespmem:s29+$0xFFFFFF20]  }
0x151: {  	v25 =	vld [tilespmem:s25+$0xFFFFFF30];
	v1 =	vadd.f32 v22, v1  }
0x152: {  	v26 =	vld [tilespmem:s29+$0xFFFFFF30];
	v0 =	vadd.f32 v23, v0  }
0x153: {  	v27 =	vld [tilespmem:s25+$0xFFFFFF40];
	v1 =	vadd.f32 v24, v1  }
0x154: {  	v0 =	vadd.f32 v2, v0;
	v2 =	vld [tilespmem:s29+$0xFFFFFF40]  }
0x155: {  	v1 =	vadd.f32 v3, v1;
	v3 =	vld [tilespmem:s25+$0xFFFFFF50]  }
0x156: {  	v28 =	vld [tilespmem:s29+$0xFFFFFF50];
	v0 =	vadd.f32 v25, v0  }
0x157: {  	v29 =	vld [tilespmem:s25+$0xFFFFFF60];
	v1 =	vadd.f32 v26, v1  }
0x158: {  	v30 =	vld [tilespmem:s29+$0xFFFFFF60];
	v0 =	vadd.f32 v27, v0  }
0x159: {  	v1 =	vadd.f32 v2, v1;
	v2 =	vld [tilespmem:s25+$0xFFFFFF70]  }
0x15a: {  	v0 =	vadd.f32 v3, v0;
	v3 =	vld [tilespmem:s29+$0xFFFFFF70]  }
0x15b: {  	v31 =	vld [tilespmem:s25+$0xFFFFFF80];
	v1 =	vadd.f32 v28, v1  }
0x15c: {  	v32 =	vld [tilespmem:s29+$0xFFFFFF80];
	v0 =	vadd.f32 v29, v0  }
0x15d: {  	v33 =	vld [tilespmem:s25+$0xFFFFFF90];
	v1 =	vadd.f32 v30, v1  }
0x15e: {  	v0 =	vadd.f32 v2, v0;
	v2 =	vld [tilespmem:s29+$0xFFFFFF90]  }
0x15f: {  	v1 =	vadd.f32 v3, v1;
	v3 =	vld [tilespmem:s25+$0xFFFFFFA0]  }
0x160: {  	v34 =	vld [tilespmem:s29+$0xFFFFFFA0];
	v0 =	vadd.f32 v31, v0  }
0x161: {  	v35 =	vld [tilespmem:s25+$0xFFFFFFB0];
	v1 =	vadd.f32 v32, v1  }
0x162: {  	v36 =	vld [tilespmem:s29+$0xFFFFFFB0];
	v0 =	vadd.f32 v33, v0  }
0x163: {  	v1 =	vadd.f32 v2, v1;
	v2 =	vld [tilespmem:s25+$0xFFFFFFC0]  }
0x164: {  	v0 =	vadd.f32 v3, v0;
	v3 =	vld [tilespmem:s29+$0xFFFFFFC0]  }
0x165: {  	v37 =	vld [tilespmem:s25+$0xFFFFFFD0];
	v1 =	vadd.f32 v34, v1  }
0x166: {  	v38 =	vld [tilespmem:s29+$0xFFFFFFD0];
	v0 =	vadd.f32 v35, v0  }
0x167: {  	v39 =	vld [tilespmem:s25+$0xFFFFFFE0];
	v1 =	vadd.f32 v36, v1  }
0x168: {  	v0 =	vadd.f32 v2, v0;
	v2 =	vld [tilespmem:s29+$0xFFFFFFE0]  }
0x169: {  	v1 =	vadd.f32 v3, v1;
	v3 =	vld [tilespmem:s25+$0xFFFFFFF0]  }
0x16a: {  	v40 =	vld [tilespmem:s29+$0xFFFFFFF0];
	v0 =	vadd.f32 v37, v0  }
0x16b: {  	v1 =	vadd.f32 v38, v1  }
0x16c: {  	v0 =	vadd.f32 v39, v0  }
0x16d: {  	v1 =	vadd.f32 v2, v1  }
0x16e: {  	v0 =	vadd.f32 v3, v0  }
0x16f: {  	v1 =	vadd.f32 v40, v1  }
0x170: {  	v0 =	vmul.f32 $5.000000070e-02, v0  }
0x171: {  	s12 =	simm.s32 $0x12320;
	v1 =	vmul.f32 $5.000000070e-02, v1  }
0x172: {  	[tilespmem:s12+$0xFFFFFFF0] =	vst v0  }
0x173: {  	[tilespmem:s12+$0xFFFFFFE0] =	vst v1  }
0x174: {  	v0 =	vld [tilespmem:s29+$0x0]  }
0x175: {  	v1 =	vld [tilespmem:s25+$0x0]  }
0x176: {  	v2 =	vld [tilespmem:s25+$0x10]  }
0x177: {  	v3 =	vld [tilespmem:s29+$0x10]  }
0x178: {  	v41 =	vld [tilespmem:s25+$0x20]  }
0x179: {  	v42 =	vld [tilespmem:s29+$0x20]  }
0x17a: {  	v43 =	vld [tilespmem:s25+$0x30]  }
0x17b: {  	v1 =	vadd.f32 v2, v1;
	v2 =	vld [tilespmem:s29+$0x30]  }
0x17c: {  	v7 =	vld [tilespmem:s25+$0x40];
	v0 =	vadd.f32 v3, v0  }
0x17d: {  	v3 =	vld [tilespmem:s29+$0x40]  }
0x17e: {  	v44 =	vld [tilespmem:s25+$0x50];
	v1 =	vadd.f32 v41, v1;
	v0 =	vadd.f32 v42, v0  }
0x17f: {  	v45 =	vld [tilespmem:s29+$0x50]  }
0x180: {  	v46 =	vld [tilespmem:s25+$0x60];
	v1 =	vadd.f32 v43, v1;
	v0 =	vadd.f32 v2, v0  }
0x181: {  	v2 =	vld [tilespmem:s29+$0x60]  }
0x182: {  	v47 =	vld [tilespmem:s25+$0x70];
	v1 =	vadd.f32 v7, v1;
	v0 =	vadd.f32 v3, v0  }
0x183: {  	v3 =	vld [tilespmem:s29+$0x70]  }
0x184: {  	v48 =	vld [tilespmem:s25+$0x80];
	v1 =	vadd.f32 v44, v1;
	v0 =	vadd.f32 v45, v0  }
0x185: {  	v49 =	vld [tilespmem:s29+$0x80]  }
0x186: {  	v50 =	vld [tilespmem:s25+$0x90];
	v1 =	vadd.f32 v46, v1;
	v0 =	vadd.f32 v2, v0  }
0x187: {  	v2 =	vld [tilespmem:s29+$0x90]  }
0x188: {  	v51 =	vld [tilespmem:s25+$0xA0];
	v1 =	vadd.f32 v47, v1;
	v0 =	vadd.f32 v3, v0  }
0x189: {  	v3 =	vld [tilespmem:s29+$0xA0]  }
0x18a: {  	v52 =	vld [tilespmem:s25+$0xB0];
	v1 =	vadd.f32 v48, v1;
	v0 =	vadd.f32 v49, v0  }
0x18b: {  	v53 =	vld [tilespmem:s29+$0xB0]  }
0x18c: {  	v54 =	vld [tilespmem:s25+$0xC0];
	v1 =	vadd.f32 v50, v1;
	v0 =	vadd.f32 v2, v0  }
0x18d: {  	v2 =	vld [tilespmem:s29+$0xC0]  }
0x18e: {  	v55 =	vld [tilespmem:s25+$0xD0];
	v1 =	vadd.f32 v51, v1;
	v0 =	vadd.f32 v3, v0  }
0x18f: {  	v3 =	vld [tilespmem:s29+$0xD0]  }
0x190: {  	v56 =	vld [tilespmem:s25+$0xE0];
	v1 =	vadd.f32 v52, v1;
	v0 =	vadd.f32 v53, v0  }
0x191: {  	v57 =	vld [tilespmem:s29+$0xE0]  }
0x192: {  	v58 =	vld [tilespmem:s25+$0xF0];
	v1 =	vadd.f32 v54, v1;
	v0 =	vadd.f32 v2, v0  }
0x193: {  	v2 =	vld [tilespmem:s29+$0xF0]  }
0x194: {  	v59 =	vld [tilespmem:s25+$0x100];
	v1 =	vadd.f32 v55, v1;
	v0 =	vadd.f32 v3, v0  }
0x195: {  	v3 =	vld [tilespmem:s29+$0x100]  }
0x196: {  	v60 =	vld [tilespmem:s25+$0x110];
	v1 =	vadd.f32 v56, v1;
	v0 =	vadd.f32 v57, v0  }
0x197: {  	v61 =	vld [tilespmem:s29+$0x110]  }
0x198: {  	v1 =	vadd.f32 v58, v1;
	v0 =	vadd.f32 v2, v0  }
0x199: {  	v62 =	vld [tilespmem:s25+$0x120]  }
0x19a: {  	v2 =	vld [tilespmem:s29+$0x120];
	v1 =	vadd.f32 v59, v1;
	v0 =	vadd.f32 v3, v0  }
0x19b: {  	v63 =	vld [tilespmem:s25+$0x130]  }
0x19c: {  	v1 =	vadd.f32 v60, v1;
	v3 =	vadd.f32 v61, v0;
	v0 =	vld [tilespmem:s29+$0x130];
	_ =	sdelay $0x1  }
0x19d: {  	v1 =	vadd.f32 v62, v1  }
0x19e: {  	v2 =	vadd.f32 v2, v3  }
0x19f: {  	s30 =	simm.s32 $0xF440;
	s15 =	simm.s32 $0x12320;
	s25 =	simm.s32 $0x0;
	v1 =	vadd.f32 v63, v1  }
.LBB2_5:
0x1a0: {  	s25 =	sadd.s32 $0x2, s25;
	v0 =	vadd.f32 v0, v2;
	s29 =	sadd.s32 $0x280, s29;
	s12 =	sadd.s32 $0x40, s12  }
0x1a1: {  	p1 =	slt.u32 s25, $0x1E;
	v1 =	vmul.f32 $5.000000070e-02, v1  }
0x1a2: {  	v0 =	vmul.f32 $5.000000070e-02, v0  }
0x1a3: {  	[tilespmem:s15+$0x10] =	vst v1  }
0x1a4: {  	[tilespmem:s15+$0x0] =	vst v0;
	s15 =	smov.u32 s12  }
0x1a5: {  	v0 =	vld [tilespmem:s30+$0xFFFFFEC0]  }
0x1a6: {  	v1 =	vld [tilespmem:s30+$0xFFFFFED0]  }
0x1a7: {  	v2 =	vld [tilespmem:s29+$0xFFFFFED0]  }
0x1a8: {  	v3 =	vld [tilespmem:s29+$0xFFFFFEC0]  }
0x1a9: {  	v4 =	vld [tilespmem:s30+$0xFFFFFEE0]  }
0x1aa: {  	v5 =	vld [tilespmem:s29+$0xFFFFFEE0]  }
0x1ab: {  	v6 =	vld [tilespmem:s30+$0xFFFFFEF0]  }
0x1ac: {  	v0 =	vadd.f32 v1, v0;
	v1 =	vld [tilespmem:s29+$0xFFFFFEF0]  }
0x1ad: {  	v2 =	vadd.f32 v2, v3;
	v3 =	vld [tilespmem:s30+$0xFFFFFF00]  }
0x1ae: {  	v0 =	vadd.f32 v4, v0;
	v4 =	vld [tilespmem:s29+$0xFFFFFF00]  }
0x1af: {  	v2 =	vadd.f32 v5, v2;
	v5 =	vld [tilespmem:s30+$0xFFFFFF10]  }
0x1b0: {  	v0 =	vadd.f32 v6, v0;
	v6 =	vld [tilespmem:s29+$0xFFFFFF10]  }
0x1b1: {  	v1 =	vadd.f32 v1, v2;
	v2 =	vld [tilespmem:s30+$0xFFFFFF20]  }
0x1b2: {  	v0 =	vadd.f32 v3, v0;
	v3 =	vld [tilespmem:s29+$0xFFFFFF20]  }
0x1b3: {  	v1 =	vadd.f32 v4, v1;
	v4 =	vld [tilespmem:s30+$0xFFFFFF30]  }
0x1b4: {  	v0 =	vadd.f32 v5, v0;
	v5 =	vld [tilespmem:s29+$0xFFFFFF30]  }
0x1b5: {  	v1 =	vadd.f32 v6, v1;
	v6 =	vld [tilespmem:s30+$0xFFFFFF40]  }
0x1b6: {  	v0 =	vadd.f32 v2, v0;
	v2 =	vld [tilespmem:s29+$0xFFFFFF40]  }
0x1b7: {  	v1 =	vadd.f32 v3, v1;
	v3 =	vld [tilespmem:s30+$0xFFFFFF50]  }
0x1b8: {  	v0 =	vadd.f32 v4, v0;
	v4 =	vld [tilespmem:s29+$0xFFFFFF50]  }
0x1b9: {  	v1 =	vadd.f32 v5, v1;
	v5 =	vld [tilespmem:s30+$0xFFFFFF60]  }
0x1ba: {  	v0 =	vadd.f32 v6, v0;
	v6 =	vld [tilespmem:s29+$0xFFFFFF60]  }
0x1bb: {  	v1 =	vadd.f32 v2, v1;
	v2 =	vld [tilespmem:s30+$0xFFFFFF70]  }
0x1bc: {  	v0 =	vadd.f32 v3, v0;
	v3 =	vld [tilespmem:s29+$0xFFFFFF70]  }
0x1bd: {  	v1 =	vadd.f32 v4, v1;
	v4 =	vld [tilespmem:s30+$0xFFFFFF80]  }
0x1be: {  	v0 =	vadd.f32 v5, v0;
	v5 =	vld [tilespmem:s29+$0xFFFFFF80]  }
0x1bf: {  	v1 =	vadd.f32 v6, v1;
	v6 =	vld [tilespmem:s30+$0xFFFFFF90]  }
0x1c0: {  	v0 =	vadd.f32 v2, v0;
	v2 =	vld [tilespmem:s29+$0xFFFFFF90]  }
0x1c1: {  	v1 =	vadd.f32 v3, v1;
	v3 =	vld [tilespmem:s30+$0xFFFFFFA0]  }
0x1c2: {  	v0 =	vadd.f32 v4, v0;
	v4 =	vld [tilespmem:s29+$0xFFFFFFA0]  }
0x1c3: {  	v1 =	vadd.f32 v5, v1;
	v5 =	vld [tilespmem:s30+$0xFFFFFFB0]  }
0x1c4: {  	v0 =	vadd.f32 v6, v0;
	v6 =	vld [tilespmem:s29+$0xFFFFFFB0]  }
0x1c5: {  	v1 =	vadd.f32 v2, v1;
	v2 =	vld [tilespmem:s30+$0xFFFFFFC0]  }
0x1c6: {  	v0 =	vadd.f32 v3, v0;
	v3 =	vld [tilespmem:s29+$0xFFFFFFC0]  }
0x1c7: {  	v1 =	vadd.f32 v4, v1;
	v4 =	vld [tilespmem:s30+$0xFFFFFFD0]  }
0x1c8: {  	v0 =	vadd.f32 v5, v0;
	v5 =	vld [tilespmem:s29+$0xFFFFFFD0]  }
0x1c9: {  	v1 =	vadd.f32 v6, v1;
	v6 =	vld [tilespmem:s30+$0xFFFFFFE0]  }
0x1ca: {  	v0 =	vadd.f32 v2, v0;
	v2 =	vld [tilespmem:s29+$0xFFFFFFE0]  }
0x1cb: {  	v1 =	vadd.f32 v3, v1;
	v3 =	vld [tilespmem:s30+$0xFFFFFFF0]  }
0x1cc: {  	v0 =	vadd.f32 v4, v0;
	v4 =	vld [tilespmem:s29+$0xFFFFFFF0]  }
0x1cd: {  	v1 =	vadd.f32 v5, v1  }
0x1ce: {  	v0 =	vadd.f32 v6, v0  }
0x1cf: {  	v1 =	vadd.f32 v2, v1  }
0x1d0: {  	v0 =	vadd.f32 v3, v0  }
0x1d1: {  	v1 =	vadd.f32 v4, v1  }
0x1d2: {  	v0 =	vmul.f32 $5.000000070e-02, v0  }
0x1d3: {  	v1 =	vmul.f32 $5.000000070e-02, v1  }
0x1d4: {  	[tilespmem:s12+$0xFFFFFFF0] =	vst v0  }
0x1d5: {  	[tilespmem:s12+$0xFFFFFFE0] =	vst v1  }
0x1d6: {  	v0 =	vld [tilespmem:s29+$0x0]  }
0x1d7: {  	v1 =	vld [tilespmem:s30+$0x0]  }
0x1d8: {  	v2 =	vld [tilespmem:s30+$0x10]  }
0x1d9: {  	v3 =	vld [tilespmem:s29+$0x10]  }
0x1da: {  	v4 =	vld [tilespmem:s30+$0x20]  }
0x1db: {  	v5 =	vld [tilespmem:s29+$0x20]  }
0x1dc: {  	v6 =	vld [tilespmem:s30+$0x30]  }
0x1dd: {  	v1 =	vadd.f32 v2, v1;
	v2 =	vld [tilespmem:s29+$0x30]  }
0x1de: {  	v0 =	vadd.f32 v3, v0;
	v3 =	vld [tilespmem:s30+$0x40]  }
0x1df: {  	v1 =	vadd.f32 v4, v1;
	v4 =	vld [tilespmem:s29+$0x40]  }
0x1e0: {  	v0 =	vadd.f32 v5, v0;
	v5 =	vld [tilespmem:s30+$0x50]  }
0x1e1: {  	v1 =	vadd.f32 v6, v1;
	v6 =	vld [tilespmem:s29+$0x50]  }
0x1e2: {  	v0 =	vadd.f32 v2, v0;
	v2 =	vld [tilespmem:s30+$0x60]  }
0x1e3: {  	v1 =	vadd.f32 v3, v1;
	v3 =	vld [tilespmem:s29+$0x60]  }
0x1e4: {  	v0 =	vadd.f32 v4, v0;
	v4 =	vld [tilespmem:s30+$0x70]  }
0x1e5: {  	v1 =	vadd.f32 v5, v1;
	v5 =	vld [tilespmem:s29+$0x70]  }
0x1e6: {  	v0 =	vadd.f32 v6, v0;
	v6 =	vld [tilespmem:s30+$0x80]  }
0x1e7: {  	v1 =	vadd.f32 v2, v1;
	v2 =	vld [tilespmem:s29+$0x80]  }
0x1e8: {  	v0 =	vadd.f32 v3, v0;
	v3 =	vld [tilespmem:s30+$0x90]  }
0x1e9: {  	v1 =	vadd.f32 v4, v1;
	v4 =	vld [tilespmem:s29+$0x90]  }
0x1ea: {  	v0 =	vadd.f32 v5, v0;
	v5 =	vld [tilespmem:s30+$0xA0]  }
0x1eb: {  	v1 =	vadd.f32 v6, v1;
	v6 =	vld [tilespmem:s29+$0xA0]  }
0x1ec: {  	v0 =	vadd.f32 v2, v0;
	v2 =	vld [tilespmem:s30+$0xB0]  }
0x1ed: {  	v1 =	vadd.f32 v3, v1;
	v3 =	vld [tilespmem:s29+$0xB0]  }
0x1ee: {  	v0 =	vadd.f32 v4, v0;
	v4 =	vld [tilespmem:s30+$0xC0]  }
0x1ef: {  	v1 =	vadd.f32 v5, v1;
	v5 =	vld [tilespmem:s29+$0xC0]  }
0x1f0: {  	v0 =	vadd.f32 v6, v0;
	v6 =	vld [tilespmem:s30+$0xD0]  }
0x1f1: {  	v1 =	vadd.f32 v2, v1;
	v2 =	vld [tilespmem:s29+$0xD0]  }
0x1f2: {  	v0 =	vadd.f32 v3, v0;
	v3 =	vld [tilespmem:s30+$0xE0]  }
0x1f3: {  	v1 =	vadd.f32 v4, v1;
	v4 =	vld [tilespmem:s29+$0xE0]  }
0x1f4: {  	v0 =	vadd.f32 v5, v0;
	v5 =	vld [tilespmem:s30+$0xF0]  }
0x1f5: {  	v1 =	vadd.f32 v6, v1;
	v6 =	vld [tilespmem:s29+$0xF0]  }
0x1f6: {  	v0 =	vadd.f32 v2, v0;
	v2 =	vld [tilespmem:s30+$0x100]  }
0x1f7: {  	v1 =	vadd.f32 v3, v1;
	v3 =	vld [tilespmem:s29+$0x100]  }
0x1f8: {  	v0 =	vadd.f32 v4, v0;
	v4 =	vld [tilespmem:s30+$0x110]  }
0x1f9: {  	v1 =	vadd.f32 v5, v1;
	v5 =	vld [tilespmem:s29+$0x110]  }
0x1fa: {  	v0 =	vadd.f32 v6, v0;
	v6 =	vld [tilespmem:s30+$0x120]  }
0x1fb: {  	v1 =	vadd.f32 v2, v1;
	v2 =	vld [tilespmem:s29+$0x120]  }
0x1fc: {  	v3 =	vadd.f32 v3, v0;
	v7 =	vld [tilespmem:s30+$0x130]  }
.Ltmp3:
0x1fd: {  	v1 =	vadd.f32 v4, v1;
	v0 =	vld [tilespmem:s29+$0x130];
	(pc) =	sbr.rel @p1 .LBB2_5-.Ltmp3, $4  }
0x1fe: {  	v3 =	vadd.f32 v5, v3  }
0x1ff: {  	v1 =	vadd.f32 v6, v1  }
0x200: {  	v2 =	vadd.f32 v2, v3  }
0x201: {  	s30 =	sadd.s32 $0x280, s30;
	v1 =	vadd.f32 v7, v1  }
0x202: {  	v0 =	vadd.f32 v0, v2  }
0x203: {  	s12 =	sor.u32 $0x20, s28;
	v1 =	vmul.f32 $5.000000070e-02, v1  }
0x204: {  	s19 =	smul.u32 $0x34, s12;
	v0 =	vmul.f32 $5.000000070e-02, v0  }
0x205: {  	s29 =	sshll.u32 s12, $0x2;
	[tilespmem:s15+$0x10] =	vst v1  }
0x206: {  	s12 =	smul.u32 $0x1A, s12;
	s28 =	sadd.s32 s8, s19;
	[tilespmem:s15+$0x0] =	vst v0;
	s15 =	sand.u32 $0x1FFFFF80, s29  }
0x207: {  	[hbm4b:s28+s1] =	stream.linear.scatter [tilespmem:s2], [sflag:$0x4], $0x3400, $0x38;
	[tilespmem:$0x12700] =	vst v63  }
0x208: {  	s30 =	simm.s32 $0x12300;
	s12 =	sshrl.u32 s12, $0x3;
	s15 =	sadd.s32 s10, s15  }
0x209: {  	[hbm4b:s15+s1] =	stream.linear.scatter [tilespmem:s30], [sflag:$0x4], $0x400, $0x38;
	[tilespmem:$0x12700] =	vst v63  }
0x20a: {  	s12 =	sadd.s32 s11, s12  }
0x20b: {  	[hbm4b:s12+s1] =	stream.linear.scatter [tilespmem:s22], [sflag:$0x4], $0x340, $0x38;
	[tilespmem:$0x12700] =	vst v63  }
0x20c: {  	_ =	swait.ge [sflag:s16], $0x3400  }
0x20d: {  	[sflag:s16] =	ssyncset.done $0x0  }
0x20e: {  	[sflag:s16] =	ssyncadd.s32 $0xFFFFCC00  }
0x20f: {  	_ =	swait.ge [sflag:s16], $0x400  }
.Ltmp4:
0x210: {  	[sflag:s16] =	ssyncset.done $0x0;
	(pc) =	sbr.rel @p0 .LBB2_8-.Ltmp4, $4  }
0x211: {  	[sflag:s16] =	ssyncadd.s32 $0xFFFFFC00  }
0x212: {  	_ =	swait.ge [sflag:s16], $0x340  }
0x213: {  	[sflag:s16] =	ssyncset.done $0x0  }
0x214: {  	[sflag:s16] =	ssyncadd.s32 $0xFFFFFCC0  }
0x215: {  	s12 =	rddreg [dreg:$0x8]  }
0x216: {  	s12 =	sadd.s32 s17, s12  }
0x217: {  	s15 =	smul.u32 $0x1A, s12;
	_ =	sdelay $0x1  }
0x218: {  	s15 =	sshrl.u32 s15, $0x3  }
0x219: {  	s12 =	smul.u32 $0x14, s12;
	s15 =	sadd.s32 s3, s15  }
0x21a: {  	[tilespmem:s24], [sflag:$0x5] =	stream.linear.gather [hbm4b:s15+s1], $0x340, $0x38;
	[tilespmem:$0x12700] =	vst v63  }
0x21b: {  	_ =	swait.ge [sflag:s21], $0x340  }
0x21c: {  	s12 =	sshrl.u32 s12, $0x3;
	[sflag:s21] =	ssyncset.done $0x0  }
0x21d: {  	s28 =	sadd.s32 s4, s12;
	[sflag:s21] =	ssyncadd.s32 $0xFFFFFCC0  }
0x21e: {  	[tilespmem:s31], [sflag:$0x5] =	stream.linear.gather [hbm4b:s28+s1], $0x280, $0x38;
	[tilespmem:$0x12700] =	vst v63  }
0x21f: {  	_ =	swait.ge [sflag:s21], $0x280  }
0x220: {  	[sflag:s21] =	ssyncset.done $0x0  }
0x221: {  	s12 =	sadd.s32 s5, s12;
	[sflag:s21] =	ssyncadd.s32 $0xFFFFFD80  }
0x222: {  	[tilespmem:s0], [sflag:$0x5] =	stream.linear.gather [hbm4b:s12+s1], $0x280, $0x38;
	[tilespmem:$0x12700] =	vst v63  }
0x223: {  	_ =	swait.ge [sflag:s21], $0x280  }
0x224: {  	[sflag:s21] =	ssyncset.done $0x0  }
0x225: {  	[sflag:s21] =	ssyncadd.s32 $0xFFFFFD80  }
0x226: {  	[tilespmem:s2], [sflag:$0x2] =	stream.indirect.gather [hbm4b:s6+s24], $0x10, s24, s24, $0xb8;
	[tilespmem:$0x12700] =	vst v63  }
0x227: {  	s29 =	simm.s32 $0xA080  }
0x228: {  	[tilespmem:s29], [sflag:$0x2] =	stream.indirect.gather [hbm4b:s6+s26], $0x10, s31, s26, $0xb8;
	[tilespmem:$0x12700] =	vst v63  }
.Ltmp5:
0x229: {  	_ = 	snop;
	(pc) =	sbr.rel .LBB2_2-.Ltmp5, $4  }
0x22a: {  	s30 =	simm.s32 $0xF080  }
0x22b: {  	[tilespmem:s30], [sflag:$0x2] =	stream.indirect.gather [hbm4b:s6+s26], $0x10, s0, s26, $0xb8;
	[tilespmem:$0x12700] =	vst v63  }
0x22c: {  	s20 =	sadd.s32 $0x1, s20  }
0x22d: {  	[tilespmem:s22], [sflag:$0x2] =	stream.indirect.gather [hbm4b:s7+s24], $0x1, s24, s24, $0xb8;
	[tilespmem:$0x12700] =	vst v63  }
.LBB2_9:
0x22e: {  	_ =	sfence.sel $0x180000  }
0x22f: {  	[bflag:$0x0] =	sbarrier.arrive $0xFFFF  }
0x230: {  	_ =	strace $0x9000004A  }
0x231: {  	s0 =	stileid.u32;
	[bflag:$0x2] =	sbarrier.arrive $0xFFFF  }
0x232: {  	p0 =	sne.s32 s0, $0x0;
	s0 =	rddreg [dreg:$0x1]  }
0x233: {  	s0 =	sadd.s32 @!p0 $0x100000, s0  }
0x234: {  	[sflag:s0] =	ssyncadd.tile.s32 @!p0 $0x1;
	_ =	shalt  }
.Lfunc_end2:
_tile_overlayer_lowered:
.L_overlay_start_2:
0x235: {  	(tag) =	ssettag $0x2  }
0x236: {  	s0 =	rddreg [dreg:$0x0];
	s2 =	stileid.u32  }
0x237: {  	s1 =	rddreg [dreg:$0x1];
	p0 =	sne.s32 s2, $0x0  }
0x238: {  	s3 =	rddreg [dreg:$0x2];
	[bflag:$0x3] =	sbarrier.arrive $0xFFFF;
	s2 =	simm.s32 @!p0 $0x1C05  }
0x239: {  	[timem:s3], [sflag:s2] =	dma.local @!p0 [hbm:s0], s1  }
0x23a: {  	s0 =	simm.s32 @!p0 $0x5  }
0x23b: {  	_ =	swait.ge @!p0 [sflag:s0], s1  }
0x23c: {  	s1 =	ssub.s32 @!p0 $0x0, s1;
	[sflag:s0] =	ssyncset.done @!p0 $0x0  }
0x23d: {  	[sflag:s0] =	ssyncadd.s32 @!p0 s1  }
0x23e: {  	[bflag:$0x3] =	sbarrier.arrive $0xFFFF  }
0x23f: {  	_ =	shalt  }

// kernel: kernel.13.cloned.1.call-start
scs
__scs_entry_jumppad:
0x0: {  	(pc) =	sbr.rel $0x88, $3  }
0x1: {  	(tag) =	ssettag $0x0;
	lr =	simm.s32 $0x1  }
0x2: {  	[smem:$0x3F95] =	sst lr;
	_ =	strace $0xD0000000  }
0x3: {  	_ = 	snop  }
0x4: {  	_ = 	snop  }
0x5: {  	_ = 	snop  }
0x6: {  	_ = 	snop  }
0x7: {  	_ = 	snop  }
__scs_overlays_trampoline_lowered:
0x8: {  	[smem:$0x3FA4] =	sst s0  }
0x9: {  	[smem:$0x3FA5] =	sst s1  }
0xa: {  	[smem:$0x3FA6] =	sst s2  }
0xb: {  	[smem:$0x3FA7] =	sst s3  }
0xc: {  	[smem:$0x3FA8] =	sst s4  }
0xd: {  	[smem:$0x3FA9] =	sst s5  }
0xe: {  	[smem:$0x3FAA] =	sst s6  }
0xf: {  	[smem:$0x3FAB] =	sst s7  }
0x10: {  	[smem:$0x3FAC] =	sst s8  }
0x11: {  	[smem:$0x3FAD] =	sst s9;
	s0 =	simm.s32 @!p0 $0x0  }
0x12: {  	s1 =	sld [smem:$0x3F93];
	s0 =	simm.s32 @p0 $0x1  }
0x13: {  	[smem:$0x3FAE] =	sst s0;
	s0 =	simm.s32 @!p1 $0x0  }
0x14: {  	s2 =	sld [smem:$0x3F92];
	s0 =	simm.s32 @p1 $0x1  }
0x15: {  	[smem:$0x3FAF] =	sst s0;
	s0 =	simm.s32 @!p2 $0x0  }
0x16: {  	s3 =	sld [smem:$0x3FDB];
	s0 =	simm.s32 @p2 $0x1  }
0x17: {  	s4 =	simm.s32 $0x1BF5;
	[smem:$0x3FB1] =	sst s0  }
0x18: {  	s0 =	sld [smem:$0x3F94];
	_ =	swait.ge [sflag:s4], $0x0  }
0x19: {  	s7 =	sld [smem:$0x3F95]  }
0x1a: {  	s8 =	sadd.s32 $0xFFFFE003, lr  }
0x1b: {  	s9 =	sadd.s32 $0xFFFFFEF7, lr;
	s5 =	simm.s32 $0xFFFFFFFF;
	p2 =	slt.u32 s8, $0xFFFFF086  }
0x1c: {  	p1 =	slt.u32 s9, $0xF7A;
	s5 =	simm.s32 @!p2 $0x0  }
0x1d: {  	s5 =	simm.s32 @p1 $0x1;
	p0 =	seq.s32 s7, s2  }
0x1e: {  	s7 =	smul.u32 @!p0 $0xF7A, s2;
	p2 =	seq.s32 @!p0 s5, $0x0  }
0x1f: {  	s9 =	smul.u32 $0xF7A, s1;
	s8 =	simm.s32 @!p0 $0x1BF5;
	p2 =	por !p2, p0  }
0x20: {  	[sflag:s8] =	ssyncset.s32 @!p0 $0xFFFFF086;
	s6 =	sadd.s32 @!p0 s3, s7;
	s7 =	simm.s32 @!p0 $0x108  }
0x21: {  	s3 =	sadd.s32 s3, s9;
	s6 =	sadd.s32 @!p0 $0x88, s6;
	s7 =	simm.s32 @p2 $0x1082  }
0x22: {  	[simem:s7], [sflag:s8] =	dma.local @!p0 [hbm:s6], $0xF7A  }
0x23: {  	s9 =	sor.u32 $0xD0000000, s2;
	s6 =	simm.s32 $0x108;
	_ =	swait.ge @!p0 [sflag:s8], $0x0  }
0x24: {  	s3 =	sadd.s32 $0x88, s3;
	s6 =	simm.s32 @!p1 $0x1082;
	[sflag:s4] =	ssyncset.s32 $0xFFFFF086  }
0x25: {  	[simem:s6], [sflag:s4] =	dma.local [hbm:s3], $0xF7A  }
0x26: {  	[smem:$0x3F95] =	sst s1;
	(tag) =	ssettag s2;
	_ =	strace s9  }
0x27: {  	s1 =	sld [smem:$0x3FA5]  }
0x28: {  	s2 =	sld [smem:$0x3FA6]  }
0x29: {  	s4 =	sld [smem:$0x3FA8]  }
0x2a: {  	p0 =	seq.s32 s5, $0x0;
	s5 =	sld [smem:$0x3FA9]  }
0x2b: {  	s6 =	sld [smem:$0x3FAA]  }
0x2c: {  	s7 =	sld [smem:$0x3FAB]  }
0x2d: {  	s3 =	simm.s32 $0x108;
	s8 =	sld [smem:$0x3FAC]  }
0x2e: {  	s3 =	simm.s32 @!p0 $0x1082;
	s9 =	sld [smem:$0x3FAD]  }
0x2f: {  	lr =	sadd.s32 s0, s3;
	s0 =	sld [smem:$0x3FA4]  }
0x30: {  	s3 =	sld [smem:$0x3FA7]  }
0x31: {  	[smem:$0x3FB0] =	sst s10  }
0x32: {  	s10 =	sld [smem:$0x3FAE];
	_ =	sdelay $0x3  }
0x33: {  	p0 =	seq.s32 s10, $0x1;
	s10 =	sld [smem:$0x3FB0];
	_ =	sdelay $0x3  }
0x34: {  	[smem:$0x3FB0] =	sst s10  }
0x35: {  	s10 =	sld [smem:$0x3FAF];
	_ =	sdelay $0x3  }
0x36: {  	p1 =	seq.s32 s10, $0x1;
	s10 =	sld [smem:$0x3FB0];
	_ =	sdelay $0x3  }
0x37: {  	[smem:$0x3FB0] =	sst s10  }
0x38: {  	s10 =	sld [smem:$0x3FB1]  }
0x39: {  	_ = 	snop;
	(pc) =	sbr.ind lr, $3  }
0x3a: {  	_ = 	snop  }
0x3b: {  	_ = 	snop  }
0x3c: {  	p2 =	seq.s32 s10, $0x1;
	s10 =	sld [smem:$0x3FB0]  }
0x3d: {  	_ =	shalt  }
0x3e: {  	_ =	shalt  }
0x3f: {  	_ =	shalt  }
0x40: {  	_ =	shalt  }
0x41: {  	_ =	shalt  }
0x42: {  	_ =	shalt  }
0x43: {  	_ =	shalt  }
0x44: {  	_ =	shalt  }
0x45: {  	_ =	shalt  }
0x46: {  	_ =	shalt  }
0x47: {  	_ =	shalt  }
0x48: {  	_ =	shalt  }
0x49: {  	_ =	shalt  }
0x4a: {  	_ =	shalt  }
0x4b: {  	_ =	shalt  }
0x4c: {  	_ =	shalt  }
0x4d: {  	_ =	shalt  }
0x4e: {  	_ =	shalt  }
0x4f: {  	_ =	shalt  }
0x50: {  	_ =	shalt  }
0x51: {  	_ =	shalt  }
0x52: {  	_ =	shalt  }
0x53: {  	_ =	shalt  }
0x54: {  	_ =	shalt  }
0x55: {  	_ =	shalt  }
0x56: {  	_ =	shalt  }
0x57: {  	_ =	shalt  }
0x58: {  	_ =	shalt  }
0x59: {  	_ =	shalt  }
0x5a: {  	_ =	shalt  }
0x5b: {  	_ =	shalt  }
0x5c: {  	_ =	shalt  }
0x5d: {  	_ =	shalt  }
0x5e: {  	_ =	shalt  }
0x5f: {  	_ =	shalt  }
0x60: {  	_ =	shalt  }
0x61: {  	_ =	shalt  }
0x62: {  	_ =	shalt  }
0x63: {  	_ =	shalt  }
0x64: {  	_ =	shalt  }
0x65: {  	_ =	shalt  }
0x66: {  	_ =	shalt  }
0x67: {  	_ =	shalt  }
0x68: {  	_ =	shalt  }
0x69: {  	_ =	shalt  }
0x6a: {  	_ =	shalt  }
0x6b: {  	_ =	shalt  }
0x6c: {  	_ =	shalt  }
0x6d: {  	_ =	shalt  }
0x6e: {  	_ =	shalt  }
0x6f: {  	_ =	shalt  }
0x70: {  	_ =	shalt  }
0x71: {  	_ =	shalt  }
0x72: {  	_ =	shalt  }
0x73: {  	_ =	shalt  }
0x74: {  	_ =	shalt  }
0x75: {  	_ =	shalt  }
0x76: {  	_ =	shalt  }
0x77: {  	_ =	shalt  }
0x78: {  	_ =	shalt  }
0x79: {  	_ =	shalt  }
0x7a: {  	_ =	shalt  }
0x7b: {  	_ =	shalt  }
0x7c: {  	_ =	shalt  }
0x7d: {  	_ =	shalt  }
0x7e: {  	_ =	shalt  }
0x7f: {  	_ =	shalt  }
0x80: {  	_ =	shalt  }
0x81: {  	_ =	shalt  }
0x82: {  	_ =	shalt  }
0x83: {  	_ =	shalt  }
0x84: {  	_ =	shalt  }
0x85: {  	_ =	shalt  }
0x86: {  	_ =	shalt  }
0x87: {  	_ =	shalt  }
.Lfunc_end0:
.L_simem_size_0:
called_computation.2_lowered:
.L_overlay_start_0:
0x88: {  	s2 =	sld [smem:$0x3FD9]  }
0x89: {  	s3 =	sld [smem:$0x3FFE];
	_ =	sdelay $0x1  }
0x8a: {  	s1 =	srdreg.scid  }
0x8b: {  	s0 =	sand.u32 $0x1, s1  }
0x8c: {  	s17 =	sshll.u32 s0, $0xA;
	s2 =	sadd.s32 s3, s2  }
0x8d: {  	s2 =	sadd.s32 s2, s17  }
0x8e: {  	[smem:$0x3FBC] =	sst s2  }
0x8f: {  	_ = 	snop  }
0x90: {  	(tm) =	ssettm $0x1  }
0x91: {  	s18 =	sld [smem:$0x3FFB];
	_ =	sdelay $0x3  }
0x92: {  	_ =	strace s18  }
0x93: {  	s2 =	sld [smem:$0x3FFC];
	_ =	sdelay $0x3  }
0x94: {  	_ =	strace s2  }
0x95: {  	s2 =	sld [smem:$0x3FFD];
	_ =	sdelay $0x3  }
0x96: {  	_ =	strace s2  }
0x97: {  	_ =	strace $0x8FFFFFFF  }
0x98: {  	s19 =	sld [smem:$0x3FDB];
	_ =	sdelay $0x1  }
0x99: {  	s20 =	simm.s32 $_scs_section_size  }
0x9a: {  	s4 =	simm.s32 $_size__tile_overlayer_lowered;
	s5 =	simm.s32 $_tile_overlayer_lowered  }
0x9b: {  	s6 =	simm.s32 $0x1BFF;
	s21 =	sshll.u32 s5, $0x1;
	s3 =	sadd.s32 s20, s19  }
0x9c: {  	s22 =	simm.s32 $0x0;
	s4 =	sshll.u32 s4, $0x1;
	s5 =	sadd.s32 s21, s3  }
0x9d: {  	[timem:s22], [sflag:s6] =	dma.local [hbm:s5], s4  }
0x9e: {  	_ =	swait.ge [sflag:s6], s4  }
0x9f: {  	s4 =	ssub.s32 $0x0, s4;
	[sflag:s6] =	ssyncset.done $0x0  }
0xa0: {  	[sflag:s6] =	ssyncadd.s32 s4;
	_ =	sdelay $0x1  }
0xa1: {  	s23 =	simm.s32 $0x1B8B  }
0xa2: {  	_ =	swait.ge [sflag:s23], $0x1  }
0xa3: {  	[sflag:s23] =	ssyncset.done $0x0  }
0xa4: {  	[sflag:s23] =	ssyncadd.s32 $0xFFFFFFFF  }
0xa5: {  	s4 =	sld [smem:$0x0]  }
0xa6: {  	s5 =	sand.u32 $0xFFFFFFFE, s1  }
0xa7: {  	p0 =	sne.s32 s1, s5  }
0xa8: {  	s5 =	sshll.u32 @p0 s5, $0xE  }
0xa9: {  	s5 =	sadd.s32 @p0 $0x11B8D, s5;
	s6 =	sshll.u32 @p0 s4, $0x11  }
0xaa: {  	s5 =	sor.u32 @p0 s6, s5  }
0xab: {  	[sflag:s5] =	ssyncadd.remote.s32 @p0 $0x1;
	_ =	sdelay $0x1  }
0xac: {  	s5 =	simm.s32 @p0 $0x1B8D  }
0xad: {  	_ =	swait.eq @p0 [sflag:s5], $0x1  }
0xae: {  	[sflag:s5] =	ssyncadd.s32 @p0 $0xFFFFFFFF  }
0xaf: {  	s6 =	sshll.u32 @!p0 s1, $0xE  }
0xb0: {  	s6 =	sor.u32 @!p0 $0x4000, s6;
	s5 =	simm.s32 @!p0 $0x1B8D  }
0xb1: {  	s4 =	sshll.u32 @!p0 s4, $0x11;
	s6 =	sadd.s32 @!p0 $0x11B8D, s6;
	_ =	swait.eq @!p0 [sflag:s5], $0x1  }
0xb2: {  	s4 =	sor.u32 @!p0 s4, s6;
	[sflag:s5] =	ssyncadd.s32 @!p0 $0xFFFFFFFF  }
0xb3: {  	s25 =	simm.s32 $0x1B8E;
	s24 =	sld [smem:$0x3FFE];
	[sflag:s4] =	ssyncadd.remote.s32 @!p0 $0x1  }
0xb4: {  	s26 =	simm.s32 $execute0_lowered;
	[smem:$0x3FD2] =	sst s25  }
0xb5: {  	s5 =	sshll.u32 s26, $0x1;
	_ =	strace $0x8000004C;
	[dreg:$0x1] =	wrdreg $0xFFFFFFFF  }
0xb6: {  	s28 =	simm.s32 $_size_execute0_lowered;
	s3 =	sadd.s32 s3, s5;
	[dreg:$0x0] =	wrdreg $0x0  }
0xb7: {  	s5 =	sshll.u32 s28, $0x1;
	[dreg:$0x2] =	wrdreg s3  }
0xb8: {  	[dreg:$0x3] =	wrdreg s5  }
0xb9: {  	[dreg:$0x4] =	wrdreg $0xC0  }
0xba: {  	_ =	task [dreg:s22], $0x5FFFF  }
0xbb: {  	[dreg:$0x1] =	wrdreg $0xFFFFFFFF  }
0xbc: {  	[dreg:$0x0] =	wrdreg $0x60  }
0xbd: {  	[dreg:$0x2] =	wrdreg s24  }
0xbe: {  	[dreg:$0x3] =	wrdreg $0xA  }
0xbf: {  	_ =	task.clear_ibuf [dreg:s22], $0x4FFFF;
	_ =	strace $0x9000004C  }
0xc0: {  	s29 =	simm.s32 $0xA;
	_ =	strace $0x8000004E  }
0xc1: {  	_ =	swait.ge [sflag:s29], $0x1  }
0xc2: {  	[sflag:s29] =	ssyncadd.s32 $0xFFFFFFFF  }
0xc3: {  	_ =	strace $0x9000004E  }
0xc4: {  	_ =	sfence  }
0xc5: {  	s30 =	sld [smem:$0x0];
	_ =	sdelay $0x2  }
0xc6: {  	s31 =	sshll.u32 s1, $0xD;
	s1 =	sshrl.u32 s1, $0x2  }
0xc7: {  	s4 =	sand.u32 $0x4000, s31;
	s1 =	sadd.s32 s1, s30  }
0xc8: {  	s0 =	sor.u32 s4, s0;
	s1 =	sshll.u32 s1, $0x11  }
0xc9: {  	s0 =	sor.u32 s1, s0  }
0xca: {  	s0 =	sadd.s32 $0x8F2B, s0  }
0xcb: {  	[sflag:s0] =	ssyncadd.remote.s32 $0x1  }
0xcc: {  	_ =	sfence.sel $0xFFFF  }
0xcd: {  	[dreg:$0x0] =	wrdreg $0xFFFFFFFF;
	(pc) =	sbr.abs _section_cstart, $3  }
0xce: {  	[dreg:$0x1] =	wrdreg $0xFFFFFFFF  }
0xcf: {  	_ =	task.clear_ibuf [dreg:s22], $0x2FFFF;
	_ =	strace $0x9FFFFFFF  }
0xd0: {  	(tm) =	ssettm $0x7FFFFFFF  }
0xd1: {  	_ =	shalt  }
tec
execute0_lowered:
.L_overlay_start_1:
0x0: {  	(tag) =	ssettag $0x1  }
0x1: {  	s0 =	rddreg [dreg:$0x0]  }
0x2: {  	s1 =	simm.s32 $0x0;
	s2 =	srdreg.scid;
	s5 =	stileid.u32  }
0x3: {  	s31 =	simm.s32 $0x900;
	s16 =	simm.s32 $0x4;
	s3 =	sadd.s32 $0x1EB400, s0  }
0x4: {  	[smem:$0x7FF] =	sst s1;
	s4 =	sadd.s32 $0x202400, s0;
	s7 =	sshll.u32 s5, $0x9  }
0x5: {  	s2 =	sand.u32 $0x1, s2;
	s5 =	sadd.s32 $0x1F8400, s0;
	s6 =	sadd.s32 $0x20C400, s0  }
0x6: {  	s9 =	sadd.s32 $0x2A1600, s0;
	s10 =	sadd.s32 $0x309600, s0;
	s8 =	sshll.u32 s2, $0x8  }
0x7: {  	_ =	strace $0x8000004D;
	s2 =	ssub.s32 $0x2, s2;
	s7 =	sor.u32 s8, s7  }
0x8: {  	s8 =	sadd.s32 $0x2E00, s0;
	s13 =	sshrl.u32 s2, $0x1;
	s11 =	sor.u32 $0x2000, s7  }
0x9: {  	s15 =	sor.u32 $0x2020, s7;
	s21 =	ssub.s32 s2, s13;
	s12 =	smul.u32 $0x1A, s11  }
0xa: {  	s18 =	sor.u32 $0x2040, s7;
	s30 =	sor.u32 $0x2060, s7;
	s14 =	smul.u32 $0x14, s11  }
0xb: {  	s13 =	simm.s32 $0x3;
	s11 =	sadd.s32 $0x311600, s0;
	s22 =	smul.u32 $0x1A, s15  }
0xc: {  	s24 =	smul.u32 $0x14, s15;
	[dreg:$0x8] =	wrdreg s30;
	s0 =	smax.u32 s21, $0x1  }
0xd: {  	s21 =	simm.s32 $0x5;
	s15 =	simm.s32 $0x0;
	[dreg:$0x9] =	wrdreg s0  }
0xe: {  	s0 =	simm.s32 $0xE00;
	s12 =	sshrl.u32 s12, $0x3;
	s23 =	sshrl.u32 s14, $0x3  }
0xf: {  	s2 =	sshrl.u32 s22, $0x3;
	s28 =	sshrl.u32 s24, $0x3;
	s12 =	sadd.s32 s3, s12  }
0x10: {  	s24 =	simm.s32 $0x340;
	s25 =	sadd.s32 s4, s23;
	[dreg:$0x2] =	wrdreg s12  }
.Ltmp0:
0x11: {  	s26 =	sadd.s32 s5, s23;
	[dreg:$0x3] =	wrdreg s25;
	(pc) =	sbr.rel .LBB2_1-.Ltmp0, $4  }
0x12: {  	s22 =	simm.s32 $0x11BC0;
	s2 =	sadd.s32 s3, s2;
	[dreg:$0x4] =	wrdreg s26  }
0x13: {  	s14 =	simm.s32 $0x2;
	s29 =	sadd.s32 s4, s28;
	[dreg:$0x5] =	wrdreg s2  }
0x14: {  	s23 =	simm.s32 $0x1;
	[dreg:$0x6] =	wrdreg s29;
	s2 =	sadd.s32 s5, s28  }
0x15: {  	s26 =	simm.s32 $0x280;
	[dreg:$0x7] =	wrdreg s2;
	s2 =	simm.s32 $0x4480  }
.LBB2_8:
0x16: {  	s15 =	rddreg [dreg:$0xa]  }
0x17: {  	s12 =	rddreg [dreg:$0x9];
	s15 =	sadd.s32 $0x1, s15  }
0x18: {  	p0 =	sne.s32 s15, s12  }
.Ltmp1:
0x19: {  	_ = 	snop;
	(pc) =	sbr.rel @!p0 .LBB2_9-.Ltmp1, $1  }
0x1a: {  	_ =	sdelay $0x3  }
.LBB2_1:
0x1b: {  	[dreg:$0xa] =	wrdreg s15  }
0x1c: {  	s12 =	rddreg [dreg:$0x2]  }
0x1d: {  	[tilespmem:s1], [sflag:$0x5] =	stream.linear.gather [hbm4b:s12+s1], $0x340, $0x38;
	[tilespmem:$0x12700] =	vst v63  }
0x1e: {  	_ =	swait.ge [sflag:s21], $0x340  }
0x1f: {  	[sflag:s21] =	ssyncset.done $0x0  }
0x20: {  	s25 =	simm.s32 $0x680;
	s20 =	rddreg [dreg:$0x3];
	[sflag:s21] =	ssyncadd.s32 $0xFFFFFCC0  }
0x21: {  	[tilespmem:s25], [sflag:$0x5] =	stream.linear.gather [hbm4b:s20+s1], $0x280, $0x38;
	[tilespmem:$0x12700] =	vst v63  }
0x22: {  	_ =	swait.ge [sflag:s21], $0x280  }
0x23: {  	[sflag:s21] =	ssyncset.done $0x0  }
0x24: {  	s17 =	simm.s32 $0xB80;
	s28 =	rddreg [dreg:$0x4];
	[sflag:s21] =	ssyncadd.s32 $0xFFFFFD80  }
0x25: {  	[tilespmem:s17], [sflag:$0x5] =	stream.linear.gather [hbm4b:s28+s1], $0x280, $0x38;
	[tilespmem:$0x12700] =	vst v63  }
0x26: {  	_ =	swait.ge [sflag:s21], $0x280  }
0x27: {  	[sflag:s21] =	ssyncset.done $0x0  }
0x28: {  	s29 =	simm.s32 $0x1080;
	[sflag:s21] =	ssyncadd.s32 $0xFFFFFD80  }
0x29: {  	[tilespmem:s29], [sflag:$0x1] =	stream.indirect.gather [hbm4b:s8+s24], $0x10, s1, s24, $0xb8;
	[tilespmem:$0x12700] =	vst v63  }
0x2a: {  	s30 =	simm.s32 $0x7880  }
0x2b: {  	[tilespmem:s30], [sflag:$0x1] =	stream.indirect.gather [hbm4b:s8+s26], $0x10, s25, s26, $0xb8;
	[tilespmem:$0x12700] =	vst v63  }
0x2c: {  	s15 =	simm.s32 $0xC880  }
0x2d: {  	[tilespmem:s15], [sflag:$0x1] =	stream.indirect.gather [hbm4b:s8+s26], $0x10, s17, s26, $0xb8;
	[tilespmem:$0x12700] =	vst v63  }
0x2e: {  	s19 =	simm.s32 $0x11880  }
0x2f: {  	[tilespmem:s19], [sflag:$0x1] =	stream.indirect.gather [hbm4b:s6+s24], $0x1, s1, s24, $0xb8;
	[tilespmem:$0x12700] =	vst v63  }
0x30: {  	s20 =	rddreg [dreg:$0x5]  }
0x31: {  	[tilespmem:s24], [sflag:$0x5] =	stream.linear.gather [hbm4b:s20+s1], $0x340, $0x38;
	[tilespmem:$0x12700] =	vst v63  }
0x32: {  	_ =	swait.ge [sflag:s21], $0x340  }
0x33: {  	[sflag:s21] =	ssyncset.done $0x0  }
0x34: {  	s25 =	rddreg [dreg:$0x6];
	[sflag:s21] =	ssyncadd.s32 $0xFFFFFCC0  }
0x35: {  	[tilespmem:s31], [sflag:$0x5] =	stream.linear.gather [hbm4b:s25+s1], $0x280, $0x38;
	[tilespmem:$0x12700] =	vst v63  }
0x36: {  	_ =	swait.ge [sflag:s21], $0x280  }
0x37: {  	[sflag:s21] =	ssyncset.done $0x0  }
0x38: {  	s28 =	rddreg [dreg:$0x7];
	[sflag:s21] =	ssyncadd.s32 $0xFFFFFD80  }
0x39: {  	[tilespmem:s0], [sflag:$0x5] =	stream.linear.gather [hbm4b:s28+s1], $0x280, $0x38;
	[tilespmem:$0x12700] =	vst v63  }
0x3a: {  	_ =	swait.ge [sflag:s21], $0x280  }
0x3b: {  	[sflag:s21] =	ssyncset.done $0x0  }
0x3c: {  	[sflag:s21] =	ssyncadd.s32 $0xFFFFFD80  }
0x3d: {  	[tilespmem:s2], [sflag:$0x2] =	stream.indirect.gather [hbm4b:s8+s24], $0x10, s24, s24, $0xb8;
	[tilespmem:$0x12700] =	vst v63  }
0x3e: {  	s29 =	simm.s32 $0xA080  }
0x3f: {  	[tilespmem:s29], [sflag:$0x2] =	stream.indirect.gather [hbm4b:s8+s26], $0x10, s31, s26, $0xb8;
	[tilespmem:$0x12700] =	vst v63  }
0x40: {  	s30 =	simm.s32 $0xF080  }
0x41: {  	[tilespmem:s30], [sflag:$0x2] =	stream.indirect.gather [hbm4b:s8+s26], $0x10, s0, s26, $0xb8;
	[tilespmem:$0x12700] =	vst v63  }
0x42: {  	s20 =	simm.s32 $0x0  }
0x43: {  	[tilespmem:s22], [sflag:$0x2] =	stream.indirect.gather [hbm4b:s6+s24], $0x1, s24, s24, $0xb8;
	[tilespmem:$0x12700] =	vst v63  }
.LBB2_2:
0x44: {  	_ =	swait.ge [sflag:s23], $0x3400  }
0x45: {  	[sflag:s23] =	ssyncset.done $0x0  }
0x46: {  	[sflag:s23] =	ssyncadd.s32 $0xFFFFCC00  }
0x47: {  	_ =	swait.ge [sflag:s23], $0x2800  }
0x48: {  	[sflag:s23] =	ssyncset.done $0x0  }
0x49: {  	[sflag:s23] =	ssyncadd.s32 $0xFFFFD800  }
0x4a: {  	_ =	swait.ge [sflag:s23], $0x2800  }
0x4b: {  	[sflag:s23] =	ssyncset.done $0x0  }
0x4c: {  	[sflag:s23] =	ssyncadd.s32 $0xFFFFD800  }
0x4d: {  	_ =	swait.ge [sflag:s23], $0x340  }
0x4e: {  	[sflag:s23] =	ssyncset.done $0x0  }
0x4f: {  	s12 =	simm.s32 $0xC9C0;
	[sflag:s23] =	ssyncadd.s32 $0xFFFFFCC0  }
0x50: {  	v0 =	vld [tilespmem:s12+$0xFFFFFEC0]  }
0x51: {  	s17 =	simm.s32 $0x79C0;
	v1 =	vld [tilespmem:s12+$0xFFFFFED0]  }
0x52: {  	v2 =	vld [tilespmem:s17+$0xFFFFFED0]  }
0x53: {  	v3 =	vld [tilespmem:s17+$0xFFFFFEC0]  }
0x54: {  	v4 =	vld [tilespmem:s12+$0xFFFFFEE0]  }
0x55: {  	v5 =	vld [tilespmem:s17+$0xFFFFFEE0]  }
0x56: {  	v6 =	vld [tilespmem:s12+$0xFFFFFEF0]  }
0x57: {  	v0 =	vadd.f32 v1, v0;
	v1 =	vld [tilespmem:s17+$0xFFFFFEF0]  }
0x58: {  	v2 =	vadd.f32 v2, v3;
	v3 =	vld [tilespmem:s12+$0xFFFFFF00]  }
0x59: {  	v22 =	vld [tilespmem:s17+$0xFFFFFF00];
	v0 =	vadd.f32 v4, v0  }
0x5a: {  	v23 =	vld [tilespmem:s12+$0xFFFFFF10];
	v2 =	vadd.f32 v5, v2  }
0x5b: {  	v24 =	vld [tilespmem:s17+$0xFFFFFF10];
	v0 =	vadd.f32 v6, v0  }
0x5c: {  	v1 =	vadd.f32 v1, v2;
	v2 =	vld [tilespmem:s12+$0xFFFFFF20]  }
0x5d: {  	v0 =	vadd.f32 v3, v0;
	v3 =	vld [tilespmem:s17+$0xFFFFFF20]  }
0x5e: {  	v25 =	vld [tilespmem:s12+$0xFFFFFF30];
	v1 =	vadd.f32 v22, v1  }
0x5f: {  	v26 =	vld [tilespmem:s17+$0xFFFFFF30];
	v0 =	vadd.f32 v23, v0  }
0x60: {  	v27 =	vld [tilespmem:s12+$0xFFFFFF40];
	v1 =	vadd.f32 v24, v1  }
0x61: {  	v0 =	vadd.f32 v2, v0;
	v2 =	vld [tilespmem:s17+$0xFFFFFF40]  }
0x62: {  	v1 =	vadd.f32 v3, v1;
	v3 =	vld [tilespmem:s12+$0xFFFFFF50]  }
0x63: {  	v28 =	vld [tilespmem:s17+$0xFFFFFF50];
	v0 =	vadd.f32 v25, v0  }
0x64: {  	v29 =	vld [tilespmem:s12+$0xFFFFFF60];
	v1 =	vadd.f32 v26, v1  }
0x65: {  	v30 =	vld [tilespmem:s17+$0xFFFFFF60];
	v0 =	vadd.f32 v27, v0  }
0x66: {  	v1 =	vadd.f32 v2, v1;
	v2 =	vld [tilespmem:s12+$0xFFFFFF70]  }
0x67: {  	v0 =	vadd.f32 v3, v0;
	v3 =	vld [tilespmem:s17+$0xFFFFFF70]  }
0x68: {  	v31 =	vld [tilespmem:s12+$0xFFFFFF80];
	v1 =	vadd.f32 v28, v1  }
0x69: {  	v32 =	vld [tilespmem:s17+$0xFFFFFF80];
	v0 =	vadd.f32 v29, v0  }
0x6a: {  	v33 =	vld [tilespmem:s12+$0xFFFFFF90];
	v1 =	vadd.f32 v30, v1  }
0x6b: {  	v0 =	vadd.f32 v2, v0;
	v2 =	vld [tilespmem:s17+$0xFFFFFF90]  }
0x6c: {  	v1 =	vadd.f32 v3, v1;
	v3 =	vld [tilespmem:s12+$0xFFFFFFA0]  }
0x6d: {  	v34 =	vld [tilespmem:s17+$0xFFFFFFA0];
	v0 =	vadd.f32 v31, v0  }
0x6e: {  	v35 =	vld [tilespmem:s12+$0xFFFFFFB0];
	v1 =	vadd.f32 v32, v1  }
0x6f: {  	v36 =	vld [tilespmem:s17+$0xFFFFFFB0];
	v0 =	vadd.f32 v33, v0  }
0x70: {  	v1 =	vadd.f32 v2, v1;
	v2 =	vld [tilespmem:s12+$0xFFFFFFC0]  }
0x71: {  	v0 =	vadd.f32 v3, v0;
	v3 =	vld [tilespmem:s17+$0xFFFFFFC0]  }
0x72: {  	v37 =	vld [tilespmem:s12+$0xFFFFFFD0];
	v1 =	vadd.f32 v34, v1  }
0x73: {  	v38 =	vld [tilespmem:s17+$0xFFFFFFD0];
	v0 =	vadd.f32 v35, v0  }
0x74: {  	v39 =	vld [tilespmem:s12+$0xFFFFFFE0];
	v1 =	vadd.f32 v36, v1  }
0x75: {  	v0 =	vadd.f32 v2, v0;
	v2 =	vld [tilespmem:s17+$0xFFFFFFE0]  }
0x76: {  	v1 =	vadd.f32 v3, v1;
	v3 =	vld [tilespmem:s12+$0xFFFFFFF0]  }
0x77: {  	v40 =	vld [tilespmem:s17+$0xFFFFFFF0];
	v0 =	vadd.f32 v37, v0  }
0x78: {  	v1 =	vadd.f32 v38, v1  }
0x79: {  	v0 =	vadd.f32 v39, v0  }
0x7a: {  	v1 =	vadd.f32 v2, v1  }
0x7b: {  	v0 =	vadd.f32 v3, v0  }
0x7c: {  	v1 =	vadd.f32 v40, v1  }
0x7d: {  	v0 =	vmul.f32 $5.000000070e-02, v0  }
0x7e: {  	s28 =	simm.s32 $0x11F20;
	v1 =	vmul.f32 $5.000000070e-02, v1  }
0x7f: {  	[tilespmem:s28+$0xFFFFFFF0] =	vst v0  }
0x80: {  	[tilespmem:s28+$0xFFFFFFE0] =	vst v1  }
0x81: {  	v0 =	vld [tilespmem:s17+$0x0]  }
0x82: {  	v1 =	vld [tilespmem:s12+$0x0]  }
0x83: {  	v2 =	vld [tilespmem:s12+$0x10]  }
0x84: {  	v3 =	vld [tilespmem:s17+$0x10]  }
0x85: {  	v41 =	vld [tilespmem:s12+$0x20]  }
0x86: {  	v42 =	vld [tilespmem:s17+$0x20]  }
0x87: {  	v43 =	vld [tilespmem:s12+$0x30]  }
0x88: {  	v1 =	vadd.f32 v2, v1;
	v2 =	vld [tilespmem:s17+$0x30]  }
0x89: {  	v7 =	vld [tilespmem:s12+$0x40];
	v0 =	vadd.f32 v3, v0  }
0x8a: {  	v3 =	vld [tilespmem:s17+$0x40]  }
0x8b: {  	v44 =	vld [tilespmem:s12+$0x50];
	v1 =	vadd.f32 v41, v1;
	v0 =	vadd.f32 v42, v0  }
0x8c: {  	v45 =	vld [tilespmem:s17+$0x50]  }
0x8d: {  	v46 =	vld [tilespmem:s12+$0x60];
	v1 =	vadd.f32 v43, v1;
	v0 =	vadd.f32 v2, v0  }
0x8e: {  	v2 =	vld [tilespmem:s17+$0x60]  }
0x8f: {  	v47 =	vld [tilespmem:s12+$0x70];
	v1 =	vadd.f32 v7, v1;
	v0 =	vadd.f32 v3, v0  }
0x90: {  	v3 =	vld [tilespmem:s17+$0x70]  }
0x91: {  	v48 =	vld [tilespmem:s12+$0x80];
	v1 =	vadd.f32 v44, v1;
	v0 =	vadd.f32 v45, v0  }
0x92: {  	v49 =	vld [tilespmem:s17+$0x80]  }
0x93: {  	v50 =	vld [tilespmem:s12+$0x90];
	v1 =	vadd.f32 v46, v1;
	v0 =	vadd.f32 v2, v0  }
0x94: {  	v2 =	vld [tilespmem:s17+$0x90]  }
0x95: {  	v51 =	vld [tilespmem:s12+$0xA0];
	v1 =	vadd.f32 v47, v1;
	v0 =	vadd.f32 v3, v0  }
0x96: {  	v3 =	vld [tilespmem:s17+$0xA0]  }
0x97: {  	v52 =	vld [tilespmem:s12+$0xB0];
	v1 =	vadd.f32 v48, v1;
	v0 =	vadd.f32 v49, v0  }
0x98: {  	v53 =	vld [tilespmem:s17+$0xB0]  }
0x99: {  	v54 =	vld [tilespmem:s12+$0xC0];
	v1 =	vadd.f32 v50, v1;
	v0 =	vadd.f32 v2, v0  }
0x9a: {  	v2 =	vld [tilespmem:s17+$0xC0]  }
0x9b: {  	v55 =	vld [tilespmem:s12+$0xD0];
	v1 =	vadd.f32 v51, v1;
	v0 =	vadd.f32 v3, v0  }
0x9c: {  	v3 =	vld [tilespmem:s17+$0xD0]  }
0x9d: {  	v56 =	vld [tilespmem:s12+$0xE0];
	v1 =	vadd.f32 v52, v1;
	v0 =	vadd.f32 v53, v0  }
0x9e: {  	v57 =	vld [tilespmem:s17+$0xE0]  }
0x9f: {  	v58 =	vld [tilespmem:s12+$0xF0];
	v1 =	vadd.f32 v54, v1;
	v0 =	vadd.f32 v2, v0  }
0xa0: {  	v2 =	vld [tilespmem:s17+$0xF0]  }
0xa1: {  	v59 =	vld [tilespmem:s12+$0x100];
	v1 =	vadd.f32 v55, v1;
	v0 =	vadd.f32 v3, v0  }
0xa2: {  	v3 =	vld [tilespmem:s17+$0x100]  }
0xa3: {  	v60 =	vld [tilespmem:s12+$0x110];
	v1 =	vadd.f32 v56, v1;
	v0 =	vadd.f32 v57, v0  }
0xa4: {  	v61 =	vld [tilespmem:s17+$0x110]  }
0xa5: {  	v1 =	vadd.f32 v58, v1;
	v0 =	vadd.f32 v2, v0  }
0xa6: {  	v62 =	vld [tilespmem:s12+$0x120]  }
0xa7: {  	v2 =	vld [tilespmem:s17+$0x120];
	v1 =	vadd.f32 v59, v1;
	v0 =	vadd.f32 v3, v0  }
0xa8: {  	v63 =	vld [tilespmem:s12+$0x130]  }
0xa9: {  	v1 =	vadd.f32 v60, v1;
	v3 =	vadd.f32 v61, v0;
	v0 =	vld [tilespmem:s17+$0x130];
	_ =	sdelay $0x1  }
0xaa: {  	v1 =	vadd.f32 v62, v1  }
0xab: {  	v2 =	vadd.f32 v2, v3  }
0xac: {  	s15 =	simm.s32 $0x0;
	s25 =	simm.s32 $0xCC40;
	s12 =	simm.s32 $0x11F20;
	v1 =	vadd.f32 v63, v1  }
.LBB2_3:
0xad: {  	s15 =	sadd.s32 $0x2, s15;
	v0 =	vadd.f32 v0, v2;
	s17 =	sadd.s32 $0x280, s17;
	s28 =	sadd.s32 $0x40, s28  }
0xae: {  	p0 =	slt.u32 s15, $0x1E;
	v1 =	vmul.f32 $5.000000070e-02, v1  }
0xaf: {  	v0 =	vmul.f32 $5.000000070e-02, v0  }
0xb0: {  	[tilespmem:s12+$0x10] =	vst v1  }
0xb1: {  	[tilespmem:s12+$0x0] =	vst v0;
	s12 =	smov.u32 s28  }
0xb2: {  	v0 =	vld [tilespmem:s25+$0xFFFFFEC0]  }
0xb3: {  	v1 =	vld [tilespmem:s25+$0xFFFFFED0]  }
0xb4: {  	v2 =	vld [tilespmem:s17+$0xFFFFFED0]  }
0xb5: {  	v3 =	vld [tilespmem:s17+$0xFFFFFEC0]  }
0xb6: {  	v4 =	vld [tilespmem:s25+$0xFFFFFEE0]  }
0xb7: {  	v5 =	vld [tilespmem:s17+$0xFFFFFEE0]  }
0xb8: {  	v6 =	vld [tilespmem:s25+$0xFFFFFEF0]  }
0xb9: {  	v0 =	vadd.f32 v1, v0;
	v1 =	vld [tilespmem:s17+$0xFFFFFEF0]  }
0xba: {  	v2 =	vadd.f32 v2, v3;
	v3 =	vld [tilespmem:s25+$0xFFFFFF00]  }
0xbb: {  	v0 =	vadd.f32 v4, v0;
	v4 =	vld [tilespmem:s17+$0xFFFFFF00]  }
0xbc: {  	v2 =	vadd.f32 v5, v2;
	v5 =	vld [tilespmem:s25+$0xFFFFFF10]  }
0xbd: {  	v0 =	vadd.f32 v6, v0;
	v6 =	vld [tilespmem:s17+$0xFFFFFF10]  }
0xbe: {  	v1 =	vadd.f32 v1, v2;
	v2 =	vld [tilespmem:s25+$0xFFFFFF20]  }
0xbf: {  	v0 =	vadd.f32 v3, v0;
	v3 =	vld [tilespmem:s17+$0xFFFFFF20]  }
0xc0: {  	v1 =	vadd.f32 v4, v1;
	v4 =	vld [tilespmem:s25+$0xFFFFFF30]  }
0xc1: {  	v0 =	vadd.f32 v5, v0;
	v5 =	vld [tilespmem:s17+$0xFFFFFF30]  }
0xc2: {  	v1 =	vadd.f32 v6, v1;
	v6 =	vld [tilespmem:s25+$0xFFFFFF40]  }
0xc3: {  	v0 =	vadd.f32 v2, v0;
	v2 =	vld [tilespmem:s17+$0xFFFFFF40]  }
0xc4: {  	v1 =	vadd.f32 v3, v1;
	v3 =	vld [tilespmem:s25+$0xFFFFFF50]  }
0xc5: {  	v0 =	vadd.f32 v4, v0;
	v4 =	vld [tilespmem:s17+$0xFFFFFF50]  }
0xc6: {  	v1 =	vadd.f32 v5, v1;
	v5 =	vld [tilespmem:s25+$0xFFFFFF60]  }
0xc7: {  	v0 =	vadd.f32 v6, v0;
	v6 =	vld [tilespmem:s17+$0xFFFFFF60]  }
0xc8: {  	v1 =	vadd.f32 v2, v1;
	v2 =	vld [tilespmem:s25+$0xFFFFFF70]  }
0xc9: {  	v0 =	vadd.f32 v3, v0;
	v3 =	vld [tilespmem:s17+$0xFFFFFF70]  }
0xca: {  	v1 =	vadd.f32 v4, v1;
	v4 =	vld [tilespmem:s25+$0xFFFFFF80]  }
0xcb: {  	v0 =	vadd.f32 v5, v0;
	v5 =	vld [tilespmem:s17+$0xFFFFFF80]  }
0xcc: {  	v1 =	vadd.f32 v6, v1;
	v6 =	vld [tilespmem:s25+$0xFFFFFF90]  }
0xcd: {  	v0 =	vadd.f32 v2, v0;
	v2 =	vld [tilespmem:s17+$0xFFFFFF90]  }
0xce: {  	v1 =	vadd.f32 v3, v1;
	v3 =	vld [tilespmem:s25+$0xFFFFFFA0]  }
0xcf: {  	v0 =	vadd.f32 v4, v0;
	v4 =	vld [tilespmem:s17+$0xFFFFFFA0]  }
0xd0: {  	v1 =	vadd.f32 v5, v1;
	v5 =	vld [tilespmem:s25+$0xFFFFFFB0]  }
0xd1: {  	v0 =	vadd.f32 v6, v0;
	v6 =	vld [tilespmem:s17+$0xFFFFFFB0]  }
0xd2: {  	v1 =	vadd.f32 v2, v1;
	v2 =	vld [tilespmem:s25+$0xFFFFFFC0]  }
0xd3: {  	v0 =	vadd.f32 v3, v0;
	v3 =	vld [tilespmem:s17+$0xFFFFFFC0]  }
0xd4: {  	v1 =	vadd.f32 v4, v1;
	v4 =	vld [tilespmem:s25+$0xFFFFFFD0]  }
0xd5: {  	v0 =	vadd.f32 v5, v0;
	v5 =	vld [tilespmem:s17+$0xFFFFFFD0]  }
0xd6: {  	v1 =	vadd.f32 v6, v1;
	v6 =	vld [tilespmem:s25+$0xFFFFFFE0]  }
0xd7: {  	v0 =	vadd.f32 v2, v0;
	v2 =	vld [tilespmem:s17+$0xFFFFFFE0]  }
0xd8: {  	v1 =	vadd.f32 v3, v1;
	v3 =	vld [tilespmem:s25+$0xFFFFFFF0]  }
0xd9: {  	v0 =	vadd.f32 v4, v0;
	v4 =	vld [tilespmem:s17+$0xFFFFFFF0]  }
0xda: {  	v1 =	vadd.f32 v5, v1  }
0xdb: {  	v0 =	vadd.f32 v6, v0  }
0xdc: {  	v1 =	vadd.f32 v2, v1  }
0xdd: {  	v0 =	vadd.f32 v3, v0  }
0xde: {  	v1 =	vadd.f32 v4, v1  }
0xdf: {  	v0 =	vmul.f32 $5.000000070e-02, v0  }
0xe0: {  	v1 =	vmul.f32 $5.000000070e-02, v1  }
0xe1: {  	[tilespmem:s28+$0xFFFFFFF0] =	vst v0  }
0xe2: {  	[tilespmem:s28+$0xFFFFFFE0] =	vst v1  }
0xe3: {  	v0 =	vld [tilespmem:s17+$0x0]  }
0xe4: {  	v1 =	vld [tilespmem:s25+$0x0]  }
0xe5: {  	v2 =	vld [tilespmem:s25+$0x10]  }
0xe6: {  	v3 =	vld [tilespmem:s17+$0x10]  }
0xe7: {  	v4 =	vld [tilespmem:s25+$0x20]  }
0xe8: {  	v5 =	vld [tilespmem:s17+$0x20]  }
0xe9: {  	v6 =	vld [tilespmem:s25+$0x30]  }
0xea: {  	v1 =	vadd.f32 v2, v1;
	v2 =	vld [tilespmem:s17+$0x30]  }
0xeb: {  	v0 =	vadd.f32 v3, v0;
	v3 =	vld [tilespmem:s25+$0x40]  }
0xec: {  	v1 =	vadd.f32 v4, v1;
	v4 =	vld [tilespmem:s17+$0x40]  }
0xed: {  	v0 =	vadd.f32 v5, v0;
	v5 =	vld [tilespmem:s25+$0x50]  }
0xee: {  	v1 =	vadd.f32 v6, v1;
	v6 =	vld [tilespmem:s17+$0x50]  }
0xef: {  	v0 =	vadd.f32 v2, v0;
	v2 =	vld [tilespmem:s25+$0x60]  }
0xf0: {  	v1 =	vadd.f32 v3, v1;
	v3 =	vld [tilespmem:s17+$0x60]  }
0xf1: {  	v0 =	vadd.f32 v4, v0;
	v4 =	vld [tilespmem:s25+$0x70]  }
0xf2: {  	v1 =	vadd.f32 v5, v1;
	v5 =	vld [tilespmem:s17+$0x70]  }
0xf3: {  	v0 =	vadd.f32 v6, v0;
	v6 =	vld [tilespmem:s25+$0x80]  }
0xf4: {  	v1 =	vadd.f32 v2, v1;
	v2 =	vld [tilespmem:s17+$0x80]  }
0xf5: {  	v0 =	vadd.f32 v3, v0;
	v3 =	vld [tilespmem:s25+$0x90]  }
0xf6: {  	v1 =	vadd.f32 v4, v1;
	v4 =	vld [tilespmem:s17+$0x90]  }
0xf7: {  	v0 =	vadd.f32 v5, v0;
	v5 =	vld [tilespmem:s25+$0xA0]  }
0xf8: {  	v1 =	vadd.f32 v6, v1;
	v6 =	vld [tilespmem:s17+$0xA0]  }
0xf9: {  	v0 =	vadd.f32 v2, v0;
	v2 =	vld [tilespmem:s25+$0xB0]  }
0xfa: {  	v1 =	vadd.f32 v3, v1;
	v3 =	vld [tilespmem:s17+$0xB0]  }
0xfb: {  	v0 =	vadd.f32 v4, v0;
	v4 =	vld [tilespmem:s25+$0xC0]  }
0xfc: {  	v1 =	vadd.f32 v5, v1;
	v5 =	vld [tilespmem:s17+$0xC0]  }
0xfd: {  	v0 =	vadd.f32 v6, v0;
	v6 =	vld [tilespmem:s25+$0xD0]  }
0xfe: {  	v1 =	vadd.f32 v2, v1;
	v2 =	vld [tilespmem:s17+$0xD0]  }
0xff: {  	v0 =	vadd.f32 v3, v0;
	v3 =	vld [tilespmem:s25+$0xE0]  }
0x100: {  	v1 =	vadd.f32 v4, v1;
	v4 =	vld [tilespmem:s17+$0xE0]  }
0x101: {  	v0 =	vadd.f32 v5, v0;
	v5 =	vld [tilespmem:s25+$0xF0]  }
0x102: {  	v1 =	vadd.f32 v6, v1;
	v6 =	vld [tilespmem:s17+$0xF0]  }
0x103: {  	v0 =	vadd.f32 v2, v0;
	v2 =	vld [tilespmem:s25+$0x100]  }
0x104: {  	v1 =	vadd.f32 v3, v1;
	v3 =	vld [tilespmem:s17+$0x100]  }
0x105: {  	v0 =	vadd.f32 v4, v0;
	v4 =	vld [tilespmem:s25+$0x110]  }
0x106: {  	v1 =	vadd.f32 v5, v1;
	v5 =	vld [tilespmem:s17+$0x110]  }
0x107: {  	v0 =	vadd.f32 v6, v0;
	v6 =	vld [tilespmem:s25+$0x120]  }
0x108: {  	v1 =	vadd.f32 v2, v1;
	v2 =	vld [tilespmem:s17+$0x120]  }
0x109: {  	v3 =	vadd.f32 v3, v0;
	v7 =	vld [tilespmem:s25+$0x130]  }
.Ltmp2:
0x10a: {  	v1 =	vadd.f32 v4, v1;
	v0 =	vld [tilespmem:s17+$0x130];
	(pc) =	sbr.rel @p0 .LBB2_3-.Ltmp2, $4  }
0x10b: {  	v3 =	vadd.f32 v5, v3  }
0x10c: {  	v1 =	vadd.f32 v6, v1  }
0x10d: {  	v2 =	vadd.f32 v2, v3  }
0x10e: {  	s25 =	sadd.s32 $0x280, s25;
	v1 =	vadd.f32 v7, v1  }
0x10f: {  	v0 =	vadd.f32 v0, v2;
	s17 =	sshll.u32 s20, $0x6  }
0x110: {  	v1 =	vmul.f32 $5.000000070e-02, v1;
	s28 =	sor.u32 s7, s17  }
0x111: {  	v0 =	vmul.f32 $5.000000070e-02, v0;
	s15 =	smul.u32 $0x34, s28  }
0x112: {  	[tilespmem:s12+$0x10] =	vst v1  }
0x113: {  	s25 =	simm.s32 $0x1080;
	[tilespmem:s12+$0x0] =	vst v0;
	s19 =	sadd.s32 s9, s15  }
0x114: {  	[hbm4b:s19+s1] =	stream.linear.scatter [tilespmem:s25], [sflag:$0x3], $0x3400, $0x38;
	[tilespmem:$0x12700] =	vst v63  }
0x115: {  	s19 =	sshll.u32 s28, $0x2  }
0x116: {  	s25 =	smul.u32 $0x1A, s28;
	s12 =	sadd.s32 s10, s19;
	s19 =	simm.s32 $0x11F00  }
0x117: {  	[hbm4b:s12+s1] =	stream.linear.scatter [tilespmem:s19], [sflag:$0x3], $0x400, $0x38;
	[tilespmem:$0x12700] =	vst v63  }
0x118: {  	s15 =	sshrl.u32 s25, $0x3  }
0x119: {  	s19 =	simm.s32 $0x11880;
	s12 =	sadd.s32 s11, s15  }
0x11a: {  	[hbm4b:s12+s1] =	stream.linear.scatter [tilespmem:s19], [sflag:$0x3], $0x340, $0x38;
	[tilespmem:$0x12700] =	vst v63  }
0x11b: {  	_ =	swait.ge [sflag:s13], $0x3400  }
0x11c: {  	[sflag:s13] =	ssyncset.done $0x0  }
0x11d: {  	[sflag:s13] =	ssyncadd.s32 $0xFFFFCC00  }
0x11e: {  	p0 =	seq.s32 s20, $0x3;
	_ =	swait.ge [sflag:s13], $0x400  }
0x11f: {  	s12 =	sadd.s32 @!p0 s17, s18;
	[sflag:s13] =	ssyncset.done $0x0  }
0x120: {  	s15 =	smul.u32 @!p0 $0x1A, s12;
	[sflag:s13] =	ssyncadd.s32 $0xFFFFFC00  }
0x121: {  	_ =	swait.ge [sflag:s13], $0x340  }
0x122: {  	s15 =	sshrl.u32 @!p0 s15, $0x3;
	[sflag:s13] =	ssyncset.done $0x0  }
0x123: {  	s25 =	simm.s32 @!p0 $0x0;
	s15 =	sadd.s32 @!p0 s3, s15;
	[sflag:s13] =	ssyncadd.s32 $0xFFFFFCC0  }
0x124: {  	[tilespmem:s25], [sflag:$0x5] =	stream.linear.gather @!p0 [hbm4b:s15+s25], $0x340, $0x38;
	[tilespmem:$0x12700] =	vst v63  }
0x125: {  	s12 =	smul.u32 @!p0 $0x14, s12;
	s15 =	simm.s32 @!p0 $0x5  }
0x126: {  	_ =	swait.ge @!p0 [sflag:s15], $0x340  }
0x127: {  	s12 =	sshrl.u32 @!p0 s12, $0x3;
	[sflag:s15] =	ssyncset.done @!p0 $0x0  }
0x128: {  	s30 =	simm.s32 @!p0 $0x680;
	s29 =	sadd.s32 @!p0 s4, s12;
	[sflag:s15] =	ssyncadd.s32 @!p0 $0xFFFFFCC0  }
0x129: {  	[tilespmem:s30], [sflag:$0x5] =	stream.linear.gather @!p0 [hbm4b:s29+s25], $0x280, $0x38;
	[tilespmem:$0x12700] =	vst v63  }
0x12a: {  	_ =	swait.ge @!p0 [sflag:s15], $0x280  }
0x12b: {  	[sflag:s15] =	ssyncset.done @!p0 $0x0  }
0x12c: {  	s12 =	sadd.s32 @!p0 s5, s12;
	s29 =	simm.s32 @!p0 $0xB80;
	[sflag:s15] =	ssyncadd.s32 @!p0 $0xFFFFFD80  }
0x12d: {  	[tilespmem:s29], [sflag:$0x5] =	stream.linear.gather @!p0 [hbm4b:s12+s25], $0x280, $0x38;
	[tilespmem:$0x12700] =	vst v63  }
0x12e: {  	_ =	swait.ge @!p0 [sflag:s15], $0x280  }
0x12f: {  	[sflag:s15] =	ssyncset.done @!p0 $0x0  }
0x130: {  	s12 =	simm.s32 @!p0 $0x340;
	[sflag:s15] =	ssyncadd.s32 @!p0 $0xFFFFFD80;
	s15 =	simm.s32 @!p0 $0x1080  }
0x131: {  	[tilespmem:s15], [sflag:$0x1] =	stream.indirect.gather @!p0 [hbm4b:s8+s12], $0x10, s25, s12, $0xb8;
	[tilespmem:$0x12700] =	vst v63  }
0x132: {  	s19 =	simm.s32 @!p0 $0x7880;
	s15 =	simm.s32 @!p0 $0x280  }
0x133: {  	[tilespmem:s19], [sflag:$0x1] =	stream.indirect.gather @!p0 [hbm4b:s8+s15], $0x10, s30, s15, $0xb8;
	[tilespmem:$0x12700] =	vst v63  }
0x134: {  	s19 =	simm.s32 @!p0 $0xC880  }
0x135: {  	[tilespmem:s19], [sflag:$0x1] =	stream.indirect.gather @!p0 [hbm4b:s8+s15], $0x10, s29, s15, $0xb8;
	[tilespmem:$0x12700] =	vst v63  }
0x136: {  	s15 =	simm.s32 @!p0 $0x11880  }
0x137: {  	[tilespmem:s15], [sflag:$0x1] =	stream.indirect.gather @!p0 [hbm4b:s6+s12], $0x1, s25, s12, $0xb8;
	[tilespmem:$0x12700] =	vst v63  }
0x138: {  	_ =	swait.ge [sflag:s14], $0x3400  }
0x139: {  	[sflag:s14] =	ssyncset.done $0x0  }
0x13a: {  	[sflag:s14] =	ssyncadd.s32 $0xFFFFCC00  }
0x13b: {  	_ =	swait.ge [sflag:s14], $0x2800  }
0x13c: {  	[sflag:s14] =	ssyncset.done $0x0  }
0x13d: {  	[sflag:s14] =	ssyncadd.s32 $0xFFFFD800  }
0x13e: {  	_ =	swait.ge [sflag:s14], $0x2800  }
0x13f: {  	[sflag:s14] =	ssyncset.done $0x0  }
0x140: {  	[sflag:s14] =	ssyncadd.s32 $0xFFFFD800  }
0x141: {  	_ =	swait.ge [sflag:s14], $0x340  }
0x142: {  	[sflag:s14] =	ssyncset.done $0x0  }
0x143: {  	s25 =	simm.s32 $0xF1C0;
	[sflag:s14] =	ssyncadd.s32 $0xFFFFFCC0  }
0x144: {  	v0 =	vld [tilespmem:s25+$0xFFFFFEC0]  }
0x145: {  	s29 =	simm.s32 $0xA1C0;
	v1 =	vld [tilespmem:s25+$0xFFFFFED0]  }
0x146: {  	v2 =	vld [tilespmem:s29+$0xFFFFFED0]  }
0x147: {  	v3 =	vld [tilespmem:s29+$0xFFFFFEC0]  }
0x148: {  	v4 =	vld [tilespmem:s25+$0xFFFFFEE0]  }
0x149: {  	v5 =	vld [tilespmem:s29+$0xFFFFFEE0]  }
0x14a: {  	v6 =	vld [tilespmem:s25+$0xFFFFFEF0]  }
0x14b: {  	v0 =	vadd.f32 v1, v0;
	v1 =	vld [tilespmem:s29+$0xFFFFFEF0]  }
0x14c: {  	v2 =	vadd.f32 v2, v3;
	v3 =	vld [tilespmem:s25+$0xFFFFFF00]  }
0x14d: {  	v22 =	vld [tilespmem:s29+$0xFFFFFF00];
	v0 =	vadd.f32 v4, v0  }
0x14e: {  	v23 =	vld [tilespmem:s25+$0xFFFFFF10];
	v2 =	vadd.f32 v5, v2  }
0x14f: {  	v24 =	vld [tilespmem:s29+$0xFFFFFF10];
	v0 =	vadd.f32 v6, v0  }
0x150: {  	v1 =	vadd.f32 v1, v2;
	v2 =	vld [tilespmem:s25+$0xFFFFFF20]  }
0x151: {  	v0 =	vadd.f32 v3, v0;
	v3 =	vld [tilespmem:s29+$0xFFFFFF20]  }
0x152: {  	v25 =	vld [tilespmem:s25+$0xFFFFFF30];
	v1 =	vadd.f32 v22, v1  }
0x153: {  	v26 =	vld [tilespmem:s29+$0xFFFFFF30];
	v0 =	vadd.f32 v23, v0  }
0x154: {  	v27 =	vld [tilespmem:s25+$0xFFFFFF40];
	v1 =	vadd.f32 v24, v1  }
0x155: {  	v0 =	vadd.f32 v2, v0;
	v2 =	vld [tilespmem:s29+$0xFFFFFF40]  }
0x156: {  	v1 =	vadd.f32 v3, v1;
	v3 =	vld [tilespmem:s25+$0xFFFFFF50]  }
0x157: {  	v28 =	vld [tilespmem:s29+$0xFFFFFF50];
	v0 =	vadd.f32 v25, v0  }
0x158: {  	v29 =	vld [tilespmem:s25+$0xFFFFFF60];
	v1 =	vadd.f32 v26, v1  }
0x159: {  	v30 =	vld [tilespmem:s29+$0xFFFFFF60];
	v0 =	vadd.f32 v27, v0  }
0x15a: {  	v1 =	vadd.f32 v2, v1;
	v2 =	vld [tilespmem:s25+$0xFFFFFF70]  }
0x15b: {  	v0 =	vadd.f32 v3, v0;
	v3 =	vld [tilespmem:s29+$0xFFFFFF70]  }
0x15c: {  	v31 =	vld [tilespmem:s25+$0xFFFFFF80];
	v1 =	vadd.f32 v28, v1  }
0x15d: {  	v32 =	vld [tilespmem:s29+$0xFFFFFF80];
	v0 =	vadd.f32 v29, v0  }
0x15e: {  	v33 =	vld [tilespmem:s25+$0xFFFFFF90];
	v1 =	vadd.f32 v30, v1  }
0x15f: {  	v0 =	vadd.f32 v2, v0;
	v2 =	vld [tilespmem:s29+$0xFFFFFF90]  }
0x160: {  	v1 =	vadd.f32 v3, v1;
	v3 =	vld [tilespmem:s25+$0xFFFFFFA0]  }
0x161: {  	v34 =	vld [tilespmem:s29+$0xFFFFFFA0];
	v0 =	vadd.f32 v31, v0  }
0x162: {  	v35 =	vld [tilespmem:s25+$0xFFFFFFB0];
	v1 =	vadd.f32 v32, v1  }
0x163: {  	v36 =	vld [tilespmem:s29+$0xFFFFFFB0];
	v0 =	vadd.f32 v33, v0  }
0x164: {  	v1 =	vadd.f32 v2, v1;
	v2 =	vld [tilespmem:s25+$0xFFFFFFC0]  }
0x165: {  	v0 =	vadd.f32 v3, v0;
	v3 =	vld [tilespmem:s29+$0xFFFFFFC0]  }
0x166: {  	v37 =	vld [tilespmem:s25+$0xFFFFFFD0];
	v1 =	vadd.f32 v34, v1  }
0x167: {  	v38 =	vld [tilespmem:s29+$0xFFFFFFD0];
	v0 =	vadd.f32 v35, v0  }
0x168: {  	v39 =	vld [tilespmem:s25+$0xFFFFFFE0];
	v1 =	vadd.f32 v36, v1  }
0x169: {  	v0 =	vadd.f32 v2, v0;
	v2 =	vld [tilespmem:s29+$0xFFFFFFE0]  }
0x16a: {  	v1 =	vadd.f32 v3, v1;
	v3 =	vld [tilespmem:s25+$0xFFFFFFF0]  }
0x16b: {  	v40 =	vld [tilespmem:s29+$0xFFFFFFF0];
	v0 =	vadd.f32 v37, v0  }
0x16c: {  	v1 =	vadd.f32 v38, v1  }
0x16d: {  	v0 =	vadd.f32 v39, v0  }
0x16e: {  	v1 =	vadd.f32 v2, v1  }
0x16f: {  	v0 =	vadd.f32 v3, v0  }
0x170: {  	v1 =	vadd.f32 v40, v1  }
0x171: {  	v0 =	vmul.f32 $5.000000070e-02, v0  }
0x172: {  	s12 =	simm.s32 $0x12320;
	v1 =	vmul.f32 $5.000000070e-02, v1  }
0x173: {  	[tilespmem:s12+$0xFFFFFFF0] =	vst v0  }
0x174: {  	[tilespmem:s12+$0xFFFFFFE0] =	vst v1  }
0x175: {  	v0 =	vld [tilespmem:s29+$0x0]  }
0x176: {  	v1 =	vld [tilespmem:s25+$0x0]  }
0x177: {  	v2 =	vld [tilespmem:s25+$0x10]  }
0x178: {  	v3 =	vld [tilespmem:s29+$0x10]  }
0x179: {  	v41 =	vld [tilespmem:s25+$0x20]  }
0x17a: {  	v42 =	vld [tilespmem:s29+$0x20]  }
0x17b: {  	v43 =	vld [tilespmem:s25+$0x30]  }
0x17c: {  	v1 =	vadd.f32 v2, v1;
	v2 =	vld [tilespmem:s29+$0x30]  }
0x17d: {  	v7 =	vld [tilespmem:s25+$0x40];
	v0 =	vadd.f32 v3, v0  }
0x17e: {  	v3 =	vld [tilespmem:s29+$0x40]  }
0x17f: {  	v44 =	vld [tilespmem:s25+$0x50];
	v1 =	vadd.f32 v41, v1;
	v0 =	vadd.f32 v42, v0  }
0x180: {  	v45 =	vld [tilespmem:s29+$0x50]  }
0x181: {  	v46 =	vld [tilespmem:s25+$0x60];
	v1 =	vadd.f32 v43, v1;
	v0 =	vadd.f32 v2, v0  }
0x182: {  	v2 =	vld [tilespmem:s29+$0x60]  }
0x183: {  	v47 =	vld [tilespmem:s25+$0x70];
	v1 =	vadd.f32 v7, v1;
	v0 =	vadd.f32 v3, v0  }
0x184: {  	v3 =	vld [tilespmem:s29+$0x70]  }
0x185: {  	v48 =	vld [tilespmem:s25+$0x80];
	v1 =	vadd.f32 v44, v1;
	v0 =	vadd.f32 v45, v0  }
0x186: {  	v49 =	vld [tilespmem:s29+$0x80]  }
0x187: {  	v50 =	vld [tilespmem:s25+$0x90];
	v1 =	vadd.f32 v46, v1;
	v0 =	vadd.f32 v2, v0  }
0x188: {  	v2 =	vld [tilespmem:s29+$0x90]  }
0x189: {  	v51 =	vld [tilespmem:s25+$0xA0];
	v1 =	vadd.f32 v47, v1;
	v0 =	vadd.f32 v3, v0  }
0x18a: {  	v3 =	vld [tilespmem:s29+$0xA0]  }
0x18b: {  	v52 =	vld [tilespmem:s25+$0xB0];
	v1 =	vadd.f32 v48, v1;
	v0 =	vadd.f32 v49, v0  }
0x18c: {  	v53 =	vld [tilespmem:s29+$0xB0]  }
0x18d: {  	v54 =	vld [tilespmem:s25+$0xC0];
	v1 =	vadd.f32 v50, v1;
	v0 =	vadd.f32 v2, v0  }
0x18e: {  	v2 =	vld [tilespmem:s29+$0xC0]  }
0x18f: {  	v55 =	vld [tilespmem:s25+$0xD0];
	v1 =	vadd.f32 v51, v1;
	v0 =	vadd.f32 v3, v0  }
0x190: {  	v3 =	vld [tilespmem:s29+$0xD0]  }
0x191: {  	v56 =	vld [tilespmem:s25+$0xE0];
	v1 =	vadd.f32 v52, v1;
	v0 =	vadd.f32 v53, v0  }
0x192: {  	v57 =	vld [tilespmem:s29+$0xE0]  }
0x193: {  	v58 =	vld [tilespmem:s25+$0xF0];
	v1 =	vadd.f32 v54, v1;
	v0 =	vadd.f32 v2, v0  }
0x194: {  	v2 =	vld [tilespmem:s29+$0xF0]  }
0x195: {  	v59 =	vld [tilespmem:s25+$0x100];
	v1 =	vadd.f32 v55, v1;
	v0 =	vadd.f32 v3, v0  }
0x196: {  	v3 =	vld [tilespmem:s29+$0x100]  }
0x197: {  	v60 =	vld [tilespmem:s25+$0x110];
	v1 =	vadd.f32 v56, v1;
	v0 =	vadd.f32 v57, v0  }
0x198: {  	v61 =	vld [tilespmem:s29+$0x110]  }
0x199: {  	v1 =	vadd.f32 v58, v1;
	v0 =	vadd.f32 v2, v0  }
0x19a: {  	v62 =	vld [tilespmem:s25+$0x120]  }
0x19b: {  	v2 =	vld [tilespmem:s29+$0x120];
	v1 =	vadd.f32 v59, v1;
	v0 =	vadd.f32 v3, v0  }
0x19c: {  	v63 =	vld [tilespmem:s25+$0x130]  }
0x19d: {  	v1 =	vadd.f32 v60, v1;
	v3 =	vadd.f32 v61, v0;
	v0 =	vld [tilespmem:s29+$0x130];
	_ =	sdelay $0x1  }
0x19e: {  	v1 =	vadd.f32 v62, v1  }
0x19f: {  	v2 =	vadd.f32 v2, v3  }
0x1a0: {  	s30 =	simm.s32 $0xF440;
	s15 =	simm.s32 $0x12320;
	s25 =	simm.s32 $0x0;
	v1 =	vadd.f32 v63, v1  }
.LBB2_5:
0x1a1: {  	s25 =	sadd.s32 $0x2, s25;
	v0 =	vadd.f32 v0, v2;
	s29 =	sadd.s32 $0x280, s29;
	s12 =	sadd.s32 $0x40, s12  }
0x1a2: {  	p1 =	slt.u32 s25, $0x1E;
	v1 =	vmul.f32 $5.000000070e-02, v1  }
0x1a3: {  	v0 =	vmul.f32 $5.000000070e-02, v0  }
0x1a4: {  	[tilespmem:s15+$0x10] =	vst v1  }
0x1a5: {  	[tilespmem:s15+$0x0] =	vst v0;
	s15 =	smov.u32 s12  }
0x1a6: {  	v0 =	vld [tilespmem:s30+$0xFFFFFEC0]  }
0x1a7: {  	v1 =	vld [tilespmem:s30+$0xFFFFFED0]  }
0x1a8: {  	v2 =	vld [tilespmem:s29+$0xFFFFFED0]  }
0x1a9: {  	v3 =	vld [tilespmem:s29+$0xFFFFFEC0]  }
0x1aa: {  	v4 =	vld [tilespmem:s30+$0xFFFFFEE0]  }
0x1ab: {  	v5 =	vld [tilespmem:s29+$0xFFFFFEE0]  }
0x1ac: {  	v6 =	vld [tilespmem:s30+$0xFFFFFEF0]  }
0x1ad: {  	v0 =	vadd.f32 v1, v0;
	v1 =	vld [tilespmem:s29+$0xFFFFFEF0]  }
0x1ae: {  	v2 =	vadd.f32 v2, v3;
	v3 =	vld [tilespmem:s30+$0xFFFFFF00]  }
0x1af: {  	v0 =	vadd.f32 v4, v0;
	v4 =	vld [tilespmem:s29+$0xFFFFFF00]  }
0x1b0: {  	v2 =	vadd.f32 v5, v2;
	v5 =	vld [tilespmem:s30+$0xFFFFFF10]  }
0x1b1: {  	v0 =	vadd.f32 v6, v0;
	v6 =	vld [tilespmem:s29+$0xFFFFFF10]  }
0x1b2: {  	v1 =	vadd.f32 v1, v2;
	v2 =	vld [tilespmem:s30+$0xFFFFFF20]  }
0x1b3: {  	v0 =	vadd.f32 v3, v0;
	v3 =	vld [tilespmem:s29+$0xFFFFFF20]  }
0x1b4: {  	v1 =	vadd.f32 v4, v1;
	v4 =	vld [tilespmem:s30+$0xFFFFFF30]  }
0x1b5: {  	v0 =	vadd.f32 v5, v0;
	v5 =	vld [tilespmem:s29+$0xFFFFFF30]  }
0x1b6: {  	v1 =	vadd.f32 v6, v1;
	v6 =	vld [tilespmem:s30+$0xFFFFFF40]  }
0x1b7: {  	v0 =	vadd.f32 v2, v0;
	v2 =	vld [tilespmem:s29+$0xFFFFFF40]  }
0x1b8: {  	v1 =	vadd.f32 v3, v1;
	v3 =	vld [tilespmem:s30+$0xFFFFFF50]  }
0x1b9: {  	v0 =	vadd.f32 v4, v0;
	v4 =	vld [tilespmem:s29+$0xFFFFFF50]  }
0x1ba: {  	v1 =	vadd.f32 v5, v1;
	v5 =	vld [tilespmem:s30+$0xFFFFFF60]  }
0x1bb: {  	v0 =	vadd.f32 v6, v0;
	v6 =	vld [tilespmem:s29+$0xFFFFFF60]  }
0x1bc: {  	v1 =	vadd.f32 v2, v1;
	v2 =	vld [tilespmem:s30+$0xFFFFFF70]  }
0x1bd: {  	v0 =	vadd.f32 v3, v0;
	v3 =	vld [tilespmem:s29+$0xFFFFFF70]  }
0x1be: {  	v1 =	vadd.f32 v4, v1;
	v4 =	vld [tilespmem:s30+$0xFFFFFF80]  }
0x1bf: {  	v0 =	vadd.f32 v5, v0;
	v5 =	vld [tilespmem:s29+$0xFFFFFF80]  }
0x1c0: {  	v1 =	vadd.f32 v6, v1;
	v6 =	vld [tilespmem:s30+$0xFFFFFF90]  }
0x1c1: {  	v0 =	vadd.f32 v2, v0;
	v2 =	vld [tilespmem:s29+$0xFFFFFF90]  }
0x1c2: {  	v1 =	vadd.f32 v3, v1;
	v3 =	vld [tilespmem:s30+$0xFFFFFFA0]  }
0x1c3: {  	v0 =	vadd.f32 v4, v0;
	v4 =	vld [tilespmem:s29+$0xFFFFFFA0]  }
0x1c4: {  	v1 =	vadd.f32 v5, v1;
	v5 =	vld [tilespmem:s30+$0xFFFFFFB0]  }
0x1c5: {  	v0 =	vadd.f32 v6, v0;
	v6 =	vld [tilespmem:s29+$0xFFFFFFB0]  }
0x1c6: {  	v1 =	vadd.f32 v2, v1;
	v2 =	vld [tilespmem:s30+$0xFFFFFFC0]  }
0x1c7: {  	v0 =	vadd.f32 v3, v0;
	v3 =	vld [tilespmem:s29+$0xFFFFFFC0]  }
0x1c8: {  	v1 =	vadd.f32 v4, v1;
	v4 =	vld [tilespmem:s30+$0xFFFFFFD0]  }
0x1c9: {  	v0 =	vadd.f32 v5, v0;
	v5 =	vld [tilespmem:s29+$0xFFFFFFD0]  }
0x1ca: {  	v1 =	vadd.f32 v6, v1;
	v6 =	vld [tilespmem:s30+$0xFFFFFFE0]  }
0x1cb: {  	v0 =	vadd.f32 v2, v0;
	v2 =	vld [tilespmem:s29+$0xFFFFFFE0]  }
0x1cc: {  	v1 =	vadd.f32 v3, v1;
	v3 =	vld [tilespmem:s30+$0xFFFFFFF0]  }
0x1cd: {  	v0 =	vadd.f32 v4, v0;
	v4 =	vld [tilespmem:s29+$0xFFFFFFF0]  }
0x1ce: {  	v1 =	vadd.f32 v5, v1  }
0x1cf: {  	v0 =	vadd.f32 v6, v0  }
0x1d0: {  	v1 =	vadd.f32 v2, v1  }
0x1d1: {  	v0 =	vadd.f32 v3, v0  }
0x1d2: {  	v1 =	vadd.f32 v4, v1  }
0x1d3: {  	v0 =	vmul.f32 $5.000000070e-02, v0  }
0x1d4: {  	v1 =	vmul.f32 $5.000000070e-02, v1  }
0x1d5: {  	[tilespmem:s12+$0xFFFFFFF0] =	vst v0  }
0x1d6: {  	[tilespmem:s12+$0xFFFFFFE0] =	vst v1  }
0x1d7: {  	v0 =	vld [tilespmem:s29+$0x0]  }
0x1d8: {  	v1 =	vld [tilespmem:s30+$0x0]  }
0x1d9: {  	v2 =	vld [tilespmem:s30+$0x10]  }
0x1da: {  	v3 =	vld [tilespmem:s29+$0x10]  }
0x1db: {  	v4 =	vld [tilespmem:s30+$0x20]  }
0x1dc: {  	v5 =	vld [tilespmem:s29+$0x20]  }
0x1dd: {  	v6 =	vld [tilespmem:s30+$0x30]  }
0x1de: {  	v1 =	vadd.f32 v2, v1;
	v2 =	vld [tilespmem:s29+$0x30]  }
0x1df: {  	v0 =	vadd.f32 v3, v0;
	v3 =	vld [tilespmem:s30+$0x40]  }
0x1e0: {  	v1 =	vadd.f32 v4, v1;
	v4 =	vld [tilespmem:s29+$0x40]  }
0x1e1: {  	v0 =	vadd.f32 v5, v0;
	v5 =	vld [tilespmem:s30+$0x50]  }
0x1e2: {  	v1 =	vadd.f32 v6, v1;
	v6 =	vld [tilespmem:s29+$0x50]  }
0x1e3: {  	v0 =	vadd.f32 v2, v0;
	v2 =	vld [tilespmem:s30+$0x60]  }
0x1e4: {  	v1 =	vadd.f32 v3, v1;
	v3 =	vld [tilespmem:s29+$0x60]  }
0x1e5: {  	v0 =	vadd.f32 v4, v0;
	v4 =	vld [tilespmem:s30+$0x70]  }
0x1e6: {  	v1 =	vadd.f32 v5, v1;
	v5 =	vld [tilespmem:s29+$0x70]  }
0x1e7: {  	v0 =	vadd.f32 v6, v0;
	v6 =	vld [tilespmem:s30+$0x80]  }
0x1e8: {  	v1 =	vadd.f32 v2, v1;
	v2 =	vld [tilespmem:s29+$0x80]  }
0x1e9: {  	v0 =	vadd.f32 v3, v0;
	v3 =	vld [tilespmem:s30+$0x90]  }
0x1ea: {  	v1 =	vadd.f32 v4, v1;
	v4 =	vld [tilespmem:s29+$0x90]  }
0x1eb: {  	v0 =	vadd.f32 v5, v0;
	v5 =	vld [tilespmem:s30+$0xA0]  }
0x1ec: {  	v1 =	vadd.f32 v6, v1;
	v6 =	vld [tilespmem:s29+$0xA0]  }
0x1ed: {  	v0 =	vadd.f32 v2, v0;
	v2 =	vld [tilespmem:s30+$0xB0]  }
0x1ee: {  	v1 =	vadd.f32 v3, v1;
	v3 =	vld [tilespmem:s29+$0xB0]  }
0x1ef: {  	v0 =	vadd.f32 v4, v0;
	v4 =	vld [tilespmem:s30+$0xC0]  }
0x1f0: {  	v1 =	vadd.f32 v5, v1;
	v5 =	vld [tilespmem:s29+$0xC0]  }
0x1f1: {  	v0 =	vadd.f32 v6, v0;
	v6 =	vld [tilespmem:s30+$0xD0]  }
0x1f2: {  	v1 =	vadd.f32 v2, v1;
	v2 =	vld [tilespmem:s29+$0xD0]  }
0x1f3: {  	v0 =	vadd.f32 v3, v0;
	v3 =	vld [tilespmem:s30+$0xE0]  }
0x1f4: {  	v1 =	vadd.f32 v4, v1;
	v4 =	vld [tilespmem:s29+$0xE0]  }
0x1f5: {  	v0 =	vadd.f32 v5, v0;
	v5 =	vld [tilespmem:s30+$0xF0]  }
0x1f6: {  	v1 =	vadd.f32 v6, v1;
	v6 =	vld [tilespmem:s29+$0xF0]  }
0x1f7: {  	v0 =	vadd.f32 v2, v0;
	v2 =	vld [tilespmem:s30+$0x100]  }
0x1f8: {  	v1 =	vadd.f32 v3, v1;
	v3 =	vld [tilespmem:s29+$0x100]  }
0x1f9: {  	v0 =	vadd.f32 v4, v0;
	v4 =	vld [tilespmem:s30+$0x110]  }
0x1fa: {  	v1 =	vadd.f32 v5, v1;
	v5 =	vld [tilespmem:s29+$0x110]  }
0x1fb: {  	v0 =	vadd.f32 v6, v0;
	v6 =	vld [tilespmem:s30+$0x120]  }
0x1fc: {  	v1 =	vadd.f32 v2, v1;
	v2 =	vld [tilespmem:s29+$0x120]  }
0x1fd: {  	v3 =	vadd.f32 v3, v0;
	v7 =	vld [tilespmem:s30+$0x130]  }
.Ltmp3:
0x1fe: {  	v1 =	vadd.f32 v4, v1;
	v0 =	vld [tilespmem:s29+$0x130];
	(pc) =	sbr.rel @p1 .LBB2_5-.Ltmp3, $4  }
0x1ff: {  	v3 =	vadd.f32 v5, v3  }
0x200: {  	v1 =	vadd.f32 v6, v1  }
0x201: {  	v2 =	vadd.f32 v2, v3  }
0x202: {  	s30 =	sadd.s32 $0x280, s30;
	v1 =	vadd.f32 v7, v1  }
0x203: {  	v0 =	vadd.f32 v0, v2  }
0x204: {  	s12 =	sor.u32 $0x20, s28;
	v1 =	vmul.f32 $5.000000070e-02, v1  }
0x205: {  	s19 =	smul.u32 $0x34, s12;
	v0 =	vmul.f32 $5.000000070e-02, v0  }
0x206: {  	[tilespmem:s15+$0x10] =	vst v1  }
0x207: {  	s29 =	sshll.u32 s12, $0x2;
	s12 =	smul.u32 $0x1A, s12;
	s28 =	sadd.s32 s9, s19;
	[tilespmem:s15+$0x0] =	vst v0  }
0x208: {  	[hbm4b:s28+s1] =	stream.linear.scatter [tilespmem:s2], [sflag:$0x4], $0x3400, $0x38;
	[tilespmem:$0x12700] =	vst v63  }
0x209: {  	s30 =	simm.s32 $0x12300;
	s12 =	sshrl.u32 s12, $0x3;
	s15 =	sadd.s32 s10, s29  }
0x20a: {  	[hbm4b:s15+s1] =	stream.linear.scatter [tilespmem:s30], [sflag:$0x4], $0x400, $0x38;
	[tilespmem:$0x12700] =	vst v63  }
0x20b: {  	s12 =	sadd.s32 s11, s12  }
0x20c: {  	[hbm4b:s12+s1] =	stream.linear.scatter [tilespmem:s22], [sflag:$0x4], $0x340, $0x38;
	[tilespmem:$0x12700] =	vst v63  }
0x20d: {  	_ =	swait.ge [sflag:s16], $0x3400  }
0x20e: {  	[sflag:s16] =	ssyncset.done $0x0  }
0x20f: {  	[sflag:s16] =	ssyncadd.s32 $0xFFFFCC00  }
0x210: {  	_ =	swait.ge [sflag:s16], $0x400  }
.Ltmp4:
0x211: {  	[sflag:s16] =	ssyncset.done $0x0;
	(pc) =	sbr.rel @p0 .LBB2_8-.Ltmp4, $4  }
0x212: {  	[sflag:s16] =	ssyncadd.s32 $0xFFFFFC00  }
0x213: {  	_ =	swait.ge [sflag:s16], $0x340  }
0x214: {  	[sflag:s16] =	ssyncset.done $0x0  }
0x215: {  	[sflag:s16] =	ssyncadd.s32 $0xFFFFFCC0  }
0x216: {  	s12 =	rddreg [dreg:$0x8]  }
0x217: {  	s12 =	sadd.s32 s17, s12  }
0x218: {  	s15 =	smul.u32 $0x1A, s12;
	_ =	sdelay $0x1  }
0x219: {  	s15 =	sshrl.u32 s15, $0x3  }
0x21a: {  	s12 =	smul.u32 $0x14, s12;
	s15 =	sadd.s32 s3, s15  }
0x21b: {  	[tilespmem:s24], [sflag:$0x5] =	stream.linear.gather [hbm4b:s15+s1], $0x340, $0x38;
	[tilespmem:$0x12700] =	vst v63  }
0x21c: {  	_ =	swait.ge [sflag:s21], $0x340  }
0x21d: {  	s12 =	sshrl.u32 s12, $0x3;
	[sflag:s21] =	ssyncset.done $0x0  }
0x21e: {  	s28 =	sadd.s32 s4, s12;
	[sflag:s21] =	ssyncadd.s32 $0xFFFFFCC0  }
0x21f: {  	[tilespmem:s31], [sflag:$0x5] =	stream.linear.gather [hbm4b:s28+s1], $0x280, $0x38;
	[tilespmem:$0x12700] =	vst v63  }
0x220: {  	_ =	swait.ge [sflag:s21], $0x280  }
0x221: {  	[sflag:s21] =	ssyncset.done $0x0  }
0x222: {  	s12 =	sadd.s32 s5, s12;
	[sflag:s21] =	ssyncadd.s32 $0xFFFFFD80  }
0x223: {  	[tilespmem:s0], [sflag:$0x5] =	stream.linear.gather [hbm4b:s12+s1], $0x280, $0x38;
	[tilespmem:$0x12700] =	vst v63  }
0x224: {  	_ =	swait.ge [sflag:s21], $0x280  }
0x225: {  	[sflag:s21] =	ssyncset.done $0x0  }
0x226: {  	[sflag:s21] =	ssyncadd.s32 $0xFFFFFD80  }
0x227: {  	[tilespmem:s2], [sflag:$0x2] =	stream.indirect.gather [hbm4b:s8+s24], $0x10, s24, s24, $0xb8;
	[tilespmem:$0x12700] =	vst v63  }
0x228: {  	s29 =	simm.s32 $0xA080  }
0x229: {  	[tilespmem:s29], [sflag:$0x2] =	stream.indirect.gather [hbm4b:s8+s26], $0x10, s31, s26, $0xb8;
	[tilespmem:$0x12700] =	vst v63  }
.Ltmp5:
0x22a: {  	_ = 	snop;
	(pc) =	sbr.rel .LBB2_2-.Ltmp5, $4  }
0x22b: {  	s30 =	simm.s32 $0xF080  }
0x22c: {  	[tilespmem:s30], [sflag:$0x2] =	stream.indirect.gather [hbm4b:s8+s26], $0x10, s0, s26, $0xb8;
	[tilespmem:$0x12700] =	vst v63  }
0x22d: {  	s20 =	sadd.s32 $0x1, s20  }
0x22e: {  	[tilespmem:s22], [sflag:$0x2] =	stream.indirect.gather [hbm4b:s6+s24], $0x1, s24, s24, $0xb8;
	[tilespmem:$0x12700] =	vst v63  }
.LBB2_9:
0x22f: {  	_ =	sfence.sel $0x180000  }
0x230: {  	[bflag:$0x0] =	sbarrier.arrive $0xFFFF  }
0x231: {  	_ =	strace $0x9000004D  }
0x232: {  	s0 =	stileid.u32;
	[bflag:$0x2] =	sbarrier.arrive $0xFFFF  }
0x233: {  	p0 =	sne.s32 s0, $0x0;
	s0 =	rddreg [dreg:$0x1]  }
0x234: {  	s0 =	sadd.s32 @!p0 $0x100000, s0  }
0x235: {  	[sflag:s0] =	ssyncadd.tile.s32 @!p0 $0x1;
	_ =	shalt  }
.Lfunc_end2:
_tile_overlayer_lowered:
.L_overlay_start_2:
0x236: {  	(tag) =	ssettag $0x2  }
0x237: {  	s0 =	rddreg [dreg:$0x0];
	s2 =	stileid.u32  }
0x238: {  	s1 =	rddreg [dreg:$0x1];
	p0 =	sne.s32 s2, $0x0  }
0x239: {  	s3 =	rddreg [dreg:$0x2];
	[bflag:$0x3] =	sbarrier.arrive $0xFFFF;
	s2 =	simm.s32 @!p0 $0x1C05  }
0x23a: {  	[timem:s3], [sflag:s2] =	dma.local @!p0 [hbm:s0], s1  }
0x23b: {  	s0 =	simm.s32 @!p0 $0x5  }
0x23c: {  	_ =	swait.ge @!p0 [sflag:s0], s1  }
0x23d: {  	s1 =	ssub.s32 @!p0 $0x0, s1;
	[sflag:s0] =	ssyncset.done @!p0 $0x0  }
0x23e: {  	[sflag:s0] =	ssyncadd.s32 @!p0 s1  }
0x23f: {  	[bflag:$0x3] =	sbarrier.arrive $0xFFFF  }
0x240: {  	_ =	shalt  }

// kernel: kernel.7.cloned.1.call-start
scs
__scs_entry_jumppad:
0x0: {  	(pc) =	sbr.rel $0x88, $3  }
0x1: {  	(tag) =	ssettag $0x0;
	lr =	simm.s32 $0x1  }
0x2: {  	[smem:$0x3F95] =	sst lr;
	_ =	strace $0xD0000000  }
0x3: {  	_ = 	snop  }
0x4: {  	_ = 	snop  }
0x5: {  	_ = 	snop  }
0x6: {  	_ = 	snop  }
0x7: {  	_ = 	snop  }
__scs_overlays_trampoline_lowered:
0x8: {  	[smem:$0x3FA4] =	sst s0  }
0x9: {  	[smem:$0x3FA5] =	sst s1  }
0xa: {  	[smem:$0x3FA6] =	sst s2  }
0xb: {  	[smem:$0x3FA7] =	sst s3  }
0xc: {  	[smem:$0x3FA8] =	sst s4  }
0xd: {  	[smem:$0x3FA9] =	sst s5  }
0xe: {  	[smem:$0x3FAA] =	sst s6  }
0xf: {  	[smem:$0x3FAB] =	sst s7  }
0x10: {  	[smem:$0x3FAC] =	sst s8  }
0x11: {  	[smem:$0x3FAD] =	sst s9;
	s0 =	simm.s32 @!p0 $0x0  }
0x12: {  	s1 =	sld [smem:$0x3F93];
	s0 =	simm.s32 @p0 $0x1  }
0x13: {  	[smem:$0x3FAE] =	sst s0;
	s0 =	simm.s32 @!p1 $0x0  }
0x14: {  	s2 =	sld [smem:$0x3F92];
	s0 =	simm.s32 @p1 $0x1  }
0x15: {  	[smem:$0x3FAF] =	sst s0;
	s0 =	simm.s32 @!p2 $0x0  }
0x16: {  	s3 =	sld [smem:$0x3FDB];
	s0 =	simm.s32 @p2 $0x1  }
0x17: {  	s4 =	simm.s32 $0x1BF5;
	[smem:$0x3FB1] =	sst s0  }
0x18: {  	s0 =	sld [smem:$0x3F94];
	_ =	swait.ge [sflag:s4], $0x0  }
0x19: {  	s7 =	sld [smem:$0x3F95]  }
0x1a: {  	s8 =	sadd.s32 $0xFFFFE003, lr  }
0x1b: {  	s9 =	sadd.s32 $0xFFFFFEF7, lr;
	s5 =	simm.s32 $0xFFFFFFFF;
	p2 =	slt.u32 s8, $0xFFFFF086  }
0x1c: {  	p1 =	slt.u32 s9, $0xF7A;
	s5 =	simm.s32 @!p2 $0x0  }
0x1d: {  	s5 =	simm.s32 @p1 $0x1;
	p0 =	seq.s32 s7, s2  }
0x1e: {  	s7 =	smul.u32 @!p0 $0xF7A, s2;
	p2 =	seq.s32 @!p0 s5, $0x0  }
0x1f: {  	s9 =	smul.u32 $0xF7A, s1;
	s8 =	simm.s32 @!p0 $0x1BF5;
	p2 =	por !p2, p0  }
0x20: {  	[sflag:s8] =	ssyncset.s32 @!p0 $0xFFFFF086;
	s6 =	sadd.s32 @!p0 s3, s7;
	s7 =	simm.s32 @!p0 $0x108  }
0x21: {  	s3 =	sadd.s32 s3, s9;
	s6 =	sadd.s32 @!p0 $0x88, s6;
	s7 =	simm.s32 @p2 $0x1082  }
0x22: {  	[simem:s7], [sflag:s8] =	dma.local @!p0 [hbm:s6], $0xF7A  }
0x23: {  	s9 =	sor.u32 $0xD0000000, s2;
	s6 =	simm.s32 $0x108;
	_ =	swait.ge @!p0 [sflag:s8], $0x0  }
0x24: {  	s3 =	sadd.s32 $0x88, s3;
	s6 =	simm.s32 @!p1 $0x1082;
	[sflag:s4] =	ssyncset.s32 $0xFFFFF086  }
0x25: {  	[simem:s6], [sflag:s4] =	dma.local [hbm:s3], $0xF7A  }
0x26: {  	[smem:$0x3F95] =	sst s1;
	(tag) =	ssettag s2;
	_ =	strace s9  }
0x27: {  	s1 =	sld [smem:$0x3FA5]  }
0x28: {  	s2 =	sld [smem:$0x3FA6]  }
0x29: {  	s4 =	sld [smem:$0x3FA8]  }
0x2a: {  	p0 =	seq.s32 s5, $0x0;
	s5 =	sld [smem:$0x3FA9]  }
0x2b: {  	s6 =	sld [smem:$0x3FAA]  }
0x2c: {  	s7 =	sld [smem:$0x3FAB]  }
0x2d: {  	s3 =	simm.s32 $0x108;
	s8 =	sld [smem:$0x3FAC]  }
0x2e: {  	s3 =	simm.s32 @!p0 $0x1082;
	s9 =	sld [smem:$0x3FAD]  }
0x2f: {  	lr =	sadd.s32 s0, s3;
	s0 =	sld [smem:$0x3FA4]  }
0x30: {  	s3 =	sld [smem:$0x3FA7]  }
0x31: {  	[smem:$0x3FB0] =	sst s10  }
0x32: {  	s10 =	sld [smem:$0x3FAE];
	_ =	sdelay $0x3  }
0x33: {  	p0 =	seq.s32 s10, $0x1;
	s10 =	sld [smem:$0x3FB0];
	_ =	sdelay $0x3  }
0x34: {  	[smem:$0x3FB0] =	sst s10  }
0x35: {  	s10 =	sld [smem:$0x3FAF];
	_ =	sdelay $0x3  }
0x36: {  	p1 =	seq.s32 s10, $0x1;
	s10 =	sld [smem:$0x3FB0];
	_ =	sdelay $0x3  }
0x37: {  	[smem:$0x3FB0] =	sst s10  }
0x38: {  	s10 =	sld [smem:$0x3FB1]  }
0x39: {  	_ = 	snop;
	(pc) =	sbr.ind lr, $3  }
0x3a: {  	_ = 	snop  }
0x3b: {  	_ = 	snop  }
0x3c: {  	p2 =	seq.s32 s10, $0x1;
	s10 =	sld [smem:$0x3FB0]  }
0x3d: {  	_ =	shalt  }
0x3e: {  	_ =	shalt  }
0x3f: {  	_ =	shalt  }
0x40: {  	_ =	shalt  }
0x41: {  	_ =	shalt  }
0x42: {  	_ =	shalt  }
0x43: {  	_ =	shalt  }
0x44: {  	_ =	shalt  }
0x45: {  	_ =	shalt  }
0x46: {  	_ =	shalt  }
0x47: {  	_ =	shalt  }
0x48: {  	_ =	shalt  }
0x49: {  	_ =	shalt  }
0x4a: {  	_ =	shalt  }
0x4b: {  	_ =	shalt  }
0x4c: {  	_ =	shalt  }
0x4d: {  	_ =	shalt  }
0x4e: {  	_ =	shalt  }
0x4f: {  	_ =	shalt  }
0x50: {  	_ =	shalt  }
0x51: {  	_ =	shalt  }
0x52: {  	_ =	shalt  }
0x53: {  	_ =	shalt  }
0x54: {  	_ =	shalt  }
0x55: {  	_ =	shalt  }
0x56: {  	_ =	shalt  }
0x57: {  	_ =	shalt  }
0x58: {  	_ =	shalt  }
0x59: {  	_ =	shalt  }
0x5a: {  	_ =	shalt  }
0x5b: {  	_ =	shalt  }
0x5c: {  	_ =	shalt  }
0x5d: {  	_ =	shalt  }
0x5e: {  	_ =	shalt  }
0x5f: {  	_ =	shalt  }
0x60: {  	_ =	shalt  }
0x61: {  	_ =	shalt  }
0x62: {  	_ =	shalt  }
0x63: {  	_ =	shalt  }
0x64: {  	_ =	shalt  }
0x65: {  	_ =	shalt  }
0x66: {  	_ =	shalt  }
0x67: {  	_ =	shalt  }
0x68: {  	_ =	shalt  }
0x69: {  	_ =	shalt  }
0x6a: {  	_ =	shalt  }
0x6b: {  	_ =	shalt  }
0x6c: {  	_ =	shalt  }
0x6d: {  	_ =	shalt  }
0x6e: {  	_ =	shalt  }
0x6f: {  	_ =	shalt  }
0x70: {  	_ =	shalt  }
0x71: {  	_ =	shalt  }
0x72: {  	_ =	shalt  }
0x73: {  	_ =	shalt  }
0x74: {  	_ =	shalt  }
0x75: {  	_ =	shalt  }
0x76: {  	_ =	shalt  }
0x77: {  	_ =	shalt  }
0x78: {  	_ =	shalt  }
0x79: {  	_ =	shalt  }
0x7a: {  	_ =	shalt  }
0x7b: {  	_ =	shalt  }
0x7c: {  	_ =	shalt  }
0x7d: {  	_ =	shalt  }
0x7e: {  	_ =	shalt  }
0x7f: {  	_ =	shalt  }
0x80: {  	_ =	shalt  }
0x81: {  	_ =	shalt  }
0x82: {  	_ =	shalt  }
0x83: {  	_ =	shalt  }
0x84: {  	_ =	shalt  }
0x85: {  	_ =	shalt  }
0x86: {  	_ =	shalt  }
0x87: {  	_ =	shalt  }
.Lfunc_end0:
.L_simem_size_0:
called_computation_lowered:
.L_overlay_start_0:
0x88: {  	s2 =	sld [smem:$0x3FD9]  }
0x89: {  	s3 =	sld [smem:$0x3FFE];
	_ =	sdelay $0x1  }
0x8a: {  	s1 =	srdreg.scid  }
0x8b: {  	s0 =	sand.u32 $0x1, s1  }
0x8c: {  	s17 =	sshll.u32 s0, $0xA;
	s2 =	sadd.s32 s3, s2  }
0x8d: {  	s2 =	sadd.s32 s2, s17  }
0x8e: {  	[smem:$0x3FBC] =	sst s2  }
0x8f: {  	_ = 	snop  }
0x90: {  	s2 =	sld [smem:$0x3FC4]  }
0x91: {  	s18 =	sld [smem:$0x3FD0];
	(tm) =	ssettm $0x1  }
0x92: {  	s4 =	sld [smem:$0x3FFB];
	_ =	sdelay $0x3  }
0x93: {  	_ =	strace s4  }
0x94: {  	s4 =	sld [smem:$0x3FFC];
	_ =	sdelay $0x3  }
0x95: {  	_ =	strace s4  }
0x96: {  	s4 =	sld [smem:$0x3FFD];
	_ =	sdelay $0x3  }
0x97: {  	_ =	strace s4  }
0x98: {  	_ =	strace $0x8FFFFFFF  }
0x99: {  	s19 =	sld [smem:$0x3FDB];
	_ =	sdelay $0x1  }
0x9a: {  	s5 =	simm.s32 $_scs_section_size  }
0x9b: {  	s6 =	simm.s32 $_size__tile_overlayer_lowered;
	s7 =	simm.s32 $_tile_overlayer_lowered  }
0x9c: {  	s22 =	simm.s32 $0x1BFF;
	s21 =	sshll.u32 s7, $0x1;
	s4 =	sadd.s32 s5, s19  }
0x9d: {  	s8 =	simm.s32 $0x0;
	s20 =	sshll.u32 s6, $0x1;
	s6 =	sadd.s32 s21, s4  }
0x9e: {  	[timem:s8], [sflag:s22] =	dma.local [hbm:s6], s20  }
0x9f: {  	_ =	swait.ge [sflag:s22], s20  }
0xa0: {  	s5 =	ssub.s32 $0x0, s20;
	[sflag:s22] =	ssyncset.done $0x0  }
0xa1: {  	[sflag:s22] =	ssyncadd.s32 s5;
	_ =	sdelay $0x1  }
0xa2: {  	s23 =	simm.s32 $0x1B8B  }
0xa3: {  	_ =	swait.ge [sflag:s23], $0x1  }
0xa4: {  	[sflag:s23] =	ssyncset.done $0x0  }
0xa5: {  	s25 =	simm.s32 $0x1B8E;
	s24 =	sld [smem:$0x3FFE];
	[sflag:s23] =	ssyncadd.s32 $0xFFFFFFFF  }
0xa6: {  	s26 =	simm.s32 $execute0_lowered;
	[smem:$0x3FD2] =	sst s25  }
0xa7: {  	s6 =	sshll.u32 s26, $0x1;
	_ =	strace $0x80000046;
	[dreg:$0x1] =	wrdreg $0xFFFFFFFF  }
0xa8: {  	s28 =	simm.s32 $_size_execute0_lowered;
	s4 =	sadd.s32 s4, s6;
	[dreg:$0x0] =	wrdreg $0x0  }
0xa9: {  	s6 =	sshll.u32 s28, $0x1;
	[dreg:$0x2] =	wrdreg s4  }
0xaa: {  	[dreg:$0x3] =	wrdreg s6  }
0xab: {  	[dreg:$0x4] =	wrdreg $0xC0  }
0xac: {  	_ =	task [dreg:s8], $0x5FFFF  }
0xad: {  	[dreg:$0x1] =	wrdreg $0xFFFFFFFF  }
0xae: {  	[dreg:$0x0] =	wrdreg $0x60  }
0xaf: {  	[dreg:$0x2] =	wrdreg s2  }
0xb0: {  	[dreg:$0x3] =	wrdreg s18  }
0xb1: {  	[dreg:$0x4] =	wrdreg s24  }
0xb2: {  	[dreg:$0x5] =	wrdreg $0x9  }
0xb3: {  	_ =	task.clear_ibuf [dreg:s8], $0x6FFFF;
	_ =	strace $0x90000046  }
0xb4: {  	s29 =	simm.s32 $0x9;
	_ =	strace $0x80000048  }
0xb5: {  	_ =	swait.ge [sflag:s29], $0x1  }
0xb6: {  	[sflag:s29] =	ssyncadd.s32 $0xFFFFFFFF  }
0xb7: {  	_ =	strace $0x90000048  }
0xb8: {  	_ =	sfence  }
0xb9: {  	s30 =	sld [smem:$0x0];
	_ =	sdelay $0x2  }
0xba: {  	s31 =	sshll.u32 s1, $0xD;
	s1 =	sshrl.u32 s1, $0x2  }
0xbb: {  	s3 =	sand.u32 $0x4000, s31;
	s1 =	sadd.s32 s1, s30  }
0xbc: {  	s0 =	sor.u32 s3, s0;
	s1 =	sshll.u32 s1, $0x11  }
0xbd: {  	s0 =	sor.u32 s1, s0  }
0xbe: {  	s0 =	sadd.s32 $0x8F2B, s0  }
0xbf: {  	[sflag:s0] =	ssyncadd.remote.s32 $0x1  }
0xc0: {  	_ =	sfence.sel $0xFFFF  }
0xc1: {  	[dreg:$0x0] =	wrdreg $0xFFFFFFFF;
	(pc) =	sbr.abs _section_cstart, $3  }
0xc2: {  	[dreg:$0x1] =	wrdreg $0xFFFFFFFF  }
0xc3: {  	_ =	task.clear_ibuf [dreg:s8], $0x2FFFF;
	_ =	strace $0x9FFFFFFF  }
0xc4: {  	(tm) =	ssettm $0x7FFFFFFF  }
0xc5: {  	_ =	shalt  }
tec
execute0_lowered:
.L_overlay_start_1:
0x0: {  	(tag) =	ssettag $0x1  }
0x1: {  	s8 =	rddreg [dreg:$0x0]  }
0x2: {  	s2 =	rddreg [dreg:$0x1]  }
0x3: {  	s9 =	rddreg [dreg:$0x2]  }
0x4: {  	s0 =	rddreg [dreg:$0x3]  }
0x5: {  	s4 =	srdreg.scid;
	s1 =	stileid.u32  }
0x6: {  	s3 =	simm.s32 $0x0;
	s11 =	simm.s32 $0x2000;
	s12 =	simm.s32 $0x7A1400  }
0x7: {  	s13 =	simm.s32 $0x4000;
	s14 =	simm.s32 $0x1;
	s15 =	simm.s32 $0xA800  }
0x8: {  	v0 =	vlaneseq.u32;
	s16 =	simm.s32 $0x2;
	s17 =	simm.s32 $0xE800;
	s18 =	simm.s32 $0x3  }
0x9: {  	s19 =	simm.s32 $0x4;
	s20 =	simm.s32 $0x8000;
	s21 =	simm.s32 $0x5;
	v0 =	vmul.u32 $0x10, v0  }
0xa: {  	s22 =	simm.s32 $0x0;
	s5 =	sand.u32 $0x1, s4;
	s31 =	sshll.u32 s1, $0x1  }
.Ltmp0:
0xb: {  	[smem:$0x7FF] =	sst s3;
	s4 =	sor.u32 s5, s31;
	v1 =	vor.u32 $0x1, v0;
	v2 =	vor.u32 $0x2, v0;
	v3 =	vor.u32 $0x3, v0;
	(pc) =	sbr.rel .LBB2_1-.Ltmp0, $4  }
0xc: {  	_ =	strace $0x80000047;
	s7 =	ssub.s32 $0x2, s5;
	s5 =	sadd.s32 $0x2E00, s9;
	v4 =	vor.u32 $0x4, v0;
	v5 =	vor.u32 $0x5, v0;
	v6 =	vor.u32 $0x6, v0  }
0xd: {  	s9 =	sadd.s32 $0x1EAD80, s9;
	s6 =	sshll.u32 s4, $0xA;
	s10 =	sshrl.u32 s7, $0x1;
	v7 =	vor.u32 $0x7, v0;
	v8 =	vor.u32 $0x8, v0;
	v9 =	vor.u32 $0x9, v0  }
0xe: {  	v10 =	vor.u32 $0xA, v0;
	v11 =	vor.u32 $0xB, v0;
	v12 =	vor.u32 $0xC, v0;
	p0 =	sne.s32 s4, $0x0;
	s6 =	sadd.s32 s8, s6;
	s10 =	ssub.s32 s7, s10  }
0xf: {  	v13 =	vor.u32 $0xD, v0;
	v14 =	vor.u32 $0xE, v0;
	v15 =	vor.u32 $0xF, v0;
	s8 =	sadd.s32 $0x10000, s8;
	s7 =	sadd.s32 $0x8000, s6;
	s10 =	smax.u32 s10, $0x1  }
.LBB2_11:
0x10: {  	_ =	swait.ge [sflag:s18], $0x4000  }
.Ltmp1:
0x11: {  	[sflag:s18] =	ssyncset.done $0x0;
	(pc) =	sbr.rel @!p0 .LBB2_12-.Ltmp1, $4  }
0x12: {  	[sflag:s18] =	ssyncadd.s32 $0xFFFFC000  }
0x13: {  	_ =	swait.ge [sflag:s19], $0x4000  }
0x14: {  	[sflag:s19] =	ssyncset.done $0x0  }
0x15: {  	[sflag:s19] =	ssyncadd.s32 $0xFFFFC000  }
.LBB2_15:
0x16: {  	s22 =	sadd.s32 $0x1, s22  }
0x17: {  	p1 =	sne.s32 s22, s10  }
.Ltmp2:
0x18: {  	_ = 	snop;
	(pc) =	sbr.rel @!p1 .LBB2_16-.Ltmp2, $1  }
0x19: {  	_ =	sdelay $0x3  }
.LBB2_1:
.Ltmp3:
0x1a: {  	(pc) =	sbr.rel .LBB2_2-.Ltmp3, $4  }
0x1b: {  	_ = 	snop  }
0x1c: {  	[tilespmem:s3], [sflag:$0x1] =	stream.strided.gather [hbm4b:s6+s11], $0x4000, s12, s11, $0x38;
	[tilespmem:$0x12800] =	vst v63  }
0x1d: {  	s23 =	simm.s32 $0x0  }
0x1e: {  	[tilespmem:s13], [sflag:$0x2] =	stream.strided.gather [hbm4b:s7+s11], $0x4000, s12, s11, $0x38;
	[tilespmem:$0x12800] =	vst v63  }
.LBB2_10:
0x1f: {  	s23 =	sadd.s32 $0x1, s23  }
0x20: {  	p1 =	sne.s32 s23, $0x10  }
.Ltmp4:
0x21: {  	_ = 	snop;
	(pc) =	sbr.rel @!p1 .LBB2_11-.Ltmp4, $1  }
0x22: {  	_ =	sdelay $0x3  }
.LBB2_2:
0x23: {  	s24 =	sshll.u32 s23, $0x6  }
0x24: {  	s24 =	sor.u32 s4, s24  }
0x25: {  	p2 =	sgt.u32 s24, $0x3CF  }
.Ltmp5:
0x26: {  	_ = 	snop;
	(pc) =	sbr.rel @p2 .LBB2_6-.Ltmp5, $2  }
0x27: {  	_ =	sdelay $0x2  }
0x28: {  	p1 =	seq.s32 s23, $0x0  }
0x29: {  	_ =	swait.ge [sflag:s14], $0x4000  }
0x2a: {  	[sflag:s14] =	ssyncset.done $0x0  }
0x2b: {  	s26 =	simm.s32 @!p1 $0x3;
	[sflag:s14] =	ssyncadd.s32 $0xFFFFC000  }
0x2c: {  	s25 =	simm.s32 $0x0;
	_ =	swait.ge @!p1 [sflag:s26], $0x4000  }
0x2d: {  	s28 =	sand.u32 $0x70, s25;
	s29 =	sand.u32 $0x1C00, s25;
	[sflag:s26] =	ssyncset.done @!p1 $0x0  }
0x2e: {  	s29 =	sor.u32 s28, s29;
	[sflag:s26] =	ssyncadd.s32 @!p1 $0xFFFFC000  }
0x2f: {  	v17 =	vor.u32 s25, v0;
	v16 =	vld [tilespmem:s29+$0x0];
	_ =	sdelay $0x4  }
0x30: {  	[tilespmem:v17+s15+$0x0] =	vst.idx.msk $0xffff, v16  }
0x31: {  	v17 =	vor.u32 s25, v1;
	v16 =	vld [tilespmem:s29+$0x80];
	_ =	sdelay $0x4  }
0x32: {  	[tilespmem:v17+s15+$0x0] =	vst.idx.msk $0xffff, v16  }
0x33: {  	v17 =	vor.u32 s25, v2;
	v16 =	vld [tilespmem:s29+$0x100];
	_ =	sdelay $0x4  }
0x34: {  	[tilespmem:v17+s15+$0x0] =	vst.idx.msk $0xffff, v16  }
0x35: {  	v17 =	vor.u32 s25, v3;
	v16 =	vld [tilespmem:s29+$0x180];
	_ =	sdelay $0x4  }
0x36: {  	[tilespmem:v17+s15+$0x0] =	vst.idx.msk $0xffff, v16  }
0x37: {  	v17 =	vor.u32 s25, v4;
	v16 =	vld [tilespmem:s29+$0x200];
	_ =	sdelay $0x4  }
0x38: {  	[tilespmem:v17+s15+$0x0] =	vst.idx.msk $0xffff, v16  }
0x39: {  	v17 =	vor.u32 s25, v5;
	v16 =	vld [tilespmem:s29+$0x280];
	_ =	sdelay $0x4  }
0x3a: {  	[tilespmem:v17+s15+$0x0] =	vst.idx.msk $0xffff, v16  }
0x3b: {  	v17 =	vor.u32 s25, v6;
	v16 =	vld [tilespmem:s29+$0x300];
	_ =	sdelay $0x3  }
0x3c: {  	s26 =	sor.u32 s25, s25  }
0x3d: {  	s26 =	sor.u32 $0x380, s26;
	[tilespmem:v17+s15+$0x0] =	vst.idx.msk $0xffff, v16  }
0x3e: {  	v17 =	vor.u32 s25, v7;
	v16 =	vld [tilespmem:s26+$0x0];
	_ =	sdelay $0x4  }
0x3f: {  	[tilespmem:v17+s15+$0x0] =	vst.idx.msk $0xffff, v16  }
0x40: {  	v17 =	vor.u32 s25, v8;
	v16 =	vld [tilespmem:s29+$0x2000];
	_ =	sdelay $0x4  }
0x41: {  	[tilespmem:v17+s15+$0x0] =	vst.idx.msk $0xffff, v16  }
0x42: {  	v17 =	vor.u32 s25, v9;
	v16 =	vld [tilespmem:s29+$0x2080];
	_ =	sdelay $0x4  }
0x43: {  	[tilespmem:v17+s15+$0x0] =	vst.idx.msk $0xffff, v16  }
0x44: {  	v17 =	vor.u32 s25, v10;
	v16 =	vld [tilespmem:s29+$0x2100];
	_ =	sdelay $0x4  }
0x45: {  	[tilespmem:v17+s15+$0x0] =	vst.idx.msk $0xffff, v16  }
0x46: {  	v17 =	vor.u32 s25, v11;
	v16 =	vld [tilespmem:s29+$0x2180];
	_ =	sdelay $0x4  }
0x47: {  	[tilespmem:v17+s15+$0x0] =	vst.idx.msk $0xffff, v16  }
0x48: {  	v17 =	vor.u32 s25, v12;
	v16 =	vld [tilespmem:s29+$0x2200];
	_ =	sdelay $0x4  }
0x49: {  	[tilespmem:v17+s15+$0x0] =	vst.idx.msk $0xffff, v16  }
0x4a: {  	v17 =	vor.u32 s25, v13;
	v16 =	vld [tilespmem:s29+$0x2280];
	_ =	sdelay $0x4  }
0x4b: {  	[tilespmem:v17+s15+$0x0] =	vst.idx.msk $0xffff, v16  }
0x4c: {  	v17 =	vor.u32 s25, v14;
	v16 =	vld [tilespmem:s29+$0x2300];
	_ =	sdelay $0x4  }
0x4d: {  	[tilespmem:v17+s15+$0x0] =	vst.idx.msk $0xffff, v16  }
0x4e: {  	v17 =	vor.u32 s25, v15;
	v16 =	vld [tilespmem:s29+$0x2380];
	_ =	sdelay $0x2  }
0x4f: {  	s28 =	simm.s32 $0x80;
	s26 =	simm.s32 $0x10  }
0x50: {  	s31 =	sand.u32 $0x1C00, s28;
	s30 =	sand.u32 $0x70, s26;
	s29 =	simm.s32 $0x20  }
.LBB2_4:
0x51: {  	p2 =	sne.s32 s29, $0x3F0;
	s30 =	sor.u32 s30, s31;
	[tilespmem:v17+s15+$0x0] =	vst.idx.msk $0xffff, v16;
	s25 =	sadd.s32 $0x100, s25  }
0x52: {  	v16 =	vld [tilespmem:s30+$0x0];
	v17 =	vor.u32 s25, v0;
	_ =	sdelay $0x4  }
0x53: {  	[tilespmem:v17+s15+$0x0] =	vst.idx.msk $0xffff, v16  }
0x54: {  	v17 =	vor.u32 s25, v1;
	v16 =	vld [tilespmem:s30+$0x80];
	_ =	sdelay $0x4  }
0x55: {  	[tilespmem:v17+s15+$0x0] =	vst.idx.msk $0xffff, v16  }
0x56: {  	v17 =	vor.u32 s25, v2;
	v16 =	vld [tilespmem:s30+$0x100];
	_ =	sdelay $0x4  }
0x57: {  	[tilespmem:v17+s15+$0x0] =	vst.idx.msk $0xffff, v16  }
0x58: {  	v17 =	vor.u32 s25, v3;
	v16 =	vld [tilespmem:s30+$0x180];
	_ =	sdelay $0x4  }
0x59: {  	[tilespmem:v17+s15+$0x0] =	vst.idx.msk $0xffff, v16  }
0x5a: {  	v17 =	vor.u32 s25, v4;
	v16 =	vld [tilespmem:s30+$0x200];
	_ =	sdelay $0x4  }
0x5b: {  	[tilespmem:v17+s15+$0x0] =	vst.idx.msk $0xffff, v16  }
0x5c: {  	v17 =	vor.u32 s25, v5;
	v16 =	vld [tilespmem:s30+$0x280];
	_ =	sdelay $0x4  }
0x5d: {  	[tilespmem:v17+s15+$0x0] =	vst.idx.msk $0xffff, v16  }
0x5e: {  	v17 =	vor.u32 s25, v6;
	v16 =	vld [tilespmem:s30+$0x300];
	_ =	sdelay $0x3  }
0x5f: {  	s31 =	sor.u32 s28, s26;
	s26 =	smov.u32 s29  }
0x60: {  	s31 =	sor.u32 $0x380, s31;
	[tilespmem:v17+s15+$0x0] =	vst.idx.msk $0xffff, v16  }
0x61: {  	v17 =	vor.u32 s25, v7;
	v16 =	vld [tilespmem:s31+$0x0];
	_ =	sdelay $0x4  }
0x62: {  	[tilespmem:v17+s15+$0x0] =	vst.idx.msk $0xffff, v16  }
0x63: {  	v17 =	vor.u32 s25, v8;
	v16 =	vld [tilespmem:s30+$0x2000];
	_ =	sdelay $0x4  }
0x64: {  	[tilespmem:v17+s15+$0x0] =	vst.idx.msk $0xffff, v16  }
0x65: {  	v17 =	vor.u32 s25, v9;
	v16 =	vld [tilespmem:s30+$0x2080];
	_ =	sdelay $0x4  }
0x66: {  	[tilespmem:v17+s15+$0x0] =	vst.idx.msk $0xffff, v16  }
0x67: {  	v17 =	vor.u32 s25, v10;
	v16 =	vld [tilespmem:s30+$0x2100];
	_ =	sdelay $0x4  }
0x68: {  	[tilespmem:v17+s15+$0x0] =	vst.idx.msk $0xffff, v16  }
0x69: {  	v17 =	vor.u32 s25, v11;
	v16 =	vld [tilespmem:s30+$0x2180];
	_ =	sdelay $0x4  }
0x6a: {  	[tilespmem:v17+s15+$0x0] =	vst.idx.msk $0xffff, v16  }
0x6b: {  	v17 =	vor.u32 s25, v12;
	v16 =	vld [tilespmem:s30+$0x2200];
	_ =	sdelay $0x4  }
0x6c: {  	[tilespmem:v17+s15+$0x0] =	vst.idx.msk $0xffff, v16  }
0x6d: {  	v17 =	vor.u32 s25, v13;
	v16 =	vld [tilespmem:s30+$0x2280];
	_ =	sdelay $0x4  }
0x6e: {  	[tilespmem:v17+s15+$0x0] =	vst.idx.msk $0xffff, v16  }
0x6f: {  	v17 =	vor.u32 s25, v14;
	v16 =	vld [tilespmem:s30+$0x2300];
	_ =	sdelay $0x4  }
0x70: {  	[tilespmem:v17+s15+$0x0] =	vst.idx.msk $0xffff, v16  }
.Ltmp6:
0x71: {  	v17 =	vor.u32 s25, v15;
	v16 =	vld [tilespmem:s30+$0x2380];
	(pc) =	sbr.rel @p2 .LBB2_4-.Ltmp6, $3  }
0x72: {  	_ =	sdelay $0x1  }
0x73: {  	s28 =	sadd.s32 $0x80, s28  }
0x74: {  	s29 =	sadd.s32 $0x10, s29;
	s31 =	sand.u32 $0x1C00, s28;
	s30 =	sand.u32 $0x70, s26  }
0x75: {  	_ =	sdelay $0x3  }
0x76: {  	s29 =	sor.u32 s30, s31;
	[tilespmem:v17+s15+$0x0] =	vst.idx.msk $0xffff, v16;
	s25 =	sadd.s32 $0x100, s25  }
0x77: {  	v16 =	vld [tilespmem:s29+$0x0];
	v17 =	vor.u32 s25, v0;
	_ =	sdelay $0x4  }
0x78: {  	[tilespmem:v17+s15+$0x0] =	vst.idx.msk $0xffff, v16  }
0x79: {  	v17 =	vor.u32 s25, v1;
	v16 =	vld [tilespmem:s29+$0x80];
	_ =	sdelay $0x4  }
0x7a: {  	[tilespmem:v17+s15+$0x0] =	vst.idx.msk $0xffff, v16  }
0x7b: {  	v17 =	vor.u32 s25, v2;
	v16 =	vld [tilespmem:s29+$0x100];
	_ =	sdelay $0x4  }
0x7c: {  	[tilespmem:v17+s15+$0x0] =	vst.idx.msk $0xffff, v16  }
0x7d: {  	v17 =	vor.u32 s25, v3;
	v16 =	vld [tilespmem:s29+$0x180];
	_ =	sdelay $0x4  }
0x7e: {  	[tilespmem:v17+s15+$0x0] =	vst.idx.msk $0xffff, v16  }
0x7f: {  	v17 =	vor.u32 s25, v4;
	v16 =	vld [tilespmem:s29+$0x200];
	_ =	sdelay $0x4  }
0x80: {  	[tilespmem:v17+s15+$0x0] =	vst.idx.msk $0xffff, v16  }
0x81: {  	v17 =	vor.u32 s25, v5;
	v16 =	vld [tilespmem:s29+$0x280];
	_ =	sdelay $0x4  }
0x82: {  	[tilespmem:v17+s15+$0x0] =	vst.idx.msk $0xffff, v16  }
0x83: {  	v17 =	vor.u32 s25, v6;
	v16 =	vld [tilespmem:s29+$0x300];
	_ =	sdelay $0x3  }
0x84: {  	s26 =	sor.u32 s28, s26  }
0x85: {  	s26 =	sor.u32 $0x380, s26;
	[tilespmem:v17+s15+$0x0] =	vst.idx.msk $0xffff, v16  }
0x86: {  	v17 =	vor.u32 s25, v7;
	v16 =	vld [tilespmem:s26+$0x0];
	_ =	sdelay $0x4  }
0x87: {  	[tilespmem:v17+s15+$0x0] =	vst.idx.msk $0xffff, v16  }
0x88: {  	v17 =	vor.u32 s25, v8;
	v16 =	vld [tilespmem:s29+$0x2000];
	_ =	sdelay $0x4  }
0x89: {  	[tilespmem:v17+s15+$0x0] =	vst.idx.msk $0xffff, v16  }
0x8a: {  	v17 =	vor.u32 s25, v9;
	v16 =	vld [tilespmem:s29+$0x2080];
	_ =	sdelay $0x4  }
0x8b: {  	[tilespmem:v17+s15+$0x0] =	vst.idx.msk $0xffff, v16  }
0x8c: {  	v17 =	vor.u32 s25, v10;
	v16 =	vld [tilespmem:s29+$0x2100];
	_ =	sdelay $0x4  }
0x8d: {  	[tilespmem:v17+s15+$0x0] =	vst.idx.msk $0xffff, v16  }
0x8e: {  	v17 =	vor.u32 s25, v11;
	v16 =	vld [tilespmem:s29+$0x2180];
	_ =	sdelay $0x4  }
0x8f: {  	[tilespmem:v17+s15+$0x0] =	vst.idx.msk $0xffff, v16  }
0x90: {  	v17 =	vor.u32 s25, v12;
	v16 =	vld [tilespmem:s29+$0x2200];
	_ =	sdelay $0x4  }
0x91: {  	[tilespmem:v17+s15+$0x0] =	vst.idx.msk $0xffff, v16  }
0x92: {  	v17 =	vor.u32 s25, v13;
	v16 =	vld [tilespmem:s29+$0x2280];
	_ =	sdelay $0x4  }
0x93: {  	[tilespmem:v17+s15+$0x0] =	vst.idx.msk $0xffff, v16  }
0x94: {  	v17 =	vor.u32 s25, v14;
	v16 =	vld [tilespmem:s29+$0x2300];
	_ =	sdelay $0x4  }
0x95: {  	[tilespmem:v17+s15+$0x0] =	vst.idx.msk $0xffff, v16  }
0x96: {  	v17 =	vor.u32 s25, v15;
	v16 =	vld [tilespmem:s29+$0x2380];
	_ =	sdelay $0x3  }
0x97: {  	s31 =	sshll.u32 s24, $0xB  }
0x98: {  	p2 =	sgt.u32 s24, $0x38F;
	s25 =	sadd.s32 s5, s31;
	[tilespmem:v17+s15+$0x0] =	vst.idx.msk $0xffff, v16  }
0x99: {  	[hbm4b:s25+s3] =	stream.linear.scatter [tilespmem:s15], [sflag:$0x3], $0x4000, $0x38;
	[tilespmem:$0x12800] =	vst v63  }
0x9a: {  	s28 =	simm.s32 @!p2 $0x7A1400;
	s25 =	sshll.u32 @!p2 s24, $0xA  }
0x9b: {  	s26 =	simm.s32 @!p2 $0x2000;
	s29 =	simm.s32 @!p2 $0x0;
	s25 =	sadd.s32 @!p2 s25, s8  }
0x9c: {  	[tilespmem:s29], [sflag:$0x1] =	stream.strided.gather @!p2 [hbm4b:s25+s26], $0x4000, s28, s26, $0x38;
	[tilespmem:$0x12800] =	vst v63  }
.LBB2_6:
0x9d: {  	s24 =	sor.u32 $0x20, s24  }
0x9e: {  	p2 =	sgt.u32 s24, $0x3CF  }
.Ltmp7:
0x9f: {  	_ = 	snop;
	(pc) =	sbr.rel @p2 .LBB2_10-.Ltmp7, $1  }
0xa0: {  	_ =	sdelay $0x3  }
0xa1: {  	_ =	swait.ge [sflag:s16], $0x4000  }
0xa2: {  	[sflag:s16] =	ssyncset.done $0x0  }
0xa3: {  	s26 =	simm.s32 @!p1 $0x4;
	[sflag:s16] =	ssyncadd.s32 $0xFFFFC000  }
0xa4: {  	s25 =	simm.s32 $0x0;
	_ =	swait.ge @!p1 [sflag:s26], $0x4000  }
0xa5: {  	s28 =	sand.u32 $0x70, s25;
	s29 =	sand.u32 $0x1C00, s25;
	[sflag:s26] =	ssyncset.done @!p1 $0x0  }
0xa6: {  	s29 =	sor.u32 s28, s29;
	[sflag:s26] =	ssyncadd.s32 @!p1 $0xFFFFC000  }
0xa7: {  	v17 =	vor.u32 s25, v0;
	v16 =	vld [tilespmem:s29+$0x4000];
	_ =	sdelay $0x4  }
0xa8: {  	[tilespmem:v17+s17+$0x0] =	vst.idx.msk $0xffff, v16  }
0xa9: {  	v17 =	vor.u32 s25, v1;
	v16 =	vld [tilespmem:s29+$0x4080];
	_ =	sdelay $0x4  }
0xaa: {  	[tilespmem:v17+s17+$0x0] =	vst.idx.msk $0xffff, v16  }
0xab: {  	v17 =	vor.u32 s25, v2;
	v16 =	vld [tilespmem:s29+$0x4100];
	_ =	sdelay $0x4  }
0xac: {  	[tilespmem:v17+s17+$0x0] =	vst.idx.msk $0xffff, v16  }
0xad: {  	v17 =	vor.u32 s25, v3;
	v16 =	vld [tilespmem:s29+$0x4180];
	_ =	sdelay $0x4  }
0xae: {  	[tilespmem:v17+s17+$0x0] =	vst.idx.msk $0xffff, v16  }
0xaf: {  	v17 =	vor.u32 s25, v4;
	v16 =	vld [tilespmem:s29+$0x4200];
	_ =	sdelay $0x4  }
0xb0: {  	[tilespmem:v17+s17+$0x0] =	vst.idx.msk $0xffff, v16  }
0xb1: {  	v17 =	vor.u32 s25, v5;
	v16 =	vld [tilespmem:s29+$0x4280];
	_ =	sdelay $0x4  }
0xb2: {  	[tilespmem:v17+s17+$0x0] =	vst.idx.msk $0xffff, v16  }
0xb3: {  	v17 =	vor.u32 s25, v6;
	v16 =	vld [tilespmem:s29+$0x4300];
	_ =	sdelay $0x3  }
0xb4: {  	s26 =	sor.u32 s25, s25  }
0xb5: {  	s26 =	sor.u32 $0x380, s26;
	[tilespmem:v17+s17+$0x0] =	vst.idx.msk $0xffff, v16  }
0xb6: {  	v17 =	vor.u32 s25, v7;
	v16 =	vld [tilespmem:s26+$0x4000];
	_ =	sdelay $0x4  }
0xb7: {  	[tilespmem:v17+s17+$0x0] =	vst.idx.msk $0xffff, v16  }
0xb8: {  	v17 =	vor.u32 s25, v8;
	v16 =	vld [tilespmem:s29+$0x6000];
	_ =	sdelay $0x4  }
0xb9: {  	[tilespmem:v17+s17+$0x0] =	vst.idx.msk $0xffff, v16  }
0xba: {  	v17 =	vor.u32 s25, v9;
	v16 =	vld [tilespmem:s29+$0x6080];
	_ =	sdelay $0x4  }
0xbb: {  	[tilespmem:v17+s17+$0x0] =	vst.idx.msk $0xffff, v16  }
0xbc: {  	v17 =	vor.u32 s25, v10;
	v16 =	vld [tilespmem:s29+$0x6100];
	_ =	sdelay $0x4  }
0xbd: {  	[tilespmem:v17+s17+$0x0] =	vst.idx.msk $0xffff, v16  }
0xbe: {  	v17 =	vor.u32 s25, v11;
	v16 =	vld [tilespmem:s29+$0x6180];
	_ =	sdelay $0x4  }
0xbf: {  	[tilespmem:v17+s17+$0x0] =	vst.idx.msk $0xffff, v16  }
0xc0: {  	v17 =	vor.u32 s25, v12;
	v16 =	vld [tilespmem:s29+$0x6200];
	_ =	sdelay $0x4  }
0xc1: {  	[tilespmem:v17+s17+$0x0] =	vst.idx.msk $0xffff, v16  }
0xc2: {  	v17 =	vor.u32 s25, v13;
	v16 =	vld [tilespmem:s29+$0x6280];
	_ =	sdelay $0x4  }
0xc3: {  	[tilespmem:v17+s17+$0x0] =	vst.idx.msk $0xffff, v16  }
0xc4: {  	v17 =	vor.u32 s25, v14;
	v16 =	vld [tilespmem:s29+$0x6300];
	_ =	sdelay $0x4  }
0xc5: {  	[tilespmem:v17+s17+$0x0] =	vst.idx.msk $0xffff, v16  }
0xc6: {  	v17 =	vor.u32 s25, v15;
	v16 =	vld [tilespmem:s29+$0x6380];
	_ =	sdelay $0x2  }
0xc7: {  	s28 =	simm.s32 $0x80;
	s26 =	simm.s32 $0x10  }
0xc8: {  	s31 =	sand.u32 $0x1C00, s28;
	s30 =	sand.u32 $0x70, s26;
	s29 =	simm.s32 $0x20  }
.LBB2_8:
0xc9: {  	p1 =	sne.s32 s29, $0x3F0;
	s30 =	sor.u32 s30, s31;
	[tilespmem:v17+s17+$0x0] =	vst.idx.msk $0xffff, v16;
	s25 =	sadd.s32 $0x100, s25  }
0xca: {  	v16 =	vld [tilespmem:s30+$0x4000];
	v17 =	vor.u32 s25, v0;
	_ =	sdelay $0x4  }
0xcb: {  	[tilespmem:v17+s17+$0x0] =	vst.idx.msk $0xffff, v16  }
0xcc: {  	v17 =	vor.u32 s25, v1;
	v16 =	vld [tilespmem:s30+$0x4080];
	_ =	sdelay $0x4  }
0xcd: {  	[tilespmem:v17+s17+$0x0] =	vst.idx.msk $0xffff, v16  }
0xce: {  	v17 =	vor.u32 s25, v2;
	v16 =	vld [tilespmem:s30+$0x4100];
	_ =	sdelay $0x4  }
0xcf: {  	[tilespmem:v17+s17+$0x0] =	vst.idx.msk $0xffff, v16  }
0xd0: {  	v17 =	vor.u32 s25, v3;
	v16 =	vld [tilespmem:s30+$0x4180];
	_ =	sdelay $0x4  }
0xd1: {  	[tilespmem:v17+s17+$0x0] =	vst.idx.msk $0xffff, v16  }
0xd2: {  	v17 =	vor.u32 s25, v4;
	v16 =	vld [tilespmem:s30+$0x4200];
	_ =	sdelay $0x4  }
0xd3: {  	[tilespmem:v17+s17+$0x0] =	vst.idx.msk $0xffff, v16  }
0xd4: {  	v17 =	vor.u32 s25, v5;
	v16 =	vld [tilespmem:s30+$0x4280];
	_ =	sdelay $0x4  }
0xd5: {  	[tilespmem:v17+s17+$0x0] =	vst.idx.msk $0xffff, v16  }
0xd6: {  	v17 =	vor.u32 s25, v6;
	v16 =	vld [tilespmem:s30+$0x4300];
	_ =	sdelay $0x3  }
0xd7: {  	s31 =	sor.u32 s28, s26;
	s26 =	smov.u32 s29  }
0xd8: {  	s31 =	sor.u32 $0x380, s31;
	[tilespmem:v17+s17+$0x0] =	vst.idx.msk $0xffff, v16  }
0xd9: {  	v17 =	vor.u32 s25, v7;
	v16 =	vld [tilespmem:s31+$0x4000];
	_ =	sdelay $0x4  }
0xda: {  	[tilespmem:v17+s17+$0x0] =	vst.idx.msk $0xffff, v16  }
0xdb: {  	v17 =	vor.u32 s25, v8;
	v16 =	vld [tilespmem:s30+$0x6000];
	_ =	sdelay $0x4  }
0xdc: {  	[tilespmem:v17+s17+$0x0] =	vst.idx.msk $0xffff, v16  }
0xdd: {  	v17 =	vor.u32 s25, v9;
	v16 =	vld [tilespmem:s30+$0x6080];
	_ =	sdelay $0x4  }
0xde: {  	[tilespmem:v17+s17+$0x0] =	vst.idx.msk $0xffff, v16  }
0xdf: {  	v17 =	vor.u32 s25, v10;
	v16 =	vld [tilespmem:s30+$0x6100];
	_ =	sdelay $0x4  }
0xe0: {  	[tilespmem:v17+s17+$0x0] =	vst.idx.msk $0xffff, v16  }
0xe1: {  	v17 =	vor.u32 s25, v11;
	v16 =	vld [tilespmem:s30+$0x6180];
	_ =	sdelay $0x4  }
0xe2: {  	[tilespmem:v17+s17+$0x0] =	vst.idx.msk $0xffff, v16  }
0xe3: {  	v17 =	vor.u32 s25, v12;
	v16 =	vld [tilespmem:s30+$0x6200];
	_ =	sdelay $0x4  }
0xe4: {  	[tilespmem:v17+s17+$0x0] =	vst.idx.msk $0xffff, v16  }
0xe5: {  	v17 =	vor.u32 s25, v13;
	v16 =	vld [tilespmem:s30+$0x6280];
	_ =	sdelay $0x4  }
0xe6: {  	[tilespmem:v17+s17+$0x0] =	vst.idx.msk $0xffff, v16  }
0xe7: {  	v17 =	vor.u32 s25, v14;
	v16 =	vld [tilespmem:s30+$0x6300];
	_ =	sdelay $0x4  }
0xe8: {  	[tilespmem:v17+s17+$0x0] =	vst.idx.msk $0xffff, v16  }
.Ltmp8:
0xe9: {  	v17 =	vor.u32 s25, v15;
	v16 =	vld [tilespmem:s30+$0x6380];
	(pc) =	sbr.rel @p1 .LBB2_8-.Ltmp8, $3  }
0xea: {  	_ =	sdelay $0x1  }
0xeb: {  	s28 =	sadd.s32 $0x80, s28  }
0xec: {  	s29 =	sadd.s32 $0x10, s29;
	s31 =	sand.u32 $0x1C00, s28;
	s30 =	sand.u32 $0x70, s26  }
0xed: {  	_ =	sdelay $0x3  }
0xee: {  	s29 =	sor.u32 s30, s31;
	[tilespmem:v17+s17+$0x0] =	vst.idx.msk $0xffff, v16;
	s25 =	sadd.s32 $0x100, s25  }
0xef: {  	v16 =	vld [tilespmem:s29+$0x4000];
	v17 =	vor.u32 s25, v0;
	_ =	sdelay $0x4  }
0xf0: {  	[tilespmem:v17+s17+$0x0] =	vst.idx.msk $0xffff, v16  }
0xf1: {  	v17 =	vor.u32 s25, v1;
	v16 =	vld [tilespmem:s29+$0x4080];
	_ =	sdelay $0x4  }
0xf2: {  	[tilespmem:v17+s17+$0x0] =	vst.idx.msk $0xffff, v16  }
0xf3: {  	v17 =	vor.u32 s25, v2;
	v16 =	vld [tilespmem:s29+$0x4100];
	_ =	sdelay $0x4  }
0xf4: {  	[tilespmem:v17+s17+$0x0] =	vst.idx.msk $0xffff, v16  }
0xf5: {  	v17 =	vor.u32 s25, v3;
	v16 =	vld [tilespmem:s29+$0x4180];
	_ =	sdelay $0x4  }
0xf6: {  	[tilespmem:v17+s17+$0x0] =	vst.idx.msk $0xffff, v16  }
0xf7: {  	v17 =	vor.u32 s25, v4;
	v16 =	vld [tilespmem:s29+$0x4200];
	_ =	sdelay $0x4  }
0xf8: {  	[tilespmem:v17+s17+$0x0] =	vst.idx.msk $0xffff, v16  }
0xf9: {  	v17 =	vor.u32 s25, v5;
	v16 =	vld [tilespmem:s29+$0x4280];
	_ =	sdelay $0x4  }
0xfa: {  	[tilespmem:v17+s17+$0x0] =	vst.idx.msk $0xffff, v16  }
0xfb: {  	v17 =	vor.u32 s25, v6;
	v16 =	vld [tilespmem:s29+$0x4300];
	_ =	sdelay $0x3  }
0xfc: {  	s26 =	sor.u32 s28, s26  }
0xfd: {  	s26 =	sor.u32 $0x380, s26;
	[tilespmem:v17+s17+$0x0] =	vst.idx.msk $0xffff, v16  }
0xfe: {  	v17 =	vor.u32 s25, v7;
	v16 =	vld [tilespmem:s26+$0x4000];
	_ =	sdelay $0x4  }
0xff: {  	[tilespmem:v17+s17+$0x0] =	vst.idx.msk $0xffff, v16  }
0x100: {  	v17 =	vor.u32 s25, v8;
	v16 =	vld [tilespmem:s29+$0x6000];
	_ =	sdelay $0x4  }
0x101: {  	[tilespmem:v17+s17+$0x0] =	vst.idx.msk $0xffff, v16  }
0x102: {  	v17 =	vor.u32 s25, v9;
	v16 =	vld [tilespmem:s29+$0x6080];
	_ =	sdelay $0x4  }
0x103: {  	[tilespmem:v17+s17+$0x0] =	vst.idx.msk $0xffff, v16  }
0x104: {  	v17 =	vor.u32 s25, v10;
	v16 =	vld [tilespmem:s29+$0x6100];
	_ =	sdelay $0x4  }
0x105: {  	[tilespmem:v17+s17+$0x0] =	vst.idx.msk $0xffff, v16  }
0x106: {  	v17 =	vor.u32 s25, v11;
	v16 =	vld [tilespmem:s29+$0x6180];
	_ =	sdelay $0x4  }
0x107: {  	[tilespmem:v17+s17+$0x0] =	vst.idx.msk $0xffff, v16  }
0x108: {  	v17 =	vor.u32 s25, v12;
	v16 =	vld [tilespmem:s29+$0x6200];
	_ =	sdelay $0x4  }
0x109: {  	[tilespmem:v17+s17+$0x0] =	vst.idx.msk $0xffff, v16  }
0x10a: {  	v17 =	vor.u32 s25, v13;
	v16 =	vld [tilespmem:s29+$0x6280];
	_ =	sdelay $0x4  }
0x10b: {  	[tilespmem:v17+s17+$0x0] =	vst.idx.msk $0xffff, v16  }
0x10c: {  	v17 =	vor.u32 s25, v14;
	v16 =	vld [tilespmem:s29+$0x6300];
	_ =	sdelay $0x4  }
0x10d: {  	[tilespmem:v17+s17+$0x0] =	vst.idx.msk $0xffff, v16  }
0x10e: {  	v17 =	vor.u32 s25, v15;
	v16 =	vld [tilespmem:s29+$0x6380];
	_ =	sdelay $0x3  }
.Ltmp9:
0x10f: {  	s31 =	sshll.u32 s24, $0xB;
	p1 =	sgt.u32 s24, $0x38F;
	(pc) =	sbr.rel .LBB2_10-.Ltmp9, $4  }
0x110: {  	s24 =	sshll.u32 @!p1 s24, $0xA;
	s28 =	simm.s32 @!p1 $0x4000;
	s25 =	sadd.s32 s5, s31;
	[tilespmem:v17+s17+$0x0] =	vst.idx.msk $0xffff, v16  }
0x111: {  	[hbm4b:s25+s3] =	stream.linear.scatter [tilespmem:s17], [sflag:$0x4], $0x4000, $0x38;
	[tilespmem:$0x12800] =	vst v63  }
0x112: {  	s24 =	sadd.s32 @!p1 s24, s8;
	s26 =	simm.s32 @!p1 $0x7A1400;
	s25 =	simm.s32 @!p1 $0x2000  }
0x113: {  	[tilespmem:s28], [sflag:$0x2] =	stream.strided.gather @!p1 [hbm4b:s24+s25], $0x4000, s26, s25, $0x38;
	[tilespmem:$0x12800] =	vst v63  }
.LBB2_12:
0x114: {  	s23 =	simm.s32 $0x0  }
0x115: {  	[tilespmem:s20], [sflag:$0x5] =	stream.linear.gather [hbm4b:s2+s23], $0x2800, $0x38;
	[tilespmem:$0x12800] =	vst v63  }
0x116: {  	_ =	swait.ge [sflag:s21], $0x2800  }
0x117: {  	s24 =	sand.u32 $0x70, s23;
	s25 =	sand.u32 $0x1C00, s23;
	[sflag:s21] =	ssyncset.done $0x0  }
0x118: {  	s26 =	sor.u32 s24, s25;
	[sflag:s21] =	ssyncadd.s32 $0xFFFFD800  }
0x119: {  	v17 =	vor.u32 s23, v0;
	v16 =	vld [tilespmem:s26+$0x8000];
	_ =	sdelay $0x4  }
0x11a: {  	[tilespmem:v17+s15+$0x0] =	vst.idx.msk $0xffff, v16  }
0x11b: {  	v17 =	vor.u32 s23, v1;
	v16 =	vld [tilespmem:s26+$0x8080];
	_ =	sdelay $0x4  }
0x11c: {  	[tilespmem:v17+s15+$0x0] =	vst.idx.msk $0xffff, v16  }
0x11d: {  	v17 =	vor.u32 s23, v2;
	v16 =	vld [tilespmem:s26+$0x8100];
	_ =	sdelay $0x4  }
0x11e: {  	[tilespmem:v17+s15+$0x0] =	vst.idx.msk $0xffff, v16  }
0x11f: {  	v17 =	vor.u32 s23, v3;
	v16 =	vld [tilespmem:s26+$0x8180];
	_ =	sdelay $0x4  }
0x120: {  	[tilespmem:v17+s15+$0x0] =	vst.idx.msk $0xffff, v16  }
0x121: {  	v17 =	vor.u32 s23, v4;
	v16 =	vld [tilespmem:s26+$0x8200];
	_ =	sdelay $0x4  }
0x122: {  	[tilespmem:v17+s15+$0x0] =	vst.idx.msk $0xffff, v16  }
0x123: {  	v17 =	vor.u32 s23, v5;
	v16 =	vld [tilespmem:s26+$0x8280];
	_ =	sdelay $0x4  }
0x124: {  	[tilespmem:v17+s15+$0x0] =	vst.idx.msk $0xffff, v16  }
0x125: {  	v17 =	vor.u32 s23, v6;
	v16 =	vld [tilespmem:s26+$0x8300];
	_ =	sdelay $0x3  }
0x126: {  	s31 =	sor.u32 s23, s23  }
0x127: {  	s24 =	sor.u32 $0x380, s31;
	[tilespmem:v17+s15+$0x0] =	vst.idx.msk $0xffff, v16  }
0x128: {  	v17 =	vor.u32 s23, v7;
	v16 =	vld [tilespmem:s24+$0x8000];
	_ =	sdelay $0x4  }
0x129: {  	[tilespmem:v17+s15+$0x0] =	vst.idx.msk $0xffff, v16  }
0x12a: {  	v17 =	vor.u32 s23, v8;
	v16 =	vld [tilespmem:s26+$0x9400];
	_ =	sdelay $0x4  }
0x12b: {  	[tilespmem:v17+s15+$0x0] =	vst.idx.msk $0xffff, v16  }
0x12c: {  	v17 =	vor.u32 s23, v9;
	v16 =	vld [tilespmem:s26+$0x9480];
	_ =	sdelay $0x4  }
0x12d: {  	[tilespmem:v17+s15+$0x0] =	vst.idx.msk $0xffff, v16  }
0x12e: {  	v17 =	vor.u32 s23, v10;
	v16 =	vld [tilespmem:s26+$0x9500];
	_ =	sdelay $0x4  }
0x12f: {  	[tilespmem:v17+s15+$0x0] =	vst.idx.msk $0xffff, v16  }
0x130: {  	v17 =	vor.u32 s23, v11;
	v16 =	vld [tilespmem:s26+$0x9580];
	_ =	sdelay $0x4  }
0x131: {  	[tilespmem:v17+s15+$0x0] =	vst.idx.msk $0xffff, v16  }
0x132: {  	v17 =	vor.u32 s23, v12;
	v16 =	vld [tilespmem:s26+$0x9600];
	_ =	sdelay $0x4  }
0x133: {  	[tilespmem:v17+s15+$0x0] =	vst.idx.msk $0xffff, v16  }
0x134: {  	v17 =	vor.u32 s23, v13;
	v16 =	vld [tilespmem:s26+$0x9680];
	_ =	sdelay $0x4  }
0x135: {  	[tilespmem:v17+s15+$0x0] =	vst.idx.msk $0xffff, v16  }
0x136: {  	v17 =	vor.u32 s23, v14;
	v16 =	vld [tilespmem:s26+$0x9700];
	_ =	sdelay $0x4  }
0x137: {  	[tilespmem:v17+s15+$0x0] =	vst.idx.msk $0xffff, v16  }
0x138: {  	v17 =	vor.u32 s23, v15;
	v16 =	vld [tilespmem:s26+$0x9780];
	_ =	sdelay $0x2  }
0x139: {  	s25 =	simm.s32 $0x80;
	s24 =	simm.s32 $0x10  }
0x13a: {  	s29 =	sand.u32 $0x1C00, s25;
	s28 =	sand.u32 $0x70, s24;
	s26 =	simm.s32 $0x20  }
.LBB2_13:
0x13b: {  	p1 =	sne.s32 s26, $0x270;
	s28 =	sor.u32 s28, s29;
	[tilespmem:v17+s15+$0x0] =	vst.idx.msk $0xffff, v16;
	s23 =	sadd.s32 $0x100, s23  }
0x13c: {  	v16 =	vld [tilespmem:s28+$0x8000];
	v17 =	vor.u32 s23, v0;
	_ =	sdelay $0x4  }
0x13d: {  	[tilespmem:v17+s15+$0x0] =	vst.idx.msk $0xffff, v16  }
0x13e: {  	v17 =	vor.u32 s23, v1;
	v16 =	vld [tilespmem:s28+$0x8080];
	_ =	sdelay $0x4  }
0x13f: {  	[tilespmem:v17+s15+$0x0] =	vst.idx.msk $0xffff, v16  }
0x140: {  	v17 =	vor.u32 s23, v2;
	v16 =	vld [tilespmem:s28+$0x8100];
	_ =	sdelay $0x4  }
0x141: {  	[tilespmem:v17+s15+$0x0] =	vst.idx.msk $0xffff, v16  }
0x142: {  	v17 =	vor.u32 s23, v3;
	v16 =	vld [tilespmem:s28+$0x8180];
	_ =	sdelay $0x4  }
0x143: {  	[tilespmem:v17+s15+$0x0] =	vst.idx.msk $0xffff, v16  }
0x144: {  	v17 =	vor.u32 s23, v4;
	v16 =	vld [tilespmem:s28+$0x8200];
	_ =	sdelay $0x4  }
0x145: {  	[tilespmem:v17+s15+$0x0] =	vst.idx.msk $0xffff, v16  }
0x146: {  	v17 =	vor.u32 s23, v5;
	v16 =	vld [tilespmem:s28+$0x8280];
	_ =	sdelay $0x4  }
0x147: {  	[tilespmem:v17+s15+$0x0] =	vst.idx.msk $0xffff, v16  }
0x148: {  	v17 =	vor.u32 s23, v6;
	v16 =	vld [tilespmem:s28+$0x8300];
	_ =	sdelay $0x3  }
0x149: {  	s29 =	sor.u32 s25, s24;
	s24 =	smov.u32 s26  }
0x14a: {  	s29 =	sor.u32 $0x380, s29;
	[tilespmem:v17+s15+$0x0] =	vst.idx.msk $0xffff, v16  }
0x14b: {  	v17 =	vor.u32 s23, v7;
	v16 =	vld [tilespmem:s29+$0x8000];
	_ =	sdelay $0x4  }
0x14c: {  	[tilespmem:v17+s15+$0x0] =	vst.idx.msk $0xffff, v16  }
0x14d: {  	v17 =	vor.u32 s23, v8;
	v16 =	vld [tilespmem:s28+$0x9400];
	_ =	sdelay $0x4  }
0x14e: {  	[tilespmem:v17+s15+$0x0] =	vst.idx.msk $0xffff, v16  }
0x14f: {  	v17 =	vor.u32 s23, v9;
	v16 =	vld [tilespmem:s28+$0x9480];
	_ =	sdelay $0x4  }
0x150: {  	[tilespmem:v17+s15+$0x0] =	vst.idx.msk $0xffff, v16  }
0x151: {  	v17 =	vor.u32 s23, v10;
	v16 =	vld [tilespmem:s28+$0x9500];
	_ =	sdelay $0x4  }
0x152: {  	[tilespmem:v17+s15+$0x0] =	vst.idx.msk $0xffff, v16  }
0x153: {  	v17 =	vor.u32 s23, v11;
	v16 =	vld [tilespmem:s28+$0x9580];
	_ =	sdelay $0x4  }
0x154: {  	[tilespmem:v17+s15+$0x0] =	vst.idx.msk $0xffff, v16  }
0x155: {  	v17 =	vor.u32 s23, v12;
	v16 =	vld [tilespmem:s28+$0x9600];
	_ =	sdelay $0x4  }
0x156: {  	[tilespmem:v17+s15+$0x0] =	vst.idx.msk $0xffff, v16  }
0x157: {  	v17 =	vor.u32 s23, v13;
	v16 =	vld [tilespmem:s28+$0x9680];
	_ =	sdelay $0x4  }
0x158: {  	[tilespmem:v17+s15+$0x0] =	vst.idx.msk $0xffff, v16  }
0x159: {  	v17 =	vor.u32 s23, v14;
	v16 =	vld [tilespmem:s28+$0x9700];
	_ =	sdelay $0x4  }
0x15a: {  	[tilespmem:v17+s15+$0x0] =	vst.idx.msk $0xffff, v16  }
.Ltmp10:
0x15b: {  	v17 =	vor.u32 s23, v15;
	v16 =	vld [tilespmem:s28+$0x9780];
	(pc) =	sbr.rel @p1 .LBB2_13-.Ltmp10, $3  }
0x15c: {  	_ =	sdelay $0x1  }
0x15d: {  	s25 =	sadd.s32 $0x80, s25  }
0x15e: {  	s26 =	sadd.s32 $0x10, s26;
	s29 =	sand.u32 $0x1C00, s25;
	s28 =	sand.u32 $0x70, s24  }
0x15f: {  	_ =	sdelay $0x3  }
0x160: {  	s26 =	sor.u32 s28, s29;
	[tilespmem:v17+s15+$0x0] =	vst.idx.msk $0xffff, v16;
	s23 =	sadd.s32 $0x100, s23  }
0x161: {  	v16 =	vld [tilespmem:s26+$0x8000];
	v17 =	vor.u32 s23, v0;
	_ =	sdelay $0x4  }
0x162: {  	[tilespmem:v17+s15+$0x0] =	vst.idx.msk $0xffff, v16  }
0x163: {  	v17 =	vor.u32 s23, v1;
	v16 =	vld [tilespmem:s26+$0x8080];
	_ =	sdelay $0x4  }
0x164: {  	[tilespmem:v17+s15+$0x0] =	vst.idx.msk $0xffff, v16  }
0x165: {  	v17 =	vor.u32 s23, v2;
	v16 =	vld [tilespmem:s26+$0x8100];
	_ =	sdelay $0x4  }
0x166: {  	[tilespmem:v17+s15+$0x0] =	vst.idx.msk $0xffff, v16  }
0x167: {  	v17 =	vor.u32 s23, v3;
	v16 =	vld [tilespmem:s26+$0x8180];
	_ =	sdelay $0x4  }
0x168: {  	[tilespmem:v17+s15+$0x0] =	vst.idx.msk $0xffff, v16  }
0x169: {  	v17 =	vor.u32 s23, v4;
	v16 =	vld [tilespmem:s26+$0x8200];
	_ =	sdelay $0x4  }
0x16a: {  	[tilespmem:v17+s15+$0x0] =	vst.idx.msk $0xffff, v16  }
0x16b: {  	v17 =	vor.u32 s23, v5;
	v16 =	vld [tilespmem:s26+$0x8280];
	_ =	sdelay $0x4  }
0x16c: {  	[tilespmem:v17+s15+$0x0] =	vst.idx.msk $0xffff, v16  }
0x16d: {  	v17 =	vor.u32 s23, v6;
	v16 =	vld [tilespmem:s26+$0x8300];
	_ =	sdelay $0x3  }
0x16e: {  	s24 =	sor.u32 s25, s24  }
0x16f: {  	s24 =	sor.u32 $0x380, s24;
	[tilespmem:v17+s15+$0x0] =	vst.idx.msk $0xffff, v16  }
0x170: {  	v17 =	vor.u32 s23, v7;
	v16 =	vld [tilespmem:s24+$0x8000];
	_ =	sdelay $0x4  }
0x171: {  	[tilespmem:v17+s15+$0x0] =	vst.idx.msk $0xffff, v16  }
0x172: {  	v17 =	vor.u32 s23, v8;
	v16 =	vld [tilespmem:s26+$0x9400];
	_ =	sdelay $0x4  }
0x173: {  	[tilespmem:v17+s15+$0x0] =	vst.idx.msk $0xffff, v16  }
0x174: {  	v17 =	vor.u32 s23, v9;
	v16 =	vld [tilespmem:s26+$0x9480];
	_ =	sdelay $0x4  }
0x175: {  	[tilespmem:v17+s15+$0x0] =	vst.idx.msk $0xffff, v16  }
0x176: {  	v17 =	vor.u32 s23, v10;
	v16 =	vld [tilespmem:s26+$0x9500];
	_ =	sdelay $0x4  }
0x177: {  	[tilespmem:v17+s15+$0x0] =	vst.idx.msk $0xffff, v16  }
0x178: {  	v17 =	vor.u32 s23, v11;
	v16 =	vld [tilespmem:s26+$0x9580];
	_ =	sdelay $0x4  }
0x179: {  	[tilespmem:v17+s15+$0x0] =	vst.idx.msk $0xffff, v16  }
0x17a: {  	v17 =	vor.u32 s23, v12;
	v16 =	vld [tilespmem:s26+$0x9600];
	_ =	sdelay $0x4  }
0x17b: {  	[tilespmem:v17+s15+$0x0] =	vst.idx.msk $0xffff, v16  }
0x17c: {  	v17 =	vor.u32 s23, v13;
	v16 =	vld [tilespmem:s26+$0x9680];
	_ =	sdelay $0x4  }
0x17d: {  	[tilespmem:v17+s15+$0x0] =	vst.idx.msk $0xffff, v16  }
0x17e: {  	v17 =	vor.u32 s23, v14;
	v16 =	vld [tilespmem:s26+$0x9700];
	_ =	sdelay $0x4  }
0x17f: {  	[tilespmem:v17+s15+$0x0] =	vst.idx.msk $0xffff, v16  }
0x180: {  	v17 =	vor.u32 s23, v15;
	v16 =	vld [tilespmem:s26+$0x9780];
	_ =	sdelay $0x4  }
.Ltmp11:
0x181: {  	[tilespmem:v17+s15+$0x0] =	vst.idx.msk $0xffff, v16;
	(pc) =	sbr.rel .LBB2_15-.Ltmp11, $4  }
0x182: {  	[hbm4b:s9+s3] =	stream.linear.scatter [tilespmem:s15], [sflag:$0x5], $0x2800, $0x38;
	[tilespmem:$0x12800] =	vst v63  }
0x183: {  	_ =	swait.ge [sflag:s21], $0x2800  }
0x184: {  	[sflag:s21] =	ssyncset.done $0x0  }
0x185: {  	[sflag:s21] =	ssyncadd.s32 $0xFFFFD800  }
.LBB2_16:
0x186: {  	_ =	sfence.sel $0x180000  }
0x187: {  	[bflag:$0x0] =	sbarrier.arrive $0xFFFF  }
0x188: {  	p0 =	sne.s32 s1, $0x0;
	_ =	strace $0x90000047  }
0x189: {  	s0 =	sadd.s32 @!p0 $0x100000, s0;
	[bflag:$0x2] =	sbarrier.arrive $0xFFFF  }
0x18a: {  	[sflag:s0] =	ssyncadd.tile.s32 @!p0 $0x1;
	_ =	shalt  }
.Lfunc_end2:
_tile_overlayer_lowered:
.L_overlay_start_2:
0x18b: {  	(tag) =	ssettag $0x2  }
0x18c: {  	s0 =	rddreg [dreg:$0x0];
	s2 =	stileid.u32  }
0x18d: {  	s1 =	rddreg [dreg:$0x1];
	p0 =	sne.s32 s2, $0x0  }
0x18e: {  	s3 =	rddreg [dreg:$0x2];
	[bflag:$0x3] =	sbarrier.arrive $0xFFFF;
	s2 =	simm.s32 @!p0 $0x1C05  }
0x18f: {  	[timem:s3], [sflag:s2] =	dma.local @!p0 [hbm:s0], s1  }
0x190: {  	s0 =	simm.s32 @!p0 $0x5  }
0x191: {  	_ =	swait.ge @!p0 [sflag:s0], s1  }
0x192: {  	s1 =	ssub.s32 @!p0 $0x0, s1;
	[sflag:s0] =	ssyncset.done @!p0 $0x0  }
0x193: {  	[sflag:s0] =	ssyncadd.s32 @!p0 s1  }
0x194: {  	[bflag:$0x3] =	sbarrier.arrive $0xFFFF  }
0x195: {  	_ =	shalt  }

</sc_bundles>
